<compile_context>
chip_gen: v7x
topology: tpu7x:2x2x1
jax: 0.10.2.dev20260603
libtpu: 0.0.44.dev20260713+nightly
codegen_flags: <defaults>
</compile_context>

<pallas_src>
import functools

import jax
import jax.numpy as jnp
from jax import lax
from jax.experimental import pallas as pl
from jax.experimental.pallas import tpu as pltpu
from jax.experimental.pallas import tpu_sc as plsc

N = 10000
D = 128
E = 320000
CHUNK = 128
NW = 32
RPW = 80
ROWS_PAD = NW * RPW
EPAD = ROWS_PAD * CHUNK
NP = 10112
HALF = 5056
ACC = 5064
C32 = 32
BLK = 8
ROWS32 = EPAD // C32
CPT = ROWS32 // 16
NSB = CPT // (2 * BLK)

_sc_mesh = plsc.VectorSubcoreMesh(core_axis_name="c", subcore_axis_name="s")
_sc_params = pltpu.CompilerParams(needs_layout_passes=False)


@functools.partial(
    pl.kernel,
    out_type=jax.ShapeDtypeStruct((NW, NP), jnp.float32),
    mesh=_sc_mesh,
    compiler_params=_sc_params,
    scratch_types=[
        pltpu.VMEM((RPW, CHUNK), jnp.int32),
        pltpu.VMEM((NP,), jnp.float32),
    ],
)
def _deg_kernel(dst_hbm, degout_hbm, idx_v, hist_v):
    c = lax.axis_index("c")
    s = lax.axis_index("s")
    w = c * 16 + s
    zeros16 = jnp.zeros((16,), jnp.float32)
    ones16 = jnp.ones((16,), jnp.float32)

    def zbody(i, _):
        hist_v[pl.ds(i * 16, 16)] = zeros16
        return 0

    lax.fori_loop(0, NP // 16, zbody, 0)
    pltpu.sync_copy(dst_hbm.at[pl.ds(w * RPW, RPW)], idx_v)

    def ebody(j, _):
        for k in range(CHUNK // 16):
            idx = idx_v[j, pl.ds(k * 16, 16)]
            plsc.addupdate_scatter(hist_v, [idx], ones16)
        return 0

    lax.fori_loop(0, RPW, ebody, 0)
    pltpu.sync_copy(hist_v, degout_hbm.at[w])


@functools.partial(
    pl.kernel,
    out_type=jax.ShapeDtypeStruct((2, ACC, D), jnp.float32),
    mesh=_sc_mesh,
    compiler_params=_sc_params,
    scratch_types=[
        pltpu.VMEM_SHARED((N, D), jnp.float32),
        pltpu.VMEM_SHARED((ACC, D), jnp.float32),
        [pltpu.VMEM((C32, D), jnp.float32) for _ in range(2)],
        [pltpu.VMEM((BLK, 2 * C32), jnp.int32) for _ in range(2)],
        [pltpu.VMEM((1, C32), jnp.int32) for _ in range(2)],
        [pltpu.SemaphoreType.DMA for _ in range(2)],
        [pltpu.SemaphoreType.DMA for _ in range(2)],
        pltpu.SemaphoreType.DMA,
    ],
)
def _spmm_kernel(y_hbm, sd_hbm, out_hbm, y_sh, acc_sh, bufs, sdblks, dls,
                 gsems, ssems, isem):
    c = lax.axis_index("c")
    s = lax.axis_index("s")
    zeros16 = jnp.zeros((16,), jnp.float32)
    buf0 = bufs[0]

    def zb(i, _):
        for k in range(D // 16):
            buf0[i, pl.ds(k * 16, 16)] = zeros16
        return 0

    lax.fori_loop(0, C32, zb, 0)
    for t in range(9):
        pltpu.sync_copy(buf0, acc_sh.at[pl.ds(s * 312 + t * C32, C32)])
    pltpu.sync_copy(buf0.at[pl.ds(0, 24)], acc_sh.at[pl.ds(s * 312 + 288, 24)])

    @pl.when(s < 9)
    def _zero_tail():
        pltpu.sync_copy(buf0.at[pl.ds(0, 8)], acc_sh.at[pl.ds(4992 + s * 8, 8)])

    pltpu.sync_copy(y_hbm.at[pl.ds(s * 624, 624)], y_sh.at[pl.ds(s * 624, 624)])

    @pl.when(s == 0)
    def _stage_tail():
        pltpu.sync_copy(y_hbm.at[pl.ds(9984, 16)], y_sh.at[pl.ds(9984, 16)])

    plsc.subcore_barrier()

    base = s * CPT // BLK * BLK
    coff = c * HALF

    pltpu.sync_copy(sd_hbm.at[pl.ds(base, BLK)], sdblks[0])
    pltpu.sync_copy(sd_hbm.at[pl.ds(base + BLK, BLK)], sdblks[1])
    pltpu.async_copy(sd_hbm.at[pl.ds(base + BLK, BLK)], sdblks[1], isem)
    pltpu.async_copy(y_sh.at[sdblks[0].at[0, pl.ds(0, C32)]], bufs[0], gsems[0])

    def sb_body(m, _):
        for k in range(16):
            b = k % 2
            nb = (k + 1) % 2
            slot = k // BLK
            r = k % BLK
            if k == 5:
                pltpu.make_async_copy(
                    sd_hbm.at[pl.ds(0, BLK)], sdblks[1], isem).wait()
            if k == 8:
                gn = jnp.minimum(2 * m + 2, 2 * NSB - 1)
                pltpu.async_copy(
                    sd_hbm.at[pl.ds(base + gn * BLK, BLK)], sdblks[0], isem)
            if k == 13:
                pltpu.make_async_copy(
                    sd_hbm.at[pl.ds(0, BLK)], sdblks[0], isem).wait()
            pltpu.make_async_copy(
                y_hbm.at[pl.ds(0, C32)], bufs[b], gsems[b]).wait()
            for q in range(2):
                d = sdblks[slot][r, pl.ds(C32 + q * 16, 16)]
                loc = d - coff
                bad = (loc < 0) | (loc >= HALF)
                dls[b][0, pl.ds(q * 16, 16)] = jnp.where(bad, HALF, loc)
            pltpu.async_copy(bufs[b], acc_sh.at[dls[b].at[0]], ssems[b],
                             add=True)
            if k == 0:
                @pl.when(m > 0)
                def _drain_first():
                    pltpu.make_async_copy(
                        y_hbm.at[pl.ds(0, C32)], bufs[nb], ssems[nb]).wait()
            else:
                pltpu.make_async_copy(
                    y_hbm.at[pl.ds(0, C32)], bufs[nb], ssems[nb]).wait()
            if k < 7:
                nref, nrow = sdblks[0], k + 1
            elif k < 15:
                nref, nrow = sdblks[1], k - 7
            else:
                nref, nrow = sdblks[0], 0
            pltpu.async_copy(y_sh.at[nref.at[nrow, pl.ds(0, C32)]], bufs[nb],
                             gsems[nb])
        gn = jnp.minimum(2 * m + 3, 2 * NSB - 1)
        pltpu.async_copy(sd_hbm.at[pl.ds(base + gn * BLK, BLK)], sdblks[1], isem)
        return 0

    lax.fori_loop(0, NSB, sb_body, 0)
    pltpu.make_async_copy(sd_hbm.at[pl.ds(0, BLK)], sdblks[1], isem).wait()
    pltpu.make_async_copy(y_hbm.at[pl.ds(0, C32)], bufs[1], ssems[1]).wait()
    pltpu.make_async_copy(y_hbm.at[pl.ds(0, C32)], bufs[0], gsems[0]).wait()
    plsc.subcore_barrier()
    pltpu.sync_copy(acc_sh.at[pl.ds(s * 312, 312)],
                    out_hbm.at[c, pl.ds(s * 312, 312)])

    @pl.when(s < 9)
    def _copy_tail():
        pltpu.sync_copy(acc_sh.at[pl.ds(4992 + s * 8, 8)],
                        out_hbm.at[c, pl.ds(4992 + s * 8, 8)])


def _mm1_body(x_ref, w_ref, degt_ref, o_ref):
    xw = jnp.dot(x_ref[...], w_ref[...], preferred_element_type=jnp.float32)
    deg = jnp.sum(degt_ref[0:N, :], axis=1, keepdims=True) + 1.0
    o_ref[...] = xw * lax.rsqrt(deg)


_mm1 = pl.pallas_call(
    _mm1_body, out_shape=jax.ShapeDtypeStruct((N, D), jnp.float32))


def _c2_body(part_ref, y1_ref, degt_ref, w_ref, b_ref, o_ref):
    deg = jnp.sum(degt_ref[0:N, :], axis=1, keepdims=True) + 1.0
    dinv = lax.rsqrt(deg)
    agg = jnp.concatenate(
        [part_ref[0, 0:HALF, :], part_ref[1, 0:(N - HALF), :]], axis=0)
    z = (agg + y1_ref[...]) * dinv + b_ref[...]
    o_ref[...] = jnp.dot(z, w_ref[...], preferred_element_type=jnp.float32) * dinv


_c2 = pl.pallas_call(
    _c2_body, out_shape=jax.ShapeDtypeStruct((N, D), jnp.float32))


def _c3_body(part_ref, y2_ref, degt_ref, b_ref, o_ref):
    deg = jnp.sum(degt_ref[0:N, :], axis=1, keepdims=True) + 1.0
    dinv = lax.rsqrt(deg)
    agg = jnp.concatenate(
        [part_ref[0, 0:HALF, :], part_ref[1, 0:(N - HALF), :]], axis=0)
    o_ref[...] = (agg + y2_ref[...]) * dinv + b_ref[...]


_c3 = pl.pallas_call(
    _c3_body, out_shape=jax.ShapeDtypeStruct((N, D), jnp.float32))


def kernel(x, pos_edge_index, neg_edge_index, W1, b1, W2, b2):
    ei = jnp.concatenate([pos_edge_index, neg_edge_index], axis=1).astype(jnp.int32)
    src, dst = ei[0], ei[1]
    pad = EPAD - E
    srcaliflat = jnp.concatenate([src, jnp.zeros((pad,), jnp.int32)])
    dstflat = jnp.concatenate([dst, jnp.full((pad,), N, jnp.int32)])
    dstp = dstflat.reshape(ROWS_PAD, CHUNK)
    sd64 = jnp.concatenate([srcaliflat.reshape(ROWS32, C32),
                            dstflat.reshape(ROWS32, C32)], axis=1)

    degp = _deg_kernel(dstp)
    degt = degp.T
    b1r = b1.reshape(1, D)
    b2r = b2.reshape(1, D)

    y1 = _mm1(x, W1, degt)
    part1 = _spmm_kernel(y1, sd64)
    y2 = _c2(part1, y1, degt, W2, b1r)
    part2 = _spmm_kernel(y2, sd64)
    out = _c3(part2, y2, degt, b2r)
    return out

# --- scband reference (transcript-rebuilt; emitter-appended) ---
"""Pipeline reference for scband-gcn-20804821581912 (READ-ONLY COPY).

The authoritative reference and input builder live on the scoring server;
editing this copy changes nothing except your own understanding.
"""

import jax, jax.numpy as jnp
import numpy as np

NUM_NODES = 10000
EMB = 128


def gcn_conv(x, edge_index, W, b, num_nodes):
    # Faithful PyG GCNConv: x' = D^{-1/2} (A + I) D^{-1/2} (X W) + b
    src = edge_index[0]
    dst = edge_index[1]
    loop = jnp.arange(num_nodes, dtype=edge_index.dtype)
    src = jnp.concatenate([src, loop])
    dst = jnp.concatenate([dst, loop])
    # degree computed on target nodes with unit edge weights
    deg = jnp.zeros((num_nodes,), dtype=x.dtype).at[dst].add(1.0)
    deg_inv_sqrt = jnp.where(deg > 0, 1.0 / jnp.sqrt(deg), 0.0)
    norm = deg_inv_sqrt[src] * deg_inv_sqrt[dst]
    xw = x @ W
    msg = xw[src] * norm[:, None]
    out = jnp.zeros_like(xw).at[dst].add(msg)
    return out + b


def setup_inputs(seed: int = 0) -> dict:
    key = jax.random.key(seed)
    k_x, k_pe, k_ne, k_w1, k_w2 = jax.random.split(key, 5)
    x = jax.random.normal(k_x, (NUM_NODES, EMB), dtype=jnp.float32)
    pos_edge_index = jax.random.randint(k_pe, (2, 160000), 0, NUM_NODES, dtype=jnp.int64)
    neg_edge_index = jax.random.randint(k_ne, (2, 160000), 0, NUM_NODES, dtype=jnp.int64)
    # glorot-style init for the two GCNConv layer weights
    scale = 1.0 / np.sqrt(EMB)
    W1 = jax.random.uniform(k_w1, (EMB, EMB), minval=-scale, maxval=scale, dtype=jnp.float32)
    W2 = jax.random.uniform(k_w2, (EMB, EMB), minval=-scale, maxval=scale, dtype=jnp.float32)
    b1 = jnp.zeros((EMB,), dtype=jnp.float32)
    b2 = jnp.zeros((EMB,), dtype=jnp.float32)
    return {"x": x, "pos_edge_index": pos_edge_index, "neg_edge_index": neg_edge_index,
            "W1": W1, "b1": b1, "W2": W2, "b2": b2}


def reference(x, pos_edge_index, neg_edge_index, W1, b1, W2, b2):
    edge_index = jnp.concatenate([pos_edge_index, neg_edge_index], axis=1)
    z = gcn_conv(x, edge_index, W1, b1, NUM_NODES)
    z = gcn_conv(z, edge_index, W2, b2, NUM_NODES)
    return z

if __name__ == "__main__":
    import jax
    _d = setup_inputs()
    print(jax.jit(kernel)(*tuple(_d.values())))

</pallas_src>

<mosaic_0001>
#map = affine_map<(d0, d1) -> (0, 0)>
#map1 = affine_map<(d0, d1) -> (0, 0, 0)>
module attributes {stable_mosaic.version = 14 : i64} {
  func.func @_spmm_kernel(%arg0: i32, %arg1: i32, %arg2: memref<10000x128xf32, #tpu.memory_space<hbm>>, %arg3: memref<10240x64xi32, #tpu.memory_space<hbm>>, %arg4: memref<2x5064x128xf32, #tpu.memory_space<hbm>>, %arg5: memref<10000x128xf32, #tpu.memory_space<vmem_shared>>, %arg6: memref<5064x128xf32, #tpu.memory_space<vmem_shared>>, %arg7: memref<32x128xf32, #tpu.memory_space<vmem>>, %arg8: memref<32x128xf32, #tpu.memory_space<vmem>>, %arg9: memref<8x64xi32, #tpu.memory_space<vmem>>, %arg10: memref<8x64xi32, #tpu.memory_space<vmem>>, %arg11: memref<1x32xi32, #tpu.memory_space<vmem>>, %arg12: memref<1x32xi32, #tpu.memory_space<vmem>>, %arg13: memref<!tpu.dma_semaphore, #tpu.memory_space<semaphore_mem>>, %arg14: memref<!tpu.dma_semaphore, #tpu.memory_space<semaphore_mem>>, %arg15: memref<!tpu.dma_semaphore, #tpu.memory_space<semaphore_mem>>, %arg16: memref<!tpu.dma_semaphore, #tpu.memory_space<semaphore_mem>>, %arg17: memref<!tpu.dma_semaphore, #tpu.memory_space<semaphore_mem>>) attributes {dimension_semantics = [#tpu.dimension_semantics<core_parallel>, #tpu.dimension_semantics<subcore_parallel>], iteration_bounds = array<i64: 2, 16>, scalar_prefetch = 0 : i64, scratch_operands = 13 : i64, tpu.core_type = #tpu.core_type<sc_vector_subcore>, window_params = [{transform_indices = #map}, {transform_indices = #map}, {transform_indices = #map1}]} {
    %broadcast_in_dim3A = arith.constant 0.000000e+00 : f32
    %broadcast_in_dim3A_0 = vector.broadcast %broadcast_in_dim3A : f32 to vector<16xf32>
    %scan3A = arith.constant 0 : i32
    %scan3A_1 = arith.constant 0 : i32
    %scan3A_2 = arith.constant 32 : i32
    %scan3A_3 = arith.addi %scan3A_1, %scan3A_2 : i32
    %scan3A_4 = arith.constant 1 : i32
    %scan3A_5 = scf.for %scan3A_125 = %scan3A_1 to %scan3A_3 step %scan3A_4 iter_args(%scan3A_126 = %scan3A) -> (i32)  : i32 {
      %swap3A = arith.index_cast %scan3A_125 : i32 to index
      %swap3A_127 = arith.constant 0 : index
      %swap3A_128 = tpu.vector_load %arg7[%swap3A, %swap3A_127] {strides = array<i32>} : memref<32x128xf32, #tpu.memory_space<vmem>>, vector<16xf32>,
      tpu.vector_store %arg7[%swap3A, %swap3A_127], %broadcast_in_dim3A_0 {strides = array<i32>} : memref<32x128xf32, #tpu.memory_space<vmem>>, vector<16xf32>,
      %swap3A_129 = arith.index_cast %scan3A_125 : i32 to index
      %swap3A_130 = arith.constant 16 : index
      %swap3A_131 = tpu.vector_load %arg7[%swap3A_129, %swap3A_130] {strides = array<i32>} : memref<32x128xf32, #tpu.memory_space<vmem>>, vector<16xf32>,
      tpu.vector_store %arg7[%swap3A_129, %swap3A_130], %broadcast_in_dim3A_0 {strides = array<i32>} : memref<32x128xf32, #tpu.memory_space<vmem>>, vector<16xf32>,
      %swap3A_132 = arith.index_cast %scan3A_125 : i32 to index
      %swap3A_133 = arith.constant 32 : index
      %swap3A_134 = tpu.vector_load %arg7[%swap3A_132, %swap3A_133] {strides = array<i32>} : memref<32x128xf32, #tpu.memory_space<vmem>>, vector<16xf32>,
      tpu.vector_store %arg7[%swap3A_132, %swap3A_133], %broadcast_in_dim3A_0 {strides = array<i32>} : memref<32x128xf32, #tpu.memory_space<vmem>>, vector<16xf32>,
      %swap3A_135 = arith.index_cast %scan3A_125 : i32 to index
      %swap3A_136 = arith.constant 48 : index
      %swap3A_137 = tpu.vector_load %arg7[%swap3A_135, %swap3A_136] {strides = array<i32>} : memref<32x128xf32, #tpu.memory_space<vmem>>, vector<16xf32>,
      tpu.vector_store %arg7[%swap3A_135, %swap3A_136], %broadcast_in_dim3A_0 {strides = array<i32>} : memref<32x128xf32, #tpu.memory_space<vmem>>, vector<16xf32>,
      %swap3A_138 = arith.index_cast %scan3A_125 : i32 to index
      %swap3A_139 = arith.constant 64 : index
      %swap3A_140 = tpu.vector_load %arg7[%swap3A_138, %swap3A_139] {strides = array<i32>} : memref<32x128xf32, #tpu.memory_space<vmem>>, vector<16xf32>,
      tpu.vector_store %arg7[%swap3A_138, %swap3A_139], %broadcast_in_dim3A_0 {strides = array<i32>} : memref<32x128xf32, #tpu.memory_space<vmem>>, vector<16xf32>,
      %swap3A_141 = arith.index_cast %scan3A_125 : i32 to index
      %swap3A_142 = arith.constant 80 : index
      %swap3A_143 = tpu.vector_load %arg7[%swap3A_141, %swap3A_142] {strides = array<i32>} : memref<32x128xf32, #tpu.memory_space<vmem>>, vector<16xf32>,
      tpu.vector_store %arg7[%swap3A_141, %swap3A_142], %broadcast_in_dim3A_0 {strides = array<i32>} : memref<32x128xf32, #tpu.memory_space<vmem>>, vector<16xf32>,
      %swap3A_144 = arith.index_cast %scan3A_125 : i32 to index
      %swap3A_145 = arith.constant 96 : index
      %swap3A_146 = tpu.vector_load %arg7[%swap3A_144, %swap3A_145] {strides = array<i32>} : memref<32x128xf32, #tpu.memory_space<vmem>>, vector<16xf32>,
      tpu.vector_store %arg7[%swap3A_144, %swap3A_145], %broadcast_in_dim3A_0 {strides = array<i32>} : memref<32x128xf32, #tpu.memory_space<vmem>>, vector<16xf32>,
      %swap3A_147 = arith.index_cast %scan3A_125 : i32 to index
      %swap3A_148 = arith.constant 112 : index
      %swap3A_149 = tpu.vector_load %arg7[%swap3A_147, %swap3A_148] {strides = array<i32>} : memref<32x128xf32, #tpu.memory_space<vmem>>, vector<16xf32>,
      tpu.vector_store %arg7[%swap3A_147, %swap3A_148], %broadcast_in_dim3A_0 {strides = array<i32>} : memref<32x128xf32, #tpu.memory_space<vmem>>, vector<16xf32>,
      %scan3A_150 = arith.constant 0 : i32
      scf.yield %scan3A_150 : i32
    }
    %scan3A_6 = arith.constant 32 : i32
    %mul3A = arith.constant 312 : i32
    %mul3A_7 = arith.muli %arg1, %mul3A : i32
    %add3A = arith.constant 0 : i32
    %add3A_8 = arith.addi %mul3A_7, %add3A : i32
    "tpu.region"() ({
      %run_scoped3A = tpu.sem_alloc : memref<!tpu.dma_semaphore, #tpu.memory_space<semaphore_mem>>
      %dma_start3A_125 = arith.constant 0 : i32
      %dma_start3A_126 = tpu.memref_slice %arg6[%add3A_8, %dma_start3A_125] : memref<5064x128xf32, #tpu.memory_space<vmem_shared>> -> memref<32x128xf32, #tpu.memory_space<vmem_shared>>
      %dma_start3A_127 = arith.constant 0 : i32
      %dma_start3A_128 = tpu.memref_slice %arg6[%add3A_8, %dma_start3A_127] : memref<5064x128xf32, #tpu.memory_space<vmem_shared>> -> memref<32x128xf32, #tpu.memory_space<vmem_shared>>
      tpu.enqueue_dma source(%arg7 : memref<32x128xf32, #tpu.memory_space<vmem>>) target(%dma_start3A_128 : memref<32x128xf32, #tpu.memory_space<vmem_shared>>) target_semaphore(%run_scoped3A : memref<!tpu.dma_semaphore, #tpu.memory_space<semaphore_mem>>)
      %dma_wait3A_129 = arith.constant 0 : i32
      %dma_wait3A_130 = tpu.memref_slice %arg6[%add3A_8, %dma_wait3A_129] : memref<5064x128xf32, #tpu.memory_space<vmem_shared>> -> memref<32x128xf32, #tpu.memory_space<vmem_shared>>
      %dma_wait3A_131 = arith.constant 0 : i32
      %dma_wait3A_132 = tpu.memref_slice %arg6[%add3A_8, %dma_wait3A_131] : memref<5064x128xf32, #tpu.memory_space<vmem_shared>> -> memref<32x128xf32, #tpu.memory_space<vmem_shared>>
      tpu.wait_dma2 semaphore(%run_scoped3A : memref<!tpu.dma_semaphore, #tpu.memory_space<semaphore_mem>>) src(%arg7 : memref<32x128xf32, #tpu.memory_space<vmem>>) dst(%dma_wait3A_132 : memref<32x128xf32, #tpu.memory_space<vmem_shared>>)
      tpu.yield
    }) : () -> ()
    %mul3A_9 = arith.constant 312 : i32
    %mul3A_10 = arith.muli %arg1, %mul3A_9 : i32
    %add3A_11 = arith.constant 32 : i32
    %add3A_12 = arith.addi %mul3A_10, %add3A_11 : i32
    "tpu.region"() ({
      %run_scoped3A = tpu.sem_alloc : memref<!tpu.dma_semaphore, #tpu.memory_space<semaphore_mem>>
      %dma_start3A_125 = arith.constant 0 : i32
      %dma_start3A_126 = tpu.memref_slice %arg6[%add3A_12, %dma_start3A_125] : memref<5064x128xf32, #tpu.memory_space<vmem_shared>> -> memref<32x128xf32, #tpu.memory_space<vmem_shared>>
      %dma_start3A_127 = arith.constant 0 : i32
      %dma_start3A_128 = tpu.memref_slice %arg6[%add3A_12, %dma_start3A_127] : memref<5064x128xf32, #tpu.memory_space<vmem_shared>> -> memref<32x128xf32, #tpu.memory_space<vmem_shared>>
      tpu.enqueue_dma source(%arg7 : memref<32x128xf32, #tpu.memory_space<vmem>>) target(%dma_start3A_128 : memref<32x128xf32, #tpu.memory_space<vmem_shared>>) target_semaphore(%run_scoped3A : memref<!tpu.dma_semaphore, #tpu.memory_space<semaphore_mem>>)
      %dma_wait3A_129 = arith.constant 0 : i32
      %dma_wait3A_130 = tpu.memref_slice %arg6[%add3A_12, %dma_wait3A_129] : memref<5064x128xf32, #tpu.memory_space<vmem_shared>> -> memref<32x128xf32, #tpu.memory_space<vmem_shared>>
      %dma_wait3A_131 = arith.constant 0 : i32
      %dma_wait3A_132 = tpu.memref_slice %arg6[%add3A_12, %dma_wait3A_131] : memref<5064x128xf32, #tpu.memory_space<vmem_shared>> -> memref<32x128xf32, #tpu.memory_space<vmem_shared>>
      tpu.wait_dma2 semaphore(%run_scoped3A : memref<!tpu.dma_semaphore, #tpu.memory_space<semaphore_mem>>) src(%arg7 : memref<32x128xf32, #tpu.memory_space<vmem>>) dst(%dma_wait3A_132 : memref<32x128xf32, #tpu.memory_space<vmem_shared>>)
      tpu.yield
    }) : () -> ()
    %mul3A_13 = arith.constant 312 : i32
    %mul3A_14 = arith.muli %arg1, %mul3A_13 : i32
    %add3A_15 = arith.constant 64 : i32
    %add3A_16 = arith.addi %mul3A_14, %add3A_15 : i32
    "tpu.region"() ({
      %run_scoped3A = tpu.sem_alloc : memref<!tpu.dma_semaphore, #tpu.memory_space<semaphore_mem>>
      %dma_start3A_125 = arith.constant 0 : i32
      %dma_start3A_126 = tpu.memref_slice %arg6[%add3A_16, %dma_start3A_125] : memref<5064x128xf32, #tpu.memory_space<vmem_shared>> -> memref<32x128xf32, #tpu.memory_space<vmem_shared>>
      %dma_start3A_127 = arith.constant 0 : i32
      %dma_start3A_128 = tpu.memref_slice %arg6[%add3A_16, %dma_start3A_127] : memref<5064x128xf32, #tpu.memory_space<vmem_shared>> -> memref<32x128xf32, #tpu.memory_space<vmem_shared>>
      tpu.enqueue_dma source(%arg7 : memref<32x128xf32, #tpu.memory_space<vmem>>) target(%dma_start3A_128 : memref<32x128xf32, #tpu.memory_space<vmem_shared>>) target_semaphore(%run_scoped3A : memref<!tpu.dma_semaphore, #tpu.memory_space<semaphore_mem>>)
      %dma_wait3A_129 = arith.constant 0 : i32
      %dma_wait3A_130 = tpu.memref_slice %arg6[%add3A_16, %dma_wait3A_129] : memref<5064x128xf32, #tpu.memory_space<vmem_shared>> -> memref<32x128xf32, #tpu.memory_space<vmem_shared>>
      %dma_wait3A_131 = arith.constant 0 : i32
      %dma_wait3A_132 = tpu.memref_slice %arg6[%add3A_16, %dma_wait3A_131] : memref<5064x128xf32, #tpu.memory_space<vmem_shared>> -> memref<32x128xf32, #tpu.memory_space<vmem_shared>>
      tpu.wait_dma2 semaphore(%run_scoped3A : memref<!tpu.dma_semaphore, #tpu.memory_space<semaphore_mem>>) src(%arg7 : memref<32x128xf32, #tpu.memory_space<vmem>>) dst(%dma_wait3A_132 : memref<32x128xf32, #tpu.memory_space<vmem_shared>>)
      tpu.yield
    }) : () -> ()
    %mul3A_17 = arith.constant 312 : i32
    %mul3A_18 = arith.muli %arg1, %mul3A_17 : i32
    %add3A_19 = arith.constant 96 : i32
    %add3A_20 = arith.addi %mul3A_18, %add3A_19 : i32
    "tpu.region"() ({
      %run_scoped3A = tpu.sem_alloc : memref<!tpu.dma_semaphore, #tpu.memory_space<semaphore_mem>>
      %dma_start3A_125 = arith.constant 0 : i32
      %dma_start3A_126 = tpu.memref_slice %arg6[%add3A_20, %dma_start3A_125] : memref<5064x128xf32, #tpu.memory_space<vmem_shared>> -> memref<32x128xf32, #tpu.memory_space<vmem_shared>>
      %dma_start3A_127 = arith.constant 0 : i32
      %dma_start3A_128 = tpu.memref_slice %arg6[%add3A_20, %dma_start3A_127] : memref<5064x128xf32, #tpu.memory_space<vmem_shared>> -> memref<32x128xf32, #tpu.memory_space<vmem_shared>>
      tpu.enqueue_dma source(%arg7 : memref<32x128xf32, #tpu.memory_space<vmem>>) target(%dma_start3A_128 : memref<32x128xf32, #tpu.memory_space<vmem_shared>>) target_semaphore(%run_scoped3A : memref<!tpu.dma_semaphore, #tpu.memory_space<semaphore_mem>>)
      %dma_wait3A_129 = arith.constant 0 : i32
      %dma_wait3A_130 = tpu.memref_slice %arg6[%add3A_20, %dma_wait3A_129] : memref<5064x128xf32, #tpu.memory_space<vmem_shared>> -> memref<32x128xf32, #tpu.memory_space<vmem_shared>>
      %dma_wait3A_131 = arith.constant 0 : i32
      %dma_wait3A_132 = tpu.memref_slice %arg6[%add3A_20, %dma_wait3A_131] : memref<5064x128xf32, #tpu.memory_space<vmem_shared>> -> memref<32x128xf32, #tpu.memory_space<vmem_shared>>
      tpu.wait_dma2 semaphore(%run_scoped3A : memref<!tpu.dma_semaphore, #tpu.memory_space<semaphore_mem>>) src(%arg7 : memref<32x128xf32, #tpu.memory_space<vmem>>) dst(%dma_wait3A_132 : memref<32x128xf32, #tpu.memory_space<vmem_shared>>)
      tpu.yield
    }) : () -> ()
    %mul3A_21 = arith.constant 312 : i32
    %mul3A_22 = arith.muli %arg1, %mul3A_21 : i32
    %add3A_23 = arith.constant 128 : i32
    %add3A_24 = arith.addi %mul3A_22, %add3A_23 : i32
    "tpu.region"() ({
      %run_scoped3A = tpu.sem_alloc : memref<!tpu.dma_semaphore, #tpu.memory_space<semaphore_mem>>
      %dma_start3A_125 = arith.constant 0 : i32
      %dma_start3A_126 = tpu.memref_slice %arg6[%add3A_24, %dma_start3A_125] : memref<5064x128xf32, #tpu.memory_space<vmem_shared>> -> memref<32x128xf32, #tpu.memory_space<vmem_shared>>
      %dma_start3A_127 = arith.constant 0 : i32
      %dma_start3A_128 = tpu.memref_slice %arg6[%add3A_24, %dma_start3A_127] : memref<5064x128xf32, #tpu.memory_space<vmem_shared>> -> memref<32x128xf32, #tpu.memory_space<vmem_shared>>
      tpu.enqueue_dma source(%arg7 : memref<32x128xf32, #tpu.memory_space<vmem>>) target(%dma_start3A_128 : memref<32x128xf32, #tpu.memory_space<vmem_shared>>) target_semaphore(%run_scoped3A : memref<!tpu.dma_semaphore, #tpu.memory_space<semaphore_mem>>)
      %dma_wait3A_129 = arith.constant 0 : i32
      %dma_wait3A_130 = tpu.memref_slice %arg6[%add3A_24, %dma_wait3A_129] : memref<5064x128xf32, #tpu.memory_space<vmem_shared>> -> memref<32x128xf32, #tpu.memory_space<vmem_shared>>
      %dma_wait3A_131 = arith.constant 0 : i32
      %dma_wait3A_132 = tpu.memref_slice %arg6[%add3A_24, %dma_wait3A_131] : memref<5064x128xf32, #tpu.memory_space<vmem_shared>> -> memref<32x128xf32, #tpu.memory_space<vmem_shared>>
      tpu.wait_dma2 semaphore(%run_scoped3A : memref<!tpu.dma_semaphore, #tpu.memory_space<semaphore_mem>>) src(%arg7 : memref<32x128xf32, #tpu.memory_space<vmem>>) dst(%dma_wait3A_132 : memref<32x128xf32, #tpu.memory_space<vmem_shared>>)
      tpu.yield
    }) : () -> ()
    %mul3A_25 = arith.constant 312 : i32
    %mul3A_26 = arith.muli %arg1, %mul3A_25 : i32
    %add3A_27 = arith.constant 160 : i32
    %add3A_28 = arith.addi %mul3A_26, %add3A_27 : i32
    "tpu.region"() ({
      %run_scoped3A = tpu.sem_alloc : memref<!tpu.dma_semaphore, #tpu.memory_space<semaphore_mem>>
      %dma_start3A_125 = arith.constant 0 : i32
      %dma_start3A_126 = tpu.memref_slice %arg6[%add3A_28, %dma_start3A_125] : memref<5064x128xf32, #tpu.memory_space<vmem_shared>> -> memref<32x128xf32, #tpu.memory_space<vmem_shared>>
      %dma_start3A_127 = arith.constant 0 : i32
      %dma_start3A_128 = tpu.memref_slice %arg6[%add3A_28, %dma_start3A_127] : memref<5064x128xf32, #tpu.memory_space<vmem_shared>> -> memref<32x128xf32, #tpu.memory_space<vmem_shared>>
      tpu.enqueue_dma source(%arg7 : memref<32x128xf32, #tpu.memory_space<vmem>>) target(%dma_start3A_128 : memref<32x128xf32, #tpu.memory_space<vmem_shared>>) target_semaphore(%run_scoped3A : memref<!tpu.dma_semaphore, #tpu.memory_space<semaphore_mem>>)
      %dma_wait3A_129 = arith.constant 0 : i32
      %dma_wait3A_130 = tpu.memref_slice %arg6[%add3A_28, %dma_wait3A_129] : memref<5064x128xf32, #tpu.memory_space<vmem_shared>> -> memref<32x128xf32, #tpu.memory_space<vmem_shared>>
      %dma_wait3A_131 = arith.constant 0 : i32
      %dma_wait3A_132 = tpu.memref_slice %arg6[%add3A_28, %dma_wait3A_131] : memref<5064x128xf32, #tpu.memory_space<vmem_shared>> -> memref<32x128xf32, #tpu.memory_space<vmem_shared>>
      tpu.wait_dma2 semaphore(%run_scoped3A : memref<!tpu.dma_semaphore, #tpu.memory_space<semaphore_mem>>) src(%arg7 : memref<32x128xf32, #tpu.memory_space<vmem>>) dst(%dma_wait3A_132 : memref<32x128xf32, #tpu.memory_space<vmem_shared>>)
      tpu.yield
    }) : () -> ()
    %mul3A_29 = arith.constant 312 : i32
    %mul3A_30 = arith.muli %arg1, %mul3A_29 : i32
    %add3A_31 = arith.constant 192 : i32
    %add3A_32 = arith.addi %mul3A_30, %add3A_31 : i32
    "tpu.region"() ({
      %run_scoped3A = tpu.sem_alloc : memref<!tpu.dma_semaphore, #tpu.memory_space<semaphore_mem>>
      %dma_start3A_125 = arith.constant 0 : i32
      %dma_start3A_126 = tpu.memref_slice %arg6[%add3A_32, %dma_start3A_125] : memref<5064x128xf32, #tpu.memory_space<vmem_shared>> -> memref<32x128xf32, #tpu.memory_space<vmem_shared>>
      %dma_start3A_127 = arith.constant 0 : i32
      %dma_start3A_128 = tpu.memref_slice %arg6[%add3A_32, %dma_start3A_127] : memref<5064x128xf32, #tpu.memory_space<vmem_shared>> -> memref<32x128xf32, #tpu.memory_space<vmem_shared>>
      tpu.enqueue_dma source(%arg7 : memref<32x128xf32, #tpu.memory_space<vmem>>) target(%dma_start3A_128 : memref<32x128xf32, #tpu.memory_space<vmem_shared>>) target_semaphore(%run_scoped3A : memref<!tpu.dma_semaphore, #tpu.memory_space<semaphore_mem>>)
      %dma_wait3A_129 = arith.constant 0 : i32
      %dma_wait3A_130 = tpu.memref_slice %arg6[%add3A_32, %dma_wait3A_129] : memref<5064x128xf32, #tpu.memory_space<vmem_shared>> -> memref<32x128xf32, #tpu.memory_space<vmem_shared>>
      %dma_wait3A_131 = arith.constant 0 : i32
      %dma_wait3A_132 = tpu.memref_slice %arg6[%add3A_32, %dma_wait3A_131] : memref<5064x128xf32, #tpu.memory_space<vmem_shared>> -> memref<32x128xf32, #tpu.memory_space<vmem_shared>>
      tpu.wait_dma2 semaphore(%run_scoped3A : memref<!tpu.dma_semaphore, #tpu.memory_space<semaphore_mem>>) src(%arg7 : memref<32x128xf32, #tpu.memory_space<vmem>>) dst(%dma_wait3A_132 : memref<32x128xf32, #tpu.memory_space<vmem_shared>>)
      tpu.yield
    }) : () -> ()
    %mul3A_33 = arith.constant 312 : i32
    %mul3A_34 = arith.muli %arg1, %mul3A_33 : i32
    %add3A_35 = arith.constant 224 : i32
    %add3A_36 = arith.addi %mul3A_34, %add3A_35 : i32
    "tpu.region"() ({
      %run_scoped3A = tpu.sem_alloc : memref<!tpu.dma_semaphore, #tpu.memory_space<semaphore_mem>>
      %dma_start3A_125 = arith.constant 0 : i32
      %dma_start3A_126 = tpu.memref_slice %arg6[%add3A_36, %dma_start3A_125] : memref<5064x128xf32, #tpu.memory_space<vmem_shared>> -> memref<32x128xf32, #tpu.memory_space<vmem_shared>>
      %dma_start3A_127 = arith.constant 0 : i32
      %dma_start3A_128 = tpu.memref_slice %arg6[%add3A_36, %dma_start3A_127] : memref<5064x128xf32, #tpu.memory_space<vmem_shared>> -> memref<32x128xf32, #tpu.memory_space<vmem_shared>>
      tpu.enqueue_dma source(%arg7 : memref<32x128xf32, #tpu.memory_space<vmem>>) target(%dma_start3A_128 : memref<32x128xf32, #tpu.memory_space<vmem_shared>>) target_semaphore(%run_scoped3A : memref<!tpu.dma_semaphore, #tpu.memory_space<semaphore_mem>>)
      %dma_wait3A_129 = arith.constant 0 : i32
      %dma_wait3A_130 = tpu.memref_slice %arg6[%add3A_36, %dma_wait3A_129] : memref<5064x128xf32, #tpu.memory_space<vmem_shared>> -> memref<32x128xf32, #tpu.memory_space<vmem_shared>>
      %dma_wait3A_131 = arith.constant 0 : i32
      %dma_wait3A_132 = tpu.memref_slice %arg6[%add3A_36, %dma_wait3A_131] : memref<5064x128xf32, #tpu.memory_space<vmem_shared>> -> memref<32x128xf32, #tpu.memory_space<vmem_shared>>
      tpu.wait_dma2 semaphore(%run_scoped3A : memref<!tpu.dma_semaphore, #tpu.memory_space<semaphore_mem>>) src(%arg7 : memref<32x128xf32, #tpu.memory_space<vmem>>) dst(%dma_wait3A_132 : memref<32x128xf32, #tpu.memory_space<vmem_shared>>)
      tpu.yield
    }) : () -> ()
    %mul3A_37 = arith.constant 312 : i32
    %mul3A_38 = arith.muli %arg1, %mul3A_37 : i32
    %add3A_39 = arith.constant 256 : i32
    %add3A_40 = arith.addi %mul3A_38, %add3A_39 : i32
    "tpu.region"() ({
      %run_scoped3A = tpu.sem_alloc : memref<!tpu.dma_semaphore, #tpu.memory_space<semaphore_mem>>
      %dma_start3A_125 = arith.constant 0 : i32
      %dma_start3A_126 = tpu.memref_slice %arg6[%add3A_40, %dma_start3A_125] : memref<5064x128xf32, #tpu.memory_space<vmem_shared>> -> memref<32x128xf32, #tpu.memory_space<vmem_shared>>
      %dma_start3A_127 = arith.constant 0 : i32
      %dma_start3A_128 = tpu.memref_slice %arg6[%add3A_40, %dma_start3A_127] : memref<5064x128xf32, #tpu.memory_space<vmem_shared>> -> memref<32x128xf32, #tpu.memory_space<vmem_shared>>
      tpu.enqueue_dma source(%arg7 : memref<32x128xf32, #tpu.memory_space<vmem>>) target(%dma_start3A_128 : memref<32x128xf32, #tpu.memory_space<vmem_shared>>) target_semaphore(%run_scoped3A : memref<!tpu.dma_semaphore, #tpu.memory_space<semaphore_mem>>)
      %dma_wait3A_129 = arith.constant 0 : i32
      %dma_wait3A_130 = tpu.memref_slice %arg6[%add3A_40, %dma_wait3A_129] : memref<5064x128xf32, #tpu.memory_space<vmem_shared>> -> memref<32x128xf32, #tpu.memory_space<vmem_shared>>
      %dma_wait3A_131 = arith.constant 0 : i32
      %dma_wait3A_132 = tpu.memref_slice %arg6[%add3A_40, %dma_wait3A_131] : memref<5064x128xf32, #tpu.memory_space<vmem_shared>> -> memref<32x128xf32, #tpu.memory_space<vmem_shared>>
      tpu.wait_dma2 semaphore(%run_scoped3A : memref<!tpu.dma_semaphore, #tpu.memory_space<semaphore_mem>>) src(%arg7 : memref<32x128xf32, #tpu.memory_space<vmem>>) dst(%dma_wait3A_132 : memref<32x128xf32, #tpu.memory_space<vmem_shared>>)
      tpu.yield
    }) : () -> ()
    %mul3A_41 = arith.constant 312 : i32
    %mul3A_42 = arith.muli %arg1, %mul3A_41 : i32
    %add3A_43 = arith.constant 288 : i32
    %add3A_44 = arith.addi %mul3A_42, %add3A_43 : i32
    "tpu.region"() ({
      %run_scoped3A = tpu.sem_alloc : memref<!tpu.dma_semaphore, #tpu.memory_space<semaphore_mem>>
      %dma_start3A_125 = arith.constant 0 : i32
      %dma_start3A_126 = arith.constant 0 : i32
      %dma_start3A_127 = tpu.memref_slice %arg7[%dma_start3A_125, %dma_start3A_126] : memref<32x128xf32, #tpu.memory_space<vmem>> -> memref<24x128xf32, #tpu.memory_space<vmem>>
      %dma_start3A_128 = arith.constant 0 : i32
      %dma_start3A_129 = tpu.memref_slice %arg6[%add3A_44, %dma_start3A_128] : memref<5064x128xf32, #tpu.memory_space<vmem_shared>> -> memref<24x128xf32, #tpu.memory_space<vmem_shared>>
      %dma_start3A_130 = arith.constant 0 : i32
      %dma_start3A_131 = tpu.memref_slice %arg6[%add3A_44, %dma_start3A_130] : memref<5064x128xf32, #tpu.memory_space<vmem_shared>> -> memref<24x128xf32, #tpu.memory_space<vmem_shared>>
      %dma_start3A_132 = arith.constant 0 : i32
      %dma_start3A_133 = arith.constant 0 : i32
      %dma_start3A_134 = tpu.memref_slice %arg7[%dma_start3A_132, %dma_start3A_133] : memref<32x128xf32, #tpu.memory_space<vmem>> -> memref<24x128xf32, #tpu.memory_space<vmem>>
      tpu.enqueue_dma source(%dma_start3A_134 : memref<24x128xf32, #tpu.memory_space<vmem>>) target(%dma_start3A_131 : memref<24x128xf32, #tpu.memory_space<vmem_shared>>) target_semaphore(%run_scoped3A : memref<!tpu.dma_semaphore, #tpu.memory_space<semaphore_mem>>)
      %dma_wait3A_135 = arith.constant 0 : i32
      %dma_wait3A_136 = arith.constant 0 : i32
      %dma_wait3A_137 = tpu.memref_slice %arg7[%dma_wait3A_135, %dma_wait3A_136] : memref<32x128xf32, #tpu.memory_space<vmem>> -> memref<24x128xf32, #tpu.memory_space<vmem>>
      %dma_wait3A_138 = arith.constant 0 : i32
      %dma_wait3A_139 = tpu.memref_slice %arg6[%add3A_44, %dma_wait3A_138] : memref<5064x128xf32, #tpu.memory_space<vmem_shared>> -> memref<24x128xf32, #tpu.memory_space<vmem_shared>>
      %dma_wait3A_140 = arith.constant 0 : i32
      %dma_wait3A_141 = tpu.memref_slice %arg6[%add3A_44, %dma_wait3A_140] : memref<5064x128xf32, #tpu.memory_space<vmem_shared>> -> memref<24x128xf32, #tpu.memory_space<vmem_shared>>
      %dma_wait3A_142 = arith.constant 0 : i32
      %dma_wait3A_143 = arith.constant 0 : i32
      %dma_wait3A_144 = tpu.memref_slice %arg7[%dma_wait3A_142, %dma_wait3A_143] : memref<32x128xf32, #tpu.memory_space<vmem>> -> memref<24x128xf32, #tpu.memory_space<vmem>>
      tpu.wait_dma2 semaphore(%run_scoped3A : memref<!tpu.dma_semaphore, #tpu.memory_space<semaphore_mem>>) src(%dma_wait3A_144 : memref<24x128xf32, #tpu.memory_space<vmem>>) dst(%dma_wait3A_141 : memref<24x128xf32, #tpu.memory_space<vmem_shared>>)
      tpu.yield
    }) : () -> ()
    %lt3A = arith.constant 9 : i32
    %lt3A_45 = arith.cmpi slt, %arg1, %lt3A : i32
    %convert_element_type3A = arith.extui %lt3A_45 : i1 to i32
    %cond3A = arith.constant 0 : i32
    %cond3A_46 = arith.cmpi ne, %convert_element_type3A, %cond3A : i32
    scf.if %cond3A_46 {
      %mul3A_125 = arith.constant 8 : i32
      %mul3A_126 = arith.muli %arg1, %mul3A_125 : i32
      %add3A_127 = arith.constant 4992 : i32
      %add3A_128 = arith.addi %add3A_127, %mul3A_126 : i32
      "tpu.region"() ({
        %run_scoped3A = tpu.sem_alloc : memref<!tpu.dma_semaphore, #tpu.memory_space<semaphore_mem>>
        %dma_start3A_129 = arith.constant 0 : i32
        %dma_start3A_130 = arith.constant 0 : i32
        %dma_start3A_131 = tpu.memref_slice %arg7[%dma_start3A_129, %dma_start3A_130] : memref<32x128xf32, #tpu.memory_space<vmem>> -> memref<8x128xf32, #tpu.memory_space<vmem>>
        %dma_start3A_132 = arith.constant 0 : i32
        %dma_start3A_133 = tpu.memref_slice %arg6[%add3A_128, %dma_start3A_132] : memref<5064x128xf32, #tpu.memory_space<vmem_shared>> -> memref<8x128xf32, #tpu.memory_space<vmem_shared>>
        %dma_start3A_134 = arith.constant 0 : i32
        %dma_start3A_135 = tpu.memref_slice %arg6[%add3A_128, %dma_start3A_134] : memref<5064x128xf32, #tpu.memory_space<vmem_shared>> -> memref<8x128xf32, #tpu.memory_space<vmem_shared>>
        %dma_start3A_136 = arith.constant 0 : i32
        %dma_start3A_137 = arith.constant 0 : i32
        %dma_start3A_138 = tpu.memref_slice %arg7[%dma_start3A_136, %dma_start3A_137] : memref<32x128xf32, #tpu.memory_space<vmem>> -> memref<8x128xf32, #tpu.memory_space<vmem>>
        tpu.enqueue_dma source(%dma_start3A_138 : memref<8x128xf32, #tpu.memory_space<vmem>>) target(%dma_start3A_135 : memref<8x128xf32, #tpu.memory_space<vmem_shared>>) target_semaphore(%run_scoped3A : memref<!tpu.dma_semaphore, #tpu.memory_space<semaphore_mem>>)
        %dma_wait3A_139 = arith.constant 0 : i32
        %dma_wait3A_140 = arith.constant 0 : i32
        %dma_wait3A_141 = tpu.memref_slice %arg7[%dma_wait3A_139, %dma_wait3A_140] : memref<32x128xf32, #tpu.memory_space<vmem>> -> memref<8x128xf32, #tpu.memory_space<vmem>>
        %dma_wait3A_142 = arith.constant 0 : i32
        %dma_wait3A_143 = tpu.memref_slice %arg6[%add3A_128, %dma_wait3A_142] : memref<5064x128xf32, #tpu.memory_space<vmem_shared>> -> memref<8x128xf32, #tpu.memory_space<vmem_shared>>
        %dma_wait3A_144 = arith.constant 0 : i32
        %dma_wait3A_145 = tpu.memref_slice %arg6[%add3A_128, %dma_wait3A_144] : memref<5064x128xf32, #tpu.memory_space<vmem_shared>> -> memref<8x128xf32, #tpu.memory_space<vmem_shared>>
        %dma_wait3A_146 = arith.constant 0 : i32
        %dma_wait3A_147 = arith.constant 0 : i32
        %dma_wait3A_148 = tpu.memref_slice %arg7[%dma_wait3A_146, %dma_wait3A_147] : memref<32x128xf32, #tpu.memory_space<vmem>> -> memref<8x128xf32, #tpu.memory_space<vmem>>
        tpu.wait_dma2 semaphore(%run_scoped3A : memref<!tpu.dma_semaphore, #tpu.memory_space<semaphore_mem>>) src(%dma_wait3A_148 : memref<8x128xf32, #tpu.memory_space<vmem>>) dst(%dma_wait3A_145 : memref<8x128xf32, #tpu.memory_space<vmem_shared>>)
        tpu.yield
      }) : () -> ()
    } else {
    }
    %mul3A_47 = arith.constant 624 : i32
    %mul3A_48 = arith.muli %arg1, %mul3A_47 : i32
    %mul3A_49 = arith.constant 624 : i32
    %mul3A_50 = arith.muli %arg1, %mul3A_49 : i32
    "tpu.region"() ({
      %run_scoped3A = tpu.sem_alloc : memref<!tpu.dma_semaphore, #tpu.memory_space<semaphore_mem>>
      %dma_start3A_125 = arith.constant 0 : i32
      %dma_start3A_126 = tpu.memref_slice %arg5[%mul3A_50, %dma_start3A_125] : memref<10000x128xf32, #tpu.memory_space<vmem_shared>> -> memref<624x128xf32, #tpu.memory_space<vmem_shared>>
      %dma_start3A_127 = arith.constant 0 : i32
      %dma_start3A_128 = tpu.memref_slice %arg2[%mul3A_48, %dma_start3A_127] : memref<10000x128xf32, #tpu.memory_space<hbm>> -> memref<624x128xf32, #tpu.memory_space<hbm>>
      tpu.enqueue_dma source(%dma_start3A_128 : memref<624x128xf32, #tpu.memory_space<hbm>>) target(%dma_start3A_126 : memref<624x128xf32, #tpu.memory_space<vmem_shared>>) target_semaphore(%run_scoped3A : memref<!tpu.dma_semaphore, #tpu.memory_space<semaphore_mem>>)
      %dma_wait3A_129 = arith.constant 0 : i32
      %dma_wait3A_130 = tpu.memref_slice %arg5[%mul3A_50, %dma_wait3A_129] : memref<10000x128xf32, #tpu.memory_space<vmem_shared>> -> memref<624x128xf32, #tpu.memory_space<vmem_shared>>
      %dma_wait3A_131 = arith.constant 0 : i32
      %dma_wait3A_132 = tpu.memref_slice %arg2[%mul3A_48, %dma_wait3A_131] : memref<10000x128xf32, #tpu.memory_space<hbm>> -> memref<624x128xf32, #tpu.memory_space<hbm>>
      tpu.wait_dma2 semaphore(%run_scoped3A : memref<!tpu.dma_semaphore, #tpu.memory_space<semaphore_mem>>) src(%dma_wait3A_132 : memref<624x128xf32, #tpu.memory_space<hbm>>) dst(%dma_wait3A_130 : memref<624x128xf32, #tpu.memory_space<vmem_shared>>)
      tpu.yield
    }) : () -> ()
    %eq3A = arith.constant 0 : i32
    %eq3A_51 = arith.cmpi eq, %arg1, %eq3A : i32
    %convert_element_type3A_52 = arith.extui %eq3A_51 : i1 to i32
    %cond3A_53 = arith.constant 0 : i32
    %cond3A_54 = arith.cmpi ne, %convert_element_type3A_52, %cond3A_53 : i32
    scf.if %cond3A_54 {
      "tpu.region"() ({
        %run_scoped3A = tpu.sem_alloc : memref<!tpu.dma_semaphore, #tpu.memory_space<semaphore_mem>>
        %dma_start3A_125 = arith.constant 9984 : i32
        %dma_start3A_126 = arith.constant 0 : i32
        %dma_start3A_127 = tpu.memref_slice %arg5[%dma_start3A_125, %dma_start3A_126] : memref<10000x128xf32, #tpu.memory_space<vmem_shared>> -> memref<16x128xf32, #tpu.memory_space<vmem_shared>>
        %dma_start3A_128 = arith.constant 9984 : i32
        %dma_start3A_129 = arith.constant 0 : i32
        %dma_start3A_130 = tpu.memref_slice %arg2[%dma_start3A_128, %dma_start3A_129] : memref<10000x128xf32, #tpu.memory_space<hbm>> -> memref<16x128xf32, #tpu.memory_space<hbm>>
        tpu.enqueue_dma source(%dma_start3A_130 : memref<16x128xf32, #tpu.memory_space<hbm>>) target(%dma_start3A_127 : memref<16x128xf32, #tpu.memory_space<vmem_shared>>) target_semaphore(%run_scoped3A : memref<!tpu.dma_semaphore, #tpu.memory_space<semaphore_mem>>)
        %dma_wait3A_131 = arith.constant 9984 : i32
        %dma_wait3A_132 = arith.constant 0 : i32
        %dma_wait3A_133 = tpu.memref_slice %arg5[%dma_wait3A_131, %dma_wait3A_132] : memref<10000x128xf32, #tpu.memory_space<vmem_shared>> -> memref<16x128xf32, #tpu.memory_space<vmem_shared>>
        %dma_wait3A_134 = arith.constant 9984 : i32
        %dma_wait3A_135 = arith.constant 0 : i32
        %dma_wait3A_136 = tpu.memref_slice %arg2[%dma_wait3A_134, %dma_wait3A_135] : memref<10000x128xf32, #tpu.memory_space<hbm>> -> memref<16x128xf32, #tpu.memory_space<hbm>>
        tpu.wait_dma2 semaphore(%run_scoped3A : memref<!tpu.dma_semaphore, #tpu.memory_space<semaphore_mem>>) src(%dma_wait3A_136 : memref<16x128xf32, #tpu.memory_space<hbm>>) dst(%dma_wait3A_133 : memref<16x128xf32, #tpu.memory_space<vmem_shared>>)
        tpu.yield
      }) : () -> ()
    } else {
    }
    %barrier3A = arith.constant 0 : index
    tpu.barrier barrier_id(%barrier3A)
    %mul3A_55 = arith.constant 640 : i32
    %mul3A_56 = arith.muli %arg1, %mul3A_55 : i32
    %jit3A = arith.constant 8 : i32
    %div3A = arith.divsi %mul3A_56, %jit3A : i32
    %sign3A = arith.constant 0 : i32
    %sign3A_57 = arith.cmpi sgt, %mul3A_56, %sign3A : i32
    %sign3A_58 = arith.extui %sign3A_57 : i1 to i32
    %sign3A_59 = arith.constant 0 : i32
    %sign3A_60 = arith.cmpi slt, %mul3A_56, %sign3A_59 : i32
    %sign3A_61 = arith.extui %sign3A_60 : i1 to i32
    %sign3A_62 = arith.subi %sign3A_58, %sign3A_61 : i32
    %sign3A_63 = arith.constant 0 : i32
    %sign3A_64 = arith.cmpi sgt, %jit3A, %sign3A_63 : i32
    %sign3A_65 = arith.extui %sign3A_64 : i1 to i32
    %sign3A_66 = arith.constant 0 : i32
    %sign3A_67 = arith.cmpi slt, %jit3A, %sign3A_66 : i32
    %sign3A_68 = arith.extui %sign3A_67 : i1 to i32
    %sign3A_69 = arith.subi %sign3A_65, %sign3A_68 : i32
    %ne3A = arith.cmpi ne, %sign3A_62, %sign3A_69 : i32
    %rem3A = arith.remsi %mul3A_56, %jit3A : i32
    %ne3A_70 = arith.constant 0 : i32
    %ne3A_71 = arith.cmpi ne, %rem3A, %ne3A_70 : i32
    %and3A = arith.andi %ne3A, %ne3A_71 : i1
    %sub3A = arith.constant 1 : i32
    %sub3A_72 = arith.subi %div3A, %sub3A : i32
    %select_n3A = arith.select %and3A, %sub3A_72, %div3A : i32
    %mul3A_73 = arith.constant 8 : i32
    %mul3A_74 = arith.muli %select_n3A, %mul3A_73 : i32
    %mul3A_75 = arith.constant 5056 : i32
    %mul3A_76 = arith.muli %arg0, %mul3A_75 : i32
    "tpu.region"() ({
      %run_scoped3A = tpu.sem_alloc : memref<!tpu.dma_semaphore, #tpu.memory_space<semaphore_mem>>
      %dma_start3A_125 = arith.constant 0 : i32
      %dma_start3A_126 = tpu.memref_slice %arg3[%mul3A_74, %dma_start3A_125] : memref<10240x64xi32, #tpu.memory_space<hbm>> -> memref<8x64xi32, #tpu.memory_space<hbm>>
      %dma_start3A_127 = arith.constant 0 : i32
      %dma_start3A_128 = tpu.memref_slice %arg3[%mul3A_74, %dma_start3A_127] : memref<10240x64xi32, #tpu.memory_space<hbm>> -> memref<8x64xi32, #tpu.memory_space<hbm>>
      tpu.enqueue_dma source(%dma_start3A_128 : memref<8x64xi32, #tpu.memory_space<hbm>>) target(%arg9 : memref<8x64xi32, #tpu.memory_space<vmem>>) target_semaphore(%run_scoped3A : memref<!tpu.dma_semaphore, #tpu.memory_space<semaphore_mem>>)
      %dma_wait3A_129 = arith.constant 0 : i32
      %dma_wait3A_130 = tpu.memref_slice %arg3[%mul3A_74, %dma_wait3A_129] : memref<10240x64xi32, #tpu.memory_space<hbm>> -> memref<8x64xi32, #tpu.memory_space<hbm>>
      %dma_wait3A_131 = arith.constant 0 : i32
      %dma_wait3A_132 = tpu.memref_slice %arg3[%mul3A_74, %dma_wait3A_131] : memref<10240x64xi32, #tpu.memory_space<hbm>> -> memref<8x64xi32, #tpu.memory_space<hbm>>
      tpu.wait_dma2 semaphore(%run_scoped3A : memref<!tpu.dma_semaphore, #tpu.memory_space<semaphore_mem>>) src(%dma_wait3A_132 : memref<8x64xi32, #tpu.memory_space<hbm>>) dst(%arg9 : memref<8x64xi32, #tpu.memory_space<vmem>>)
      tpu.yield
    }) : () -> ()
    %add3A_77 = arith.constant 8 : i32
    %add3A_78 = arith.addi %mul3A_74, %add3A_77 : i32
    "tpu.region"() ({
      %run_scoped3A = tpu.sem_alloc : memref<!tpu.dma_semaphore, #tpu.memory_space<semaphore_mem>>
      %dma_start3A_125 = arith.constant 0 : i32
      %dma_start3A_126 = tpu.memref_slice %arg3[%add3A_78, %dma_start3A_125] : memref<10240x64xi32, #tpu.memory_space<hbm>> -> memref<8x64xi32, #tpu.memory_space<hbm>>
      %dma_start3A_127 = arith.constant 0 : i32
      %dma_start3A_128 = tpu.memref_slice %arg3[%add3A_78, %dma_start3A_127] : memref<10240x64xi32, #tpu.memory_space<hbm>> -> memref<8x64xi32, #tpu.memory_space<hbm>>
      tpu.enqueue_dma source(%dma_start3A_128 : memref<8x64xi32, #tpu.memory_space<hbm>>) target(%arg10 : memref<8x64xi32, #tpu.memory_space<vmem>>) target_semaphore(%run_scoped3A : memref<!tpu.dma_semaphore, #tpu.memory_space<semaphore_mem>>)
      %dma_wait3A_129 = arith.constant 0 : i32
      %dma_wait3A_130 = tpu.memref_slice %arg3[%add3A_78, %dma_wait3A_129] : memref<10240x64xi32, #tpu.memory_space<hbm>> -> memref<8x64xi32, #tpu.memory_space<hbm>>
      %dma_wait3A_131 = arith.constant 0 : i32
      %dma_wait3A_132 = tpu.memref_slice %arg3[%add3A_78, %dma_wait3A_131] : memref<10240x64xi32, #tpu.memory_space<hbm>> -> memref<8x64xi32, #tpu.memory_space<hbm>>
      tpu.wait_dma2 semaphore(%run_scoped3A : memref<!tpu.dma_semaphore, #tpu.memory_space<semaphore_mem>>) src(%dma_wait3A_132 : memref<8x64xi32, #tpu.memory_space<hbm>>) dst(%arg10 : memref<8x64xi32, #tpu.memory_space<vmem>>)
      tpu.yield
    }) : () -> ()
    %add3A_79 = arith.constant 8 : i32
    %add3A_80 = arith.addi %mul3A_74, %add3A_79 : i32
    %dma_start3A = arith.constant 0 : i32
    %dma_start3A_81 = tpu.memref_slice %arg3[%add3A_80, %dma_start3A] : memref<10240x64xi32, #tpu.memory_space<hbm>> -> memref<8x64xi32, #tpu.memory_space<hbm>>
    %dma_start3A_82 = arith.constant 0 : i32
    %dma_start3A_83 = tpu.memref_slice %arg3[%add3A_80, %dma_start3A_82] : memref<10240x64xi32, #tpu.memory_space<hbm>> -> memref<8x64xi32, #tpu.memory_space<hbm>>
    tpu.enqueue_dma source(%dma_start3A_83 : memref<8x64xi32, #tpu.memory_space<hbm>>) target(%arg10 : memref<8x64xi32, #tpu.memory_space<vmem>>) target_semaphore(%arg17 : memref<!tpu.dma_semaphore, #tpu.memory_space<semaphore_mem>>)
    %dma_start3A_84 = arith.constant 0 : i32
    %dma_start3A_85 = arith.constant 0 : i32
    %dma_start3A_86 = tpu.memref_slice %arg9[%dma_start3A_84, %dma_start3A_85] : memref<8x64xi32, #tpu.memory_space<vmem>> -> memref<1x32xi32, #tpu.memory_space<vmem>>
    %dma_start3A_87 = tpu.memref_squeeze %dma_start3A_86 : memref<1x32xi32, #tpu.memory_space<vmem>> -> memref<32xi32, #tpu.memory_space<vmem>>
    %dma_start3A_88 = arith.constant 0 : i32
    %dma_start3A_89 = arith.constant 0 : i32
    %dma_start3A_90 = tpu.memref_slice %arg5[%dma_start3A_88, %dma_start3A_89] : memref<10000x128xf32, #tpu.memory_space<vmem_shared>> -> memref<10000x128xf32, #tpu.memory_space<vmem_shared>>
    tpu.enqueue_indirect_dma source(%dma_start3A_90 : memref<10000x128xf32, #tpu.memory_space<vmem_shared>>) target(%arg7 : memref<32x128xf32, #tpu.memory_space<vmem>>) offsets(%dma_start3A_87 : memref<32xi32, #tpu.memory_space<vmem>>) semaphore(%arg13 : memref<!tpu.dma_semaphore, #tpu.memory_space<semaphore_mem>>)
    %scan3A_91 = arith.constant 0 : i32
    %scan3A_92 = arith.constant 0 : i32
    %scan3A_93 = arith.constant 40 : i32
    %scan3A_94 = arith.addi %scan3A_92, %scan3A_93 : i32
    %scan3A_95 = arith.constant 1 : i32
    %scan3A_96 = scf.for %scan3A_125 = %scan3A_92 to %scan3A_94 step %scan3A_95 iter_args(%scan3A_126 = %scan3A_91) -> (i32)  : i32 {
      %dma_wait3A_127 = arith.constant 0 : i32
      %dma_wait3A_128 = arith.constant 0 : i32
      %dma_wait3A_129 = tpu.memref_slice %arg2[%dma_wait3A_127, %dma_wait3A_128] : memref<10000x128xf32, #tpu.memory_space<hbm>> -> memref<32x128xf32, #tpu.memory_space<hbm>>
      %dma_wait3A_130 = arith.constant 0 : i32
      %dma_wait3A_131 = arith.constant 0 : i32
      %dma_wait3A_132 = tpu.memref_slice %arg2[%dma_wait3A_130, %dma_wait3A_131] : memref<10000x128xf32, #tpu.memory_space<hbm>> -> memref<32x128xf32, #tpu.memory_space<hbm>>
      tpu.wait_dma2 semaphore(%arg13 : memref<!tpu.dma_semaphore, #tpu.memory_space<semaphore_mem>>) src(%dma_wait3A_132 : memref<32x128xf32, #tpu.memory_space<hbm>>) dst(%arg7 : memref<32x128xf32, #tpu.memory_space<vmem>>)
      %get3A = arith.constant 0 : i32
      %get3A_133 = arith.index_cast %get3A : i32 to index
      %get3A_134 = arith.constant 32 : index
      %get3A_135 = tpu.vector_load %arg9[%get3A_133, %get3A_134] {strides = array<i32>} : memref<8x64xi32, #tpu.memory_space<vmem>>, vector<16xi32>,
      %sub3A_136 = vector.broadcast %mul3A_76 : i32 to vector<16xi32>
      %sub3A_137 = arith.subi %get3A_135, %sub3A_136 : vector<16xi32>
      %lt3A_138 = arith.constant 0 : i32
      %lt3A_139 = vector.broadcast %lt3A_138 : i32 to vector<16xi32>
      %lt3A_140 = arith.cmpi slt, %sub3A_137, %lt3A_139 : vector<16xi32>
      %ge3A = arith.constant 5056 : i32
      %ge3A_141 = vector.broadcast %ge3A : i32 to vector<16xi32>
      %ge3A_142 = arith.cmpi sge, %sub3A_137, %ge3A_141 : vector<16xi32>
      %or3A = arith.ori %lt3A_140, %ge3A_142 : vector<16xi1>
      %jit3A_143 = arith.constant 5056 : i32
      %broadcast_in_dim3A_144 = vector.broadcast %jit3A_143 : i32 to vector<16xi32>
      %select_n3A_145 = arith.select %or3A, %broadcast_in_dim3A_144, %sub3A_137 : vector<16xi1>, vector<16xi32>
      %swap3A = arith.constant 0 : i32
      %swap3A_146 = arith.index_cast %swap3A : i32 to index
      %swap3A_147 = arith.constant 0 : index
      %swap3A_148 = tpu.vector_load %arg11[%swap3A_146, %swap3A_147] {strides = array<i32>} : memref<1x32xi32, #tpu.memory_space<vmem>>, vector<16xi32>,
      tpu.vector_store %arg11[%swap3A_146, %swap3A_147], %select_n3A_145 {strides = array<i32>} : memref<1x32xi32, #tpu.memory_space<vmem>>, vector<16xi32>,
      %get3A_149 = arith.constant 0 : i32
      %get3A_150 = arith.index_cast %get3A_149 : i32 to index
      %get3A_151 = arith.constant 48 : index
      %get3A_152 = tpu.vector_load %arg9[%get3A_150, %get3A_151] {strides = array<i32>} : memref<8x64xi32, #tpu.memory_space<vmem>>, vector<16xi32>,
      %sub3A_153 = vector.broadcast %mul3A_76 : i32 to vector<16xi32>
      %sub3A_154 = arith.subi %get3A_152, %sub3A_153 : vector<16xi32>
      %lt3A_155 = arith.constant 0 : i32
      %lt3A_156 = vector.broadcast %lt3A_155 : i32 to vector<16xi32>
      %lt3A_157 = arith.cmpi slt, %sub3A_154, %lt3A_156 : vector<16xi32>
      %ge3A_158 = arith.constant 5056 : i32
      %ge3A_159 = vector.broadcast %ge3A_158 : i32 to vector<16xi32>
      %ge3A_160 = arith.cmpi sge, %sub3A_154, %ge3A_159 : vector<16xi32>
      %or3A_161 = arith.ori %lt3A_157, %ge3A_160 : vector<16xi1>
      %jit3A_162 = arith.constant 5056 : i32
      %broadcast_in_dim3A_163 = vector.broadcast %jit3A_162 : i32 to vector<16xi32>
      %select_n3A_164 = arith.select %or3A_161, %broadcast_in_dim3A_163, %sub3A_154 : vector<16xi1>, vector<16xi32>
      %swap3A_165 = arith.constant 0 : i32
      %swap3A_166 = arith.index_cast %swap3A_165 : i32 to index
      %swap3A_167 = arith.constant 16 : index
      %swap3A_168 = tpu.vector_load %arg11[%swap3A_166, %swap3A_167] {strides = array<i32>} : memref<1x32xi32, #tpu.memory_space<vmem>>, vector<16xi32>,
      tpu.vector_store %arg11[%swap3A_166, %swap3A_167], %select_n3A_164 {strides = array<i32>} : memref<1x32xi32, #tpu.memory_space<vmem>>, vector<16xi32>,
      %dma_start3A_169 = arith.constant 0 : i32
      %dma_start3A_170 = arith.constant 0 : i32
      %dma_start3A_171 = tpu.memref_slice %arg11[%dma_start3A_169, %dma_start3A_170] : memref<1x32xi32, #tpu.memory_space<vmem>> -> memref<1x32xi32, #tpu.memory_space<vmem>>
      %dma_start3A_172 = tpu.memref_squeeze %dma_start3A_171 : memref<1x32xi32, #tpu.memory_space<vmem>> -> memref<32xi32, #tpu.memory_space<vmem>>
      %dma_start3A_173 = arith.constant 0 : i32
      %dma_start3A_174 = arith.constant 0 : i32
      %dma_start3A_175 = tpu.memref_slice %arg6[%dma_start3A_173, %dma_start3A_174] : memref<5064x128xf32, #tpu.memory_space<vmem_shared>> -> memref<5064x128xf32, #tpu.memory_space<vmem_shared>>
      tpu.enqueue_indirect_dma source(%arg7 : memref<32x128xf32, #tpu.memory_space<vmem>>) target(%dma_start3A_175 : memref<5064x128xf32, #tpu.memory_space<vmem_shared>>) offsets(%dma_start3A_172 : memref<32xi32, #tpu.memory_space<vmem>>) semaphore(%arg15 : memref<!tpu.dma_semaphore, #tpu.memory_space<semaphore_mem>>) {add = true}
      %gt3A = arith.constant 0 : i32
      %gt3A_176 = arith.cmpi sgt, %scan3A_125, %gt3A : i32
      %convert_element_type3A_177 = arith.extui %gt3A_176 : i1 to i32
      %cond3A_178 = arith.constant 0 : i32
      %cond3A_179 = arith.cmpi ne, %convert_element_type3A_177, %cond3A_178 : i32
      scf.if %cond3A_179 {
        %dma_wait3A_1215 = arith.constant 0 : i32
        %dma_wait3A_1216 = arith.constant 0 : i32
        %dma_wait3A_1217 = tpu.memref_slice %arg2[%dma_wait3A_1215, %dma_wait3A_1216] : memref<10000x128xf32, #tpu.memory_space<hbm>> -> memref<32x128xf32, #tpu.memory_space<hbm>>
        %dma_wait3A_1218 = arith.constant 0 : i32
        %dma_wait3A_1219 = arith.constant 0 : i32
        %dma_wait3A_1220 = tpu.memref_slice %arg2[%dma_wait3A_1218, %dma_wait3A_1219] : memref<10000x128xf32, #tpu.memory_space<hbm>> -> memref<32x128xf32, #tpu.memory_space<hbm>>
        tpu.wait_dma2 semaphore(%arg16 : memref<!tpu.dma_semaphore, #tpu.memory_space<semaphore_mem>>) src(%dma_wait3A_1220 : memref<32x128xf32, #tpu.memory_space<hbm>>) dst(%arg8 : memref<32x128xf32, #tpu.memory_space<vmem>>)
      } else {
      }
      %dma_start3A_180 = arith.constant 1 : i32
      %dma_start3A_181 = arith.constant 0 : i32
      %dma_start3A_182 = tpu.memref_slice %arg9[%dma_start3A_180, %dma_start3A_181] : memref<8x64xi32, #tpu.memory_space<vmem>> -> memref<1x32xi32, #tpu.memory_space<vmem>>
      %dma_start3A_183 = tpu.memref_squeeze %dma_start3A_182 : memref<1x32xi32, #tpu.memory_space<vmem>> -> memref<32xi32, #tpu.memory_space<vmem>>
      %dma_start3A_184 = arith.constant 0 : i32
      %dma_start3A_185 = arith.constant 0 : i32
      %dma_start3A_186 = tpu.memref_slice %arg5[%dma_start3A_184, %dma_start3A_185] : memref<10000x128xf32, #tpu.memory_space<vmem_shared>> -> memref<10000x128xf32, #tpu.memory_space<vmem_shared>>
      tpu.enqueue_indirect_dma source(%dma_start3A_186 : memref<10000x128xf32, #tpu.memory_space<vmem_shared>>) target(%arg8 : memref<32x128xf32, #tpu.memory_space<vmem>>) offsets(%dma_start3A_183 : memref<32xi32, #tpu.memory_space<vmem>>) semaphore(%arg14 : memref<!tpu.dma_semaphore, #tpu.memory_space<semaphore_mem>>)
      %dma_wait3A_187 = arith.constant 0 : i32
      %dma_wait3A_188 = arith.constant 0 : i32
      %dma_wait3A_189 = tpu.memref_slice %arg2[%dma_wait3A_187, %dma_wait3A_188] : memref<10000x128xf32, #tpu.memory_space<hbm>> -> memref<32x128xf32, #tpu.memory_space<hbm>>
      %dma_wait3A_190 = arith.constant 0 : i32
      %dma_wait3A_191 = arith.constant 0 : i32
      %dma_wait3A_192 = tpu.memref_slice %arg2[%dma_wait3A_190, %dma_wait3A_191] : memref<10000x128xf32, #tpu.memory_space<hbm>> -> memref<32x128xf32, #tpu.memory_space<hbm>>
      tpu.wait_dma2 semaphore(%arg14 : memref<!tpu.dma_semaphore, #tpu.memory_space<semaphore_mem>>) src(%dma_wait3A_192 : memref<32x128xf32, #tpu.memory_space<hbm>>) dst(%arg8 : memref<32x128xf32, #tpu.memory_space<vmem>>)
      %get3A_193 = arith.constant 1 : i32
      %get3A_194 = arith.index_cast %get3A_193 : i32 to index
      %get3A_195 = arith.constant 32 : index
      %get3A_196 = tpu.vector_load %arg9[%get3A_194, %get3A_195] {strides = array<i32>} : memref<8x64xi32, #tpu.memory_space<vmem>>, vector<16xi32>,
      %sub3A_197 = vector.broadcast %mul3A_76 : i32 to vector<16xi32>
      %sub3A_198 = arith.subi %get3A_196, %sub3A_197 : vector<16xi32>
      %lt3A_199 = arith.constant 0 : i32
      %lt3A_200 = vector.broadcast %lt3A_199 : i32 to vector<16xi32>
      %lt3A_201 = arith.cmpi slt, %sub3A_198, %lt3A_200 : vector<16xi32>
      %ge3A_202 = arith.constant 5056 : i32
      %ge3A_203 = vector.broadcast %ge3A_202 : i32 to vector<16xi32>
      %ge3A_204 = arith.cmpi sge, %sub3A_198, %ge3A_203 : vector<16xi32>
      %or3A_205 = arith.ori %lt3A_201, %ge3A_204 : vector<16xi1>
      %jit3A_206 = arith.constant 5056 : i32
      %broadcast_in_dim3A_207 = vector.broadcast %jit3A_206 : i32 to vector<16xi32>
      %select_n3A_208 = arith.select %or3A_205, %broadcast_in_dim3A_207, %sub3A_198 : vector<16xi1>, vector<16xi32>
      %swap3A_209 = arith.constant 0 : i32
      %swap3A_210 = arith.index_cast %swap3A_209 : i32 to index
      %swap3A_211 = arith.constant 0 : index
      %swap3A_212 = tpu.vector_load %arg12[%swap3A_210, %swap3A_211] {strides = array<i32>} : memref<1x32xi32, #tpu.memory_space<vmem>>, vector<16xi32>,
      tpu.vector_store %arg12[%swap3A_210, %swap3A_211], %select_n3A_208 {strides = array<i32>} : memref<1x32xi32, #tpu.memory_space<vmem>>, vector<16xi32>,
      %get3A_213 = arith.constant 1 : i32
      %get3A_214 = arith.index_cast %get3A_213 : i32 to index
      %get3A_215 = arith.constant 48 : index
      %get3A_216 = tpu.vector_load %arg9[%get3A_214, %get3A_215] {strides = array<i32>} : memref<8x64xi32, #tpu.memory_space<vmem>>, vector<16xi32>,
      %sub3A_217 = vector.broadcast %mul3A_76 : i32 to vector<16xi32>
      %sub3A_218 = arith.subi %get3A_216, %sub3A_217 : vector<16xi32>
      %lt3A_219 = arith.constant 0 : i32
      %lt3A_220 = vector.broadcast %lt3A_219 : i32 to vector<16xi32>
      %lt3A_221 = arith.cmpi slt, %sub3A_218, %lt3A_220 : vector<16xi32>
      %ge3A_222 = arith.constant 5056 : i32
      %ge3A_223 = vector.broadcast %ge3A_222 : i32 to vector<16xi32>
      %ge3A_224 = arith.cmpi sge, %sub3A_218, %ge3A_223 : vector<16xi32>
      %or3A_225 = arith.ori %lt3A_221, %ge3A_224 : vector<16xi1>
      %jit3A_226 = arith.constant 5056 : i32
      %broadcast_in_dim3A_227 = vector.broadcast %jit3A_226 : i32 to vector<16xi32>
      %select_n3A_228 = arith.select %or3A_225, %broadcast_in_dim3A_227, %sub3A_218 : vector<16xi1>, vector<16xi32>
      %swap3A_229 = arith.constant 0 : i32
      %swap3A_230 = arith.index_cast %swap3A_229 : i32 to index
      %swap3A_231 = arith.constant 16 : index
      %swap3A_232 = tpu.vector_load %arg12[%swap3A_230, %swap3A_231] {strides = array<i32>} : memref<1x32xi32, #tpu.memory_space<vmem>>, vector<16xi32>,
      tpu.vector_store %arg12[%swap3A_230, %swap3A_231], %select_n3A_228 {strides = array<i32>} : memref<1x32xi32, #tpu.memory_space<vmem>>, vector<16xi32>,
      %dma_start3A_233 = arith.constant 0 : i32
      %dma_start3A_234 = arith.constant 0 : i32
      %dma_start3A_235 = tpu.memref_slice %arg12[%dma_start3A_233, %dma_start3A_234] : memref<1x32xi32, #tpu.memory_space<vmem>> -> memref<1x32xi32, #tpu.memory_space<vmem>>
      %dma_start3A_236 = tpu.memref_squeeze %dma_start3A_235 : memref<1x32xi32, #tpu.memory_space<vmem>> -> memref<32xi32, #tpu.memory_space<vmem>>
      %dma_start3A_237 = arith.constant 0 : i32
      %dma_start3A_238 = arith.constant 0 : i32
      %dma_start3A_239 = tpu.memref_slice %arg6[%dma_start3A_237, %dma_start3A_238] : memref<5064x128xf32, #tpu.memory_space<vmem_shared>> -> memref<5064x128xf32, #tpu.memory_space<vmem_shared>>
      tpu.enqueue_indirect_dma source(%arg8 : memref<32x128xf32, #tpu.memory_space<vmem>>) target(%dma_start3A_239 : memref<5064x128xf32, #tpu.memory_space<vmem_shared>>) offsets(%dma_start3A_236 : memref<32xi32, #tpu.memory_space<vmem>>) semaphore(%arg16 : memref<!tpu.dma_semaphore, #tpu.memory_space<semaphore_mem>>) {add = true}
      %dma_wait3A_240 = arith.constant 0 : i32
      %dma_wait3A_241 = arith.constant 0 : i32
      %dma_wait3A_242 = tpu.memref_slice %arg2[%dma_wait3A_240, %dma_wait3A_241] : memref<10000x128xf32, #tpu.memory_space<hbm>> -> memref<32x128xf32, #tpu.memory_space<hbm>>
      %dma_wait3A_243 = arith.constant 0 : i32
      %dma_wait3A_244 = arith.constant 0 : i32
      %dma_wait3A_245 = tpu.memref_slice %arg2[%dma_wait3A_243, %dma_wait3A_244] : memref<10000x128xf32, #tpu.memory_space<hbm>> -> memref<32x128xf32, #tpu.memory_space<hbm>>
      tpu.wait_dma2 semaphore(%arg15 : memref<!tpu.dma_semaphore, #tpu.memory_space<semaphore_mem>>) src(%dma_wait3A_245 : memref<32x128xf32, #tpu.memory_space<hbm>>) dst(%arg7 : memref<32x128xf32, #tpu.memory_space<vmem>>)
      %dma_start3A_246 = arith.constant 2 : i32
      %dma_start3A_247 = arith.constant 0 : i32
      %dma_start3A_248 = tpu.memref_slice %arg9[%dma_start3A_246, %dma_start3A_247] : memref<8x64xi32, #tpu.memory_space<vmem>> -> memref<1x32xi32, #tpu.memory_space<vmem>>
      %dma_start3A_249 = tpu.memref_squeeze %dma_start3A_248 : memref<1x32xi32, #tpu.memory_space<vmem>> -> memref<32xi32, #tpu.memory_space<vmem>>
      %dma_start3A_250 = arith.constant 0 : i32
      %dma_start3A_251 = arith.constant 0 : i32
      %dma_start3A_252 = tpu.memref_slice %arg5[%dma_start3A_250, %dma_start3A_251] : memref<10000x128xf32, #tpu.memory_space<vmem_shared>> -> memref<10000x128xf32, #tpu.memory_space<vmem_shared>>
      tpu.enqueue_indirect_dma source(%dma_start3A_252 : memref<10000x128xf32, #tpu.memory_space<vmem_shared>>) target(%arg7 : memref<32x128xf32, #tpu.memory_space<vmem>>) offsets(%dma_start3A_249 : memref<32xi32, #tpu.memory_space<vmem>>) semaphore(%arg13 : memref<!tpu.dma_semaphore, #tpu.memory_space<semaphore_mem>>)
      %dma_wait3A_253 = arith.constant 0 : i32
      %dma_wait3A_254 = arith.constant 0 : i32
      %dma_wait3A_255 = tpu.memref_slice %arg2[%dma_wait3A_253, %dma_wait3A_254] : memref<10000x128xf32, #tpu.memory_space<hbm>> -> memref<32x128xf32, #tpu.memory_space<hbm>>
      %dma_wait3A_256 = arith.constant 0 : i32
      %dma_wait3A_257 = arith.constant 0 : i32
      %dma_wait3A_258 = tpu.memref_slice %arg2[%dma_wait3A_256, %dma_wait3A_257] : memref<10000x128xf32, #tpu.memory_space<hbm>> -> memref<32x128xf32, #tpu.memory_space<hbm>>
      tpu.wait_dma2 semaphore(%arg13 : memref<!tpu.dma_semaphore, #tpu.memory_space<semaphore_mem>>) src(%dma_wait3A_258 : memref<32x128xf32, #tpu.memory_space<hbm>>) dst(%arg7 : memref<32x128xf32, #tpu.memory_space<vmem>>)
      %get3A_259 = arith.constant 2 : i32
      %get3A_260 = arith.index_cast %get3A_259 : i32 to index
      %get3A_261 = arith.constant 32 : index
      %get3A_262 = tpu.vector_load %arg9[%get3A_260, %get3A_261] {strides = array<i32>} : memref<8x64xi32, #tpu.memory_space<vmem>>, vector<16xi32>,
      %sub3A_263 = vector.broadcast %mul3A_76 : i32 to vector<16xi32>
      %sub3A_264 = arith.subi %get3A_262, %sub3A_263 : vector<16xi32>
      %lt3A_265 = arith.constant 0 : i32
      %lt3A_266 = vector.broadcast %lt3A_265 : i32 to vector<16xi32>
      %lt3A_267 = arith.cmpi slt, %sub3A_264, %lt3A_266 : vector<16xi32>
      %ge3A_268 = arith.constant 5056 : i32
      %ge3A_269 = vector.broadcast %ge3A_268 : i32 to vector<16xi32>
      %ge3A_270 = arith.cmpi sge, %sub3A_264, %ge3A_269 : vector<16xi32>
      %or3A_271 = arith.ori %lt3A_267, %ge3A_270 : vector<16xi1>
      %jit3A_272 = arith.constant 5056 : i32
      %broadcast_in_dim3A_273 = vector.broadcast %jit3A_272 : i32 to vector<16xi32>
      %select_n3A_274 = arith.select %or3A_271, %broadcast_in_dim3A_273, %sub3A_264 : vector<16xi1>, vector<16xi32>
      %swap3A_275 = arith.constant 0 : i32
      %swap3A_276 = arith.index_cast %swap3A_275 : i32 to index
      %swap3A_277 = arith.constant 0 : index
      %swap3A_278 = tpu.vector_load %arg11[%swap3A_276, %swap3A_277] {strides = array<i32>} : memref<1x32xi32, #tpu.memory_space<vmem>>, vector<16xi32>,
      tpu.vector_store %arg11[%swap3A_276, %swap3A_277], %select_n3A_274 {strides = array<i32>} : memref<1x32xi32, #tpu.memory_space<vmem>>, vector<16xi32>,
      %get3A_279 = arith.constant 2 : i32
      %get3A_280 = arith.index_cast %get3A_279 : i32 to index
      %get3A_281 = arith.constant 48 : index
      %get3A_282 = tpu.vector_load %arg9[%get3A_280, %get3A_281] {strides = array<i32>} : memref<8x64xi32, #tpu.memory_space<vmem>>, vector<16xi32>,
      %sub3A_283 = vector.broadcast %mul3A_76 : i32 to vector<16xi32>
      %sub3A_284 = arith.subi %get3A_282, %sub3A_283 : vector<16xi32>
      %lt3A_285 = arith.constant 0 : i32
      %lt3A_286 = vector.broadcast %lt3A_285 : i32 to vector<16xi32>
      %lt3A_287 = arith.cmpi slt, %sub3A_284, %lt3A_286 : vector<16xi32>
      %ge3A_288 = arith.constant 5056 : i32
      %ge3A_289 = vector.broadcast %ge3A_288 : i32 to vector<16xi32>
      %ge3A_290 = arith.cmpi sge, %sub3A_284, %ge3A_289 : vector<16xi32>
      %or3A_291 = arith.ori %lt3A_287, %ge3A_290 : vector<16xi1>
      %jit3A_292 = arith.constant 5056 : i32
      %broadcast_in_dim3A_293 = vector.broadcast %jit3A_292 : i32 to vector<16xi32>
      %select_n3A_294 = arith.select %or3A_291, %broadcast_in_dim3A_293, %sub3A_284 : vector<16xi1>, vector<16xi32>
      %swap3A_295 = arith.constant 0 : i32
      %swap3A_296 = arith.index_cast %swap3A_295 : i32 to index
      %swap3A_297 = arith.constant 16 : index
      %swap3A_298 = tpu.vector_load %arg11[%swap3A_296, %swap3A_297] {strides = array<i32>} : memref<1x32xi32, #tpu.memory_space<vmem>>, vector<16xi32>,
      tpu.vector_store %arg11[%swap3A_296, %swap3A_297], %select_n3A_294 {strides = array<i32>} : memref<1x32xi32, #tpu.memory_space<vmem>>, vector<16xi32>,
      %dma_start3A_299 = arith.constant 0 : i32
      %dma_start3A_300 = arith.constant 0 : i32
      %dma_start3A_301 = tpu.memref_slice %arg11[%dma_start3A_299, %dma_start3A_300] : memref<1x32xi32, #tpu.memory_space<vmem>> -> memref<1x32xi32, #tpu.memory_space<vmem>>
      %dma_start3A_302 = tpu.memref_squeeze %dma_start3A_301 : memref<1x32xi32, #tpu.memory_space<vmem>> -> memref<32xi32, #tpu.memory_space<vmem>>
      %dma_start3A_303 = arith.constant 0 : i32
      %dma_start3A_304 = arith.constant 0 : i32
      %dma_start3A_305 = tpu.memref_slice %arg6[%dma_start3A_303, %dma_start3A_304] : memref<5064x128xf32, #tpu.memory_space<vmem_shared>> -> memref<5064x128xf32, #tpu.memory_space<vmem_shared>>
      tpu.enqueue_indirect_dma source(%arg7 : memref<32x128xf32, #tpu.memory_space<vmem>>) target(%dma_start3A_305 : memref<5064x128xf32, #tpu.memory_space<vmem_shared>>) offsets(%dma_start3A_302 : memref<32xi32, #tpu.memory_space<vmem>>) semaphore(%arg15 : memref<!tpu.dma_semaphore, #tpu.memory_space<semaphore_mem>>) {add = true}
      %dma_wait3A_306 = arith.constant 0 : i32
      %dma_wait3A_307 = arith.constant 0 : i32
      %dma_wait3A_308 = tpu.memref_slice %arg2[%dma_wait3A_306, %dma_wait3A_307] : memref<10000x128xf32, #tpu.memory_space<hbm>> -> memref<32x128xf32, #tpu.memory_space<hbm>>
      %dma_wait3A_309 = arith.constant 0 : i32
      %dma_wait3A_310 = arith.constant 0 : i32
      %dma_wait3A_311 = tpu.memref_slice %arg2[%dma_wait3A_309, %dma_wait3A_310] : memref<10000x128xf32, #tpu.memory_space<hbm>> -> memref<32x128xf32, #tpu.memory_space<hbm>>
      tpu.wait_dma2 semaphore(%arg16 : memref<!tpu.dma_semaphore, #tpu.memory_space<semaphore_mem>>) src(%dma_wait3A_311 : memref<32x128xf32, #tpu.memory_space<hbm>>) dst(%arg8 : memref<32x128xf32, #tpu.memory_space<vmem>>)
      %dma_start3A_312 = arith.constant 3 : i32
      %dma_start3A_313 = arith.constant 0 : i32
      %dma_start3A_314 = tpu.memref_slice %arg9[%dma_start3A_312, %dma_start3A_313] : memref<8x64xi32, #tpu.memory_space<vmem>> -> memref<1x32xi32, #tpu.memory_space<vmem>>
      %dma_start3A_315 = tpu.memref_squeeze %dma_start3A_314 : memref<1x32xi32, #tpu.memory_space<vmem>> -> memref<32xi32, #tpu.memory_space<vmem>>
      %dma_start3A_316 = arith.constant 0 : i32
      %dma_start3A_317 = arith.constant 0 : i32
      %dma_start3A_318 = tpu.memref_slice %arg5[%dma_start3A_316, %dma_start3A_317] : memref<10000x128xf32, #tpu.memory_space<vmem_shared>> -> memref<10000x128xf32, #tpu.memory_space<vmem_shared>>
      tpu.enqueue_indirect_dma source(%dma_start3A_318 : memref<10000x128xf32, #tpu.memory_space<vmem_shared>>) target(%arg8 : memref<32x128xf32, #tpu.memory_space<vmem>>) offsets(%dma_start3A_315 : memref<32xi32, #tpu.memory_space<vmem>>) semaphore(%arg14 : memref<!tpu.dma_semaphore, #tpu.memory_space<semaphore_mem>>)
      %dma_wait3A_319 = arith.constant 0 : i32
      %dma_wait3A_320 = arith.constant 0 : i32
      %dma_wait3A_321 = tpu.memref_slice %arg2[%dma_wait3A_319, %dma_wait3A_320] : memref<10000x128xf32, #tpu.memory_space<hbm>> -> memref<32x128xf32, #tpu.memory_space<hbm>>
      %dma_wait3A_322 = arith.constant 0 : i32
      %dma_wait3A_323 = arith.constant 0 : i32
      %dma_wait3A_324 = tpu.memref_slice %arg2[%dma_wait3A_322, %dma_wait3A_323] : memref<10000x128xf32, #tpu.memory_space<hbm>> -> memref<32x128xf32, #tpu.memory_space<hbm>>
      tpu.wait_dma2 semaphore(%arg14 : memref<!tpu.dma_semaphore, #tpu.memory_space<semaphore_mem>>) src(%dma_wait3A_324 : memref<32x128xf32, #tpu.memory_space<hbm>>) dst(%arg8 : memref<32x128xf32, #tpu.memory_space<vmem>>)
      %get3A_325 = arith.constant 3 : i32
      %get3A_326 = arith.index_cast %get3A_325 : i32 to index
      %get3A_327 = arith.constant 32 : index
      %get3A_328 = tpu.vector_load %arg9[%get3A_326, %get3A_327] {strides = array<i32>} : memref<8x64xi32, #tpu.memory_space<vmem>>, vector<16xi32>,
      %sub3A_329 = vector.broadcast %mul3A_76 : i32 to vector<16xi32>
      %sub3A_330 = arith.subi %get3A_328, %sub3A_329 : vector<16xi32>
      %lt3A_331 = arith.constant 0 : i32
      %lt3A_332 = vector.broadcast %lt3A_331 : i32 to vector<16xi32>
      %lt3A_333 = arith.cmpi slt, %sub3A_330, %lt3A_332 : vector<16xi32>
      %ge3A_334 = arith.constant 5056 : i32
      %ge3A_335 = vector.broadcast %ge3A_334 : i32 to vector<16xi32>
      %ge3A_336 = arith.cmpi sge, %sub3A_330, %ge3A_335 : vector<16xi32>
      %or3A_337 = arith.ori %lt3A_333, %ge3A_336 : vector<16xi1>
      %jit3A_338 = arith.constant 5056 : i32
      %broadcast_in_dim3A_339 = vector.broadcast %jit3A_338 : i32 to vector<16xi32>
      %select_n3A_340 = arith.select %or3A_337, %broadcast_in_dim3A_339, %sub3A_330 : vector<16xi1>, vector<16xi32>
      %swap3A_341 = arith.constant 0 : i32
      %swap3A_342 = arith.index_cast %swap3A_341 : i32 to index
      %swap3A_343 = arith.constant 0 : index
      %swap3A_344 = tpu.vector_load %arg12[%swap3A_342, %swap3A_343] {strides = array<i32>} : memref<1x32xi32, #tpu.memory_space<vmem>>, vector<16xi32>,
      tpu.vector_store %arg12[%swap3A_342, %swap3A_343], %select_n3A_340 {strides = array<i32>} : memref<1x32xi32, #tpu.memory_space<vmem>>, vector<16xi32>,
      %get3A_345 = arith.constant 3 : i32
      %get3A_346 = arith.index_cast %get3A_345 : i32 to index
      %get3A_347 = arith.constant 48 : index
      %get3A_348 = tpu.vector_load %arg9[%get3A_346, %get3A_347] {strides = array<i32>} : memref<8x64xi32, #tpu.memory_space<vmem>>, vector<16xi32>,
      %sub3A_349 = vector.broadcast %mul3A_76 : i32 to vector<16xi32>
      %sub3A_350 = arith.subi %get3A_348, %sub3A_349 : vector<16xi32>
      %lt3A_351 = arith.constant 0 : i32
      %lt3A_352 = vector.broadcast %lt3A_351 : i32 to vector<16xi32>
      %lt3A_353 = arith.cmpi slt, %sub3A_350, %lt3A_352 : vector<16xi32>
      %ge3A_354 = arith.constant 5056 : i32
      %ge3A_355 = vector.broadcast %ge3A_354 : i32 to vector<16xi32>
      %ge3A_356 = arith.cmpi sge, %sub3A_350, %ge3A_355 : vector<16xi32>
      %or3A_357 = arith.ori %lt3A_353, %ge3A_356 : vector<16xi1>
      %jit3A_358 = arith.constant 5056 : i32
      %broadcast_in_dim3A_359 = vector.broadcast %jit3A_358 : i32 to vector<16xi32>
      %select_n3A_360 = arith.select %or3A_357, %broadcast_in_dim3A_359, %sub3A_350 : vector<16xi1>, vector<16xi32>
      %swap3A_361 = arith.constant 0 : i32
      %swap3A_362 = arith.index_cast %swap3A_361 : i32 to index
      %swap3A_363 = arith.constant 16 : index
      %swap3A_364 = tpu.vector_load %arg12[%swap3A_362, %swap3A_363] {strides = array<i32>} : memref<1x32xi32, #tpu.memory_space<vmem>>, vector<16xi32>,
      tpu.vector_store %arg12[%swap3A_362, %swap3A_363], %select_n3A_360 {strides = array<i32>} : memref<1x32xi32, #tpu.memory_space<vmem>>, vector<16xi32>,
      %dma_start3A_365 = arith.constant 0 : i32
      %dma_start3A_366 = arith.constant 0 : i32
      %dma_start3A_367 = tpu.memref_slice %arg12[%dma_start3A_365, %dma_start3A_366] : memref<1x32xi32, #tpu.memory_space<vmem>> -> memref<1x32xi32, #tpu.memory_space<vmem>>
      %dma_start3A_368 = tpu.memref_squeeze %dma_start3A_367 : memref<1x32xi32, #tpu.memory_space<vmem>> -> memref<32xi32, #tpu.memory_space<vmem>>
      %dma_start3A_369 = arith.constant 0 : i32
      %dma_start3A_370 = arith.constant 0 : i32
      %dma_start3A_371 = tpu.memref_slice %arg6[%dma_start3A_369, %dma_start3A_370] : memref<5064x128xf32, #tpu.memory_space<vmem_shared>> -> memref<5064x128xf32, #tpu.memory_space<vmem_shared>>
      tpu.enqueue_indirect_dma source(%arg8 : memref<32x128xf32, #tpu.memory_space<vmem>>) target(%dma_start3A_371 : memref<5064x128xf32, #tpu.memory_space<vmem_shared>>) offsets(%dma_start3A_368 : memref<32xi32, #tpu.memory_space<vmem>>) semaphore(%arg16 : memref<!tpu.dma_semaphore, #tpu.memory_space<semaphore_mem>>) {add = true}
      %dma_wait3A_372 = arith.constant 0 : i32
      %dma_wait3A_373 = arith.constant 0 : i32
      %dma_wait3A_374 = tpu.memref_slice %arg2[%dma_wait3A_372, %dma_wait3A_373] : memref<10000x128xf32, #tpu.memory_space<hbm>> -> memref<32x128xf32, #tpu.memory_space<hbm>>
      %dma_wait3A_375 = arith.constant 0 : i32
      %dma_wait3A_376 = arith.constant 0 : i32
      %dma_wait3A_377 = tpu.memref_slice %arg2[%dma_wait3A_375, %dma_wait3A_376] : memref<10000x128xf32, #tpu.memory_space<hbm>> -> memref<32x128xf32, #tpu.memory_space<hbm>>
      tpu.wait_dma2 semaphore(%arg15 : memref<!tpu.dma_semaphore, #tpu.memory_space<semaphore_mem>>) src(%dma_wait3A_377 : memref<32x128xf32, #tpu.memory_space<hbm>>) dst(%arg7 : memref<32x128xf32, #tpu.memory_space<vmem>>)
      %dma_start3A_378 = arith.constant 4 : i32
      %dma_start3A_379 = arith.constant 0 : i32
      %dma_start3A_380 = tpu.memref_slice %arg9[%dma_start3A_378, %dma_start3A_379] : memref<8x64xi32, #tpu.memory_space<vmem>> -> memref<1x32xi32, #tpu.memory_space<vmem>>
      %dma_start3A_381 = tpu.memref_squeeze %dma_start3A_380 : memref<1x32xi32, #tpu.memory_space<vmem>> -> memref<32xi32, #tpu.memory_space<vmem>>
      %dma_start3A_382 = arith.constant 0 : i32
      %dma_start3A_383 = arith.constant 0 : i32
      %dma_start3A_384 = tpu.memref_slice %arg5[%dma_start3A_382, %dma_start3A_383] : memref<10000x128xf32, #tpu.memory_space<vmem_shared>> -> memref<10000x128xf32, #tpu.memory_space<vmem_shared>>
      tpu.enqueue_indirect_dma source(%dma_start3A_384 : memref<10000x128xf32, #tpu.memory_space<vmem_shared>>) target(%arg7 : memref<32x128xf32, #tpu.memory_space<vmem>>) offsets(%dma_start3A_381 : memref<32xi32, #tpu.memory_space<vmem>>) semaphore(%arg13 : memref<!tpu.dma_semaphore, #tpu.memory_space<semaphore_mem>>)
      %dma_wait3A_385 = arith.constant 0 : i32
      %dma_wait3A_386 = arith.constant 0 : i32
      %dma_wait3A_387 = tpu.memref_slice %arg2[%dma_wait3A_385, %dma_wait3A_386] : memref<10000x128xf32, #tpu.memory_space<hbm>> -> memref<32x128xf32, #tpu.memory_space<hbm>>
      %dma_wait3A_388 = arith.constant 0 : i32
      %dma_wait3A_389 = arith.constant 0 : i32
      %dma_wait3A_390 = tpu.memref_slice %arg2[%dma_wait3A_388, %dma_wait3A_389] : memref<10000x128xf32, #tpu.memory_space<hbm>> -> memref<32x128xf32, #tpu.memory_space<hbm>>
      tpu.wait_dma2 semaphore(%arg13 : memref<!tpu.dma_semaphore, #tpu.memory_space<semaphore_mem>>) src(%dma_wait3A_390 : memref<32x128xf32, #tpu.memory_space<hbm>>) dst(%arg7 : memref<32x128xf32, #tpu.memory_space<vmem>>)
      %get3A_391 = arith.constant 4 : i32
      %get3A_392 = arith.index_cast %get3A_391 : i32 to index
      %get3A_393 = arith.constant 32 : index
      %get3A_394 = tpu.vector_load %arg9[%get3A_392, %get3A_393] {strides = array<i32>} : memref<8x64xi32, #tpu.memory_space<vmem>>, vector<16xi32>,
      %sub3A_395 = vector.broadcast %mul3A_76 : i32 to vector<16xi32>
      %sub3A_396 = arith.subi %get3A_394, %sub3A_395 : vector<16xi32>
      %lt3A_397 = arith.constant 0 : i32
      %lt3A_398 = vector.broadcast %lt3A_397 : i32 to vector<16xi32>
      %lt3A_399 = arith.cmpi slt, %sub3A_396, %lt3A_398 : vector<16xi32>
      %ge3A_400 = arith.constant 5056 : i32
      %ge3A_401 = vector.broadcast %ge3A_400 : i32 to vector<16xi32>
      %ge3A_402 = arith.cmpi sge, %sub3A_396, %ge3A_401 : vector<16xi32>
      %or3A_403 = arith.ori %lt3A_399, %ge3A_402 : vector<16xi1>
      %jit3A_404 = arith.constant 5056 : i32
      %broadcast_in_dim3A_405 = vector.broadcast %jit3A_404 : i32 to vector<16xi32>
      %select_n3A_406 = arith.select %or3A_403, %broadcast_in_dim3A_405, %sub3A_396 : vector<16xi1>, vector<16xi32>
      %swap3A_407 = arith.constant 0 : i32
      %swap3A_408 = arith.index_cast %swap3A_407 : i32 to index
      %swap3A_409 = arith.constant 0 : index
      %swap3A_410 = tpu.vector_load %arg11[%swap3A_408, %swap3A_409] {strides = array<i32>} : memref<1x32xi32, #tpu.memory_space<vmem>>, vector<16xi32>,
      tpu.vector_store %arg11[%swap3A_408, %swap3A_409], %select_n3A_406 {strides = array<i32>} : memref<1x32xi32, #tpu.memory_space<vmem>>, vector<16xi32>,
      %get3A_411 = arith.constant 4 : i32
      %get3A_412 = arith.index_cast %get3A_411 : i32 to index
      %get3A_413 = arith.constant 48 : index
      %get3A_414 = tpu.vector_load %arg9[%get3A_412, %get3A_413] {strides = array<i32>} : memref<8x64xi32, #tpu.memory_space<vmem>>, vector<16xi32>,
      %sub3A_415 = vector.broadcast %mul3A_76 : i32 to vector<16xi32>
      %sub3A_416 = arith.subi %get3A_414, %sub3A_415 : vector<16xi32>
      %lt3A_417 = arith.constant 0 : i32
      %lt3A_418 = vector.broadcast %lt3A_417 : i32 to vector<16xi32>
      %lt3A_419 = arith.cmpi slt, %sub3A_416, %lt3A_418 : vector<16xi32>
      %ge3A_420 = arith.constant 5056 : i32
      %ge3A_421 = vector.broadcast %ge3A_420 : i32 to vector<16xi32>
      %ge3A_422 = arith.cmpi sge, %sub3A_416, %ge3A_421 : vector<16xi32>
      %or3A_423 = arith.ori %lt3A_419, %ge3A_422 : vector<16xi1>
      %jit3A_424 = arith.constant 5056 : i32
      %broadcast_in_dim3A_425 = vector.broadcast %jit3A_424 : i32 to vector<16xi32>
      %select_n3A_426 = arith.select %or3A_423, %broadcast_in_dim3A_425, %sub3A_416 : vector<16xi1>, vector<16xi32>
      %swap3A_427 = arith.constant 0 : i32
      %swap3A_428 = arith.index_cast %swap3A_427 : i32 to index
      %swap3A_429 = arith.constant 16 : index
      %swap3A_430 = tpu.vector_load %arg11[%swap3A_428, %swap3A_429] {strides = array<i32>} : memref<1x32xi32, #tpu.memory_space<vmem>>, vector<16xi32>,
      tpu.vector_store %arg11[%swap3A_428, %swap3A_429], %select_n3A_426 {strides = array<i32>} : memref<1x32xi32, #tpu.memory_space<vmem>>, vector<16xi32>,
      %dma_start3A_431 = arith.constant 0 : i32
      %dma_start3A_432 = arith.constant 0 : i32
      %dma_start3A_433 = tpu.memref_slice %arg11[%dma_start3A_431, %dma_start3A_432] : memref<1x32xi32, #tpu.memory_space<vmem>> -> memref<1x32xi32, #tpu.memory_space<vmem>>
      %dma_start3A_434 = tpu.memref_squeeze %dma_start3A_433 : memref<1x32xi32, #tpu.memory_space<vmem>> -> memref<32xi32, #tpu.memory_space<vmem>>
      %dma_start3A_435 = arith.constant 0 : i32
      %dma_start3A_436 = arith.constant 0 : i32
      %dma_start3A_437 = tpu.memref_slice %arg6[%dma_start3A_435, %dma_start3A_436] : memref<5064x128xf32, #tpu.memory_space<vmem_shared>> -> memref<5064x128xf32, #tpu.memory_space<vmem_shared>>
      tpu.enqueue_indirect_dma source(%arg7 : memref<32x128xf32, #tpu.memory_space<vmem>>) target(%dma_start3A_437 : memref<5064x128xf32, #tpu.memory_space<vmem_shared>>) offsets(%dma_start3A_434 : memref<32xi32, #tpu.memory_space<vmem>>) semaphore(%arg15 : memref<!tpu.dma_semaphore, #tpu.memory_space<semaphore_mem>>) {add = true}
      %dma_wait3A_438 = arith.constant 0 : i32
      %dma_wait3A_439 = arith.constant 0 : i32
      %dma_wait3A_440 = tpu.memref_slice %arg2[%dma_wait3A_438, %dma_wait3A_439] : memref<10000x128xf32, #tpu.memory_space<hbm>> -> memref<32x128xf32, #tpu.memory_space<hbm>>
      %dma_wait3A_441 = arith.constant 0 : i32
      %dma_wait3A_442 = arith.constant 0 : i32
      %dma_wait3A_443 = tpu.memref_slice %arg2[%dma_wait3A_441, %dma_wait3A_442] : memref<10000x128xf32, #tpu.memory_space<hbm>> -> memref<32x128xf32, #tpu.memory_space<hbm>>
      tpu.wait_dma2 semaphore(%arg16 : memref<!tpu.dma_semaphore, #tpu.memory_space<semaphore_mem>>) src(%dma_wait3A_443 : memref<32x128xf32, #tpu.memory_space<hbm>>) dst(%arg8 : memref<32x128xf32, #tpu.memory_space<vmem>>)
      %dma_start3A_444 = arith.constant 5 : i32
      %dma_start3A_445 = arith.constant 0 : i32
      %dma_start3A_446 = tpu.memref_slice %arg9[%dma_start3A_444, %dma_start3A_445] : memref<8x64xi32, #tpu.memory_space<vmem>> -> memref<1x32xi32, #tpu.memory_space<vmem>>
      %dma_start3A_447 = tpu.memref_squeeze %dma_start3A_446 : memref<1x32xi32, #tpu.memory_space<vmem>> -> memref<32xi32, #tpu.memory_space<vmem>>
      %dma_start3A_448 = arith.constant 0 : i32
      %dma_start3A_449 = arith.constant 0 : i32
      %dma_start3A_450 = tpu.memref_slice %arg5[%dma_start3A_448, %dma_start3A_449] : memref<10000x128xf32, #tpu.memory_space<vmem_shared>> -> memref<10000x128xf32, #tpu.memory_space<vmem_shared>>
      tpu.enqueue_indirect_dma source(%dma_start3A_450 : memref<10000x128xf32, #tpu.memory_space<vmem_shared>>) target(%arg8 : memref<32x128xf32, #tpu.memory_space<vmem>>) offsets(%dma_start3A_447 : memref<32xi32, #tpu.memory_space<vmem>>) semaphore(%arg14 : memref<!tpu.dma_semaphore, #tpu.memory_space<semaphore_mem>>)
      %dma_wait3A_451 = arith.constant 0 : i32
      %dma_wait3A_452 = arith.constant 0 : i32
      %dma_wait3A_453 = tpu.memref_slice %arg3[%dma_wait3A_451, %dma_wait3A_452] : memref<10240x64xi32, #tpu.memory_space<hbm>> -> memref<8x64xi32, #tpu.memory_space<hbm>>
      %dma_wait3A_454 = arith.constant 0 : i32
      %dma_wait3A_455 = arith.constant 0 : i32
      %dma_wait3A_456 = tpu.memref_slice %arg3[%dma_wait3A_454, %dma_wait3A_455] : memref<10240x64xi32, #tpu.memory_space<hbm>> -> memref<8x64xi32, #tpu.memory_space<hbm>>
      tpu.wait_dma2 semaphore(%arg17 : memref<!tpu.dma_semaphore, #tpu.memory_space<semaphore_mem>>) src(%dma_wait3A_456 : memref<8x64xi32, #tpu.memory_space<hbm>>) dst(%arg10 : memref<8x64xi32, #tpu.memory_space<vmem>>)
      %dma_wait3A_457 = arith.constant 0 : i32
      %dma_wait3A_458 = arith.constant 0 : i32
      %dma_wait3A_459 = tpu.memref_slice %arg2[%dma_wait3A_457, %dma_wait3A_458] : memref<10000x128xf32, #tpu.memory_space<hbm>> -> memref<32x128xf32, #tpu.memory_space<hbm>>
      %dma_wait3A_460 = arith.constant 0 : i32
      %dma_wait3A_461 = arith.constant 0 : i32
      %dma_wait3A_462 = tpu.memref_slice %arg2[%dma_wait3A_460, %dma_wait3A_461] : memref<10000x128xf32, #tpu.memory_space<hbm>> -> memref<32x128xf32, #tpu.memory_space<hbm>>
      tpu.wait_dma2 semaphore(%arg14 : memref<!tpu.dma_semaphore, #tpu.memory_space<semaphore_mem>>) src(%dma_wait3A_462 : memref<32x128xf32, #tpu.memory_space<hbm>>) dst(%arg8 : memref<32x128xf32, #tpu.memory_space<vmem>>)
      %get3A_463 = arith.constant 5 : i32
      %get3A_464 = arith.index_cast %get3A_463 : i32 to index
      %get3A_465 = arith.constant 32 : index
      %get3A_466 = tpu.vector_load %arg9[%get3A_464, %get3A_465] {strides = array<i32>} : memref<8x64xi32, #tpu.memory_space<vmem>>, vector<16xi32>,
      %sub3A_467 = vector.broadcast %mul3A_76 : i32 to vector<16xi32>
      %sub3A_468 = arith.subi %get3A_466, %sub3A_467 : vector<16xi32>
      %lt3A_469 = arith.constant 0 : i32
      %lt3A_470 = vector.broadcast %lt3A_469 : i32 to vector<16xi32>
      %lt3A_471 = arith.cmpi slt, %sub3A_468, %lt3A_470 : vector<16xi32>
      %ge3A_472 = arith.constant 5056 : i32
      %ge3A_473 = vector.broadcast %ge3A_472 : i32 to vector<16xi32>
      %ge3A_474 = arith.cmpi sge, %sub3A_468, %ge3A_473 : vector<16xi32>
      %or3A_475 = arith.ori %lt3A_471, %ge3A_474 : vector<16xi1>
      %jit3A_476 = arith.constant 5056 : i32
      %broadcast_in_dim3A_477 = vector.broadcast %jit3A_476 : i32 to vector<16xi32>
      %select_n3A_478 = arith.select %or3A_475, %broadcast_in_dim3A_477, %sub3A_468 : vector<16xi1>, vector<16xi32>
      %swap3A_479 = arith.constant 0 : i32
      %swap3A_480 = arith.index_cast %swap3A_479 : i32 to index
      %swap3A_481 = arith.constant 0 : index
      %swap3A_482 = tpu.vector_load %arg12[%swap3A_480, %swap3A_481] {strides = array<i32>} : memref<1x32xi32, #tpu.memory_space<vmem>>, vector<16xi32>,
      tpu.vector_store %arg12[%swap3A_480, %swap3A_481], %select_n3A_478 {strides = array<i32>} : memref<1x32xi32, #tpu.memory_space<vmem>>, vector<16xi32>,
      %get3A_483 = arith.constant 5 : i32
      %get3A_484 = arith.index_cast %get3A_483 : i32 to index
      %get3A_485 = arith.constant 48 : index
      %get3A_486 = tpu.vector_load %arg9[%get3A_484, %get3A_485] {strides = array<i32>} : memref<8x64xi32, #tpu.memory_space<vmem>>, vector<16xi32>,
      %sub3A_487 = vector.broadcast %mul3A_76 : i32 to vector<16xi32>
      %sub3A_488 = arith.subi %get3A_486, %sub3A_487 : vector<16xi32>
      %lt3A_489 = arith.constant 0 : i32
      %lt3A_490 = vector.broadcast %lt3A_489 : i32 to vector<16xi32>
      %lt3A_491 = arith.cmpi slt, %sub3A_488, %lt3A_490 : vector<16xi32>
      %ge3A_492 = arith.constant 5056 : i32
      %ge3A_493 = vector.broadcast %ge3A_492 : i32 to vector<16xi32>
      %ge3A_494 = arith.cmpi sge, %sub3A_488, %ge3A_493 : vector<16xi32>
      %or3A_495 = arith.ori %lt3A_491, %ge3A_494 : vector<16xi1>
      %jit3A_496 = arith.constant 5056 : i32
      %broadcast_in_dim3A_497 = vector.broadcast %jit3A_496 : i32 to vector<16xi32>
      %select_n3A_498 = arith.select %or3A_495, %broadcast_in_dim3A_497, %sub3A_488 : vector<16xi1>, vector<16xi32>
      %swap3A_499 = arith.constant 0 : i32
      %swap3A_500 = arith.index_cast %swap3A_499 : i32 to index
      %swap3A_501 = arith.constant 16 : index
      %swap3A_502 = tpu.vector_load %arg12[%swap3A_500, %swap3A_501] {strides = array<i32>} : memref<1x32xi32, #tpu.memory_space<vmem>>, vector<16xi32>,
      tpu.vector_store %arg12[%swap3A_500, %swap3A_501], %select_n3A_498 {strides = array<i32>} : memref<1x32xi32, #tpu.memory_space<vmem>>, vector<16xi32>,
      %dma_start3A_503 = arith.constant 0 : i32
      %dma_start3A_504 = arith.constant 0 : i32
      %dma_start3A_505 = tpu.memref_slice %arg12[%dma_start3A_503, %dma_start3A_504] : memref<1x32xi32, #tpu.memory_space<vmem>> -> memref<1x32xi32, #tpu.memory_space<vmem>>
      %dma_start3A_506 = tpu.memref_squeeze %dma_start3A_505 : memref<1x32xi32, #tpu.memory_space<vmem>> -> memref<32xi32, #tpu.memory_space<vmem>>
      %dma_start3A_507 = arith.constant 0 : i32
      %dma_start3A_508 = arith.constant 0 : i32
      %dma_start3A_509 = tpu.memref_slice %arg6[%dma_start3A_507, %dma_start3A_508] : memref<5064x128xf32, #tpu.memory_space<vmem_shared>> -> memref<5064x128xf32, #tpu.memory_space<vmem_shared>>
      tpu.enqueue_indirect_dma source(%arg8 : memref<32x128xf32, #tpu.memory_space<vmem>>) target(%dma_start3A_509 : memref<5064x128xf32, #tpu.memory_space<vmem_shared>>) offsets(%dma_start3A_506 : memref<32xi32, #tpu.memory_space<vmem>>) semaphore(%arg16 : memref<!tpu.dma_semaphore, #tpu.memory_space<semaphore_mem>>) {add = true}
      %dma_wait3A_510 = arith.constant 0 : i32
      %dma_wait3A_511 = arith.constant 0 : i32
      %dma_wait3A_512 = tpu.memref_slice %arg2[%dma_wait3A_510, %dma_wait3A_511] : memref<10000x128xf32, #tpu.memory_space<hbm>> -> memref<32x128xf32, #tpu.memory_space<hbm>>
      %dma_wait3A_513 = arith.constant 0 : i32
      %dma_wait3A_514 = arith.constant 0 : i32
      %dma_wait3A_515 = tpu.memref_slice %arg2[%dma_wait3A_513, %dma_wait3A_514] : memref<10000x128xf32, #tpu.memory_space<hbm>> -> memref<32x128xf32, #tpu.memory_space<hbm>>
      tpu.wait_dma2 semaphore(%arg15 : memref<!tpu.dma_semaphore, #tpu.memory_space<semaphore_mem>>) src(%dma_wait3A_515 : memref<32x128xf32, #tpu.memory_space<hbm>>) dst(%arg7 : memref<32x128xf32, #tpu.memory_space<vmem>>)
      %dma_start3A_516 = arith.constant 6 : i32
      %dma_start3A_517 = arith.constant 0 : i32
      %dma_start3A_518 = tpu.memref_slice %arg9[%dma_start3A_516, %dma_start3A_517] : memref<8x64xi32, #tpu.memory_space<vmem>> -> memref<1x32xi32, #tpu.memory_space<vmem>>
      %dma_start3A_519 = tpu.memref_squeeze %dma_start3A_518 : memref<1x32xi32, #tpu.memory_space<vmem>> -> memref<32xi32, #tpu.memory_space<vmem>>
      %dma_start3A_520 = arith.constant 0 : i32
      %dma_start3A_521 = arith.constant 0 : i32
      %dma_start3A_522 = tpu.memref_slice %arg5[%dma_start3A_520, %dma_start3A_521] : memref<10000x128xf32, #tpu.memory_space<vmem_shared>> -> memref<10000x128xf32, #tpu.memory_space<vmem_shared>>
      tpu.enqueue_indirect_dma source(%dma_start3A_522 : memref<10000x128xf32, #tpu.memory_space<vmem_shared>>) target(%arg7 : memref<32x128xf32, #tpu.memory_space<vmem>>) offsets(%dma_start3A_519 : memref<32xi32, #tpu.memory_space<vmem>>) semaphore(%arg13 : memref<!tpu.dma_semaphore, #tpu.memory_space<semaphore_mem>>)
      %dma_wait3A_523 = arith.constant 0 : i32
      %dma_wait3A_524 = arith.constant 0 : i32
      %dma_wait3A_525 = tpu.memref_slice %arg2[%dma_wait3A_523, %dma_wait3A_524] : memref<10000x128xf32, #tpu.memory_space<hbm>> -> memref<32x128xf32, #tpu.memory_space<hbm>>
      %dma_wait3A_526 = arith.constant 0 : i32
      %dma_wait3A_527 = arith.constant 0 : i32
      %dma_wait3A_528 = tpu.memref_slice %arg2[%dma_wait3A_526, %dma_wait3A_527] : memref<10000x128xf32, #tpu.memory_space<hbm>> -> memref<32x128xf32, #tpu.memory_space<hbm>>
      tpu.wait_dma2 semaphore(%arg13 : memref<!tpu.dma_semaphore, #tpu.memory_space<semaphore_mem>>) src(%dma_wait3A_528 : memref<32x128xf32, #tpu.memory_space<hbm>>) dst(%arg7 : memref<32x128xf32, #tpu.memory_space<vmem>>)
      %get3A_529 = arith.constant 6 : i32
      %get3A_530 = arith.index_cast %get3A_529 : i32 to index
      %get3A_531 = arith.constant 32 : index
      %get3A_532 = tpu.vector_load %arg9[%get3A_530, %get3A_531] {strides = array<i32>} : memref<8x64xi32, #tpu.memory_space<vmem>>, vector<16xi32>,
      %sub3A_533 = vector.broadcast %mul3A_76 : i32 to vector<16xi32>
      %sub3A_534 = arith.subi %get3A_532, %sub3A_533 : vector<16xi32>
      %lt3A_535 = arith.constant 0 : i32
      %lt3A_536 = vector.broadcast %lt3A_535 : i32 to vector<16xi32>
      %lt3A_537 = arith.cmpi slt, %sub3A_534, %lt3A_536 : vector<16xi32>
      %ge3A_538 = arith.constant 5056 : i32
      %ge3A_539 = vector.broadcast %ge3A_538 : i32 to vector<16xi32>
      %ge3A_540 = arith.cmpi sge, %sub3A_534, %ge3A_539 : vector<16xi32>
      %or3A_541 = arith.ori %lt3A_537, %ge3A_540 : vector<16xi1>
      %jit3A_542 = arith.constant 5056 : i32
      %broadcast_in_dim3A_543 = vector.broadcast %jit3A_542 : i32 to vector<16xi32>
      %select_n3A_544 = arith.select %or3A_541, %broadcast_in_dim3A_543, %sub3A_534 : vector<16xi1>, vector<16xi32>
      %swap3A_545 = arith.constant 0 : i32
      %swap3A_546 = arith.index_cast %swap3A_545 : i32 to index
      %swap3A_547 = arith.constant 0 : index
      %swap3A_548 = tpu.vector_load %arg11[%swap3A_546, %swap3A_547] {strides = array<i32>} : memref<1x32xi32, #tpu.memory_space<vmem>>, vector<16xi32>,
      tpu.vector_store %arg11[%swap3A_546, %swap3A_547], %select_n3A_544 {strides = array<i32>} : memref<1x32xi32, #tpu.memory_space<vmem>>, vector<16xi32>,
      %get3A_549 = arith.constant 6 : i32
      %get3A_550 = arith.index_cast %get3A_549 : i32 to index
      %get3A_551 = arith.constant 48 : index
      %get3A_552 = tpu.vector_load %arg9[%get3A_550, %get3A_551] {strides = array<i32>} : memref<8x64xi32, #tpu.memory_space<vmem>>, vector<16xi32>,
      %sub3A_553 = vector.broadcast %mul3A_76 : i32 to vector<16xi32>
      %sub3A_554 = arith.subi %get3A_552, %sub3A_553 : vector<16xi32>
      %lt3A_555 = arith.constant 0 : i32
      %lt3A_556 = vector.broadcast %lt3A_555 : i32 to vector<16xi32>
      %lt3A_557 = arith.cmpi slt, %sub3A_554, %lt3A_556 : vector<16xi32>
      %ge3A_558 = arith.constant 5056 : i32
      %ge3A_559 = vector.broadcast %ge3A_558 : i32 to vector<16xi32>
      %ge3A_560 = arith.cmpi sge, %sub3A_554, %ge3A_559 : vector<16xi32>
      %or3A_561 = arith.ori %lt3A_557, %ge3A_560 : vector<16xi1>
      %jit3A_562 = arith.constant 5056 : i32
      %broadcast_in_dim3A_563 = vector.broadcast %jit3A_562 : i32 to vector<16xi32>
      %select_n3A_564 = arith.select %or3A_561, %broadcast_in_dim3A_563, %sub3A_554 : vector<16xi1>, vector<16xi32>
      %swap3A_565 = arith.constant 0 : i32
      %swap3A_566 = arith.index_cast %swap3A_565 : i32 to index
      %swap3A_567 = arith.constant 16 : index
      %swap3A_568 = tpu.vector_load %arg11[%swap3A_566, %swap3A_567] {strides = array<i32>} : memref<1x32xi32, #tpu.memory_space<vmem>>, vector<16xi32>,
      tpu.vector_store %arg11[%swap3A_566, %swap3A_567], %select_n3A_564 {strides = array<i32>} : memref<1x32xi32, #tpu.memory_space<vmem>>, vector<16xi32>,
      %dma_start3A_569 = arith.constant 0 : i32
      %dma_start3A_570 = arith.constant 0 : i32
      %dma_start3A_571 = tpu.memref_slice %arg11[%dma_start3A_569, %dma_start3A_570] : memref<1x32xi32, #tpu.memory_space<vmem>> -> memref<1x32xi32, #tpu.memory_space<vmem>>
      %dma_start3A_572 = tpu.memref_squeeze %dma_start3A_571 : memref<1x32xi32, #tpu.memory_space<vmem>> -> memref<32xi32, #tpu.memory_space<vmem>>
      %dma_start3A_573 = arith.constant 0 : i32
      %dma_start3A_574 = arith.constant 0 : i32
      %dma_start3A_575 = tpu.memref_slice %arg6[%dma_start3A_573, %dma_start3A_574] : memref<5064x128xf32, #tpu.memory_space<vmem_shared>> -> memref<5064x128xf32, #tpu.memory_space<vmem_shared>>
      tpu.enqueue_indirect_dma source(%arg7 : memref<32x128xf32, #tpu.memory_space<vmem>>) target(%dma_start3A_575 : memref<5064x128xf32, #tpu.memory_space<vmem_shared>>) offsets(%dma_start3A_572 : memref<32xi32, #tpu.memory_space<vmem>>) semaphore(%arg15 : memref<!tpu.dma_semaphore, #tpu.memory_space<semaphore_mem>>) {add = true}
      %dma_wait3A_576 = arith.constant 0 : i32
      %dma_wait3A_577 = arith.constant 0 : i32
      %dma_wait3A_578 = tpu.memref_slice %arg2[%dma_wait3A_576, %dma_wait3A_577] : memref<10000x128xf32, #tpu.memory_space<hbm>> -> memref<32x128xf32, #tpu.memory_space<hbm>>
      %dma_wait3A_579 = arith.constant 0 : i32
      %dma_wait3A_580 = arith.constant 0 : i32
      %dma_wait3A_581 = tpu.memref_slice %arg2[%dma_wait3A_579, %dma_wait3A_580] : memref<10000x128xf32, #tpu.memory_space<hbm>> -> memref<32x128xf32, #tpu.memory_space<hbm>>
      tpu.wait_dma2 semaphore(%arg16 : memref<!tpu.dma_semaphore, #tpu.memory_space<semaphore_mem>>) src(%dma_wait3A_581 : memref<32x128xf32, #tpu.memory_space<hbm>>) dst(%arg8 : memref<32x128xf32, #tpu.memory_space<vmem>>)
      %dma_start3A_582 = arith.constant 7 : i32
      %dma_start3A_583 = arith.constant 0 : i32
      %dma_start3A_584 = tpu.memref_slice %arg9[%dma_start3A_582, %dma_start3A_583] : memref<8x64xi32, #tpu.memory_space<vmem>> -> memref<1x32xi32, #tpu.memory_space<vmem>>
      %dma_start3A_585 = tpu.memref_squeeze %dma_start3A_584 : memref<1x32xi32, #tpu.memory_space<vmem>> -> memref<32xi32, #tpu.memory_space<vmem>>
      %dma_start3A_586 = arith.constant 0 : i32
      %dma_start3A_587 = arith.constant 0 : i32
      %dma_start3A_588 = tpu.memref_slice %arg5[%dma_start3A_586, %dma_start3A_587] : memref<10000x128xf32, #tpu.memory_space<vmem_shared>> -> memref<10000x128xf32, #tpu.memory_space<vmem_shared>>
      tpu.enqueue_indirect_dma source(%dma_start3A_588 : memref<10000x128xf32, #tpu.memory_space<vmem_shared>>) target(%arg8 : memref<32x128xf32, #tpu.memory_space<vmem>>) offsets(%dma_start3A_585 : memref<32xi32, #tpu.memory_space<vmem>>) semaphore(%arg14 : memref<!tpu.dma_semaphore, #tpu.memory_space<semaphore_mem>>)
      %dma_wait3A_589 = arith.constant 0 : i32
      %dma_wait3A_590 = arith.constant 0 : i32
      %dma_wait3A_591 = tpu.memref_slice %arg2[%dma_wait3A_589, %dma_wait3A_590] : memref<10000x128xf32, #tpu.memory_space<hbm>> -> memref<32x128xf32, #tpu.memory_space<hbm>>
      %dma_wait3A_592 = arith.constant 0 : i32
      %dma_wait3A_593 = arith.constant 0 : i32
      %dma_wait3A_594 = tpu.memref_slice %arg2[%dma_wait3A_592, %dma_wait3A_593] : memref<10000x128xf32, #tpu.memory_space<hbm>> -> memref<32x128xf32, #tpu.memory_space<hbm>>
      tpu.wait_dma2 semaphore(%arg14 : memref<!tpu.dma_semaphore, #tpu.memory_space<semaphore_mem>>) src(%dma_wait3A_594 : memref<32x128xf32, #tpu.memory_space<hbm>>) dst(%arg8 : memref<32x128xf32, #tpu.memory_space<vmem>>)
      %get3A_595 = arith.constant 7 : i32
      %get3A_596 = arith.index_cast %get3A_595 : i32 to index
      %get3A_597 = arith.constant 32 : index
      %get3A_598 = tpu.vector_load %arg9[%get3A_596, %get3A_597] {strides = array<i32>} : memref<8x64xi32, #tpu.memory_space<vmem>>, vector<16xi32>,
      %sub3A_599 = vector.broadcast %mul3A_76 : i32 to vector<16xi32>
      %sub3A_600 = arith.subi %get3A_598, %sub3A_599 : vector<16xi32>
      %lt3A_601 = arith.constant 0 : i32
      %lt3A_602 = vector.broadcast %lt3A_601 : i32 to vector<16xi32>
      %lt3A_603 = arith.cmpi slt, %sub3A_600, %lt3A_602 : vector<16xi32>
      %ge3A_604 = arith.constant 5056 : i32
      %ge3A_605 = vector.broadcast %ge3A_604 : i32 to vector<16xi32>
      %ge3A_606 = arith.cmpi sge, %sub3A_600, %ge3A_605 : vector<16xi32>
      %or3A_607 = arith.ori %lt3A_603, %ge3A_606 : vector<16xi1>
      %jit3A_608 = arith.constant 5056 : i32
      %broadcast_in_dim3A_609 = vector.broadcast %jit3A_608 : i32 to vector<16xi32>
      %select_n3A_610 = arith.select %or3A_607, %broadcast_in_dim3A_609, %sub3A_600 : vector<16xi1>, vector<16xi32>
      %swap3A_611 = arith.constant 0 : i32
      %swap3A_612 = arith.index_cast %swap3A_611 : i32 to index
      %swap3A_613 = arith.constant 0 : index
      %swap3A_614 = tpu.vector_load %arg12[%swap3A_612, %swap3A_613] {strides = array<i32>} : memref<1x32xi32, #tpu.memory_space<vmem>>, vector<16xi32>,
      tpu.vector_store %arg12[%swap3A_612, %swap3A_613], %select_n3A_610 {strides = array<i32>} : memref<1x32xi32, #tpu.memory_space<vmem>>, vector<16xi32>,
      %get3A_615 = arith.constant 7 : i32
      %get3A_616 = arith.index_cast %get3A_615 : i32 to index
      %get3A_617 = arith.constant 48 : index
      %get3A_618 = tpu.vector_load %arg9[%get3A_616, %get3A_617] {strides = array<i32>} : memref<8x64xi32, #tpu.memory_space<vmem>>, vector<16xi32>,
      %sub3A_619 = vector.broadcast %mul3A_76 : i32 to vector<16xi32>
      %sub3A_620 = arith.subi %get3A_618, %sub3A_619 : vector<16xi32>
      %lt3A_621 = arith.constant 0 : i32
      %lt3A_622 = vector.broadcast %lt3A_621 : i32 to vector<16xi32>
      %lt3A_623 = arith.cmpi slt, %sub3A_620, %lt3A_622 : vector<16xi32>
      %ge3A_624 = arith.constant 5056 : i32
      %ge3A_625 = vector.broadcast %ge3A_624 : i32 to vector<16xi32>
      %ge3A_626 = arith.cmpi sge, %sub3A_620, %ge3A_625 : vector<16xi32>
      %or3A_627 = arith.ori %lt3A_623, %ge3A_626 : vector<16xi1>
      %jit3A_628 = arith.constant 5056 : i32
      %broadcast_in_dim3A_629 = vector.broadcast %jit3A_628 : i32 to vector<16xi32>
      %select_n3A_630 = arith.select %or3A_627, %broadcast_in_dim3A_629, %sub3A_620 : vector<16xi1>, vector<16xi32>
      %swap3A_631 = arith.constant 0 : i32
      %swap3A_632 = arith.index_cast %swap3A_631 : i32 to index
      %swap3A_633 = arith.constant 16 : index
      %swap3A_634 = tpu.vector_load %arg12[%swap3A_632, %swap3A_633] {strides = array<i32>} : memref<1x32xi32, #tpu.memory_space<vmem>>, vector<16xi32>,
      tpu.vector_store %arg12[%swap3A_632, %swap3A_633], %select_n3A_630 {strides = array<i32>} : memref<1x32xi32, #tpu.memory_space<vmem>>, vector<16xi32>,
      %dma_start3A_635 = arith.constant 0 : i32
      %dma_start3A_636 = arith.constant 0 : i32
      %dma_start3A_637 = tpu.memref_slice %arg12[%dma_start3A_635, %dma_start3A_636] : memref<1x32xi32, #tpu.memory_space<vmem>> -> memref<1x32xi32, #tpu.memory_space<vmem>>
      %dma_start3A_638 = tpu.memref_squeeze %dma_start3A_637 : memref<1x32xi32, #tpu.memory_space<vmem>> -> memref<32xi32, #tpu.memory_space<vmem>>
      %dma_start3A_639 = arith.constant 0 : i32
      %dma_start3A_640 = arith.constant 0 : i32
      %dma_start3A_641 = tpu.memref_slice %arg6[%dma_start3A_639, %dma_start3A_640] : memref<5064x128xf32, #tpu.memory_space<vmem_shared>> -> memref<5064x128xf32, #tpu.memory_space<vmem_shared>>
      tpu.enqueue_indirect_dma source(%arg8 : memref<32x128xf32, #tpu.memory_space<vmem>>) target(%dma_start3A_641 : memref<5064x128xf32, #tpu.memory_space<vmem_shared>>) offsets(%dma_start3A_638 : memref<32xi32, #tpu.memory_space<vmem>>) semaphore(%arg16 : memref<!tpu.dma_semaphore, #tpu.memory_space<semaphore_mem>>) {add = true}
      %dma_wait3A_642 = arith.constant 0 : i32
      %dma_wait3A_643 = arith.constant 0 : i32
      %dma_wait3A_644 = tpu.memref_slice %arg2[%dma_wait3A_642, %dma_wait3A_643] : memref<10000x128xf32, #tpu.memory_space<hbm>> -> memref<32x128xf32, #tpu.memory_space<hbm>>
      %dma_wait3A_645 = arith.constant 0 : i32
      %dma_wait3A_646 = arith.constant 0 : i32
      %dma_wait3A_647 = tpu.memref_slice %arg2[%dma_wait3A_645, %dma_wait3A_646] : memref<10000x128xf32, #tpu.memory_space<hbm>> -> memref<32x128xf32, #tpu.memory_space<hbm>>
      tpu.wait_dma2 semaphore(%arg15 : memref<!tpu.dma_semaphore, #tpu.memory_space<semaphore_mem>>) src(%dma_wait3A_647 : memref<32x128xf32, #tpu.memory_space<hbm>>) dst(%arg7 : memref<32x128xf32, #tpu.memory_space<vmem>>)
      %dma_start3A_648 = arith.constant 0 : i32
      %dma_start3A_649 = arith.constant 0 : i32
      %dma_start3A_650 = tpu.memref_slice %arg10[%dma_start3A_648, %dma_start3A_649] : memref<8x64xi32, #tpu.memory_space<vmem>> -> memref<1x32xi32, #tpu.memory_space<vmem>>
      %dma_start3A_651 = tpu.memref_squeeze %dma_start3A_650 : memref<1x32xi32, #tpu.memory_space<vmem>> -> memref<32xi32, #tpu.memory_space<vmem>>
      %dma_start3A_652 = arith.constant 0 : i32
      %dma_start3A_653 = arith.constant 0 : i32
      %dma_start3A_654 = tpu.memref_slice %arg5[%dma_start3A_652, %dma_start3A_653] : memref<10000x128xf32, #tpu.memory_space<vmem_shared>> -> memref<10000x128xf32, #tpu.memory_space<vmem_shared>>
      tpu.enqueue_indirect_dma source(%dma_start3A_654 : memref<10000x128xf32, #tpu.memory_space<vmem_shared>>) target(%arg7 : memref<32x128xf32, #tpu.memory_space<vmem>>) offsets(%dma_start3A_651 : memref<32xi32, #tpu.memory_space<vmem>>) semaphore(%arg13 : memref<!tpu.dma_semaphore, #tpu.memory_space<semaphore_mem>>)
      %mul3A_655 = arith.constant 2 : i32
      %mul3A_656 = arith.muli %mul3A_655, %scan3A_125 : i32
      %add3A_657 = arith.constant 2 : i32
      %add3A_658 = arith.addi %mul3A_656, %add3A_657 : i32
      %min3A = arith.constant 79 : i32
      %min3A_659 = arith.minsi %add3A_658, %min3A : i32
      %mul3A_660 = arith.constant 8 : i32
      %mul3A_661 = arith.muli %min3A_659, %mul3A_660 : i32
      %add3A_662 = arith.addi %mul3A_74, %mul3A_661 : i32
      %dma_start3A_663 = arith.constant 0 : i32
      %dma_start3A_664 = tpu.memref_slice %arg3[%add3A_662, %dma_start3A_663] : memref<10240x64xi32, #tpu.memory_space<hbm>> -> memref<8x64xi32, #tpu.memory_space<hbm>>
      %dma_start3A_665 = arith.constant 0 : i32
      %dma_start3A_666 = tpu.memref_slice %arg3[%add3A_662, %dma_start3A_665] : memref<10240x64xi32, #tpu.memory_space<hbm>> -> memref<8x64xi32, #tpu.memory_space<hbm>>
      tpu.enqueue_dma source(%dma_start3A_666 : memref<8x64xi32, #tpu.memory_space<hbm>>) target(%arg9 : memref<8x64xi32, #tpu.memory_space<vmem>>) target_semaphore(%arg17 : memref<!tpu.dma_semaphore, #tpu.memory_space<semaphore_mem>>)
      %dma_wait3A_667 = arith.constant 0 : i32
      %dma_wait3A_668 = arith.constant 0 : i32
      %dma_wait3A_669 = tpu.memref_slice %arg2[%dma_wait3A_667, %dma_wait3A_668] : memref<10000x128xf32, #tpu.memory_space<hbm>> -> memref<32x128xf32, #tpu.memory_space<hbm>>
      %dma_wait3A_670 = arith.constant 0 : i32
      %dma_wait3A_671 = arith.constant 0 : i32
      %dma_wait3A_672 = tpu.memref_slice %arg2[%dma_wait3A_670, %dma_wait3A_671] : memref<10000x128xf32, #tpu.memory_space<hbm>> -> memref<32x128xf32, #tpu.memory_space<hbm>>
      tpu.wait_dma2 semaphore(%arg13 : memref<!tpu.dma_semaphore, #tpu.memory_space<semaphore_mem>>) src(%dma_wait3A_672 : memref<32x128xf32, #tpu.memory_space<hbm>>) dst(%arg7 : memref<32x128xf32, #tpu.memory_space<vmem>>)
      %get3A_673 = arith.constant 0 : i32
      %get3A_674 = arith.index_cast %get3A_673 : i32 to index
      %get3A_675 = arith.constant 32 : index
      %get3A_676 = tpu.vector_load %arg10[%get3A_674, %get3A_675] {strides = array<i32>} : memref<8x64xi32, #tpu.memory_space<vmem>>, vector<16xi32>,
      %sub3A_677 = vector.broadcast %mul3A_76 : i32 to vector<16xi32>
      %sub3A_678 = arith.subi %get3A_676, %sub3A_677 : vector<16xi32>
      %lt3A_679 = arith.constant 0 : i32
      %lt3A_680 = vector.broadcast %lt3A_679 : i32 to vector<16xi32>
      %lt3A_681 = arith.cmpi slt, %sub3A_678, %lt3A_680 : vector<16xi32>
      %ge3A_682 = arith.constant 5056 : i32
      %ge3A_683 = vector.broadcast %ge3A_682 : i32 to vector<16xi32>
      %ge3A_684 = arith.cmpi sge, %sub3A_678, %ge3A_683 : vector<16xi32>
      %or3A_685 = arith.ori %lt3A_681, %ge3A_684 : vector<16xi1>
      %jit3A_686 = arith.constant 5056 : i32
      %broadcast_in_dim3A_687 = vector.broadcast %jit3A_686 : i32 to vector<16xi32>
      %select_n3A_688 = arith.select %or3A_685, %broadcast_in_dim3A_687, %sub3A_678 : vector<16xi1>, vector<16xi32>
      %swap3A_689 = arith.constant 0 : i32
      %swap3A_690 = arith.index_cast %swap3A_689 : i32 to index
      %swap3A_691 = arith.constant 0 : index
      %swap3A_692 = tpu.vector_load %arg11[%swap3A_690, %swap3A_691] {strides = array<i32>} : memref<1x32xi32, #tpu.memory_space<vmem>>, vector<16xi32>,
      tpu.vector_store %arg11[%swap3A_690, %swap3A_691], %select_n3A_688 {strides = array<i32>} : memref<1x32xi32, #tpu.memory_space<vmem>>, vector<16xi32>,
      %get3A_693 = arith.constant 0 : i32
      %get3A_694 = arith.index_cast %get3A_693 : i32 to index
      %get3A_695 = arith.constant 48 : index
      %get3A_696 = tpu.vector_load %arg10[%get3A_694, %get3A_695] {strides = array<i32>} : memref<8x64xi32, #tpu.memory_space<vmem>>, vector<16xi32>,
      %sub3A_697 = vector.broadcast %mul3A_76 : i32 to vector<16xi32>
      %sub3A_698 = arith.subi %get3A_696, %sub3A_697 : vector<16xi32>
      %lt3A_699 = arith.constant 0 : i32
      %lt3A_700 = vector.broadcast %lt3A_699 : i32 to vector<16xi32>
      %lt3A_701 = arith.cmpi slt, %sub3A_698, %lt3A_700 : vector<16xi32>
      %ge3A_702 = arith.constant 5056 : i32
      %ge3A_703 = vector.broadcast %ge3A_702 : i32 to vector<16xi32>
      %ge3A_704 = arith.cmpi sge, %sub3A_698, %ge3A_703 : vector<16xi32>
      %or3A_705 = arith.ori %lt3A_701, %ge3A_704 : vector<16xi1>
      %jit3A_706 = arith.constant 5056 : i32
      %broadcast_in_dim3A_707 = vector.broadcast %jit3A_706 : i32 to vector<16xi32>
      %select_n3A_708 = arith.select %or3A_705, %broadcast_in_dim3A_707, %sub3A_698 : vector<16xi1>, vector<16xi32>
      %swap3A_709 = arith.constant 0 : i32
      %swap3A_710 = arith.index_cast %swap3A_709 : i32 to index
      %swap3A_711 = arith.constant 16 : index
      %swap3A_712 = tpu.vector_load %arg11[%swap3A_710, %swap3A_711] {strides = array<i32>} : memref<1x32xi32, #tpu.memory_space<vmem>>, vector<16xi32>,
      tpu.vector_store %arg11[%swap3A_710, %swap3A_711], %select_n3A_708 {strides = array<i32>} : memref<1x32xi32, #tpu.memory_space<vmem>>, vector<16xi32>,
      %dma_start3A_713 = arith.constant 0 : i32
      %dma_start3A_714 = arith.constant 0 : i32
      %dma_start3A_715 = tpu.memref_slice %arg11[%dma_start3A_713, %dma_start3A_714] : memref<1x32xi32, #tpu.memory_space<vmem>> -> memref<1x32xi32, #tpu.memory_space<vmem>>
      %dma_start3A_716 = tpu.memref_squeeze %dma_start3A_715 : memref<1x32xi32, #tpu.memory_space<vmem>> -> memref<32xi32, #tpu.memory_space<vmem>>
      %dma_start3A_717 = arith.constant 0 : i32
      %dma_start3A_718 = arith.constant 0 : i32
      %dma_start3A_719 = tpu.memref_slice %arg6[%dma_start3A_717, %dma_start3A_718] : memref<5064x128xf32, #tpu.memory_space<vmem_shared>> -> memref<5064x128xf32, #tpu.memory_space<vmem_shared>>
      tpu.enqueue_indirect_dma source(%arg7 : memref<32x128xf32, #tpu.memory_space<vmem>>) target(%dma_start3A_719 : memref<5064x128xf32, #tpu.memory_space<vmem_shared>>) offsets(%dma_start3A_716 : memref<32xi32, #tpu.memory_space<vmem>>) semaphore(%arg15 : memref<!tpu.dma_semaphore, #tpu.memory_space<semaphore_mem>>) {add = true}
      %dma_wait3A_720 = arith.constant 0 : i32
      %dma_wait3A_721 = arith.constant 0 : i32
      %dma_wait3A_722 = tpu.memref_slice %arg2[%dma_wait3A_720, %dma_wait3A_721] : memref<10000x128xf32, #tpu.memory_space<hbm>> -> memref<32x128xf32, #tpu.memory_space<hbm>>
      %dma_wait3A_723 = arith.constant 0 : i32
      %dma_wait3A_724 = arith.constant 0 : i32
      %dma_wait3A_725 = tpu.memref_slice %arg2[%dma_wait3A_723, %dma_wait3A_724] : memref<10000x128xf32, #tpu.memory_space<hbm>> -> memref<32x128xf32, #tpu.memory_space<hbm>>
      tpu.wait_dma2 semaphore(%arg16 : memref<!tpu.dma_semaphore, #tpu.memory_space<semaphore_mem>>) src(%dma_wait3A_725 : memref<32x128xf32, #tpu.memory_space<hbm>>) dst(%arg8 : memref<32x128xf32, #tpu.memory_space<vmem>>)
      %dma_start3A_726 = arith.constant 1 : i32
      %dma_start3A_727 = arith.constant 0 : i32
      %dma_start3A_728 = tpu.memref_slice %arg10[%dma_start3A_726, %dma_start3A_727] : memref<8x64xi32, #tpu.memory_space<vmem>> -> memref<1x32xi32, #tpu.memory_space<vmem>>
      %dma_start3A_729 = tpu.memref_squeeze %dma_start3A_728 : memref<1x32xi32, #tpu.memory_space<vmem>> -> memref<32xi32, #tpu.memory_space<vmem>>
      %dma_start3A_730 = arith.constant 0 : i32
      %dma_start3A_731 = arith.constant 0 : i32
      %dma_start3A_732 = tpu.memref_slice %arg5[%dma_start3A_730, %dma_start3A_731] : memref<10000x128xf32, #tpu.memory_space<vmem_shared>> -> memref<10000x128xf32, #tpu.memory_space<vmem_shared>>
      tpu.enqueue_indirect_dma source(%dma_start3A_732 : memref<10000x128xf32, #tpu.memory_space<vmem_shared>>) target(%arg8 : memref<32x128xf32, #tpu.memory_space<vmem>>) offsets(%dma_start3A_729 : memref<32xi32, #tpu.memory_space<vmem>>) semaphore(%arg14 : memref<!tpu.dma_semaphore, #tpu.memory_space<semaphore_mem>>)
      %dma_wait3A_733 = arith.constant 0 : i32
      %dma_wait3A_734 = arith.constant 0 : i32
      %dma_wait3A_735 = tpu.memref_slice %arg2[%dma_wait3A_733, %dma_wait3A_734] : memref<10000x128xf32, #tpu.memory_space<hbm>> -> memref<32x128xf32, #tpu.memory_space<hbm>>
      %dma_wait3A_736 = arith.constant 0 : i32
      %dma_wait3A_737 = arith.constant 0 : i32
      %dma_wait3A_738 = tpu.memref_slice %arg2[%dma_wait3A_736, %dma_wait3A_737] : memref<10000x128xf32, #tpu.memory_space<hbm>> -> memref<32x128xf32, #tpu.memory_space<hbm>>
      tpu.wait_dma2 semaphore(%arg14 : memref<!tpu.dma_semaphore, #tpu.memory_space<semaphore_mem>>) src(%dma_wait3A_738 : memref<32x128xf32, #tpu.memory_space<hbm>>) dst(%arg8 : memref<32x128xf32, #tpu.memory_space<vmem>>)
      %get3A_739 = arith.constant 1 : i32
      %get3A_740 = arith.index_cast %get3A_739 : i32 to index
      %get3A_741 = arith.constant 32 : index
      %get3A_742 = tpu.vector_load %arg10[%get3A_740, %get3A_741] {strides = array<i32>} : memref<8x64xi32, #tpu.memory_space<vmem>>, vector<16xi32>,
      %sub3A_743 = vector.broadcast %mul3A_76 : i32 to vector<16xi32>
      %sub3A_744 = arith.subi %get3A_742, %sub3A_743 : vector<16xi32>
      %lt3A_745 = arith.constant 0 : i32
      %lt3A_746 = vector.broadcast %lt3A_745 : i32 to vector<16xi32>
      %lt3A_747 = arith.cmpi slt, %sub3A_744, %lt3A_746 : vector<16xi32>
      %ge3A_748 = arith.constant 5056 : i32
      %ge3A_749 = vector.broadcast %ge3A_748 : i32 to vector<16xi32>
      %ge3A_750 = arith.cmpi sge, %sub3A_744, %ge3A_749 : vector<16xi32>
      %or3A_751 = arith.ori %lt3A_747, %ge3A_750 : vector<16xi1>
      %jit3A_752 = arith.constant 5056 : i32
      %broadcast_in_dim3A_753 = vector.broadcast %jit3A_752 : i32 to vector<16xi32>
      %select_n3A_754 = arith.select %or3A_751, %broadcast_in_dim3A_753, %sub3A_744 : vector<16xi1>, vector<16xi32>
      %swap3A_755 = arith.constant 0 : i32
      %swap3A_756 = arith.index_cast %swap3A_755 : i32 to index
      %swap3A_757 = arith.constant 0 : index
      %swap3A_758 = tpu.vector_load %arg12[%swap3A_756, %swap3A_757] {strides = array<i32>} : memref<1x32xi32, #tpu.memory_space<vmem>>, vector<16xi32>,
      tpu.vector_store %arg12[%swap3A_756, %swap3A_757], %select_n3A_754 {strides = array<i32>} : memref<1x32xi32, #tpu.memory_space<vmem>>, vector<16xi32>,
      %get3A_759 = arith.constant 1 : i32
      %get3A_760 = arith.index_cast %get3A_759 : i32 to index
      %get3A_761 = arith.constant 48 : index
      %get3A_762 = tpu.vector_load %arg10[%get3A_760, %get3A_761] {strides = array<i32>} : memref<8x64xi32, #tpu.memory_space<vmem>>, vector<16xi32>,
      %sub3A_763 = vector.broadcast %mul3A_76 : i32 to vector<16xi32>
      %sub3A_764 = arith.subi %get3A_762, %sub3A_763 : vector<16xi32>
      %lt3A_765 = arith.constant 0 : i32
      %lt3A_766 = vector.broadcast %lt3A_765 : i32 to vector<16xi32>
      %lt3A_767 = arith.cmpi slt, %sub3A_764, %lt3A_766 : vector<16xi32>
      %ge3A_768 = arith.constant 5056 : i32
      %ge3A_769 = vector.broadcast %ge3A_768 : i32 to vector<16xi32>
      %ge3A_770 = arith.cmpi sge, %sub3A_764, %ge3A_769 : vector<16xi32>
      %or3A_771 = arith.ori %lt3A_767, %ge3A_770 : vector<16xi1>
      %jit3A_772 = arith.constant 5056 : i32
      %broadcast_in_dim3A_773 = vector.broadcast %jit3A_772 : i32 to vector<16xi32>
      %select_n3A_774 = arith.select %or3A_771, %broadcast_in_dim3A_773, %sub3A_764 : vector<16xi1>, vector<16xi32>
      %swap3A_775 = arith.constant 0 : i32
      %swap3A_776 = arith.index_cast %swap3A_775 : i32 to index
      %swap3A_777 = arith.constant 16 : index
      %swap3A_778 = tpu.vector_load %arg12[%swap3A_776, %swap3A_777] {strides = array<i32>} : memref<1x32xi32, #tpu.memory_space<vmem>>, vector<16xi32>,
      tpu.vector_store %arg12[%swap3A_776, %swap3A_777], %select_n3A_774 {strides = array<i32>} : memref<1x32xi32, #tpu.memory_space<vmem>>, vector<16xi32>,
      %dma_start3A_779 = arith.constant 0 : i32
      %dma_start3A_780 = arith.constant 0 : i32
      %dma_start3A_781 = tpu.memref_slice %arg12[%dma_start3A_779, %dma_start3A_780] : memref<1x32xi32, #tpu.memory_space<vmem>> -> memref<1x32xi32, #tpu.memory_space<vmem>>
      %dma_start3A_782 = tpu.memref_squeeze %dma_start3A_781 : memref<1x32xi32, #tpu.memory_space<vmem>> -> memref<32xi32, #tpu.memory_space<vmem>>
      %dma_start3A_783 = arith.constant 0 : i32
      %dma_start3A_784 = arith.constant 0 : i32
      %dma_start3A_785 = tpu.memref_slice %arg6[%dma_start3A_783, %dma_start3A_784] : memref<5064x128xf32, #tpu.memory_space<vmem_shared>> -> memref<5064x128xf32, #tpu.memory_space<vmem_shared>>
      tpu.enqueue_indirect_dma source(%arg8 : memref<32x128xf32, #tpu.memory_space<vmem>>) target(%dma_start3A_785 : memref<5064x128xf32, #tpu.memory_space<vmem_shared>>) offsets(%dma_start3A_782 : memref<32xi32, #tpu.memory_space<vmem>>) semaphore(%arg16 : memref<!tpu.dma_semaphore, #tpu.memory_space<semaphore_mem>>) {add = true}
      %dma_wait3A_786 = arith.constant 0 : i32
      %dma_wait3A_787 = arith.constant 0 : i32
      %dma_wait3A_788 = tpu.memref_slice %arg2[%dma_wait3A_786, %dma_wait3A_787] : memref<10000x128xf32, #tpu.memory_space<hbm>> -> memref<32x128xf32, #tpu.memory_space<hbm>>
      %dma_wait3A_789 = arith.constant 0 : i32
      %dma_wait3A_790 = arith.constant 0 : i32
      %dma_wait3A_791 = tpu.memref_slice %arg2[%dma_wait3A_789, %dma_wait3A_790] : memref<10000x128xf32, #tpu.memory_space<hbm>> -> memref<32x128xf32, #tpu.memory_space<hbm>>
      tpu.wait_dma2 semaphore(%arg15 : memref<!tpu.dma_semaphore, #tpu.memory_space<semaphore_mem>>) src(%dma_wait3A_791 : memref<32x128xf32, #tpu.memory_space<hbm>>) dst(%arg7 : memref<32x128xf32, #tpu.memory_space<vmem>>)
      %dma_start3A_792 = arith.constant 2 : i32
      %dma_start3A_793 = arith.constant 0 : i32
      %dma_start3A_794 = tpu.memref_slice %arg10[%dma_start3A_792, %dma_start3A_793] : memref<8x64xi32, #tpu.memory_space<vmem>> -> memref<1x32xi32, #tpu.memory_space<vmem>>
      %dma_start3A_795 = tpu.memref_squeeze %dma_start3A_794 : memref<1x32xi32, #tpu.memory_space<vmem>> -> memref<32xi32, #tpu.memory_space<vmem>>
      %dma_start3A_796 = arith.constant 0 : i32
      %dma_start3A_797 = arith.constant 0 : i32
      %dma_start3A_798 = tpu.memref_slice %arg5[%dma_start3A_796, %dma_start3A_797] : memref<10000x128xf32, #tpu.memory_space<vmem_shared>> -> memref<10000x128xf32, #tpu.memory_space<vmem_shared>>
      tpu.enqueue_indirect_dma source(%dma_start3A_798 : memref<10000x128xf32, #tpu.memory_space<vmem_shared>>) target(%arg7 : memref<32x128xf32, #tpu.memory_space<vmem>>) offsets(%dma_start3A_795 : memref<32xi32, #tpu.memory_space<vmem>>) semaphore(%arg13 : memref<!tpu.dma_semaphore, #tpu.memory_space<semaphore_mem>>)
      %dma_wait3A_799 = arith.constant 0 : i32
      %dma_wait3A_800 = arith.constant 0 : i32
      %dma_wait3A_801 = tpu.memref_slice %arg2[%dma_wait3A_799, %dma_wait3A_800] : memref<10000x128xf32, #tpu.memory_space<hbm>> -> memref<32x128xf32, #tpu.memory_space<hbm>>
      %dma_wait3A_802 = arith.constant 0 : i32
      %dma_wait3A_803 = arith.constant 0 : i32
      %dma_wait3A_804 = tpu.memref_slice %arg2[%dma_wait3A_802, %dma_wait3A_803] : memref<10000x128xf32, #tpu.memory_space<hbm>> -> memref<32x128xf32, #tpu.memory_space<hbm>>
      tpu.wait_dma2 semaphore(%arg13 : memref<!tpu.dma_semaphore, #tpu.memory_space<semaphore_mem>>) src(%dma_wait3A_804 : memref<32x128xf32, #tpu.memory_space<hbm>>) dst(%arg7 : memref<32x128xf32, #tpu.memory_space<vmem>>)
      %get3A_805 = arith.constant 2 : i32
      %get3A_806 = arith.index_cast %get3A_805 : i32 to index
      %get3A_807 = arith.constant 32 : index
      %get3A_808 = tpu.vector_load %arg10[%get3A_806, %get3A_807] {strides = array<i32>} : memref<8x64xi32, #tpu.memory_space<vmem>>, vector<16xi32>,
      %sub3A_809 = vector.broadcast %mul3A_76 : i32 to vector<16xi32>
      %sub3A_810 = arith.subi %get3A_808, %sub3A_809 : vector<16xi32>
      %lt3A_811 = arith.constant 0 : i32
      %lt3A_812 = vector.broadcast %lt3A_811 : i32 to vector<16xi32>
      %lt3A_813 = arith.cmpi slt, %sub3A_810, %lt3A_812 : vector<16xi32>
      %ge3A_814 = arith.constant 5056 : i32
      %ge3A_815 = vector.broadcast %ge3A_814 : i32 to vector<16xi32>
      %ge3A_816 = arith.cmpi sge, %sub3A_810, %ge3A_815 : vector<16xi32>
      %or3A_817 = arith.ori %lt3A_813, %ge3A_816 : vector<16xi1>
      %jit3A_818 = arith.constant 5056 : i32
      %broadcast_in_dim3A_819 = vector.broadcast %jit3A_818 : i32 to vector<16xi32>
      %select_n3A_820 = arith.select %or3A_817, %broadcast_in_dim3A_819, %sub3A_810 : vector<16xi1>, vector<16xi32>
      %swap3A_821 = arith.constant 0 : i32
      %swap3A_822 = arith.index_cast %swap3A_821 : i32 to index
      %swap3A_823 = arith.constant 0 : index
      %swap3A_824 = tpu.vector_load %arg11[%swap3A_822, %swap3A_823] {strides = array<i32>} : memref<1x32xi32, #tpu.memory_space<vmem>>, vector<16xi32>,
      tpu.vector_store %arg11[%swap3A_822, %swap3A_823], %select_n3A_820 {strides = array<i32>} : memref<1x32xi32, #tpu.memory_space<vmem>>, vector<16xi32>,
      %get3A_825 = arith.constant 2 : i32
      %get3A_826 = arith.index_cast %get3A_825 : i32 to index
      %get3A_827 = arith.constant 48 : index
      %get3A_828 = tpu.vector_load %arg10[%get3A_826, %get3A_827] {strides = array<i32>} : memref<8x64xi32, #tpu.memory_space<vmem>>, vector<16xi32>,
      %sub3A_829 = vector.broadcast %mul3A_76 : i32 to vector<16xi32>
      %sub3A_830 = arith.subi %get3A_828, %sub3A_829 : vector<16xi32>
      %lt3A_831 = arith.constant 0 : i32
      %lt3A_832 = vector.broadcast %lt3A_831 : i32 to vector<16xi32>
      %lt3A_833 = arith.cmpi slt, %sub3A_830, %lt3A_832 : vector<16xi32>
      %ge3A_834 = arith.constant 5056 : i32
      %ge3A_835 = vector.broadcast %ge3A_834 : i32 to vector<16xi32>
      %ge3A_836 = arith.cmpi sge, %sub3A_830, %ge3A_835 : vector<16xi32>
      %or3A_837 = arith.ori %lt3A_833, %ge3A_836 : vector<16xi1>
      %jit3A_838 = arith.constant 5056 : i32
      %broadcast_in_dim3A_839 = vector.broadcast %jit3A_838 : i32 to vector<16xi32>
      %select_n3A_840 = arith.select %or3A_837, %broadcast_in_dim3A_839, %sub3A_830 : vector<16xi1>, vector<16xi32>
      %swap3A_841 = arith.constant 0 : i32
      %swap3A_842 = arith.index_cast %swap3A_841 : i32 to index
      %swap3A_843 = arith.constant 16 : index
      %swap3A_844 = tpu.vector_load %arg11[%swap3A_842, %swap3A_843] {strides = array<i32>} : memref<1x32xi32, #tpu.memory_space<vmem>>, vector<16xi32>,
      tpu.vector_store %arg11[%swap3A_842, %swap3A_843], %select_n3A_840 {strides = array<i32>} : memref<1x32xi32, #tpu.memory_space<vmem>>, vector<16xi32>,
      %dma_start3A_845 = arith.constant 0 : i32
      %dma_start3A_846 = arith.constant 0 : i32
      %dma_start3A_847 = tpu.memref_slice %arg11[%dma_start3A_845, %dma_start3A_846] : memref<1x32xi32, #tpu.memory_space<vmem>> -> memref<1x32xi32, #tpu.memory_space<vmem>>
      %dma_start3A_848 = tpu.memref_squeeze %dma_start3A_847 : memref<1x32xi32, #tpu.memory_space<vmem>> -> memref<32xi32, #tpu.memory_space<vmem>>
      %dma_start3A_849 = arith.constant 0 : i32
      %dma_start3A_850 = arith.constant 0 : i32
      %dma_start3A_851 = tpu.memref_slice %arg6[%dma_start3A_849, %dma_start3A_850] : memref<5064x128xf32, #tpu.memory_space<vmem_shared>> -> memref<5064x128xf32, #tpu.memory_space<vmem_shared>>
      tpu.enqueue_indirect_dma source(%arg7 : memref<32x128xf32, #tpu.memory_space<vmem>>) target(%dma_start3A_851 : memref<5064x128xf32, #tpu.memory_space<vmem_shared>>) offsets(%dma_start3A_848 : memref<32xi32, #tpu.memory_space<vmem>>) semaphore(%arg15 : memref<!tpu.dma_semaphore, #tpu.memory_space<semaphore_mem>>) {add = true}
      %dma_wait3A_852 = arith.constant 0 : i32
      %dma_wait3A_853 = arith.constant 0 : i32
      %dma_wait3A_854 = tpu.memref_slice %arg2[%dma_wait3A_852, %dma_wait3A_853] : memref<10000x128xf32, #tpu.memory_space<hbm>> -> memref<32x128xf32, #tpu.memory_space<hbm>>
      %dma_wait3A_855 = arith.constant 0 : i32
      %dma_wait3A_856 = arith.constant 0 : i32
      %dma_wait3A_857 = tpu.memref_slice %arg2[%dma_wait3A_855, %dma_wait3A_856] : memref<10000x128xf32, #tpu.memory_space<hbm>> -> memref<32x128xf32, #tpu.memory_space<hbm>>
      tpu.wait_dma2 semaphore(%arg16 : memref<!tpu.dma_semaphore, #tpu.memory_space<semaphore_mem>>) src(%dma_wait3A_857 : memref<32x128xf32, #tpu.memory_space<hbm>>) dst(%arg8 : memref<32x128xf32, #tpu.memory_space<vmem>>)
      %dma_start3A_858 = arith.constant 3 : i32
      %dma_start3A_859 = arith.constant 0 : i32
      %dma_start3A_860 = tpu.memref_slice %arg10[%dma_start3A_858, %dma_start3A_859] : memref<8x64xi32, #tpu.memory_space<vmem>> -> memref<1x32xi32, #tpu.memory_space<vmem>>
      %dma_start3A_861 = tpu.memref_squeeze %dma_start3A_860 : memref<1x32xi32, #tpu.memory_space<vmem>> -> memref<32xi32, #tpu.memory_space<vmem>>
      %dma_start3A_862 = arith.constant 0 : i32
      %dma_start3A_863 = arith.constant 0 : i32
      %dma_start3A_864 = tpu.memref_slice %arg5[%dma_start3A_862, %dma_start3A_863] : memref<10000x128xf32, #tpu.memory_space<vmem_shared>> -> memref<10000x128xf32, #tpu.memory_space<vmem_shared>>
      tpu.enqueue_indirect_dma source(%dma_start3A_864 : memref<10000x128xf32, #tpu.memory_space<vmem_shared>>) target(%arg8 : memref<32x128xf32, #tpu.memory_space<vmem>>) offsets(%dma_start3A_861 : memref<32xi32, #tpu.memory_space<vmem>>) semaphore(%arg14 : memref<!tpu.dma_semaphore, #tpu.memory_space<semaphore_mem>>)
      %dma_wait3A_865 = arith.constant 0 : i32
      %dma_wait3A_866 = arith.constant 0 : i32
      %dma_wait3A_867 = tpu.memref_slice %arg2[%dma_wait3A_865, %dma_wait3A_866] : memref<10000x128xf32, #tpu.memory_space<hbm>> -> memref<32x128xf32, #tpu.memory_space<hbm>>
      %dma_wait3A_868 = arith.constant 0 : i32
      %dma_wait3A_869 = arith.constant 0 : i32
      %dma_wait3A_870 = tpu.memref_slice %arg2[%dma_wait3A_868, %dma_wait3A_869] : memref<10000x128xf32, #tpu.memory_space<hbm>> -> memref<32x128xf32, #tpu.memory_space<hbm>>
      tpu.wait_dma2 semaphore(%arg14 : memref<!tpu.dma_semaphore, #tpu.memory_space<semaphore_mem>>) src(%dma_wait3A_870 : memref<32x128xf32, #tpu.memory_space<hbm>>) dst(%arg8 : memref<32x128xf32, #tpu.memory_space<vmem>>)
      %get3A_871 = arith.constant 3 : i32
      %get3A_872 = arith.index_cast %get3A_871 : i32 to index
      %get3A_873 = arith.constant 32 : index
      %get3A_874 = tpu.vector_load %arg10[%get3A_872, %get3A_873] {strides = array<i32>} : memref<8x64xi32, #tpu.memory_space<vmem>>, vector<16xi32>,
      %sub3A_875 = vector.broadcast %mul3A_76 : i32 to vector<16xi32>
      %sub3A_876 = arith.subi %get3A_874, %sub3A_875 : vector<16xi32>
      %lt3A_877 = arith.constant 0 : i32
      %lt3A_878 = vector.broadcast %lt3A_877 : i32 to vector<16xi32>
      %lt3A_879 = arith.cmpi slt, %sub3A_876, %lt3A_878 : vector<16xi32>
      %ge3A_880 = arith.constant 5056 : i32
      %ge3A_881 = vector.broadcast %ge3A_880 : i32 to vector<16xi32>
      %ge3A_882 = arith.cmpi sge, %sub3A_876, %ge3A_881 : vector<16xi32>
      %or3A_883 = arith.ori %lt3A_879, %ge3A_882 : vector<16xi1>
      %jit3A_884 = arith.constant 5056 : i32
      %broadcast_in_dim3A_885 = vector.broadcast %jit3A_884 : i32 to vector<16xi32>
      %select_n3A_886 = arith.select %or3A_883, %broadcast_in_dim3A_885, %sub3A_876 : vector<16xi1>, vector<16xi32>
      %swap3A_887 = arith.constant 0 : i32
      %swap3A_888 = arith.index_cast %swap3A_887 : i32 to index
      %swap3A_889 = arith.constant 0 : index
      %swap3A_890 = tpu.vector_load %arg12[%swap3A_888, %swap3A_889] {strides = array<i32>} : memref<1x32xi32, #tpu.memory_space<vmem>>, vector<16xi32>,
      tpu.vector_store %arg12[%swap3A_888, %swap3A_889], %select_n3A_886 {strides = array<i32>} : memref<1x32xi32, #tpu.memory_space<vmem>>, vector<16xi32>,
      %get3A_891 = arith.constant 3 : i32
      %get3A_892 = arith.index_cast %get3A_891 : i32 to index
      %get3A_893 = arith.constant 48 : index
      %get3A_894 = tpu.vector_load %arg10[%get3A_892, %get3A_893] {strides = array<i32>} : memref<8x64xi32, #tpu.memory_space<vmem>>, vector<16xi32>,
      %sub3A_895 = vector.broadcast %mul3A_76 : i32 to vector<16xi32>
      %sub3A_896 = arith.subi %get3A_894, %sub3A_895 : vector<16xi32>
      %lt3A_897 = arith.constant 0 : i32
      %lt3A_898 = vector.broadcast %lt3A_897 : i32 to vector<16xi32>
      %lt3A_899 = arith.cmpi slt, %sub3A_896, %lt3A_898 : vector<16xi32>
      %ge3A_900 = arith.constant 5056 : i32
      %ge3A_901 = vector.broadcast %ge3A_900 : i32 to vector<16xi32>
      %ge3A_902 = arith.cmpi sge, %sub3A_896, %ge3A_901 : vector<16xi32>
      %or3A_903 = arith.ori %lt3A_899, %ge3A_902 : vector<16xi1>
      %jit3A_904 = arith.constant 5056 : i32
      %broadcast_in_dim3A_905 = vector.broadcast %jit3A_904 : i32 to vector<16xi32>
      %select_n3A_906 = arith.select %or3A_903, %broadcast_in_dim3A_905, %sub3A_896 : vector<16xi1>, vector<16xi32>
      %swap3A_907 = arith.constant 0 : i32
      %swap3A_908 = arith.index_cast %swap3A_907 : i32 to index
      %swap3A_909 = arith.constant 16 : index
      %swap3A_910 = tpu.vector_load %arg12[%swap3A_908, %swap3A_909] {strides = array<i32>} : memref<1x32xi32, #tpu.memory_space<vmem>>, vector<16xi32>,
      tpu.vector_store %arg12[%swap3A_908, %swap3A_909], %select_n3A_906 {strides = array<i32>} : memref<1x32xi32, #tpu.memory_space<vmem>>, vector<16xi32>,
      %dma_start3A_911 = arith.constant 0 : i32
      %dma_start3A_912 = arith.constant 0 : i32
      %dma_start3A_913 = tpu.memref_slice %arg12[%dma_start3A_911, %dma_start3A_912] : memref<1x32xi32, #tpu.memory_space<vmem>> -> memref<1x32xi32, #tpu.memory_space<vmem>>
      %dma_start3A_914 = tpu.memref_squeeze %dma_start3A_913 : memref<1x32xi32, #tpu.memory_space<vmem>> -> memref<32xi32, #tpu.memory_space<vmem>>
      %dma_start3A_915 = arith.constant 0 : i32
      %dma_start3A_916 = arith.constant 0 : i32
      %dma_start3A_917 = tpu.memref_slice %arg6[%dma_start3A_915, %dma_start3A_916] : memref<5064x128xf32, #tpu.memory_space<vmem_shared>> -> memref<5064x128xf32, #tpu.memory_space<vmem_shared>>
      tpu.enqueue_indirect_dma source(%arg8 : memref<32x128xf32, #tpu.memory_space<vmem>>) target(%dma_start3A_917 : memref<5064x128xf32, #tpu.memory_space<vmem_shared>>) offsets(%dma_start3A_914 : memref<32xi32, #tpu.memory_space<vmem>>) semaphore(%arg16 : memref<!tpu.dma_semaphore, #tpu.memory_space<semaphore_mem>>) {add = true}
      %dma_wait3A_918 = arith.constant 0 : i32
      %dma_wait3A_919 = arith.constant 0 : i32
      %dma_wait3A_920 = tpu.memref_slice %arg2[%dma_wait3A_918, %dma_wait3A_919] : memref<10000x128xf32, #tpu.memory_space<hbm>> -> memref<32x128xf32, #tpu.memory_space<hbm>>
      %dma_wait3A_921 = arith.constant 0 : i32
      %dma_wait3A_922 = arith.constant 0 : i32
      %dma_wait3A_923 = tpu.memref_slice %arg2[%dma_wait3A_921, %dma_wait3A_922] : memref<10000x128xf32, #tpu.memory_space<hbm>> -> memref<32x128xf32, #tpu.memory_space<hbm>>
      tpu.wait_dma2 semaphore(%arg15 : memref<!tpu.dma_semaphore, #tpu.memory_space<semaphore_mem>>) src(%dma_wait3A_923 : memref<32x128xf32, #tpu.memory_space<hbm>>) dst(%arg7 : memref<32x128xf32, #tpu.memory_space<vmem>>)
      %dma_start3A_924 = arith.constant 4 : i32
      %dma_start3A_925 = arith.constant 0 : i32
      %dma_start3A_926 = tpu.memref_slice %arg10[%dma_start3A_924, %dma_start3A_925] : memref<8x64xi32, #tpu.memory_space<vmem>> -> memref<1x32xi32, #tpu.memory_space<vmem>>
      %dma_start3A_927 = tpu.memref_squeeze %dma_start3A_926 : memref<1x32xi32, #tpu.memory_space<vmem>> -> memref<32xi32, #tpu.memory_space<vmem>>
      %dma_start3A_928 = arith.constant 0 : i32
      %dma_start3A_929 = arith.constant 0 : i32
      %dma_start3A_930 = tpu.memref_slice %arg5[%dma_start3A_928, %dma_start3A_929] : memref<10000x128xf32, #tpu.memory_space<vmem_shared>> -> memref<10000x128xf32, #tpu.memory_space<vmem_shared>>
      tpu.enqueue_indirect_dma source(%dma_start3A_930 : memref<10000x128xf32, #tpu.memory_space<vmem_shared>>) target(%arg7 : memref<32x128xf32, #tpu.memory_space<vmem>>) offsets(%dma_start3A_927 : memref<32xi32, #tpu.memory_space<vmem>>) semaphore(%arg13 : memref<!tpu.dma_semaphore, #tpu.memory_space<semaphore_mem>>)
      %dma_wait3A_931 = arith.constant 0 : i32
      %dma_wait3A_932 = arith.constant 0 : i32
      %dma_wait3A_933 = tpu.memref_slice %arg2[%dma_wait3A_931, %dma_wait3A_932] : memref<10000x128xf32, #tpu.memory_space<hbm>> -> memref<32x128xf32, #tpu.memory_space<hbm>>
      %dma_wait3A_934 = arith.constant 0 : i32
      %dma_wait3A_935 = arith.constant 0 : i32
      %dma_wait3A_936 = tpu.memref_slice %arg2[%dma_wait3A_934, %dma_wait3A_935] : memref<10000x128xf32, #tpu.memory_space<hbm>> -> memref<32x128xf32, #tpu.memory_space<hbm>>
      tpu.wait_dma2 semaphore(%arg13 : memref<!tpu.dma_semaphore, #tpu.memory_space<semaphore_mem>>) src(%dma_wait3A_936 : memref<32x128xf32, #tpu.memory_space<hbm>>) dst(%arg7 : memref<32x128xf32, #tpu.memory_space<vmem>>)
      %get3A_937 = arith.constant 4 : i32
      %get3A_938 = arith.index_cast %get3A_937 : i32 to index
      %get3A_939 = arith.constant 32 : index
      %get3A_940 = tpu.vector_load %arg10[%get3A_938, %get3A_939] {strides = array<i32>} : memref<8x64xi32, #tpu.memory_space<vmem>>, vector<16xi32>,
      %sub3A_941 = vector.broadcast %mul3A_76 : i32 to vector<16xi32>
      %sub3A_942 = arith.subi %get3A_940, %sub3A_941 : vector<16xi32>
      %lt3A_943 = arith.constant 0 : i32
      %lt3A_944 = vector.broadcast %lt3A_943 : i32 to vector<16xi32>
      %lt3A_945 = arith.cmpi slt, %sub3A_942, %lt3A_944 : vector<16xi32>
      %ge3A_946 = arith.constant 5056 : i32
      %ge3A_947 = vector.broadcast %ge3A_946 : i32 to vector<16xi32>
      %ge3A_948 = arith.cmpi sge, %sub3A_942, %ge3A_947 : vector<16xi32>
      %or3A_949 = arith.ori %lt3A_945, %ge3A_948 : vector<16xi1>
      %jit3A_950 = arith.constant 5056 : i32
      %broadcast_in_dim3A_951 = vector.broadcast %jit3A_950 : i32 to vector<16xi32>
      %select_n3A_952 = arith.select %or3A_949, %broadcast_in_dim3A_951, %sub3A_942 : vector<16xi1>, vector<16xi32>
      %swap3A_953 = arith.constant 0 : i32
      %swap3A_954 = arith.index_cast %swap3A_953 : i32 to index
      %swap3A_955 = arith.constant 0 : index
      %swap3A_956 = tpu.vector_load %arg11[%swap3A_954, %swap3A_955] {strides = array<i32>} : memref<1x32xi32, #tpu.memory_space<vmem>>, vector<16xi32>,
      tpu.vector_store %arg11[%swap3A_954, %swap3A_955], %select_n3A_952 {strides = array<i32>} : memref<1x32xi32, #tpu.memory_space<vmem>>, vector<16xi32>,
      %get3A_957 = arith.constant 4 : i32
      %get3A_958 = arith.index_cast %get3A_957 : i32 to index
      %get3A_959 = arith.constant 48 : index
      %get3A_960 = tpu.vector_load %arg10[%get3A_958, %get3A_959] {strides = array<i32>} : memref<8x64xi32, #tpu.memory_space<vmem>>, vector<16xi32>,
      %sub3A_961 = vector.broadcast %mul3A_76 : i32 to vector<16xi32>
      %sub3A_962 = arith.subi %get3A_960, %sub3A_961 : vector<16xi32>
      %lt3A_963 = arith.constant 0 : i32
      %lt3A_964 = vector.broadcast %lt3A_963 : i32 to vector<16xi32>
      %lt3A_965 = arith.cmpi slt, %sub3A_962, %lt3A_964 : vector<16xi32>
      %ge3A_966 = arith.constant 5056 : i32
      %ge3A_967 = vector.broadcast %ge3A_966 : i32 to vector<16xi32>
      %ge3A_968 = arith.cmpi sge, %sub3A_962, %ge3A_967 : vector<16xi32>
      %or3A_969 = arith.ori %lt3A_965, %ge3A_968 : vector<16xi1>
      %jit3A_970 = arith.constant 5056 : i32
      %broadcast_in_dim3A_971 = vector.broadcast %jit3A_970 : i32 to vector<16xi32>
      %select_n3A_972 = arith.select %or3A_969, %broadcast_in_dim3A_971, %sub3A_962 : vector<16xi1>, vector<16xi32>
      %swap3A_973 = arith.constant 0 : i32
      %swap3A_974 = arith.index_cast %swap3A_973 : i32 to index
      %swap3A_975 = arith.constant 16 : index
      %swap3A_976 = tpu.vector_load %arg11[%swap3A_974, %swap3A_975] {strides = array<i32>} : memref<1x32xi32, #tpu.memory_space<vmem>>, vector<16xi32>,
      tpu.vector_store %arg11[%swap3A_974, %swap3A_975], %select_n3A_972 {strides = array<i32>} : memref<1x32xi32, #tpu.memory_space<vmem>>, vector<16xi32>,
      %dma_start3A_977 = arith.constant 0 : i32
      %dma_start3A_978 = arith.constant 0 : i32
      %dma_start3A_979 = tpu.memref_slice %arg11[%dma_start3A_977, %dma_start3A_978] : memref<1x32xi32, #tpu.memory_space<vmem>> -> memref<1x32xi32, #tpu.memory_space<vmem>>
      %dma_start3A_980 = tpu.memref_squeeze %dma_start3A_979 : memref<1x32xi32, #tpu.memory_space<vmem>> -> memref<32xi32, #tpu.memory_space<vmem>>
      %dma_start3A_981 = arith.constant 0 : i32
      %dma_start3A_982 = arith.constant 0 : i32
      %dma_start3A_983 = tpu.memref_slice %arg6[%dma_start3A_981, %dma_start3A_982] : memref<5064x128xf32, #tpu.memory_space<vmem_shared>> -> memref<5064x128xf32, #tpu.memory_space<vmem_shared>>
      tpu.enqueue_indirect_dma source(%arg7 : memref<32x128xf32, #tpu.memory_space<vmem>>) target(%dma_start3A_983 : memref<5064x128xf32, #tpu.memory_space<vmem_shared>>) offsets(%dma_start3A_980 : memref<32xi32, #tpu.memory_space<vmem>>) semaphore(%arg15 : memref<!tpu.dma_semaphore, #tpu.memory_space<semaphore_mem>>) {add = true}
      %dma_wait3A_984 = arith.constant 0 : i32
      %dma_wait3A_985 = arith.constant 0 : i32
      %dma_wait3A_986 = tpu.memref_slice %arg2[%dma_wait3A_984, %dma_wait3A_985] : memref<10000x128xf32, #tpu.memory_space<hbm>> -> memref<32x128xf32, #tpu.memory_space<hbm>>
      %dma_wait3A_987 = arith.constant 0 : i32
      %dma_wait3A_988 = arith.constant 0 : i32
      %dma_wait3A_989 = tpu.memref_slice %arg2[%dma_wait3A_987, %dma_wait3A_988] : memref<10000x128xf32, #tpu.memory_space<hbm>> -> memref<32x128xf32, #tpu.memory_space<hbm>>
      tpu.wait_dma2 semaphore(%arg16 : memref<!tpu.dma_semaphore, #tpu.memory_space<semaphore_mem>>) src(%dma_wait3A_989 : memref<32x128xf32, #tpu.memory_space<hbm>>) dst(%arg8 : memref<32x128xf32, #tpu.memory_space<vmem>>)
      %dma_start3A_990 = arith.constant 5 : i32
      %dma_start3A_991 = arith.constant 0 : i32
      %dma_start3A_992 = tpu.memref_slice %arg10[%dma_start3A_990, %dma_start3A_991] : memref<8x64xi32, #tpu.memory_space<vmem>> -> memref<1x32xi32, #tpu.memory_space<vmem>>
      %dma_start3A_993 = tpu.memref_squeeze %dma_start3A_992 : memref<1x32xi32, #tpu.memory_space<vmem>> -> memref<32xi32, #tpu.memory_space<vmem>>
      %dma_start3A_994 = arith.constant 0 : i32
      %dma_start3A_995 = arith.constant 0 : i32
      %dma_start3A_996 = tpu.memref_slice %arg5[%dma_start3A_994, %dma_start3A_995] : memref<10000x128xf32, #tpu.memory_space<vmem_shared>> -> memref<10000x128xf32, #tpu.memory_space<vmem_shared>>
      tpu.enqueue_indirect_dma source(%dma_start3A_996 : memref<10000x128xf32, #tpu.memory_space<vmem_shared>>) target(%arg8 : memref<32x128xf32, #tpu.memory_space<vmem>>) offsets(%dma_start3A_993 : memref<32xi32, #tpu.memory_space<vmem>>) semaphore(%arg14 : memref<!tpu.dma_semaphore, #tpu.memory_space<semaphore_mem>>)
      %dma_wait3A_997 = arith.constant 0 : i32
      %dma_wait3A_998 = arith.constant 0 : i32
      %dma_wait3A_999 = tpu.memref_slice %arg3[%dma_wait3A_997, %dma_wait3A_998] : memref<10240x64xi32, #tpu.memory_space<hbm>> -> memref<8x64xi32, #tpu.memory_space<hbm>>
      %dma_wait3A_1000 = arith.constant 0 : i32
      %dma_wait3A_1001 = arith.constant 0 : i32
      %dma_wait3A_1002 = tpu.memref_slice %arg3[%dma_wait3A_1000, %dma_wait3A_1001] : memref<10240x64xi32, #tpu.memory_space<hbm>> -> memref<8x64xi32, #tpu.memory_space<hbm>>
      tpu.wait_dma2 semaphore(%arg17 : memref<!tpu.dma_semaphore, #tpu.memory_space<semaphore_mem>>) src(%dma_wait3A_1002 : memref<8x64xi32, #tpu.memory_space<hbm>>) dst(%arg9 : memref<8x64xi32, #tpu.memory_space<vmem>>)
      %dma_wait3A_1003 = arith.constant 0 : i32
      %dma_wait3A_1004 = arith.constant 0 : i32
      %dma_wait3A_1005 = tpu.memref_slice %arg2[%dma_wait3A_1003, %dma_wait3A_1004] : memref<10000x128xf32, #tpu.memory_space<hbm>> -> memref<32x128xf32, #tpu.memory_space<hbm>>
      %dma_wait3A_1006 = arith.constant 0 : i32
      %dma_wait3A_1007 = arith.constant 0 : i32
      %dma_wait3A_1008 = tpu.memref_slice %arg2[%dma_wait3A_1006, %dma_wait3A_1007] : memref<10000x128xf32, #tpu.memory_space<hbm>> -> memref<32x128xf32, #tpu.memory_space<hbm>>
      tpu.wait_dma2 semaphore(%arg14 : memref<!tpu.dma_semaphore, #tpu.memory_space<semaphore_mem>>) src(%dma_wait3A_1008 : memref<32x128xf32, #tpu.memory_space<hbm>>) dst(%arg8 : memref<32x128xf32, #tpu.memory_space<vmem>>)
      %get3A_1009 = arith.constant 5 : i32
      %get3A_1010 = arith.index_cast %get3A_1009 : i32 to index
      %get3A_1011 = arith.constant 32 : index
      %get3A_1012 = tpu.vector_load %arg10[%get3A_1010, %get3A_1011] {strides = array<i32>} : memref<8x64xi32, #tpu.memory_space<vmem>>, vector<16xi32>,
      %sub3A_1013 = vector.broadcast %mul3A_76 : i32 to vector<16xi32>
      %sub3A_1014 = arith.subi %get3A_1012, %sub3A_1013 : vector<16xi32>
      %lt3A_1015 = arith.constant 0 : i32
      %lt3A_1016 = vector.broadcast %lt3A_1015 : i32 to vector<16xi32>
      %lt3A_1017 = arith.cmpi slt, %sub3A_1014, %lt3A_1016 : vector<16xi32>
      %ge3A_1018 = arith.constant 5056 : i32
      %ge3A_1019 = vector.broadcast %ge3A_1018 : i32 to vector<16xi32>
      %ge3A_1020 = arith.cmpi sge, %sub3A_1014, %ge3A_1019 : vector<16xi32>
      %or3A_1021 = arith.ori %lt3A_1017, %ge3A_1020 : vector<16xi1>
      %jit3A_1022 = arith.constant 5056 : i32
      %broadcast_in_dim3A_1023 = vector.broadcast %jit3A_1022 : i32 to vector<16xi32>
      %select_n3A_1024 = arith.select %or3A_1021, %broadcast_in_dim3A_1023, %sub3A_1014 : vector<16xi1>, vector<16xi32>
      %swap3A_1025 = arith.constant 0 : i32
      %swap3A_1026 = arith.index_cast %swap3A_1025 : i32 to index
      %swap3A_1027 = arith.constant 0 : index
      %swap3A_1028 = tpu.vector_load %arg12[%swap3A_1026, %swap3A_1027] {strides = array<i32>} : memref<1x32xi32, #tpu.memory_space<vmem>>, vector<16xi32>,
      tpu.vector_store %arg12[%swap3A_1026, %swap3A_1027], %select_n3A_1024 {strides = array<i32>} : memref<1x32xi32, #tpu.memory_space<vmem>>, vector<16xi32>,
      %get3A_1029 = arith.constant 5 : i32
      %get3A_1030 = arith.index_cast %get3A_1029 : i32 to index
      %get3A_1031 = arith.constant 48 : index
      %get3A_1032 = tpu.vector_load %arg10[%get3A_1030, %get3A_1031] {strides = array<i32>} : memref<8x64xi32, #tpu.memory_space<vmem>>, vector<16xi32>,
      %sub3A_1033 = vector.broadcast %mul3A_76 : i32 to vector<16xi32>
      %sub3A_1034 = arith.subi %get3A_1032, %sub3A_1033 : vector<16xi32>
      %lt3A_1035 = arith.constant 0 : i32
      %lt3A_1036 = vector.broadcast %lt3A_1035 : i32 to vector<16xi32>
      %lt3A_1037 = arith.cmpi slt, %sub3A_1034, %lt3A_1036 : vector<16xi32>
      %ge3A_1038 = arith.constant 5056 : i32
      %ge3A_1039 = vector.broadcast %ge3A_1038 : i32 to vector<16xi32>
      %ge3A_1040 = arith.cmpi sge, %sub3A_1034, %ge3A_1039 : vector<16xi32>
      %or3A_1041 = arith.ori %lt3A_1037, %ge3A_1040 : vector<16xi1>
      %jit3A_1042 = arith.constant 5056 : i32
      %broadcast_in_dim3A_1043 = vector.broadcast %jit3A_1042 : i32 to vector<16xi32>
      %select_n3A_1044 = arith.select %or3A_1041, %broadcast_in_dim3A_1043, %sub3A_1034 : vector<16xi1>, vector<16xi32>
      %swap3A_1045 = arith.constant 0 : i32
      %swap3A_1046 = arith.index_cast %swap3A_1045 : i32 to index
      %swap3A_1047 = arith.constant 16 : index
      %swap3A_1048 = tpu.vector_load %arg12[%swap3A_1046, %swap3A_1047] {strides = array<i32>} : memref<1x32xi32, #tpu.memory_space<vmem>>, vector<16xi32>,
      tpu.vector_store %arg12[%swap3A_1046, %swap3A_1047], %select_n3A_1044 {strides = array<i32>} : memref<1x32xi32, #tpu.memory_space<vmem>>, vector<16xi32>,
      %dma_start3A_1049 = arith.constant 0 : i32
      %dma_start3A_1050 = arith.constant 0 : i32
      %dma_start3A_1051 = tpu.memref_slice %arg12[%dma_start3A_1049, %dma_start3A_1050] : memref<1x32xi32, #tpu.memory_space<vmem>> -> memref<1x32xi32, #tpu.memory_space<vmem>>
      %dma_start3A_1052 = tpu.memref_squeeze %dma_start3A_1051 : memref<1x32xi32, #tpu.memory_space<vmem>> -> memref<32xi32, #tpu.memory_space<vmem>>
      %dma_start3A_1053 = arith.constant 0 : i32
      %dma_start3A_1054 = arith.constant 0 : i32
      %dma_start3A_1055 = tpu.memref_slice %arg6[%dma_start3A_1053, %dma_start3A_1054] : memref<5064x128xf32, #tpu.memory_space<vmem_shared>> -> memref<5064x128xf32, #tpu.memory_space<vmem_shared>>
      tpu.enqueue_indirect_dma source(%arg8 : memref<32x128xf32, #tpu.memory_space<vmem>>) target(%dma_start3A_1055 : memref<5064x128xf32, #tpu.memory_space<vmem_shared>>) offsets(%dma_start3A_1052 : memref<32xi32, #tpu.memory_space<vmem>>) semaphore(%arg16 : memref<!tpu.dma_semaphore, #tpu.memory_space<semaphore_mem>>) {add = true}
      %dma_wait3A_1056 = arith.constant 0 : i32
      %dma_wait3A_1057 = arith.constant 0 : i32
      %dma_wait3A_1058 = tpu.memref_slice %arg2[%dma_wait3A_1056, %dma_wait3A_1057] : memref<10000x128xf32, #tpu.memory_space<hbm>> -> memref<32x128xf32, #tpu.memory_space<hbm>>
      %dma_wait3A_1059 = arith.constant 0 : i32
      %dma_wait3A_1060 = arith.constant 0 : i32
      %dma_wait3A_1061 = tpu.memref_slice %arg2[%dma_wait3A_1059, %dma_wait3A_1060] : memref<10000x128xf32, #tpu.memory_space<hbm>> -> memref<32x128xf32, #tpu.memory_space<hbm>>
      tpu.wait_dma2 semaphore(%arg15 : memref<!tpu.dma_semaphore, #tpu.memory_space<semaphore_mem>>) src(%dma_wait3A_1061 : memref<32x128xf32, #tpu.memory_space<hbm>>) dst(%arg7 : memref<32x128xf32, #tpu.memory_space<vmem>>)
      %dma_start3A_1062 = arith.constant 6 : i32
      %dma_start3A_1063 = arith.constant 0 : i32
      %dma_start3A_1064 = tpu.memref_slice %arg10[%dma_start3A_1062, %dma_start3A_1063] : memref<8x64xi32, #tpu.memory_space<vmem>> -> memref<1x32xi32, #tpu.memory_space<vmem>>
      %dma_start3A_1065 = tpu.memref_squeeze %dma_start3A_1064 : memref<1x32xi32, #tpu.memory_space<vmem>> -> memref<32xi32, #tpu.memory_space<vmem>>
      %dma_start3A_1066 = arith.constant 0 : i32
      %dma_start3A_1067 = arith.constant 0 : i32
      %dma_start3A_1068 = tpu.memref_slice %arg5[%dma_start3A_1066, %dma_start3A_1067] : memref<10000x128xf32, #tpu.memory_space<vmem_shared>> -> memref<10000x128xf32, #tpu.memory_space<vmem_shared>>
      tpu.enqueue_indirect_dma source(%dma_start3A_1068 : memref<10000x128xf32, #tpu.memory_space<vmem_shared>>) target(%arg7 : memref<32x128xf32, #tpu.memory_space<vmem>>) offsets(%dma_start3A_1065 : memref<32xi32, #tpu.memory_space<vmem>>) semaphore(%arg13 : memref<!tpu.dma_semaphore, #tpu.memory_space<semaphore_mem>>)
      %dma_wait3A_1069 = arith.constant 0 : i32
      %dma_wait3A_1070 = arith.constant 0 : i32
      %dma_wait3A_1071 = tpu.memref_slice %arg2[%dma_wait3A_1069, %dma_wait3A_1070] : memref<10000x128xf32, #tpu.memory_space<hbm>> -> memref<32x128xf32, #tpu.memory_space<hbm>>
      %dma_wait3A_1072 = arith.constant 0 : i32
      %dma_wait3A_1073 = arith.constant 0 : i32
      %dma_wait3A_1074 = tpu.memref_slice %arg2[%dma_wait3A_1072, %dma_wait3A_1073] : memref<10000x128xf32, #tpu.memory_space<hbm>> -> memref<32x128xf32, #tpu.memory_space<hbm>>
      tpu.wait_dma2 semaphore(%arg13 : memref<!tpu.dma_semaphore, #tpu.memory_space<semaphore_mem>>) src(%dma_wait3A_1074 : memref<32x128xf32, #tpu.memory_space<hbm>>) dst(%arg7 : memref<32x128xf32, #tpu.memory_space<vmem>>)
      %get3A_1075 = arith.constant 6 : i32
      %get3A_1076 = arith.index_cast %get3A_1075 : i32 to index
      %get3A_1077 = arith.constant 32 : index
      %get3A_1078 = tpu.vector_load %arg10[%get3A_1076, %get3A_1077] {strides = array<i32>} : memref<8x64xi32, #tpu.memory_space<vmem>>, vector<16xi32>,
      %sub3A_1079 = vector.broadcast %mul3A_76 : i32 to vector<16xi32>
      %sub3A_1080 = arith.subi %get3A_1078, %sub3A_1079 : vector<16xi32>
      %lt3A_1081 = arith.constant 0 : i32
      %lt3A_1082 = vector.broadcast %lt3A_1081 : i32 to vector<16xi32>
      %lt3A_1083 = arith.cmpi slt, %sub3A_1080, %lt3A_1082 : vector<16xi32>
      %ge3A_1084 = arith.constant 5056 : i32
      %ge3A_1085 = vector.broadcast %ge3A_1084 : i32 to vector<16xi32>
      %ge3A_1086 = arith.cmpi sge, %sub3A_1080, %ge3A_1085 : vector<16xi32>
      %or3A_1087 = arith.ori %lt3A_1083, %ge3A_1086 : vector<16xi1>
      %jit3A_1088 = arith.constant 5056 : i32
      %broadcast_in_dim3A_1089 = vector.broadcast %jit3A_1088 : i32 to vector<16xi32>
      %select_n3A_1090 = arith.select %or3A_1087, %broadcast_in_dim3A_1089, %sub3A_1080 : vector<16xi1>, vector<16xi32>
      %swap3A_1091 = arith.constant 0 : i32
      %swap3A_1092 = arith.index_cast %swap3A_1091 : i32 to index
      %swap3A_1093 = arith.constant 0 : index
      %swap3A_1094 = tpu.vector_load %arg11[%swap3A_1092, %swap3A_1093] {strides = array<i32>} : memref<1x32xi32, #tpu.memory_space<vmem>>, vector<16xi32>,
      tpu.vector_store %arg11[%swap3A_1092, %swap3A_1093], %select_n3A_1090 {strides = array<i32>} : memref<1x32xi32, #tpu.memory_space<vmem>>, vector<16xi32>,
      %get3A_1095 = arith.constant 6 : i32
      %get3A_1096 = arith.index_cast %get3A_1095 : i32 to index
      %get3A_1097 = arith.constant 48 : index
      %get3A_1098 = tpu.vector_load %arg10[%get3A_1096, %get3A_1097] {strides = array<i32>} : memref<8x64xi32, #tpu.memory_space<vmem>>, vector<16xi32>,
      %sub3A_1099 = vector.broadcast %mul3A_76 : i32 to vector<16xi32>
      %sub3A_1100 = arith.subi %get3A_1098, %sub3A_1099 : vector<16xi32>
      %lt3A_1101 = arith.constant 0 : i32
      %lt3A_1102 = vector.broadcast %lt3A_1101 : i32 to vector<16xi32>
      %lt3A_1103 = arith.cmpi slt, %sub3A_1100, %lt3A_1102 : vector<16xi32>
      %ge3A_1104 = arith.constant 5056 : i32
      %ge3A_1105 = vector.broadcast %ge3A_1104 : i32 to vector<16xi32>
      %ge3A_1106 = arith.cmpi sge, %sub3A_1100, %ge3A_1105 : vector<16xi32>
      %or3A_1107 = arith.ori %lt3A_1103, %ge3A_1106 : vector<16xi1>
      %jit3A_1108 = arith.constant 5056 : i32
      %broadcast_in_dim3A_1109 = vector.broadcast %jit3A_1108 : i32 to vector<16xi32>
      %select_n3A_1110 = arith.select %or3A_1107, %broadcast_in_dim3A_1109, %sub3A_1100 : vector<16xi1>, vector<16xi32>
      %swap3A_1111 = arith.constant 0 : i32
      %swap3A_1112 = arith.index_cast %swap3A_1111 : i32 to index
      %swap3A_1113 = arith.constant 16 : index
      %swap3A_1114 = tpu.vector_load %arg11[%swap3A_1112, %swap3A_1113] {strides = array<i32>} : memref<1x32xi32, #tpu.memory_space<vmem>>, vector<16xi32>,
      tpu.vector_store %arg11[%swap3A_1112, %swap3A_1113], %select_n3A_1110 {strides = array<i32>} : memref<1x32xi32, #tpu.memory_space<vmem>>, vector<16xi32>,
      %dma_start3A_1115 = arith.constant 0 : i32
      %dma_start3A_1116 = arith.constant 0 : i32
      %dma_start3A_1117 = tpu.memref_slice %arg11[%dma_start3A_1115, %dma_start3A_1116] : memref<1x32xi32, #tpu.memory_space<vmem>> -> memref<1x32xi32, #tpu.memory_space<vmem>>
      %dma_start3A_1118 = tpu.memref_squeeze %dma_start3A_1117 : memref<1x32xi32, #tpu.memory_space<vmem>> -> memref<32xi32, #tpu.memory_space<vmem>>
      %dma_start3A_1119 = arith.constant 0 : i32
      %dma_start3A_1120 = arith.constant 0 : i32
      %dma_start3A_1121 = tpu.memref_slice %arg6[%dma_start3A_1119, %dma_start3A_1120] : memref<5064x128xf32, #tpu.memory_space<vmem_shared>> -> memref<5064x128xf32, #tpu.memory_space<vmem_shared>>
      tpu.enqueue_indirect_dma source(%arg7 : memref<32x128xf32, #tpu.memory_space<vmem>>) target(%dma_start3A_1121 : memref<5064x128xf32, #tpu.memory_space<vmem_shared>>) offsets(%dma_start3A_1118 : memref<32xi32, #tpu.memory_space<vmem>>) semaphore(%arg15 : memref<!tpu.dma_semaphore, #tpu.memory_space<semaphore_mem>>) {add = true}
      %dma_wait3A_1122 = arith.constant 0 : i32
      %dma_wait3A_1123 = arith.constant 0 : i32
      %dma_wait3A_1124 = tpu.memref_slice %arg2[%dma_wait3A_1122, %dma_wait3A_1123] : memref<10000x128xf32, #tpu.memory_space<hbm>> -> memref<32x128xf32, #tpu.memory_space<hbm>>
      %dma_wait3A_1125 = arith.constant 0 : i32
      %dma_wait3A_1126 = arith.constant 0 : i32
      %dma_wait3A_1127 = tpu.memref_slice %arg2[%dma_wait3A_1125, %dma_wait3A_1126] : memref<10000x128xf32, #tpu.memory_space<hbm>> -> memref<32x128xf32, #tpu.memory_space<hbm>>
      tpu.wait_dma2 semaphore(%arg16 : memref<!tpu.dma_semaphore, #tpu.memory_space<semaphore_mem>>) src(%dma_wait3A_1127 : memref<32x128xf32, #tpu.memory_space<hbm>>) dst(%arg8 : memref<32x128xf32, #tpu.memory_space<vmem>>)
      %dma_start3A_1128 = arith.constant 7 : i32
      %dma_start3A_1129 = arith.constant 0 : i32
      %dma_start3A_1130 = tpu.memref_slice %arg10[%dma_start3A_1128, %dma_start3A_1129] : memref<8x64xi32, #tpu.memory_space<vmem>> -> memref<1x32xi32, #tpu.memory_space<vmem>>
      %dma_start3A_1131 = tpu.memref_squeeze %dma_start3A_1130 : memref<1x32xi32, #tpu.memory_space<vmem>> -> memref<32xi32, #tpu.memory_space<vmem>>
      %dma_start3A_1132 = arith.constant 0 : i32
      %dma_start3A_1133 = arith.constant 0 : i32
      %dma_start3A_1134 = tpu.memref_slice %arg5[%dma_start3A_1132, %dma_start3A_1133] : memref<10000x128xf32, #tpu.memory_space<vmem_shared>> -> memref<10000x128xf32, #tpu.memory_space<vmem_shared>>
      tpu.enqueue_indirect_dma source(%dma_start3A_1134 : memref<10000x128xf32, #tpu.memory_space<vmem_shared>>) target(%arg8 : memref<32x128xf32, #tpu.memory_space<vmem>>) offsets(%dma_start3A_1131 : memref<32xi32, #tpu.memory_space<vmem>>) semaphore(%arg14 : memref<!tpu.dma_semaphore, #tpu.memory_space<semaphore_mem>>)
      %dma_wait3A_1135 = arith.constant 0 : i32
      %dma_wait3A_1136 = arith.constant 0 : i32
      %dma_wait3A_1137 = tpu.memref_slice %arg2[%dma_wait3A_1135, %dma_wait3A_1136] : memref<10000x128xf32, #tpu.memory_space<hbm>> -> memref<32x128xf32, #tpu.memory_space<hbm>>
      %dma_wait3A_1138 = arith.constant 0 : i32
      %dma_wait3A_1139 = arith.constant 0 : i32
      %dma_wait3A_1140 = tpu.memref_slice %arg2[%dma_wait3A_1138, %dma_wait3A_1139] : memref<10000x128xf32, #tpu.memory_space<hbm>> -> memref<32x128xf32, #tpu.memory_space<hbm>>
      tpu.wait_dma2 semaphore(%arg14 : memref<!tpu.dma_semaphore, #tpu.memory_space<semaphore_mem>>) src(%dma_wait3A_1140 : memref<32x128xf32, #tpu.memory_space<hbm>>) dst(%arg8 : memref<32x128xf32, #tpu.memory_space<vmem>>)
      %get3A_1141 = arith.constant 7 : i32
      %get3A_1142 = arith.index_cast %get3A_1141 : i32 to index
      %get3A_1143 = arith.constant 32 : index
      %get3A_1144 = tpu.vector_load %arg10[%get3A_1142, %get3A_1143] {strides = array<i32>} : memref<8x64xi32, #tpu.memory_space<vmem>>, vector<16xi32>,
      %sub3A_1145 = vector.broadcast %mul3A_76 : i32 to vector<16xi32>
      %sub3A_1146 = arith.subi %get3A_1144, %sub3A_1145 : vector<16xi32>
      %lt3A_1147 = arith.constant 0 : i32
      %lt3A_1148 = vector.broadcast %lt3A_1147 : i32 to vector<16xi32>
      %lt3A_1149 = arith.cmpi slt, %sub3A_1146, %lt3A_1148 : vector<16xi32>
      %ge3A_1150 = arith.constant 5056 : i32
      %ge3A_1151 = vector.broadcast %ge3A_1150 : i32 to vector<16xi32>
      %ge3A_1152 = arith.cmpi sge, %sub3A_1146, %ge3A_1151 : vector<16xi32>
      %or3A_1153 = arith.ori %lt3A_1149, %ge3A_1152 : vector<16xi1>
      %jit3A_1154 = arith.constant 5056 : i32
      %broadcast_in_dim3A_1155 = vector.broadcast %jit3A_1154 : i32 to vector<16xi32>
      %select_n3A_1156 = arith.select %or3A_1153, %broadcast_in_dim3A_1155, %sub3A_1146 : vector<16xi1>, vector<16xi32>
      %swap3A_1157 = arith.constant 0 : i32
      %swap3A_1158 = arith.index_cast %swap3A_1157 : i32 to index
      %swap3A_1159 = arith.constant 0 : index
      %swap3A_1160 = tpu.vector_load %arg12[%swap3A_1158, %swap3A_1159] {strides = array<i32>} : memref<1x32xi32, #tpu.memory_space<vmem>>, vector<16xi32>,
      tpu.vector_store %arg12[%swap3A_1158, %swap3A_1159], %select_n3A_1156 {strides = array<i32>} : memref<1x32xi32, #tpu.memory_space<vmem>>, vector<16xi32>,
      %get3A_1161 = arith.constant 7 : i32
      %get3A_1162 = arith.index_cast %get3A_1161 : i32 to index
      %get3A_1163 = arith.constant 48 : index
      %get3A_1164 = tpu.vector_load %arg10[%get3A_1162, %get3A_1163] {strides = array<i32>} : memref<8x64xi32, #tpu.memory_space<vmem>>, vector<16xi32>,
      %sub3A_1165 = vector.broadcast %mul3A_76 : i32 to vector<16xi32>
      %sub3A_1166 = arith.subi %get3A_1164, %sub3A_1165 : vector<16xi32>
      %lt3A_1167 = arith.constant 0 : i32
      %lt3A_1168 = vector.broadcast %lt3A_1167 : i32 to vector<16xi32>
      %lt3A_1169 = arith.cmpi slt, %sub3A_1166, %lt3A_1168 : vector<16xi32>
      %ge3A_1170 = arith.constant 5056 : i32
      %ge3A_1171 = vector.broadcast %ge3A_1170 : i32 to vector<16xi32>
      %ge3A_1172 = arith.cmpi sge, %sub3A_1166, %ge3A_1171 : vector<16xi32>
      %or3A_1173 = arith.ori %lt3A_1169, %ge3A_1172 : vector<16xi1>
      %jit3A_1174 = arith.constant 5056 : i32
      %broadcast_in_dim3A_1175 = vector.broadcast %jit3A_1174 : i32 to vector<16xi32>
      %select_n3A_1176 = arith.select %or3A_1173, %broadcast_in_dim3A_1175, %sub3A_1166 : vector<16xi1>, vector<16xi32>
      %swap3A_1177 = arith.constant 0 : i32
      %swap3A_1178 = arith.index_cast %swap3A_1177 : i32 to index
      %swap3A_1179 = arith.constant 16 : index
      %swap3A_1180 = tpu.vector_load %arg12[%swap3A_1178, %swap3A_1179] {strides = array<i32>} : memref<1x32xi32, #tpu.memory_space<vmem>>, vector<16xi32>,
      tpu.vector_store %arg12[%swap3A_1178, %swap3A_1179], %select_n3A_1176 {strides = array<i32>} : memref<1x32xi32, #tpu.memory_space<vmem>>, vector<16xi32>,
      %dma_start3A_1181 = arith.constant 0 : i32
      %dma_start3A_1182 = arith.constant 0 : i32
      %dma_start3A_1183 = tpu.memref_slice %arg12[%dma_start3A_1181, %dma_start3A_1182] : memref<1x32xi32, #tpu.memory_space<vmem>> -> memref<1x32xi32, #tpu.memory_space<vmem>>
      %dma_start3A_1184 = tpu.memref_squeeze %dma_start3A_1183 : memref<1x32xi32, #tpu.memory_space<vmem>> -> memref<32xi32, #tpu.memory_space<vmem>>
      %dma_start3A_1185 = arith.constant 0 : i32
      %dma_start3A_1186 = arith.constant 0 : i32
      %dma_start3A_1187 = tpu.memref_slice %arg6[%dma_start3A_1185, %dma_start3A_1186] : memref<5064x128xf32, #tpu.memory_space<vmem_shared>> -> memref<5064x128xf32, #tpu.memory_space<vmem_shared>>
      tpu.enqueue_indirect_dma source(%arg8 : memref<32x128xf32, #tpu.memory_space<vmem>>) target(%dma_start3A_1187 : memref<5064x128xf32, #tpu.memory_space<vmem_shared>>) offsets(%dma_start3A_1184 : memref<32xi32, #tpu.memory_space<vmem>>) semaphore(%arg16 : memref<!tpu.dma_semaphore, #tpu.memory_space<semaphore_mem>>) {add = true}
      %dma_wait3A_1188 = arith.constant 0 : i32
      %dma_wait3A_1189 = arith.constant 0 : i32
      %dma_wait3A_1190 = tpu.memref_slice %arg2[%dma_wait3A_1188, %dma_wait3A_1189] : memref<10000x128xf32, #tpu.memory_space<hbm>> -> memref<32x128xf32, #tpu.memory_space<hbm>>
      %dma_wait3A_1191 = arith.constant 0 : i32
      %dma_wait3A_1192 = arith.constant 0 : i32
      %dma_wait3A_1193 = tpu.memref_slice %arg2[%dma_wait3A_1191, %dma_wait3A_1192] : memref<10000x128xf32, #tpu.memory_space<hbm>> -> memref<32x128xf32, #tpu.memory_space<hbm>>
      tpu.wait_dma2 semaphore(%arg15 : memref<!tpu.dma_semaphore, #tpu.memory_space<semaphore_mem>>) src(%dma_wait3A_1193 : memref<32x128xf32, #tpu.memory_space<hbm>>) dst(%arg7 : memref<32x128xf32, #tpu.memory_space<vmem>>)
      %dma_start3A_1194 = arith.constant 0 : i32
      %dma_start3A_1195 = arith.constant 0 : i32
      %dma_start3A_1196 = tpu.memref_slice %arg9[%dma_start3A_1194, %dma_start3A_1195] : memref<8x64xi32, #tpu.memory_space<vmem>> -> memref<1x32xi32, #tpu.memory_space<vmem>>
      %dma_start3A_1197 = tpu.memref_squeeze %dma_start3A_1196 : memref<1x32xi32, #tpu.memory_space<vmem>> -> memref<32xi32, #tpu.memory_space<vmem>>
      %dma_start3A_1198 = arith.constant 0 : i32
      %dma_start3A_1199 = arith.constant 0 : i32
      %dma_start3A_1200 = tpu.memref_slice %arg5[%dma_start3A_1198, %dma_start3A_1199] : memref<10000x128xf32, #tpu.memory_space<vmem_shared>> -> memref<10000x128xf32, #tpu.memory_space<vmem_shared>>
      tpu.enqueue_indirect_dma source(%dma_start3A_1200 : memref<10000x128xf32, #tpu.memory_space<vmem_shared>>) target(%arg7 : memref<32x128xf32, #tpu.memory_space<vmem>>) offsets(%dma_start3A_1197 : memref<32xi32, #tpu.memory_space<vmem>>) semaphore(%arg13 : memref<!tpu.dma_semaphore, #tpu.memory_space<semaphore_mem>>)
      %mul3A_1201 = arith.constant 2 : i32
      %mul3A_1202 = arith.muli %mul3A_1201, %scan3A_125 : i32
      %add3A_1203 = arith.constant 3 : i32
      %add3A_1204 = arith.addi %mul3A_1202, %add3A_1203 : i32
      %min3A_1205 = arith.constant 79 : i32
      %min3A_1206 = arith.minsi %add3A_1204, %min3A_1205 : i32
      %mul3A_1207 = arith.constant 8 : i32
      %mul3A_1208 = arith.muli %min3A_1206, %mul3A_1207 : i32
      %add3A_1209 = arith.addi %mul3A_74, %mul3A_1208 : i32
      %dma_start3A_1210 = arith.constant 0 : i32
      %dma_start3A_1211 = tpu.memref_slice %arg3[%add3A_1209, %dma_start3A_1210] : memref<10240x64xi32, #tpu.memory_space<hbm>> -> memref<8x64xi32, #tpu.memory_space<hbm>>
      %dma_start3A_1212 = arith.constant 0 : i32
      %dma_start3A_1213 = tpu.memref_slice %arg3[%add3A_1209, %dma_start3A_1212] : memref<10240x64xi32, #tpu.memory_space<hbm>> -> memref<8x64xi32, #tpu.memory_space<hbm>>
      tpu.enqueue_dma source(%dma_start3A_1213 : memref<8x64xi32, #tpu.memory_space<hbm>>) target(%arg10 : memref<8x64xi32, #tpu.memory_space<vmem>>) target_semaphore(%arg17 : memref<!tpu.dma_semaphore, #tpu.memory_space<semaphore_mem>>)
      %scan3A_1214 = arith.constant 0 : i32
      scf.yield %scan3A_1214 : i32
    }
    %scan3A_97 = arith.constant 40 : i32
    %dma_wait3A = arith.constant 0 : i32
    %dma_wait3A_98 = arith.constant 0 : i32
    %dma_wait3A_99 = tpu.memref_slice %arg3[%dma_wait3A, %dma_wait3A_98] : memref<10240x64xi32, #tpu.memory_space<hbm>> -> memref<8x64xi32, #tpu.memory_space<hbm>>
    %dma_wait3A_100 = arith.constant 0 : i32
    %dma_wait3A_101 = arith.constant 0 : i32
    %dma_wait3A_102 = tpu.memref_slice %arg3[%dma_wait3A_100, %dma_wait3A_101] : memref<10240x64xi32, #tpu.memory_space<hbm>> -> memref<8x64xi32, #tpu.memory_space<hbm>>
    tpu.wait_dma2 semaphore(%arg17 : memref<!tpu.dma_semaphore, #tpu.memory_space<semaphore_mem>>) src(%dma_wait3A_102 : memref<8x64xi32, #tpu.memory_space<hbm>>) dst(%arg10 : memref<8x64xi32, #tpu.memory_space<vmem>>)
    %dma_wait3A_103 = arith.constant 0 : i32
    %dma_wait3A_104 = arith.constant 0 : i32
    %dma_wait3A_105 = tpu.memref_slice %arg2[%dma_wait3A_103, %dma_wait3A_104] : memref<10000x128xf32, #tpu.memory_space<hbm>> -> memref<32x128xf32, #tpu.memory_space<hbm>>
    %dma_wait3A_106 = arith.constant 0 : i32
    %dma_wait3A_107 = arith.constant 0 : i32
    %dma_wait3A_108 = tpu.memref_slice %arg2[%dma_wait3A_106, %dma_wait3A_107] : memref<10000x128xf32, #tpu.memory_space<hbm>> -> memref<32x128xf32, #tpu.memory_space<hbm>>
    tpu.wait_dma2 semaphore(%arg16 : memref<!tpu.dma_semaphore, #tpu.memory_space<semaphore_mem>>) src(%dma_wait3A_108 : memref<32x128xf32, #tpu.memory_space<hbm>>) dst(%arg8 : memref<32x128xf32, #tpu.memory_space<vmem>>)
    %dma_wait3A_109 = arith.constant 0 : i32
    %dma_wait3A_110 = arith.constant 0 : i32
    %dma_wait3A_111 = tpu.memref_slice %arg2[%dma_wait3A_109, %dma_wait3A_110] : memref<10000x128xf32, #tpu.memory_space<hbm>> -> memref<32x128xf32, #tpu.memory_space<hbm>>
    %dma_wait3A_112 = arith.constant 0 : i32
    %dma_wait3A_113 = arith.constant 0 : i32
    %dma_wait3A_114 = tpu.memref_slice %arg2[%dma_wait3A_112, %dma_wait3A_113] : memref<10000x128xf32, #tpu.memory_space<hbm>> -> memref<32x128xf32, #tpu.memory_space<hbm>>
    tpu.wait_dma2 semaphore(%arg13 : memref<!tpu.dma_semaphore, #tpu.memory_space<semaphore_mem>>) src(%dma_wait3A_114 : memref<32x128xf32, #tpu.memory_space<hbm>>) dst(%arg7 : memref<32x128xf32, #tpu.memory_space<vmem>>)
    %barrier3A_115 = arith.constant 0 : index
    tpu.barrier barrier_id(%barrier3A_115)
    %mul3A_116 = arith.constant 312 : i32
    %mul3A_117 = arith.muli %arg1, %mul3A_116 : i32
    %mul3A_118 = arith.constant 312 : i32
    %mul3A_119 = arith.muli %arg1, %mul3A_118 : i32
    "tpu.region"() ({
      %run_scoped3A = tpu.sem_alloc : memref<!tpu.dma_semaphore, #tpu.memory_space<semaphore_mem>>
      %dma_start3A_125 = arith.constant 0 : i32
      %dma_start3A_126 = tpu.memref_slice %arg4[%arg0, %mul3A_119, %dma_start3A_125] : memref<2x5064x128xf32, #tpu.memory_space<hbm>> -> memref<1x312x128xf32, #tpu.memory_space<hbm>>
      %dma_start3A_127 = tpu.memref_squeeze %dma_start3A_126 : memref<1x312x128xf32, #tpu.memory_space<hbm>> -> memref<312x128xf32, #tpu.memory_space<hbm>>
      %dma_start3A_128 = arith.constant 0 : i32
      %dma_start3A_129 = tpu.memref_slice %arg6[%mul3A_117, %dma_start3A_128] : memref<5064x128xf32, #tpu.memory_space<vmem_shared>> -> memref<312x128xf32, #tpu.memory_space<vmem_shared>>
      tpu.enqueue_dma source(%dma_start3A_129 : memref<312x128xf32, #tpu.memory_space<vmem_shared>>) target(%dma_start3A_127 : memref<312x128xf32, #tpu.memory_space<hbm>>) target_semaphore(%run_scoped3A : memref<!tpu.dma_semaphore, #tpu.memory_space<semaphore_mem>>)
      %dma_wait3A_130 = arith.constant 0 : i32
      %dma_wait3A_131 = tpu.memref_slice %arg4[%arg0, %mul3A_119, %dma_wait3A_130] : memref<2x5064x128xf32, #tpu.memory_space<hbm>> -> memref<1x312x128xf32, #tpu.memory_space<hbm>>
      %dma_wait3A_132 = tpu.memref_squeeze %dma_wait3A_131 : memref<1x312x128xf32, #tpu.memory_space<hbm>> -> memref<312x128xf32, #tpu.memory_space<hbm>>
      %dma_wait3A_133 = arith.constant 0 : i32
      %dma_wait3A_134 = tpu.memref_slice %arg6[%mul3A_117, %dma_wait3A_133] : memref<5064x128xf32, #tpu.memory_space<vmem_shared>> -> memref<312x128xf32, #tpu.memory_space<vmem_shared>>
      tpu.wait_dma2 semaphore(%run_scoped3A : memref<!tpu.dma_semaphore, #tpu.memory_space<semaphore_mem>>) src(%dma_wait3A_134 : memref<312x128xf32, #tpu.memory_space<vmem_shared>>) dst(%dma_wait3A_132 : memref<312x128xf32, #tpu.memory_space<hbm>>)
      tpu.yield
    }) : () -> ()
    %lt3A_120 = arith.constant 9 : i32
    %lt3A_121 = arith.cmpi slt, %arg1, %lt3A_120 : i32
    %convert_element_type3A_122 = arith.extui %lt3A_121 : i1 to i32
    %cond3A_123 = arith.constant 0 : i32
    %cond3A_124 = arith.cmpi ne, %convert_element_type3A_122, %cond3A_123 : i32
    scf.if %cond3A_124 {
      %mul3A_125 = arith.constant 8 : i32
      %mul3A_126 = arith.muli %arg1, %mul3A_125 : i32
      %add3A_127 = arith.constant 4992 : i32
      %add3A_128 = arith.addi %add3A_127, %mul3A_126 : i32
      %mul3A_129 = arith.constant 8 : i32
      %mul3A_130 = arith.muli %arg1, %mul3A_129 : i32
      %add3A_131 = arith.constant 4992 : i32
      %add3A_132 = arith.addi %add3A_131, %mul3A_130 : i32
      "tpu.region"() ({
        %run_scoped3A = tpu.sem_alloc : memref<!tpu.dma_semaphore, #tpu.memory_space<semaphore_mem>>
        %dma_start3A_133 = arith.constant 0 : i32
        %dma_start3A_134 = tpu.memref_slice %arg4[%arg0, %add3A_132, %dma_start3A_133] : memref<2x5064x128xf32, #tpu.memory_space<hbm>> -> memref<1x8x128xf32, #tpu.memory_space<hbm>>
        %dma_start3A_135 = tpu.memref_squeeze %dma_start3A_134 : memref<1x8x128xf32, #tpu.memory_space<hbm>> -> memref<8x128xf32, #tpu.memory_space<hbm>>
        %dma_start3A_136 = arith.constant 0 : i32
        %dma_start3A_137 = tpu.memref_slice %arg6[%add3A_128, %dma_start3A_136] : memref<5064x128xf32, #tpu.memory_space<vmem_shared>> -> memref<8x128xf32, #tpu.memory_space<vmem_shared>>
        tpu.enqueue_dma source(%dma_start3A_137 : memref<8x128xf32, #tpu.memory_space<vmem_shared>>) target(%dma_start3A_135 : memref<8x128xf32, #tpu.memory_space<hbm>>) target_semaphore(%run_scoped3A : memref<!tpu.dma_semaphore, #tpu.memory_space<semaphore_mem>>)
        %dma_wait3A_138 = arith.constant 0 : i32
        %dma_wait3A_139 = tpu.memref_slice %arg4[%arg0, %add3A_132, %dma_wait3A_138] : memref<2x5064x128xf32, #tpu.memory_space<hbm>> -> memref<1x8x128xf32, #tpu.memory_space<hbm>>
        %dma_wait3A_140 = tpu.memref_squeeze %dma_wait3A_139 : memref<1x8x128xf32, #tpu.memory_space<hbm>> -> memref<8x128xf32, #tpu.memory_space<hbm>>
        %dma_wait3A_141 = arith.constant 0 : i32
        %dma_wait3A_142 = tpu.memref_slice %arg6[%add3A_128, %dma_wait3A_141] : memref<5064x128xf32, #tpu.memory_space<vmem_shared>> -> memref<8x128xf32, #tpu.memory_space<vmem_shared>>
        tpu.wait_dma2 semaphore(%run_scoped3A : memref<!tpu.dma_semaphore, #tpu.memory_space<semaphore_mem>>) src(%dma_wait3A_142 : memref<8x128xf32, #tpu.memory_space<vmem_shared>>) dst(%dma_wait3A_140 : memref<8x128xf32, #tpu.memory_space<hbm>>)
        tpu.yield
      }) : () -> ()
    } else {
    }
    return
  }
}

#map = affine_map<(d0, d1) -> (0, 0)>
module attributes {stable_mosaic.version = 14 : i64} {
  func.func @_deg_kernel(%arg0: i32, %arg1: i32, %arg2: memref<2560x128xi32, #tpu.memory_space<hbm>>, %arg3: memref<32x10112xf32, #tpu.memory_space<hbm>>, %arg4: memref<80x128xi32, #tpu.memory_space<vmem>>, %arg5: memref<10112xf32, #tpu.memory_space<vmem>>) attributes {dimension_semantics = [#tpu.dimension_semantics<core_parallel>, #tpu.dimension_semantics<subcore_parallel>], iteration_bounds = array<i64: 2, 16>, scalar_prefetch = 0 : i64, scratch_operands = 2 : i64, tpu.core_type = #tpu.core_type<sc_vector_subcore>, window_params = [{transform_indices = #map}, {transform_indices = #map}]} {
    %mul3A = arith.constant 16 : i32
    %mul3A_0 = arith.muli %arg0, %mul3A : i32
    %add3A = arith.addi %mul3A_0, %arg1 : i32
    %broadcast_in_dim3A = arith.constant 0.000000e+00 : f32
    %broadcast_in_dim3A_1 = vector.broadcast %broadcast_in_dim3A : f32 to vector<16xf32>
    %broadcast_in_dim3A_2 = arith.constant 1.000000e+00 : f32
    %broadcast_in_dim3A_3 = vector.broadcast %broadcast_in_dim3A_2 : f32 to vector<16xf32>
    %scan3A = arith.constant 0 : i32
    %scan3A_4 = arith.constant 0 : i32
    %scan3A_5 = arith.constant 632 : i32
    %scan3A_6 = arith.addi %scan3A_4, %scan3A_5 : i32
    %scan3A_7 = arith.constant 1 : i32
    %scan3A_8 = scf.for %scan3A_19 = %scan3A_4 to %scan3A_6 step %scan3A_7 iter_args(%scan3A_20 = %scan3A) -> (i32)  : i32 {
      %mul3A_21 = arith.constant 16 : i32
      %mul3A_22 = arith.muli %scan3A_19, %mul3A_21 : i32
      %swap3A = arith.index_cast %mul3A_22 : i32 to index
      %swap3A_23 = tpu.vector_load %arg5[%swap3A] {strides = array<i32>} : memref<10112xf32, #tpu.memory_space<vmem>>, vector<16xf32>,
      tpu.vector_store %arg5[%swap3A], %broadcast_in_dim3A_1 {strides = array<i32>} : memref<10112xf32, #tpu.memory_space<vmem>>, vector<16xf32>,
      %scan3A_24 = arith.constant 0 : i32
      scf.yield %scan3A_24 : i32
    }
    %scan3A_9 = arith.constant 632 : i32
    %mul3A_10 = arith.constant 80 : i32
    %mul3A_11 = arith.muli %add3A, %mul3A_10 : i32
    "tpu.region"() ({
      %run_scoped3A = tpu.sem_alloc : memref<!tpu.dma_semaphore, #tpu.memory_space<semaphore_mem>>
      %dma_start3A = arith.constant 0 : i32
      %dma_start3A_19 = tpu.memref_slice %arg2[%mul3A_11, %dma_start3A] : memref<2560x128xi32, #tpu.memory_space<hbm>> -> memref<80x128xi32, #tpu.memory_space<hbm>>
      %dma_start3A_20 = arith.constant 0 : i32
      %dma_start3A_21 = tpu.memref_slice %arg2[%mul3A_11, %dma_start3A_20] : memref<2560x128xi32, #tpu.memory_space<hbm>> -> memref<80x128xi32, #tpu.memory_space<hbm>>
      tpu.enqueue_dma source(%dma_start3A_21 : memref<80x128xi32, #tpu.memory_space<hbm>>) target(%arg4 : memref<80x128xi32, #tpu.memory_space<vmem>>) target_semaphore(%run_scoped3A : memref<!tpu.dma_semaphore, #tpu.memory_space<semaphore_mem>>)
      %dma_wait3A = arith.constant 0 : i32
      %dma_wait3A_22 = tpu.memref_slice %arg2[%mul3A_11, %dma_wait3A] : memref<2560x128xi32, #tpu.memory_space<hbm>> -> memref<80x128xi32, #tpu.memory_space<hbm>>
      %dma_wait3A_23 = arith.constant 0 : i32
      %dma_wait3A_24 = tpu.memref_slice %arg2[%mul3A_11, %dma_wait3A_23] : memref<2560x128xi32, #tpu.memory_space<hbm>> -> memref<80x128xi32, #tpu.memory_space<hbm>>
      tpu.wait_dma2 semaphore(%run_scoped3A : memref<!tpu.dma_semaphore, #tpu.memory_space<semaphore_mem>>) src(%dma_wait3A_24 : memref<80x128xi32, #tpu.memory_space<hbm>>) dst(%arg4 : memref<80x128xi32, #tpu.memory_space<vmem>>)
      tpu.yield
    }) : () -> ()
    %scan3A_12 = arith.constant 0 : i32
    %scan3A_13 = arith.constant 0 : i32
    %scan3A_14 = arith.constant 80 : i32
    %scan3A_15 = arith.addi %scan3A_13, %scan3A_14 : i32
    %scan3A_16 = arith.constant 1 : i32
    %scan3A_17 = scf.for %scan3A_19 = %scan3A_13 to %scan3A_15 step %scan3A_16 iter_args(%scan3A_20 = %scan3A_12) -> (i32)  : i32 {
      %get3A = arith.index_cast %scan3A_19 : i32 to index
      %get3A_21 = arith.constant 0 : index
      %get3A_22 = tpu.vector_load %arg4[%get3A, %get3A_21] {strides = array<i32>} : memref<80x128xi32, #tpu.memory_space<vmem>>, vector<16xi32>,
      tpu.vector_store_idx %arg5[%get3A_22], %broadcast_in_dim3A_3 {add = true} : memref<10112xf32, #tpu.memory_space<vmem>>[vector<16xi32>], vector<16xf32>,
      %get3A_23 = arith.index_cast %scan3A_19 : i32 to index
      %get3A_24 = arith.constant 16 : index
      %get3A_25 = tpu.vector_load %arg4[%get3A_23, %get3A_24] {strides = array<i32>} : memref<80x128xi32, #tpu.memory_space<vmem>>, vector<16xi32>,
      tpu.vector_store_idx %arg5[%get3A_25], %broadcast_in_dim3A_3 {add = true} : memref<10112xf32, #tpu.memory_space<vmem>>[vector<16xi32>], vector<16xf32>,
      %get3A_26 = arith.index_cast %scan3A_19 : i32 to index
      %get3A_27 = arith.constant 32 : index
      %get3A_28 = tpu.vector_load %arg4[%get3A_26, %get3A_27] {strides = array<i32>} : memref<80x128xi32, #tpu.memory_space<vmem>>, vector<16xi32>,
      tpu.vector_store_idx %arg5[%get3A_28], %broadcast_in_dim3A_3 {add = true} : memref<10112xf32, #tpu.memory_space<vmem>>[vector<16xi32>], vector<16xf32>,
      %get3A_29 = arith.index_cast %scan3A_19 : i32 to index
      %get3A_30 = arith.constant 48 : index
      %get3A_31 = tpu.vector_load %arg4[%get3A_29, %get3A_30] {strides = array<i32>} : memref<80x128xi32, #tpu.memory_space<vmem>>, vector<16xi32>,
      tpu.vector_store_idx %arg5[%get3A_31], %broadcast_in_dim3A_3 {add = true} : memref<10112xf32, #tpu.memory_space<vmem>>[vector<16xi32>], vector<16xf32>,
      %get3A_32 = arith.index_cast %scan3A_19 : i32 to index
      %get3A_33 = arith.constant 64 : index
      %get3A_34 = tpu.vector_load %arg4[%get3A_32, %get3A_33] {strides = array<i32>} : memref<80x128xi32, #tpu.memory_space<vmem>>, vector<16xi32>,
      tpu.vector_store_idx %arg5[%get3A_34], %broadcast_in_dim3A_3 {add = true} : memref<10112xf32, #tpu.memory_space<vmem>>[vector<16xi32>], vector<16xf32>,
      %get3A_35 = arith.index_cast %scan3A_19 : i32 to index
      %get3A_36 = arith.constant 80 : index
      %get3A_37 = tpu.vector_load %arg4[%get3A_35, %get3A_36] {strides = array<i32>} : memref<80x128xi32, #tpu.memory_space<vmem>>, vector<16xi32>,
      tpu.vector_store_idx %arg5[%get3A_37], %broadcast_in_dim3A_3 {add = true} : memref<10112xf32, #tpu.memory_space<vmem>>[vector<16xi32>], vector<16xf32>,
      %get3A_38 = arith.index_cast %scan3A_19 : i32 to index
      %get3A_39 = arith.constant 96 : index
      %get3A_40 = tpu.vector_load %arg4[%get3A_38, %get3A_39] {strides = array<i32>} : memref<80x128xi32, #tpu.memory_space<vmem>>, vector<16xi32>,
      tpu.vector_store_idx %arg5[%get3A_40], %broadcast_in_dim3A_3 {add = true} : memref<10112xf32, #tpu.memory_space<vmem>>[vector<16xi32>], vector<16xf32>,
      %get3A_41 = arith.index_cast %scan3A_19 : i32 to index
      %get3A_42 = arith.constant 112 : index
      %get3A_43 = tpu.vector_load %arg4[%get3A_41, %get3A_42] {strides = array<i32>} : memref<80x128xi32, #tpu.memory_space<vmem>>, vector<16xi32>,
      tpu.vector_store_idx %arg5[%get3A_43], %broadcast_in_dim3A_3 {add = true} : memref<10112xf32, #tpu.memory_space<vmem>>[vector<16xi32>], vector<16xf32>,
      %scan3A_44 = arith.constant 0 : i32
      scf.yield %scan3A_44 : i32
    }
    %scan3A_18 = arith.constant 80 : i32
    "tpu.region"() ({
      %run_scoped3A = tpu.sem_alloc : memref<!tpu.dma_semaphore, #tpu.memory_space<semaphore_mem>>
      %dma_start3A = arith.constant 0 : i32
      %dma_start3A_19 = tpu.memref_slice %arg3[%add3A, %dma_start3A] : memref<32x10112xf32, #tpu.memory_space<hbm>> -> memref<1x10112xf32, #tpu.memory_space<hbm>>
      %dma_start3A_20 = tpu.memref_squeeze %dma_start3A_19 : memref<1x10112xf32, #tpu.memory_space<hbm>> -> memref<10112xf32, #tpu.memory_space<hbm>>
      %dma_start3A_21 = arith.constant 0 : i32
      %dma_start3A_22 = tpu.memref_slice %arg3[%add3A, %dma_start3A_21] : memref<32x10112xf32, #tpu.memory_space<hbm>> -> memref<1x10112xf32, #tpu.memory_space<hbm>>
      %dma_start3A_23 = tpu.memref_squeeze %dma_start3A_22 : memref<1x10112xf32, #tpu.memory_space<hbm>> -> memref<10112xf32, #tpu.memory_space<hbm>>
      tpu.enqueue_dma source(%arg5 : memref<10112xf32, #tpu.memory_space<vmem>>) target(%dma_start3A_23 : memref<10112xf32, #tpu.memory_space<hbm>>) target_semaphore(%run_scoped3A : memref<!tpu.dma_semaphore, #tpu.memory_space<semaphore_mem>>)
      %dma_wait3A = arith.constant 0 : i32
      %dma_wait3A_24 = tpu.memref_slice %arg3[%add3A, %dma_wait3A] : memref<32x10112xf32, #tpu.memory_space<hbm>> -> memref<1x10112xf32, #tpu.memory_space<hbm>>
      %dma_wait3A_25 = tpu.memref_squeeze %dma_wait3A_24 : memref<1x10112xf32, #tpu.memory_space<hbm>> -> memref<10112xf32, #tpu.memory_space<hbm>>
      %dma_wait3A_26 = arith.constant 0 : i32
      %dma_wait3A_27 = tpu.memref_slice %arg3[%add3A, %dma_wait3A_26] : memref<32x10112xf32, #tpu.memory_space<hbm>> -> memref<1x10112xf32, #tpu.memory_space<hbm>>
      %dma_wait3A_28 = tpu.memref_squeeze %dma_wait3A_27 : memref<1x10112xf32, #tpu.memory_space<hbm>> -> memref<10112xf32, #tpu.memory_space<hbm>>
      tpu.wait_dma2 semaphore(%run_scoped3A : memref<!tpu.dma_semaphore, #tpu.memory_space<semaphore_mem>>) src(%arg5 : memref<10112xf32, #tpu.memory_space<vmem>>) dst(%dma_wait3A_28 : memref<10112xf32, #tpu.memory_space<hbm>>)
      tpu.yield
    }) : () -> ()
    return
  }
}

#map = affine_map<(d0, d1) -> (0, 0)>
#map1 = affine_map<(d0, d1) -> (0, 0, 0)>
module attributes {stable_mosaic.version = 14 : i64} {
  func.func @_spmm_kernel(%arg0: i32, %arg1: i32, %arg2: memref<10000x128xf32, #tpu.memory_space<hbm>>, %arg3: memref<10240x64xi32, #tpu.memory_space<hbm>>, %arg4: memref<2x5064x128xf32, #tpu.memory_space<hbm>>, %arg5: memref<10000x128xf32, #tpu.memory_space<vmem_shared>>, %arg6: memref<5064x128xf32, #tpu.memory_space<vmem_shared>>, %arg7: memref<32x128xf32, #tpu.memory_space<vmem>>, %arg8: memref<32x128xf32, #tpu.memory_space<vmem>>, %arg9: memref<8x64xi32, #tpu.memory_space<vmem>>, %arg10: memref<8x64xi32, #tpu.memory_space<vmem>>, %arg11: memref<1x32xi32, #tpu.memory_space<vmem>>, %arg12: memref<1x32xi32, #tpu.memory_space<vmem>>, %arg13: memref<!tpu.dma_semaphore, #tpu.memory_space<semaphore_mem>>, %arg14: memref<!tpu.dma_semaphore, #tpu.memory_space<semaphore_mem>>, %arg15: memref<!tpu.dma_semaphore, #tpu.memory_space<semaphore_mem>>, %arg16: memref<!tpu.dma_semaphore, #tpu.memory_space<semaphore_mem>>, %arg17: memref<!tpu.dma_semaphore, #tpu.memory_space<semaphore_mem>>) attributes {dimension_semantics = [#tpu.dimension_semantics<core_parallel>, #tpu.dimension_semantics<subcore_parallel>], iteration_bounds = array<i64: 2, 16>, scalar_prefetch = 0 : i64, scratch_operands = 13 : i64, tpu.core_type = #tpu.core_type<sc_vector_subcore>, window_params = [{transform_indices = #map}, {transform_indices = #map}, {transform_indices = #map1}]} {
    %broadcast_in_dim3A = arith.constant 0.000000e+00 : f32
    %broadcast_in_dim3A_0 = vector.broadcast %broadcast_in_dim3A : f32 to vector<16xf32>
    %scan3A = arith.constant 0 : i32
    %scan3A_1 = arith.constant 0 : i32
    %scan3A_2 = arith.constant 32 : i32
    %scan3A_3 = arith.addi %scan3A_1, %scan3A_2 : i32
    %scan3A_4 = arith.constant 1 : i32
    %scan3A_5 = scf.for %scan3A_125 = %scan3A_1 to %scan3A_3 step %scan3A_4 iter_args(%scan3A_126 = %scan3A) -> (i32)  : i32 {
      %swap3A = arith.index_cast %scan3A_125 : i32 to index
      %swap3A_127 = arith.constant 0 : index
      %swap3A_128 = tpu.vector_load %arg7[%swap3A, %swap3A_127] {strides = array<i32>} : memref<32x128xf32, #tpu.memory_space<vmem>>, vector<16xf32>,
      tpu.vector_store %arg7[%swap3A, %swap3A_127], %broadcast_in_dim3A_0 {strides = array<i32>} : memref<32x128xf32, #tpu.memory_space<vmem>>, vector<16xf32>,
      %swap3A_129 = arith.index_cast %scan3A_125 : i32 to index
      %swap3A_130 = arith.constant 16 : index
      %swap3A_131 = tpu.vector_load %arg7[%swap3A_129, %swap3A_130] {strides = array<i32>} : memref<32x128xf32, #tpu.memory_space<vmem>>, vector<16xf32>,
      tpu.vector_store %arg7[%swap3A_129, %swap3A_130], %broadcast_in_dim3A_0 {strides = array<i32>} : memref<32x128xf32, #tpu.memory_space<vmem>>, vector<16xf32>,
      %swap3A_132 = arith.index_cast %scan3A_125 : i32 to index
      %swap3A_133 = arith.constant 32 : index
      %swap3A_134 = tpu.vector_load %arg7[%swap3A_132, %swap3A_133] {strides = array<i32>} : memref<32x128xf32, #tpu.memory_space<vmem>>, vector<16xf32>,
      tpu.vector_store %arg7[%swap3A_132, %swap3A_133], %broadcast_in_dim3A_0 {strides = array<i32>} : memref<32x128xf32, #tpu.memory_space<vmem>>, vector<16xf32>,
      %swap3A_135 = arith.index_cast %scan3A_125 : i32 to index
      %swap3A_136 = arith.constant 48 : index
      %swap3A_137 = tpu.vector_load %arg7[%swap3A_135, %swap3A_136] {strides = array<i32>} : memref<32x128xf32, #tpu.memory_space<vmem>>, vector<16xf32>,
      tpu.vector_store %arg7[%swap3A_135, %swap3A_136], %broadcast_in_dim3A_0 {strides = array<i32>} : memref<32x128xf32, #tpu.memory_space<vmem>>, vector<16xf32>,
      %swap3A_138 = arith.index_cast %scan3A_125 : i32 to index
      %swap3A_139 = arith.constant 64 : index
      %swap3A_140 = tpu.vector_load %arg7[%swap3A_138, %swap3A_139] {strides = array<i32>} : memref<32x128xf32, #tpu.memory_space<vmem>>, vector<16xf32>,
      tpu.vector_store %arg7[%swap3A_138, %swap3A_139], %broadcast_in_dim3A_0 {strides = array<i32>} : memref<32x128xf32, #tpu.memory_space<vmem>>, vector<16xf32>,
      %swap3A_141 = arith.index_cast %scan3A_125 : i32 to index
      %swap3A_142 = arith.constant 80 : index
      %swap3A_143 = tpu.vector_load %arg7[%swap3A_141, %swap3A_142] {strides = array<i32>} : memref<32x128xf32, #tpu.memory_space<vmem>>, vector<16xf32>,
      tpu.vector_store %arg7[%swap3A_141, %swap3A_142], %broadcast_in_dim3A_0 {strides = array<i32>} : memref<32x128xf32, #tpu.memory_space<vmem>>, vector<16xf32>,
      %swap3A_144 = arith.index_cast %scan3A_125 : i32 to index
      %swap3A_145 = arith.constant 96 : index
      %swap3A_146 = tpu.vector_load %arg7[%swap3A_144, %swap3A_145] {strides = array<i32>} : memref<32x128xf32, #tpu.memory_space<vmem>>, vector<16xf32>,
      tpu.vector_store %arg7[%swap3A_144, %swap3A_145], %broadcast_in_dim3A_0 {strides = array<i32>} : memref<32x128xf32, #tpu.memory_space<vmem>>, vector<16xf32>,
      %swap3A_147 = arith.index_cast %scan3A_125 : i32 to index
      %swap3A_148 = arith.constant 112 : index
      %swap3A_149 = tpu.vector_load %arg7[%swap3A_147, %swap3A_148] {strides = array<i32>} : memref<32x128xf32, #tpu.memory_space<vmem>>, vector<16xf32>,
      tpu.vector_store %arg7[%swap3A_147, %swap3A_148], %broadcast_in_dim3A_0 {strides = array<i32>} : memref<32x128xf32, #tpu.memory_space<vmem>>, vector<16xf32>,
      %scan3A_150 = arith.constant 0 : i32
      scf.yield %scan3A_150 : i32
    }
    %scan3A_6 = arith.constant 32 : i32
    %mul3A = arith.constant 312 : i32
    %mul3A_7 = arith.muli %arg1, %mul3A : i32
    %add3A = arith.constant 0 : i32
    %add3A_8 = arith.addi %mul3A_7, %add3A : i32
    "tpu.region"() ({
      %run_scoped3A = tpu.sem_alloc : memref<!tpu.dma_semaphore, #tpu.memory_space<semaphore_mem>>
      %dma_start3A_125 = arith.constant 0 : i32
      %dma_start3A_126 = tpu.memref_slice %arg6[%add3A_8, %dma_start3A_125] : memref<5064x128xf32, #tpu.memory_space<vmem_shared>> -> memref<32x128xf32, #tpu.memory_space<vmem_shared>>
      %dma_start3A_127 = arith.constant 0 : i32
      %dma_start3A_128 = tpu.memref_slice %arg6[%add3A_8, %dma_start3A_127] : memref<5064x128xf32, #tpu.memory_space<vmem_shared>> -> memref<32x128xf32, #tpu.memory_space<vmem_shared>>
      tpu.enqueue_dma source(%arg7 : memref<32x128xf32, #tpu.memory_space<vmem>>) target(%dma_start3A_128 : memref<32x128xf32, #tpu.memory_space<vmem_shared>>) target_semaphore(%run_scoped3A : memref<!tpu.dma_semaphore, #tpu.memory_space<semaphore_mem>>)
      %dma_wait3A_129 = arith.constant 0 : i32
      %dma_wait3A_130 = tpu.memref_slice %arg6[%add3A_8, %dma_wait3A_129] : memref<5064x128xf32, #tpu.memory_space<vmem_shared>> -> memref<32x128xf32, #tpu.memory_space<vmem_shared>>
      %dma_wait3A_131 = arith.constant 0 : i32
      %dma_wait3A_132 = tpu.memref_slice %arg6[%add3A_8, %dma_wait3A_131] : memref<5064x128xf32, #tpu.memory_space<vmem_shared>> -> memref<32x128xf32, #tpu.memory_space<vmem_shared>>
      tpu.wait_dma2 semaphore(%run_scoped3A : memref<!tpu.dma_semaphore, #tpu.memory_space<semaphore_mem>>) src(%arg7 : memref<32x128xf32, #tpu.memory_space<vmem>>) dst(%dma_wait3A_132 : memref<32x128xf32, #tpu.memory_space<vmem_shared>>)
      tpu.yield
    }) : () -> ()
    %mul3A_9 = arith.constant 312 : i32
    %mul3A_10 = arith.muli %arg1, %mul3A_9 : i32
    %add3A_11 = arith.constant 32 : i32
    %add3A_12 = arith.addi %mul3A_10, %add3A_11 : i32
    "tpu.region"() ({
      %run_scoped3A = tpu.sem_alloc : memref<!tpu.dma_semaphore, #tpu.memory_space<semaphore_mem>>
      %dma_start3A_125 = arith.constant 0 : i32
      %dma_start3A_126 = tpu.memref_slice %arg6[%add3A_12, %dma_start3A_125] : memref<5064x128xf32, #tpu.memory_space<vmem_shared>> -> memref<32x128xf32, #tpu.memory_space<vmem_shared>>
      %dma_start3A_127 = arith.constant 0 : i32
      %dma_start3A_128 = tpu.memref_slice %arg6[%add3A_12, %dma_start3A_127] : memref<5064x128xf32, #tpu.memory_space<vmem_shared>> -> memref<32x128xf32, #tpu.memory_space<vmem_shared>>
      tpu.enqueue_dma source(%arg7 : memref<32x128xf32, #tpu.memory_space<vmem>>) target(%dma_start3A_128 : memref<32x128xf32, #tpu.memory_space<vmem_shared>>) target_semaphore(%run_scoped3A : memref<!tpu.dma_semaphore, #tpu.memory_space<semaphore_mem>>)
      %dma_wait3A_129 = arith.constant 0 : i32
      %dma_wait3A_130 = tpu.memref_slice %arg6[%add3A_12, %dma_wait3A_129] : memref<5064x128xf32, #tpu.memory_space<vmem_shared>> -> memref<32x128xf32, #tpu.memory_space<vmem_shared>>
      %dma_wait3A_131 = arith.constant 0 : i32
      %dma_wait3A_132 = tpu.memref_slice %arg6[%add3A_12, %dma_wait3A_131] : memref<5064x128xf32, #tpu.memory_space<vmem_shared>> -> memref<32x128xf32, #tpu.memory_space<vmem_shared>>
      tpu.wait_dma2 semaphore(%run_scoped3A : memref<!tpu.dma_semaphore, #tpu.memory_space<semaphore_mem>>) src(%arg7 : memref<32x128xf32, #tpu.memory_space<vmem>>) dst(%dma_wait3A_132 : memref<32x128xf32, #tpu.memory_space<vmem_shared>>)
      tpu.yield
    }) : () -> ()
    %mul3A_13 = arith.constant 312 : i32
    %mul3A_14 = arith.muli %arg1, %mul3A_13 : i32
    %add3A_15 = arith.constant 64 : i32
    %add3A_16 = arith.addi %mul3A_14, %add3A_15 : i32
    "tpu.region"() ({
      %run_scoped3A = tpu.sem_alloc : memref<!tpu.dma_semaphore, #tpu.memory_space<semaphore_mem>>
      %dma_start3A_125 = arith.constant 0 : i32
      %dma_start3A_126 = tpu.memref_slice %arg6[%add3A_16, %dma_start3A_125] : memref<5064x128xf32, #tpu.memory_space<vmem_shared>> -> memref<32x128xf32, #tpu.memory_space<vmem_shared>>
      %dma_start3A_127 = arith.constant 0 : i32
      %dma_start3A_128 = tpu.memref_slice %arg6[%add3A_16, %dma_start3A_127] : memref<5064x128xf32, #tpu.memory_space<vmem_shared>> -> memref<32x128xf32, #tpu.memory_space<vmem_shared>>
      tpu.enqueue_dma source(%arg7 : memref<32x128xf32, #tpu.memory_space<vmem>>) target(%dma_start3A_128 : memref<32x128xf32, #tpu.memory_space<vmem_shared>>) target_semaphore(%run_scoped3A : memref<!tpu.dma_semaphore, #tpu.memory_space<semaphore_mem>>)
      %dma_wait3A_129 = arith.constant 0 : i32
      %dma_wait3A_130 = tpu.memref_slice %arg6[%add3A_16, %dma_wait3A_129] : memref<5064x128xf32, #tpu.memory_space<vmem_shared>> -> memref<32x128xf32, #tpu.memory_space<vmem_shared>>
      %dma_wait3A_131 = arith.constant 0 : i32
      %dma_wait3A_132 = tpu.memref_slice %arg6[%add3A_16, %dma_wait3A_131] : memref<5064x128xf32, #tpu.memory_space<vmem_shared>> -> memref<32x128xf32, #tpu.memory_space<vmem_shared>>
      tpu.wait_dma2 semaphore(%run_scoped3A : memref<!tpu.dma_semaphore, #tpu.memory_space<semaphore_mem>>) src(%arg7 : memref<32x128xf32, #tpu.memory_space<vmem>>) dst(%dma_wait3A_132 : memref<32x128xf32, #tpu.memory_space<vmem_shared>>)
      tpu.yield
    }) : () -> ()
    %mul3A_17 = arith.constant 312 : i32
    %mul3A_18 = arith.muli %arg1, %mul3A_17 : i32
    %add3A_19 = arith.constant 96 : i32
    %add3A_20 = arith.addi %mul3A_18, %add3A_19 : i32
    "tpu.region"() ({
      %run_scoped3A = tpu.sem_alloc : memref<!tpu.dma_semaphore, #tpu.memory_space<semaphore_mem>>
      %dma_start3A_125 = arith.constant 0 : i32
      %dma_start3A_126 = tpu.memref_slice %arg6[%add3A_20, %dma_start3A_125] : memref<5064x128xf32, #tpu.memory_space<vmem_shared>> -> memref<32x128xf32, #tpu.memory_space<vmem_shared>>
      %dma_start3A_127 = arith.constant 0 : i32
      %dma_start3A_128 = tpu.memref_slice %arg6[%add3A_20, %dma_start3A_127] : memref<5064x128xf32, #tpu.memory_space<vmem_shared>> -> memref<32x128xf32, #tpu.memory_space<vmem_shared>>
      tpu.enqueue_dma source(%arg7 : memref<32x128xf32, #tpu.memory_space<vmem>>) target(%dma_start3A_128 : memref<32x128xf32, #tpu.memory_space<vmem_shared>>) target_semaphore(%run_scoped3A : memref<!tpu.dma_semaphore, #tpu.memory_space<semaphore_mem>>)
      %dma_wait3A_129 = arith.constant 0 : i32
      %dma_wait3A_130 = tpu.memref_slice %arg6[%add3A_20, %dma_wait3A_129] : memref<5064x128xf32, #tpu.memory_space<vmem_shared>> -> memref<32x128xf32, #tpu.memory_space<vmem_shared>>
      %dma_wait3A_131 = arith.constant 0 : i32
      %dma_wait3A_132 = tpu.memref_slice %arg6[%add3A_20, %dma_wait3A_131] : memref<5064x128xf32, #tpu.memory_space<vmem_shared>> -> memref<32x128xf32, #tpu.memory_space<vmem_shared>>
      tpu.wait_dma2 semaphore(%run_scoped3A : memref<!tpu.dma_semaphore, #tpu.memory_space<semaphore_mem>>) src(%arg7 : memref<32x128xf32, #tpu.memory_space<vmem>>) dst(%dma_wait3A_132 : memref<32x128xf32, #tpu.memory_space<vmem_shared>>)
      tpu.yield
    }) : () -> ()
    %mul3A_21 = arith.constant 312 : i32
    %mul3A_22 = arith.muli %arg1, %mul3A_21 : i32
    %add3A_23 = arith.constant 128 : i32
    %add3A_24 = arith.addi %mul3A_22, %add3A_23 : i32
    "tpu.region"() ({
      %run_scoped3A = tpu.sem_alloc : memref<!tpu.dma_semaphore, #tpu.memory_space<semaphore_mem>>
      %dma_start3A_125 = arith.constant 0 : i32
      %dma_start3A_126 = tpu.memref_slice %arg6[%add3A_24, %dma_start3A_125] : memref<5064x128xf32, #tpu.memory_space<vmem_shared>> -> memref<32x128xf32, #tpu.memory_space<vmem_shared>>
      %dma_start3A_127 = arith.constant 0 : i32
      %dma_start3A_128 = tpu.memref_slice %arg6[%add3A_24, %dma_start3A_127] : memref<5064x128xf32, #tpu.memory_space<vmem_shared>> -> memref<32x128xf32, #tpu.memory_space<vmem_shared>>
      tpu.enqueue_dma source(%arg7 : memref<32x128xf32, #tpu.memory_space<vmem>>) target(%dma_start3A_128 : memref<32x128xf32, #tpu.memory_space<vmem_shared>>) target_semaphore(%run_scoped3A : memref<!tpu.dma_semaphore, #tpu.memory_space<semaphore_mem>>)
      %dma_wait3A_129 = arith.constant 0 : i32
      %dma_wait3A_130 = tpu.memref_slice %arg6[%add3A_24, %dma_wait3A_129] : memref<5064x128xf32, #tpu.memory_space<vmem_shared>> -> memref<32x128xf32, #tpu.memory_space<vmem_shared>>
      %dma_wait3A_131 = arith.constant 0 : i32
      %dma_wait3A_132 = tpu.memref_slice %arg6[%add3A_24, %dma_wait3A_131] : memref<5064x128xf32, #tpu.memory_space<vmem_shared>> -> memref<32x128xf32, #tpu.memory_space<vmem_shared>>
      tpu.wait_dma2 semaphore(%run_scoped3A : memref<!tpu.dma_semaphore, #tpu.memory_space<semaphore_mem>>) src(%arg7 : memref<32x128xf32, #tpu.memory_space<vmem>>) dst(%dma_wait3A_132 : memref<32x128xf32, #tpu.memory_space<vmem_shared>>)
      tpu.yield
    }) : () -> ()
    %mul3A_25 = arith.constant 312 : i32
    %mul3A_26 = arith.muli %arg1, %mul3A_25 : i32
    %add3A_27 = arith.constant 160 : i32
    %add3A_28 = arith.addi %mul3A_26, %add3A_27 : i32
    "tpu.region"() ({
      %run_scoped3A = tpu.sem_alloc : memref<!tpu.dma_semaphore, #tpu.memory_space<semaphore_mem>>
      %dma_start3A_125 = arith.constant 0 : i32
      %dma_start3A_126 = tpu.memref_slice %arg6[%add3A_28, %dma_start3A_125] : memref<5064x128xf32, #tpu.memory_space<vmem_shared>> -> memref<32x128xf32, #tpu.memory_space<vmem_shared>>
      %dma_start3A_127 = arith.constant 0 : i32
      %dma_start3A_128 = tpu.memref_slice %arg6[%add3A_28, %dma_start3A_127] : memref<5064x128xf32, #tpu.memory_space<vmem_shared>> -> memref<32x128xf32, #tpu.memory_space<vmem_shared>>
      tpu.enqueue_dma source(%arg7 : memref<32x128xf32, #tpu.memory_space<vmem>>) target(%dma_start3A_128 : memref<32x128xf32, #tpu.memory_space<vmem_shared>>) target_semaphore(%run_scoped3A : memref<!tpu.dma_semaphore, #tpu.memory_space<semaphore_mem>>)
      %dma_wait3A_129 = arith.constant 0 : i32
      %dma_wait3A_130 = tpu.memref_slice %arg6[%add3A_28, %dma_wait3A_129] : memref<5064x128xf32, #tpu.memory_space<vmem_shared>> -> memref<32x128xf32, #tpu.memory_space<vmem_shared>>
      %dma_wait3A_131 = arith.constant 0 : i32
      %dma_wait3A_132 = tpu.memref_slice %arg6[%add3A_28, %dma_wait3A_131] : memref<5064x128xf32, #tpu.memory_space<vmem_shared>> -> memref<32x128xf32, #tpu.memory_space<vmem_shared>>
      tpu.wait_dma2 semaphore(%run_scoped3A : memref<!tpu.dma_semaphore, #tpu.memory_space<semaphore_mem>>) src(%arg7 : memref<32x128xf32, #tpu.memory_space<vmem>>) dst(%dma_wait3A_132 : memref<32x128xf32, #tpu.memory_space<vmem_shared>>)
      tpu.yield
    }) : () -> ()
    %mul3A_29 = arith.constant 312 : i32
    %mul3A_30 = arith.muli %arg1, %mul3A_29 : i32
    %add3A_31 = arith.constant 192 : i32
    %add3A_32 = arith.addi %mul3A_30, %add3A_31 : i32
    "tpu.region"() ({
      %run_scoped3A = tpu.sem_alloc : memref<!tpu.dma_semaphore, #tpu.memory_space<semaphore_mem>>
      %dma_start3A_125 = arith.constant 0 : i32
      %dma_start3A_126 = tpu.memref_slice %arg6[%add3A_32, %dma_start3A_125] : memref<5064x128xf32, #tpu.memory_space<vmem_shared>> -> memref<32x128xf32, #tpu.memory_space<vmem_shared>>
      %dma_start3A_127 = arith.constant 0 : i32
      %dma_start3A_128 = tpu.memref_slice %arg6[%add3A_32, %dma_start3A_127] : memref<5064x128xf32, #tpu.memory_space<vmem_shared>> -> memref<32x128xf32, #tpu.memory_space<vmem_shared>>
      tpu.enqueue_dma source(%arg7 : memref<32x128xf32, #tpu.memory_space<vmem>>) target(%dma_start3A_128 : memref<32x128xf32, #tpu.memory_space<vmem_shared>>) target_semaphore(%run_scoped3A : memref<!tpu.dma_semaphore, #tpu.memory_space<semaphore_mem>>)
      %dma_wait3A_129 = arith.constant 0 : i32
      %dma_wait3A_130 = tpu.memref_slice %arg6[%add3A_32, %dma_wait3A_129] : memref<5064x128xf32, #tpu.memory_space<vmem_shared>> -> memref<32x128xf32, #tpu.memory_space<vmem_shared>>
      %dma_wait3A_131 = arith.constant 0 : i32
      %dma_wait3A_132 = tpu.memref_slice %arg6[%add3A_32, %dma_wait3A_131] : memref<5064x128xf32, #tpu.memory_space<vmem_shared>> -> memref<32x128xf32, #tpu.memory_space<vmem_shared>>
      tpu.wait_dma2 semaphore(%run_scoped3A : memref<!tpu.dma_semaphore, #tpu.memory_space<semaphore_mem>>) src(%arg7 : memref<32x128xf32, #tpu.memory_space<vmem>>) dst(%dma_wait3A_132 : memref<32x128xf32, #tpu.memory_space<vmem_shared>>)
      tpu.yield
    }) : () -> ()
    %mul3A_33 = arith.constant 312 : i32
    %mul3A_34 = arith.muli %arg1, %mul3A_33 : i32
    %add3A_35 = arith.constant 224 : i32
    %add3A_36 = arith.addi %mul3A_34, %add3A_35 : i32
    "tpu.region"() ({
      %run_scoped3A = tpu.sem_alloc : memref<!tpu.dma_semaphore, #tpu.memory_space<semaphore_mem>>
      %dma_start3A_125 = arith.constant 0 : i32
      %dma_start3A_126 = tpu.memref_slice %arg6[%add3A_36, %dma_start3A_125] : memref<5064x128xf32, #tpu.memory_space<vmem_shared>> -> memref<32x128xf32, #tpu.memory_space<vmem_shared>>
      %dma_start3A_127 = arith.constant 0 : i32
      %dma_start3A_128 = tpu.memref_slice %arg6[%add3A_36, %dma_start3A_127] : memref<5064x128xf32, #tpu.memory_space<vmem_shared>> -> memref<32x128xf32, #tpu.memory_space<vmem_shared>>
      tpu.enqueue_dma source(%arg7 : memref<32x128xf32, #tpu.memory_space<vmem>>) target(%dma_start3A_128 : memref<32x128xf32, #tpu.memory_space<vmem_shared>>) target_semaphore(%run_scoped3A : memref<!tpu.dma_semaphore, #tpu.memory_space<semaphore_mem>>)
      %dma_wait3A_129 = arith.constant 0 : i32
      %dma_wait3A_130 = tpu.memref_slice %arg6[%add3A_36, %dma_wait3A_129] : memref<5064x128xf32, #tpu.memory_space<vmem_shared>> -> memref<32x128xf32, #tpu.memory_space<vmem_shared>>
      %dma_wait3A_131 = arith.constant 0 : i32
      %dma_wait3A_132 = tpu.memref_slice %arg6[%add3A_36, %dma_wait3A_131] : memref<5064x128xf32, #tpu.memory_space<vmem_shared>> -> memref<32x128xf32, #tpu.memory_space<vmem_shared>>
      tpu.wait_dma2 semaphore(%run_scoped3A : memref<!tpu.dma_semaphore, #tpu.memory_space<semaphore_mem>>) src(%arg7 : memref<32x128xf32, #tpu.memory_space<vmem>>) dst(%dma_wait3A_132 : memref<32x128xf32, #tpu.memory_space<vmem_shared>>)
      tpu.yield
    }) : () -> ()
    %mul3A_37 = arith.constant 312 : i32
    %mul3A_38 = arith.muli %arg1, %mul3A_37 : i32
    %add3A_39 = arith.constant 256 : i32
    %add3A_40 = arith.addi %mul3A_38, %add3A_39 : i32
    "tpu.region"() ({
      %run_scoped3A = tpu.sem_alloc : memref<!tpu.dma_semaphore, #tpu.memory_space<semaphore_mem>>
      %dma_start3A_125 = arith.constant 0 : i32
      %dma_start3A_126 = tpu.memref_slice %arg6[%add3A_40, %dma_start3A_125] : memref<5064x128xf32, #tpu.memory_space<vmem_shared>> -> memref<32x128xf32, #tpu.memory_space<vmem_shared>>
      %dma_start3A_127 = arith.constant 0 : i32
      %dma_start3A_128 = tpu.memref_slice %arg6[%add3A_40, %dma_start3A_127] : memref<5064x128xf32, #tpu.memory_space<vmem_shared>> -> memref<32x128xf32, #tpu.memory_space<vmem_shared>>
      tpu.enqueue_dma source(%arg7 : memref<32x128xf32, #tpu.memory_space<vmem>>) target(%dma_start3A_128 : memref<32x128xf32, #tpu.memory_space<vmem_shared>>) target_semaphore(%run_scoped3A : memref<!tpu.dma_semaphore, #tpu.memory_space<semaphore_mem>>)
      %dma_wait3A_129 = arith.constant 0 : i32
      %dma_wait3A_130 = tpu.memref_slice %arg6[%add3A_40, %dma_wait3A_129] : memref<5064x128xf32, #tpu.memory_space<vmem_shared>> -> memref<32x128xf32, #tpu.memory_space<vmem_shared>>
      %dma_wait3A_131 = arith.constant 0 : i32
      %dma_wait3A_132 = tpu.memref_slice %arg6[%add3A_40, %dma_wait3A_131] : memref<5064x128xf32, #tpu.memory_space<vmem_shared>> -> memref<32x128xf32, #tpu.memory_space<vmem_shared>>
      tpu.wait_dma2 semaphore(%run_scoped3A : memref<!tpu.dma_semaphore, #tpu.memory_space<semaphore_mem>>) src(%arg7 : memref<32x128xf32, #tpu.memory_space<vmem>>) dst(%dma_wait3A_132 : memref<32x128xf32, #tpu.memory_space<vmem_shared>>)
      tpu.yield
    }) : () -> ()
    %mul3A_41 = arith.constant 312 : i32
    %mul3A_42 = arith.muli %arg1, %mul3A_41 : i32
    %add3A_43 = arith.constant 288 : i32
    %add3A_44 = arith.addi %mul3A_42, %add3A_43 : i32
    "tpu.region"() ({
      %run_scoped3A = tpu.sem_alloc : memref<!tpu.dma_semaphore, #tpu.memory_space<semaphore_mem>>
      %dma_start3A_125 = arith.constant 0 : i32
      %dma_start3A_126 = arith.constant 0 : i32
      %dma_start3A_127 = tpu.memref_slice %arg7[%dma_start3A_125, %dma_start3A_126] : memref<32x128xf32, #tpu.memory_space<vmem>> -> memref<24x128xf32, #tpu.memory_space<vmem>>
      %dma_start3A_128 = arith.constant 0 : i32
      %dma_start3A_129 = tpu.memref_slice %arg6[%add3A_44, %dma_start3A_128] : memref<5064x128xf32, #tpu.memory_space<vmem_shared>> -> memref<24x128xf32, #tpu.memory_space<vmem_shared>>
      %dma_start3A_130 = arith.constant 0 : i32
      %dma_start3A_131 = tpu.memref_slice %arg6[%add3A_44, %dma_start3A_130] : memref<5064x128xf32, #tpu.memory_space<vmem_shared>> -> memref<24x128xf32, #tpu.memory_space<vmem_shared>>
      %dma_start3A_132 = arith.constant 0 : i32
      %dma_start3A_133 = arith.constant 0 : i32
      %dma_start3A_134 = tpu.memref_slice %arg7[%dma_start3A_132, %dma_start3A_133] : memref<32x128xf32, #tpu.memory_space<vmem>> -> memref<24x128xf32, #tpu.memory_space<vmem>>
      tpu.enqueue_dma source(%dma_start3A_134 : memref<24x128xf32, #tpu.memory_space<vmem>>) target(%dma_start3A_131 : memref<24x128xf32, #tpu.memory_space<vmem_shared>>) target_semaphore(%run_scoped3A : memref<!tpu.dma_semaphore, #tpu.memory_space<semaphore_mem>>)
      %dma_wait3A_135 = arith.constant 0 : i32
      %dma_wait3A_136 = arith.constant 0 : i32
      %dma_wait3A_137 = tpu.memref_slice %arg7[%dma_wait3A_135, %dma_wait3A_136] : memref<32x128xf32, #tpu.memory_space<vmem>> -> memref<24x128xf32, #tpu.memory_space<vmem>>
      %dma_wait3A_138 = arith.constant 0 : i32
      %dma_wait3A_139 = tpu.memref_slice %arg6[%add3A_44, %dma_wait3A_138] : memref<5064x128xf32, #tpu.memory_space<vmem_shared>> -> memref<24x128xf32, #tpu.memory_space<vmem_shared>>
      %dma_wait3A_140 = arith.constant 0 : i32
      %dma_wait3A_141 = tpu.memref_slice %arg6[%add3A_44, %dma_wait3A_140] : memref<5064x128xf32, #tpu.memory_space<vmem_shared>> -> memref<24x128xf32, #tpu.memory_space<vmem_shared>>
      %dma_wait3A_142 = arith.constant 0 : i32
      %dma_wait3A_143 = arith.constant 0 : i32
      %dma_wait3A_144 = tpu.memref_slice %arg7[%dma_wait3A_142, %dma_wait3A_143] : memref<32x128xf32, #tpu.memory_space<vmem>> -> memref<24x128xf32, #tpu.memory_space<vmem>>
      tpu.wait_dma2 semaphore(%run_scoped3A : memref<!tpu.dma_semaphore, #tpu.memory_space<semaphore_mem>>) src(%dma_wait3A_144 : memref<24x128xf32, #tpu.memory_space<vmem>>) dst(%dma_wait3A_141 : memref<24x128xf32, #tpu.memory_space<vmem_shared>>)
      tpu.yield
    }) : () -> ()
    %lt3A = arith.constant 9 : i32
    %lt3A_45 = arith.cmpi slt, %arg1, %lt3A : i32
    %convert_element_type3A = arith.extui %lt3A_45 : i1 to i32
    %cond3A = arith.constant 0 : i32
    %cond3A_46 = arith.cmpi ne, %convert_element_type3A, %cond3A : i32
    scf.if %cond3A_46 {
      %mul3A_125 = arith.constant 8 : i32
      %mul3A_126 = arith.muli %arg1, %mul3A_125 : i32
      %add3A_127 = arith.constant 4992 : i32
      %add3A_128 = arith.addi %add3A_127, %mul3A_126 : i32
      "tpu.region"() ({
        %run_scoped3A = tpu.sem_alloc : memref<!tpu.dma_semaphore, #tpu.memory_space<semaphore_mem>>
        %dma_start3A_129 = arith.constant 0 : i32
        %dma_start3A_130 = arith.constant 0 : i32
        %dma_start3A_131 = tpu.memref_slice %arg7[%dma_start3A_129, %dma_start3A_130] : memref<32x128xf32, #tpu.memory_space<vmem>> -> memref<8x128xf32, #tpu.memory_space<vmem>>
        %dma_start3A_132 = arith.constant 0 : i32
        %dma_start3A_133 = tpu.memref_slice %arg6[%add3A_128, %dma_start3A_132] : memref<5064x128xf32, #tpu.memory_space<vmem_shared>> -> memref<8x128xf32, #tpu.memory_space<vmem_shared>>
        %dma_start3A_134 = arith.constant 0 : i32
        %dma_start3A_135 = tpu.memref_slice %arg6[%add3A_128, %dma_start3A_134] : memref<5064x128xf32, #tpu.memory_space<vmem_shared>> -> memref<8x128xf32, #tpu.memory_space<vmem_shared>>
        %dma_start3A_136 = arith.constant 0 : i32
        %dma_start3A_137 = arith.constant 0 : i32
        %dma_start3A_138 = tpu.memref_slice %arg7[%dma_start3A_136, %dma_start3A_137] : memref<32x128xf32, #tpu.memory_space<vmem>> -> memref<8x128xf32, #tpu.memory_space<vmem>>
        tpu.enqueue_dma source(%dma_start3A_138 : memref<8x128xf32, #tpu.memory_space<vmem>>) target(%dma_start3A_135 : memref<8x128xf32, #tpu.memory_space<vmem_shared>>) target_semaphore(%run_scoped3A : memref<!tpu.dma_semaphore, #tpu.memory_space<semaphore_mem>>)
        %dma_wait3A_139 = arith.constant 0 : i32
        %dma_wait3A_140 = arith.constant 0 : i32
        %dma_wait3A_141 = tpu.memref_slice %arg7[%dma_wait3A_139, %dma_wait3A_140] : memref<32x128xf32, #tpu.memory_space<vmem>> -> memref<8x128xf32, #tpu.memory_space<vmem>>
        %dma_wait3A_142 = arith.constant 0 : i32
        %dma_wait3A_143 = tpu.memref_slice %arg6[%add3A_128, %dma_wait3A_142] : memref<5064x128xf32, #tpu.memory_space<vmem_shared>> -> memref<8x128xf32, #tpu.memory_space<vmem_shared>>
        %dma_wait3A_144 = arith.constant 0 : i32
        %dma_wait3A_145 = tpu.memref_slice %arg6[%add3A_128, %dma_wait3A_144] : memref<5064x128xf32, #tpu.memory_space<vmem_shared>> -> memref<8x128xf32, #tpu.memory_space<vmem_shared>>
        %dma_wait3A_146 = arith.constant 0 : i32
        %dma_wait3A_147 = arith.constant 0 : i32
        %dma_wait3A_148 = tpu.memref_slice %arg7[%dma_wait3A_146, %dma_wait3A_147] : memref<32x128xf32, #tpu.memory_space<vmem>> -> memref<8x128xf32, #tpu.memory_space<vmem>>
        tpu.wait_dma2 semaphore(%run_scoped3A : memref<!tpu.dma_semaphore, #tpu.memory_space<semaphore_mem>>) src(%dma_wait3A_148 : memref<8x128xf32, #tpu.memory_space<vmem>>) dst(%dma_wait3A_145 : memref<8x128xf32, #tpu.memory_space<vmem_shared>>)
        tpu.yield
      }) : () -> ()
    } else {
    }
    %mul3A_47 = arith.constant 624 : i32
    %mul3A_48 = arith.muli %arg1, %mul3A_47 : i32
    %mul3A_49 = arith.constant 624 : i32
    %mul3A_50 = arith.muli %arg1, %mul3A_49 : i32
    "tpu.region"() ({
      %run_scoped3A = tpu.sem_alloc : memref<!tpu.dma_semaphore, #tpu.memory_space<semaphore_mem>>
      %dma_start3A_125 = arith.constant 0 : i32
      %dma_start3A_126 = tpu.memref_slice %arg5[%mul3A_50, %dma_start3A_125] : memref<10000x128xf32, #tpu.memory_space<vmem_shared>> -> memref<624x128xf32, #tpu.memory_space<vmem_shared>>
      %dma_start3A_127 = arith.constant 0 : i32
      %dma_start3A_128 = tpu.memref_slice %arg2[%mul3A_48, %dma_start3A_127] : memref<10000x128xf32, #tpu.memory_space<hbm>> -> memref<624x128xf32, #tpu.memory_space<hbm>>
      tpu.enqueue_dma source(%dma_start3A_128 : memref<624x128xf32, #tpu.memory_space<hbm>>) target(%dma_start3A_126 : memref<624x128xf32, #tpu.memory_space<vmem_shared>>) target_semaphore(%run_scoped3A : memref<!tpu.dma_semaphore, #tpu.memory_space<semaphore_mem>>)
      %dma_wait3A_129 = arith.constant 0 : i32
      %dma_wait3A_130 = tpu.memref_slice %arg5[%mul3A_50, %dma_wait3A_129] : memref<10000x128xf32, #tpu.memory_space<vmem_shared>> -> memref<624x128xf32, #tpu.memory_space<vmem_shared>>
      %dma_wait3A_131 = arith.constant 0 : i32
      %dma_wait3A_132 = tpu.memref_slice %arg2[%mul3A_48, %dma_wait3A_131] : memref<10000x128xf32, #tpu.memory_space<hbm>> -> memref<624x128xf32, #tpu.memory_space<hbm>>
      tpu.wait_dma2 semaphore(%run_scoped3A : memref<!tpu.dma_semaphore, #tpu.memory_space<semaphore_mem>>) src(%dma_wait3A_132 : memref<624x128xf32, #tpu.memory_space<hbm>>) dst(%dma_wait3A_130 : memref<624x128xf32, #tpu.memory_space<vmem_shared>>)
      tpu.yield
    }) : () -> ()
    %eq3A = arith.constant 0 : i32
    %eq3A_51 = arith.cmpi eq, %arg1, %eq3A : i32
    %convert_element_type3A_52 = arith.extui %eq3A_51 : i1 to i32
    %cond3A_53 = arith.constant 0 : i32
    %cond3A_54 = arith.cmpi ne, %convert_element_type3A_52, %cond3A_53 : i32
    scf.if %cond3A_54 {
      "tpu.region"() ({
        %run_scoped3A = tpu.sem_alloc : memref<!tpu.dma_semaphore, #tpu.memory_space<semaphore_mem>>
        %dma_start3A_125 = arith.constant 9984 : i32
        %dma_start3A_126 = arith.constant 0 : i32
        %dma_start3A_127 = tpu.memref_slice %arg5[%dma_start3A_125, %dma_start3A_126] : memref<10000x128xf32, #tpu.memory_space<vmem_shared>> -> memref<16x128xf32, #tpu.memory_space<vmem_shared>>
        %dma_start3A_128 = arith.constant 9984 : i32
        %dma_start3A_129 = arith.constant 0 : i32
        %dma_start3A_130 = tpu.memref_slice %arg2[%dma_start3A_128, %dma_start3A_129] : memref<10000x128xf32, #tpu.memory_space<hbm>> -> memref<16x128xf32, #tpu.memory_space<hbm>>
        tpu.enqueue_dma source(%dma_start3A_130 : memref<16x128xf32, #tpu.memory_space<hbm>>) target(%dma_start3A_127 : memref<16x128xf32, #tpu.memory_space<vmem_shared>>) target_semaphore(%run_scoped3A : memref<!tpu.dma_semaphore, #tpu.memory_space<semaphore_mem>>)
        %dma_wait3A_131 = arith.constant 9984 : i32
        %dma_wait3A_132 = arith.constant 0 : i32
        %dma_wait3A_133 = tpu.memref_slice %arg5[%dma_wait3A_131, %dma_wait3A_132] : memref<10000x128xf32, #tpu.memory_space<vmem_shared>> -> memref<16x128xf32, #tpu.memory_space<vmem_shared>>
        %dma_wait3A_134 = arith.constant 9984 : i32
        %dma_wait3A_135 = arith.constant 0 : i32
        %dma_wait3A_136 = tpu.memref_slice %arg2[%dma_wait3A_134, %dma_wait3A_135] : memref<10000x128xf32, #tpu.memory_space<hbm>> -> memref<16x128xf32, #tpu.memory_space<hbm>>
        tpu.wait_dma2 semaphore(%run_scoped3A : memref<!tpu.dma_semaphore, #tpu.memory_space<semaphore_mem>>) src(%dma_wait3A_136 : memref<16x128xf32, #tpu.memory_space<hbm>>) dst(%dma_wait3A_133 : memref<16x128xf32, #tpu.memory_space<vmem_shared>>)
        tpu.yield
      }) : () -> ()
    } else {
    }
    %barrier3A = arith.constant 0 : index
    tpu.barrier barrier_id(%barrier3A)
    %mul3A_55 = arith.constant 640 : i32
    %mul3A_56 = arith.muli %arg1, %mul3A_55 : i32
    %jit3A = arith.constant 8 : i32
    %div3A = arith.divsi %mul3A_56, %jit3A : i32
    %sign3A = arith.constant 0 : i32
    %sign3A_57 = arith.cmpi sgt, %mul3A_56, %sign3A : i32
    %sign3A_58 = arith.extui %sign3A_57 : i1 to i32
    %sign3A_59 = arith.constant 0 : i32
    %sign3A_60 = arith.cmpi slt, %mul3A_56, %sign3A_59 : i32
    %sign3A_61 = arith.extui %sign3A_60 : i1 to i32
    %sign3A_62 = arith.subi %sign3A_58, %sign3A_61 : i32
    %sign3A_63 = arith.constant 0 : i32
    %sign3A_64 = arith.cmpi sgt, %jit3A, %sign3A_63 : i32
    %sign3A_65 = arith.extui %sign3A_64 : i1 to i32
    %sign3A_66 = arith.constant 0 : i32
    %sign3A_67 = arith.cmpi slt, %jit3A, %sign3A_66 : i32
    %sign3A_68 = arith.extui %sign3A_67 : i1 to i32
    %sign3A_69 = arith.subi %sign3A_65, %sign3A_68 : i32
    %ne3A = arith.cmpi ne, %sign3A_62, %sign3A_69 : i32
    %rem3A = arith.remsi %mul3A_56, %jit3A : i32
    %ne3A_70 = arith.constant 0 : i32
    %ne3A_71 = arith.cmpi ne, %rem3A, %ne3A_70 : i32
    %and3A = arith.andi %ne3A, %ne3A_71 : i1
    %sub3A = arith.constant 1 : i32
    %sub3A_72 = arith.subi %div3A, %sub3A : i32
    %select_n3A = arith.select %and3A, %sub3A_72, %div3A : i32
    %mul3A_73 = arith.constant 8 : i32
    %mul3A_74 = arith.muli %select_n3A, %mul3A_73 : i32
    %mul3A_75 = arith.constant 5056 : i32
    %mul3A_76 = arith.muli %arg0, %mul3A_75 : i32
    "tpu.region"() ({
      %run_scoped3A = tpu.sem_alloc : memref<!tpu.dma_semaphore, #tpu.memory_space<semaphore_mem>>
      %dma_start3A_125 = arith.constant 0 : i32
      %dma_start3A_126 = tpu.memref_slice %arg3[%mul3A_74, %dma_start3A_125] : memref<10240x64xi32, #tpu.memory_space<hbm>> -> memref<8x64xi32, #tpu.memory_space<hbm>>
      %dma_start3A_127 = arith.constant 0 : i32
      %dma_start3A_128 = tpu.memref_slice %arg3[%mul3A_74, %dma_start3A_127] : memref<10240x64xi32, #tpu.memory_space<hbm>> -> memref<8x64xi32, #tpu.memory_space<hbm>>
      tpu.enqueue_dma source(%dma_start3A_128 : memref<8x64xi32, #tpu.memory_space<hbm>>) target(%arg9 : memref<8x64xi32, #tpu.memory_space<vmem>>) target_semaphore(%run_scoped3A : memref<!tpu.dma_semaphore, #tpu.memory_space<semaphore_mem>>)
      %dma_wait3A_129 = arith.constant 0 : i32
      %dma_wait3A_130 = tpu.memref_slice %arg3[%mul3A_74, %dma_wait3A_129] : memref<10240x64xi32, #tpu.memory_space<hbm>> -> memref<8x64xi32, #tpu.memory_space<hbm>>
      %dma_wait3A_131 = arith.constant 0 : i32
      %dma_wait3A_132 = tpu.memref_slice %arg3[%mul3A_74, %dma_wait3A_131] : memref<10240x64xi32, #tpu.memory_space<hbm>> -> memref<8x64xi32, #tpu.memory_space<hbm>>
      tpu.wait_dma2 semaphore(%run_scoped3A : memref<!tpu.dma_semaphore, #tpu.memory_space<semaphore_mem>>) src(%dma_wait3A_132 : memref<8x64xi32, #tpu.memory_space<hbm>>) dst(%arg9 : memref<8x64xi32, #tpu.memory_space<vmem>>)
      tpu.yield
    }) : () -> ()
    %add3A_77 = arith.constant 8 : i32
    %add3A_78 = arith.addi %mul3A_74, %add3A_77 : i32
    "tpu.region"() ({
      %run_scoped3A = tpu.sem_alloc : memref<!tpu.dma_semaphore, #tpu.memory_space<semaphore_mem>>
      %dma_start3A_125 = arith.constant 0 : i32
      %dma_start3A_126 = tpu.memref_slice %arg3[%add3A_78, %dma_start3A_125] : memref<10240x64xi32, #tpu.memory_space<hbm>> -> memref<8x64xi32, #tpu.memory_space<hbm>>
      %dma_start3A_127 = arith.constant 0 : i32
      %dma_start3A_128 = tpu.memref_slice %arg3[%add3A_78, %dma_start3A_127] : memref<10240x64xi32, #tpu.memory_space<hbm>> -> memref<8x64xi32, #tpu.memory_space<hbm>>
      tpu.enqueue_dma source(%dma_start3A_128 : memref<8x64xi32, #tpu.memory_space<hbm>>) target(%arg10 : memref<8x64xi32, #tpu.memory_space<vmem>>) target_semaphore(%run_scoped3A : memref<!tpu.dma_semaphore, #tpu.memory_space<semaphore_mem>>)
      %dma_wait3A_129 = arith.constant 0 : i32
      %dma_wait3A_130 = tpu.memref_slice %arg3[%add3A_78, %dma_wait3A_129] : memref<10240x64xi32, #tpu.memory_space<hbm>> -> memref<8x64xi32, #tpu.memory_space<hbm>>
      %dma_wait3A_131 = arith.constant 0 : i32
      %dma_wait3A_132 = tpu.memref_slice %arg3[%add3A_78, %dma_wait3A_131] : memref<10240x64xi32, #tpu.memory_space<hbm>> -> memref<8x64xi32, #tpu.memory_space<hbm>>
      tpu.wait_dma2 semaphore(%run_scoped3A : memref<!tpu.dma_semaphore, #tpu.memory_space<semaphore_mem>>) src(%dma_wait3A_132 : memref<8x64xi32, #tpu.memory_space<hbm>>) dst(%arg10 : memref<8x64xi32, #tpu.memory_space<vmem>>)
      tpu.yield
    }) : () -> ()
    %add3A_79 = arith.constant 8 : i32
    %add3A_80 = arith.addi %mul3A_74, %add3A_79 : i32
    %dma_start3A = arith.constant 0 : i32
    %dma_start3A_81 = tpu.memref_slice %arg3[%add3A_80, %dma_start3A] : memref<10240x64xi32, #tpu.memory_space<hbm>> -> memref<8x64xi32, #tpu.memory_space<hbm>>
    %dma_start3A_82 = arith.constant 0 : i32
    %dma_start3A_83 = tpu.memref_slice %arg3[%add3A_80, %dma_start3A_82] : memref<10240x64xi32, #tpu.memory_space<hbm>> -> memref<8x64xi32, #tpu.memory_space<hbm>>
    tpu.enqueue_dma source(%dma_start3A_83 : memref<8x64xi32, #tpu.memory_space<hbm>>) target(%arg10 : memref<8x64xi32, #tpu.memory_space<vmem>>) target_semaphore(%arg17 : memref<!tpu.dma_semaphore, #tpu.memory_space<semaphore_mem>>)
    %dma_start3A_84 = arith.constant 0 : i32
    %dma_start3A_85 = arith.constant 0 : i32
    %dma_start3A_86 = tpu.memref_slice %arg9[%dma_start3A_84, %dma_start3A_85] : memref<8x64xi32, #tpu.memory_space<vmem>> -> memref<1x32xi32, #tpu.memory_space<vmem>>
    %dma_start3A_87 = tpu.memref_squeeze %dma_start3A_86 : memref<1x32xi32, #tpu.memory_space<vmem>> -> memref<32xi32, #tpu.memory_space<vmem>>
    %dma_start3A_88 = arith.constant 0 : i32
    %dma_start3A_89 = arith.constant 0 : i32
    %dma_start3A_90 = tpu.memref_slice %arg5[%dma_start3A_88, %dma_start3A_89] : memref<10000x128xf32, #tpu.memory_space<vmem_shared>> -> memref<10000x128xf32, #tpu.memory_space<vmem_shared>>
    tpu.enqueue_indirect_dma source(%dma_start3A_90 : memref<10000x128xf32, #tpu.memory_space<vmem_shared>>) target(%arg7 : memref<32x128xf32, #tpu.memory_space<vmem>>) offsets(%dma_start3A_87 : memref<32xi32, #tpu.memory_space<vmem>>) semaphore(%arg13 : memref<!tpu.dma_semaphore, #tpu.memory_space<semaphore_mem>>)
    %scan3A_91 = arith.constant 0 : i32
    %scan3A_92 = arith.constant 0 : i32
    %scan3A_93 = arith.constant 40 : i32
    %scan3A_94 = arith.addi %scan3A_92, %scan3A_93 : i32
    %scan3A_95 = arith.constant 1 : i32
    %scan3A_96 = scf.for %scan3A_125 = %scan3A_92 to %scan3A_94 step %scan3A_95 iter_args(%scan3A_126 = %scan3A_91) -> (i32)  : i32 {
      %dma_wait3A_127 = arith.constant 0 : i32
      %dma_wait3A_128 = arith.constant 0 : i32
      %dma_wait3A_129 = tpu.memref_slice %arg2[%dma_wait3A_127, %dma_wait3A_128] : memref<10000x128xf32, #tpu.memory_space<hbm>> -> memref<32x128xf32, #tpu.memory_space<hbm>>
      %dma_wait3A_130 = arith.constant 0 : i32
      %dma_wait3A_131 = arith.constant 0 : i32
      %dma_wait3A_132 = tpu.memref_slice %arg2[%dma_wait3A_130, %dma_wait3A_131] : memref<10000x128xf32, #tpu.memory_space<hbm>> -> memref<32x128xf32, #tpu.memory_space<hbm>>
      tpu.wait_dma2 semaphore(%arg13 : memref<!tpu.dma_semaphore, #tpu.memory_space<semaphore_mem>>) src(%dma_wait3A_132 : memref<32x128xf32, #tpu.memory_space<hbm>>) dst(%arg7 : memref<32x128xf32, #tpu.memory_space<vmem>>)
      %get3A = arith.constant 0 : i32
      %get3A_133 = arith.index_cast %get3A : i32 to index
      %get3A_134 = arith.constant 32 : index
      %get3A_135 = tpu.vector_load %arg9[%get3A_133, %get3A_134] {strides = array<i32>} : memref<8x64xi32, #tpu.memory_space<vmem>>, vector<16xi32>,
      %sub3A_136 = vector.broadcast %mul3A_76 : i32 to vector<16xi32>
      %sub3A_137 = arith.subi %get3A_135, %sub3A_136 : vector<16xi32>
      %lt3A_138 = arith.constant 0 : i32
      %lt3A_139 = vector.broadcast %lt3A_138 : i32 to vector<16xi32>
      %lt3A_140 = arith.cmpi slt, %sub3A_137, %lt3A_139 : vector<16xi32>
      %ge3A = arith.constant 5056 : i32
      %ge3A_141 = vector.broadcast %ge3A : i32 to vector<16xi32>
      %ge3A_142 = arith.cmpi sge, %sub3A_137, %ge3A_141 : vector<16xi32>
      %or3A = arith.ori %lt3A_140, %ge3A_142 : vector<16xi1>
      %jit3A_143 = arith.constant 5056 : i32
      %broadcast_in_dim3A_144 = vector.broadcast %jit3A_143 : i32 to vector<16xi32>
      %select_n3A_145 = arith.select %or3A, %broadcast_in_dim3A_144, %sub3A_137 : vector<16xi1>, vector<16xi32>
      %swap3A = arith.constant 0 : i32
      %swap3A_146 = arith.index_cast %swap3A : i32 to index
      %swap3A_147 = arith.constant 0 : index
      %swap3A_148 = tpu.vector_load %arg11[%swap3A_146, %swap3A_147] {strides = array<i32>} : memref<1x32xi32, #tpu.memory_space<vmem>>, vector<16xi32>,
      tpu.vector_store %arg11[%swap3A_146, %swap3A_147], %select_n3A_145 {strides = array<i32>} : memref<1x32xi32, #tpu.memory_space<vmem>>, vector<16xi32>,
      %get3A_149 = arith.constant 0 : i32
      %get3A_150 = arith.index_cast %get3A_149 : i32 to index
      %get3A_151 = arith.constant 48 : index
      %get3A_152 = tpu.vector_load %arg9[%get3A_150, %get3A_151] {strides = array<i32>} : memref<8x64xi32, #tpu.memory_space<vmem>>, vector<16xi32>,
      %sub3A_153 = vector.broadcast %mul3A_76 : i32 to vector<16xi32>
      %sub3A_154 = arith.subi %get3A_152, %sub3A_153 : vector<16xi32>
      %lt3A_155 = arith.constant 0 : i32
      %lt3A_156 = vector.broadcast %lt3A_155 : i32 to vector<16xi32>
      %lt3A_157 = arith.cmpi slt, %sub3A_154, %lt3A_156 : vector<16xi32>
      %ge3A_158 = arith.constant 5056 : i32
      %ge3A_159 = vector.broadcast %ge3A_158 : i32 to vector<16xi32>
      %ge3A_160 = arith.cmpi sge, %sub3A_154, %ge3A_159 : vector<16xi32>
      %or3A_161 = arith.ori %lt3A_157, %ge3A_160 : vector<16xi1>
      %jit3A_162 = arith.constant 5056 : i32
      %broadcast_in_dim3A_163 = vector.broadcast %jit3A_162 : i32 to vector<16xi32>
      %select_n3A_164 = arith.select %or3A_161, %broadcast_in_dim3A_163, %sub3A_154 : vector<16xi1>, vector<16xi32>
      %swap3A_165 = arith.constant 0 : i32
      %swap3A_166 = arith.index_cast %swap3A_165 : i32 to index
      %swap3A_167 = arith.constant 16 : index
      %swap3A_168 = tpu.vector_load %arg11[%swap3A_166, %swap3A_167] {strides = array<i32>} : memref<1x32xi32, #tpu.memory_space<vmem>>, vector<16xi32>,
      tpu.vector_store %arg11[%swap3A_166, %swap3A_167], %select_n3A_164 {strides = array<i32>} : memref<1x32xi32, #tpu.memory_space<vmem>>, vector<16xi32>,
      %dma_start3A_169 = arith.constant 0 : i32
      %dma_start3A_170 = arith.constant 0 : i32
      %dma_start3A_171 = tpu.memref_slice %arg11[%dma_start3A_169, %dma_start3A_170] : memref<1x32xi32, #tpu.memory_space<vmem>> -> memref<1x32xi32, #tpu.memory_space<vmem>>
      %dma_start3A_172 = tpu.memref_squeeze %dma_start3A_171 : memref<1x32xi32, #tpu.memory_space<vmem>> -> memref<32xi32, #tpu.memory_space<vmem>>
      %dma_start3A_173 = arith.constant 0 : i32
      %dma_start3A_174 = arith.constant 0 : i32
      %dma_start3A_175 = tpu.memref_slice %arg6[%dma_start3A_173, %dma_start3A_174] : memref<5064x128xf32, #tpu.memory_space<vmem_shared>> -> memref<5064x128xf32, #tpu.memory_space<vmem_shared>>
      tpu.enqueue_indirect_dma source(%arg7 : memref<32x128xf32, #tpu.memory_space<vmem>>) target(%dma_start3A_175 : memref<5064x128xf32, #tpu.memory_space<vmem_shared>>) offsets(%dma_start3A_172 : memref<32xi32, #tpu.memory_space<vmem>>) semaphore(%arg15 : memref<!tpu.dma_semaphore, #tpu.memory_space<semaphore_mem>>) {add = true}
      %gt3A = arith.constant 0 : i32
      %gt3A_176 = arith.cmpi sgt, %scan3A_125, %gt3A : i32
      %convert_element_type3A_177 = arith.extui %gt3A_176 : i1 to i32
      %cond3A_178 = arith.constant 0 : i32
      %cond3A_179 = arith.cmpi ne, %convert_element_type3A_177, %cond3A_178 : i32
      scf.if %cond3A_179 {
        %dma_wait3A_1215 = arith.constant 0 : i32
        %dma_wait3A_1216 = arith.constant 0 : i32
        %dma_wait3A_1217 = tpu.memref_slice %arg2[%dma_wait3A_1215, %dma_wait3A_1216] : memref<10000x128xf32, #tpu.memory_space<hbm>> -> memref<32x128xf32, #tpu.memory_space<hbm>>
        %dma_wait3A_1218 = arith.constant 0 : i32
        %dma_wait3A_1219 = arith.constant 0 : i32
        %dma_wait3A_1220 = tpu.memref_slice %arg2[%dma_wait3A_1218, %dma_wait3A_1219] : memref<10000x128xf32, #tpu.memory_space<hbm>> -> memref<32x128xf32, #tpu.memory_space<hbm>>
        tpu.wait_dma2 semaphore(%arg16 : memref<!tpu.dma_semaphore, #tpu.memory_space<semaphore_mem>>) src(%dma_wait3A_1220 : memref<32x128xf32, #tpu.memory_space<hbm>>) dst(%arg8 : memref<32x128xf32, #tpu.memory_space<vmem>>)
      } else {
      }
      %dma_start3A_180 = arith.constant 1 : i32
      %dma_start3A_181 = arith.constant 0 : i32
      %dma_start3A_182 = tpu.memref_slice %arg9[%dma_start3A_180, %dma_start3A_181] : memref<8x64xi32, #tpu.memory_space<vmem>> -> memref<1x32xi32, #tpu.memory_space<vmem>>
      %dma_start3A_183 = tpu.memref_squeeze %dma_start3A_182 : memref<1x32xi32, #tpu.memory_space<vmem>> -> memref<32xi32, #tpu.memory_space<vmem>>
      %dma_start3A_184 = arith.constant 0 : i32
      %dma_start3A_185 = arith.constant 0 : i32
      %dma_start3A_186 = tpu.memref_slice %arg5[%dma_start3A_184, %dma_start3A_185] : memref<10000x128xf32, #tpu.memory_space<vmem_shared>> -> memref<10000x128xf32, #tpu.memory_space<vmem_shared>>
      tpu.enqueue_indirect_dma source(%dma_start3A_186 : memref<10000x128xf32, #tpu.memory_space<vmem_shared>>) target(%arg8 : memref<32x128xf32, #tpu.memory_space<vmem>>) offsets(%dma_start3A_183 : memref<32xi32, #tpu.memory_space<vmem>>) semaphore(%arg14 : memref<!tpu.dma_semaphore, #tpu.memory_space<semaphore_mem>>)
      %dma_wait3A_187 = arith.constant 0 : i32
      %dma_wait3A_188 = arith.constant 0 : i32
      %dma_wait3A_189 = tpu.memref_slice %arg2[%dma_wait3A_187, %dma_wait3A_188] : memref<10000x128xf32, #tpu.memory_space<hbm>> -> memref<32x128xf32, #tpu.memory_space<hbm>>
      %dma_wait3A_190 = arith.constant 0 : i32
      %dma_wait3A_191 = arith.constant 0 : i32
      %dma_wait3A_192 = tpu.memref_slice %arg2[%dma_wait3A_190, %dma_wait3A_191] : memref<10000x128xf32, #tpu.memory_space<hbm>> -> memref<32x128xf32, #tpu.memory_space<hbm>>
      tpu.wait_dma2 semaphore(%arg14 : memref<!tpu.dma_semaphore, #tpu.memory_space<semaphore_mem>>) src(%dma_wait3A_192 : memref<32x128xf32, #tpu.memory_space<hbm>>) dst(%arg8 : memref<32x128xf32, #tpu.memory_space<vmem>>)
      %get3A_193 = arith.constant 1 : i32
      %get3A_194 = arith.index_cast %get3A_193 : i32 to index
      %get3A_195 = arith.constant 32 : index
      %get3A_196 = tpu.vector_load %arg9[%get3A_194, %get3A_195] {strides = array<i32>} : memref<8x64xi32, #tpu.memory_space<vmem>>, vector<16xi32>,
      %sub3A_197 = vector.broadcast %mul3A_76 : i32 to vector<16xi32>
      %sub3A_198 = arith.subi %get3A_196, %sub3A_197 : vector<16xi32>
      %lt3A_199 = arith.constant 0 : i32
      %lt3A_200 = vector.broadcast %lt3A_199 : i32 to vector<16xi32>
      %lt3A_201 = arith.cmpi slt, %sub3A_198, %lt3A_200 : vector<16xi32>
      %ge3A_202 = arith.constant 5056 : i32
      %ge3A_203 = vector.broadcast %ge3A_202 : i32 to vector<16xi32>
      %ge3A_204 = arith.cmpi sge, %sub3A_198, %ge3A_203 : vector<16xi32>
      %or3A_205 = arith.ori %lt3A_201, %ge3A_204 : vector<16xi1>
      %jit3A_206 = arith.constant 5056 : i32
      %broadcast_in_dim3A_207 = vector.broadcast %jit3A_206 : i32 to vector<16xi32>
      %select_n3A_208 = arith.select %or3A_205, %broadcast_in_dim3A_207, %sub3A_198 : vector<16xi1>, vector<16xi32>
      %swap3A_209 = arith.constant 0 : i32
      %swap3A_210 = arith.index_cast %swap3A_209 : i32 to index
      %swap3A_211 = arith.constant 0 : index
      %swap3A_212 = tpu.vector_load %arg12[%swap3A_210, %swap3A_211] {strides = array<i32>} : memref<1x32xi32, #tpu.memory_space<vmem>>, vector<16xi32>,
      tpu.vector_store %arg12[%swap3A_210, %swap3A_211], %select_n3A_208 {strides = array<i32>} : memref<1x32xi32, #tpu.memory_space<vmem>>, vector<16xi32>,
      %get3A_213 = arith.constant 1 : i32
      %get3A_214 = arith.index_cast %get3A_213 : i32 to index
      %get3A_215 = arith.constant 48 : index
      %get3A_216 = tpu.vector_load %arg9[%get3A_214, %get3A_215] {strides = array<i32>} : memref<8x64xi32, #tpu.memory_space<vmem>>, vector<16xi32>,
      %sub3A_217 = vector.broadcast %mul3A_76 : i32 to vector<16xi32>
      %sub3A_218 = arith.subi %get3A_216, %sub3A_217 : vector<16xi32>
      %lt3A_219 = arith.constant 0 : i32
      %lt3A_220 = vector.broadcast %lt3A_219 : i32 to vector<16xi32>
      %lt3A_221 = arith.cmpi slt, %sub3A_218, %lt3A_220 : vector<16xi32>
      %ge3A_222 = arith.constant 5056 : i32
      %ge3A_223 = vector.broadcast %ge3A_222 : i32 to vector<16xi32>
      %ge3A_224 = arith.cmpi sge, %sub3A_218, %ge3A_223 : vector<16xi32>
      %or3A_225 = arith.ori %lt3A_221, %ge3A_224 : vector<16xi1>
      %jit3A_226 = arith.constant 5056 : i32
      %broadcast_in_dim3A_227 = vector.broadcast %jit3A_226 : i32 to vector<16xi32>
      %select_n3A_228 = arith.select %or3A_225, %broadcast_in_dim3A_227, %sub3A_218 : vector<16xi1>, vector<16xi32>
      %swap3A_229 = arith.constant 0 : i32
      %swap3A_230 = arith.index_cast %swap3A_229 : i32 to index
      %swap3A_231 = arith.constant 16 : index
      %swap3A_232 = tpu.vector_load %arg12[%swap3A_230, %swap3A_231] {strides = array<i32>} : memref<1x32xi32, #tpu.memory_space<vmem>>, vector<16xi32>,
      tpu.vector_store %arg12[%swap3A_230, %swap3A_231], %select_n3A_228 {strides = array<i32>} : memref<1x32xi32, #tpu.memory_space<vmem>>, vector<16xi32>,
      %dma_start3A_233 = arith.constant 0 : i32
      %dma_start3A_234 = arith.constant 0 : i32
      %dma_start3A_235 = tpu.memref_slice %arg12[%dma_start3A_233, %dma_start3A_234] : memref<1x32xi32, #tpu.memory_space<vmem>> -> memref<1x32xi32, #tpu.memory_space<vmem>>
      %dma_start3A_236 = tpu.memref_squeeze %dma_start3A_235 : memref<1x32xi32, #tpu.memory_space<vmem>> -> memref<32xi32, #tpu.memory_space<vmem>>
      %dma_start3A_237 = arith.constant 0 : i32
      %dma_start3A_238 = arith.constant 0 : i32
      %dma_start3A_239 = tpu.memref_slice %arg6[%dma_start3A_237, %dma_start3A_238] : memref<5064x128xf32, #tpu.memory_space<vmem_shared>> -> memref<5064x128xf32, #tpu.memory_space<vmem_shared>>
      tpu.enqueue_indirect_dma source(%arg8 : memref<32x128xf32, #tpu.memory_space<vmem>>) target(%dma_start3A_239 : memref<5064x128xf32, #tpu.memory_space<vmem_shared>>) offsets(%dma_start3A_236 : memref<32xi32, #tpu.memory_space<vmem>>) semaphore(%arg16 : memref<!tpu.dma_semaphore, #tpu.memory_space<semaphore_mem>>) {add = true}
      %dma_wait3A_240 = arith.constant 0 : i32
      %dma_wait3A_241 = arith.constant 0 : i32
      %dma_wait3A_242 = tpu.memref_slice %arg2[%dma_wait3A_240, %dma_wait3A_241] : memref<10000x128xf32, #tpu.memory_space<hbm>> -> memref<32x128xf32, #tpu.memory_space<hbm>>
      %dma_wait3A_243 = arith.constant 0 : i32
      %dma_wait3A_244 = arith.constant 0 : i32
      %dma_wait3A_245 = tpu.memref_slice %arg2[%dma_wait3A_243, %dma_wait3A_244] : memref<10000x128xf32, #tpu.memory_space<hbm>> -> memref<32x128xf32, #tpu.memory_space<hbm>>
      tpu.wait_dma2 semaphore(%arg15 : memref<!tpu.dma_semaphore, #tpu.memory_space<semaphore_mem>>) src(%dma_wait3A_245 : memref<32x128xf32, #tpu.memory_space<hbm>>) dst(%arg7 : memref<32x128xf32, #tpu.memory_space<vmem>>)
      %dma_start3A_246 = arith.constant 2 : i32
      %dma_start3A_247 = arith.constant 0 : i32
      %dma_start3A_248 = tpu.memref_slice %arg9[%dma_start3A_246, %dma_start3A_247] : memref<8x64xi32, #tpu.memory_space<vmem>> -> memref<1x32xi32, #tpu.memory_space<vmem>>
      %dma_start3A_249 = tpu.memref_squeeze %dma_start3A_248 : memref<1x32xi32, #tpu.memory_space<vmem>> -> memref<32xi32, #tpu.memory_space<vmem>>
      %dma_start3A_250 = arith.constant 0 : i32
      %dma_start3A_251 = arith.constant 0 : i32
      %dma_start3A_252 = tpu.memref_slice %arg5[%dma_start3A_250, %dma_start3A_251] : memref<10000x128xf32, #tpu.memory_space<vmem_shared>> -> memref<10000x128xf32, #tpu.memory_space<vmem_shared>>
      tpu.enqueue_indirect_dma source(%dma_start3A_252 : memref<10000x128xf32, #tpu.memory_space<vmem_shared>>) target(%arg7 : memref<32x128xf32, #tpu.memory_space<vmem>>) offsets(%dma_start3A_249 : memref<32xi32, #tpu.memory_space<vmem>>) semaphore(%arg13 : memref<!tpu.dma_semaphore, #tpu.memory_space<semaphore_mem>>)
      %dma_wait3A_253 = arith.constant 0 : i32
      %dma_wait3A_254 = arith.constant 0 : i32
      %dma_wait3A_255 = tpu.memref_slice %arg2[%dma_wait3A_253, %dma_wait3A_254] : memref<10000x128xf32, #tpu.memory_space<hbm>> -> memref<32x128xf32, #tpu.memory_space<hbm>>
      %dma_wait3A_256 = arith.constant 0 : i32
      %dma_wait3A_257 = arith.constant 0 : i32
      %dma_wait3A_258 = tpu.memref_slice %arg2[%dma_wait3A_256, %dma_wait3A_257] : memref<10000x128xf32, #tpu.memory_space<hbm>> -> memref<32x128xf32, #tpu.memory_space<hbm>>
      tpu.wait_dma2 semaphore(%arg13 : memref<!tpu.dma_semaphore, #tpu.memory_space<semaphore_mem>>) src(%dma_wait3A_258 : memref<32x128xf32, #tpu.memory_space<hbm>>) dst(%arg7 : memref<32x128xf32, #tpu.memory_space<vmem>>)
      %get3A_259 = arith.constant 2 : i32
      %get3A_260 = arith.index_cast %get3A_259 : i32 to index
      %get3A_261 = arith.constant 32 : index
      %get3A_262 = tpu.vector_load %arg9[%get3A_260, %get3A_261] {strides = array<i32>} : memref<8x64xi32, #tpu.memory_space<vmem>>, vector<16xi32>,
      %sub3A_263 = vector.broadcast %mul3A_76 : i32 to vector<16xi32>
      %sub3A_264 = arith.subi %get3A_262, %sub3A_263 : vector<16xi32>
      %lt3A_265 = arith.constant 0 : i32
      %lt3A_266 = vector.broadcast %lt3A_265 : i32 to vector<16xi32>
      %lt3A_267 = arith.cmpi slt, %sub3A_264, %lt3A_266 : vector<16xi32>
      %ge3A_268 = arith.constant 5056 : i32
      %ge3A_269 = vector.broadcast %ge3A_268 : i32 to vector<16xi32>
      %ge3A_270 = arith.cmpi sge, %sub3A_264, %ge3A_269 : vector<16xi32>
      %or3A_271 = arith.ori %lt3A_267, %ge3A_270 : vector<16xi1>
      %jit3A_272 = arith.constant 5056 : i32
      %broadcast_in_dim3A_273 = vector.broadcast %jit3A_272 : i32 to vector<16xi32>
      %select_n3A_274 = arith.select %or3A_271, %broadcast_in_dim3A_273, %sub3A_264 : vector<16xi1>, vector<16xi32>
      %swap3A_275 = arith.constant 0 : i32
      %swap3A_276 = arith.index_cast %swap3A_275 : i32 to index
      %swap3A_277 = arith.constant 0 : index
      %swap3A_278 = tpu.vector_load %arg11[%swap3A_276, %swap3A_277] {strides = array<i32>} : memref<1x32xi32, #tpu.memory_space<vmem>>, vector<16xi32>,
      tpu.vector_store %arg11[%swap3A_276, %swap3A_277], %select_n3A_274 {strides = array<i32>} : memref<1x32xi32, #tpu.memory_space<vmem>>, vector<16xi32>,
      %get3A_279 = arith.constant 2 : i32
      %get3A_280 = arith.index_cast %get3A_279 : i32 to index
      %get3A_281 = arith.constant 48 : index
      %get3A_282 = tpu.vector_load %arg9[%get3A_280, %get3A_281] {strides = array<i32>} : memref<8x64xi32, #tpu.memory_space<vmem>>, vector<16xi32>,
      %sub3A_283 = vector.broadcast %mul3A_76 : i32 to vector<16xi32>
      %sub3A_284 = arith.subi %get3A_282, %sub3A_283 : vector<16xi32>
      %lt3A_285 = arith.constant 0 : i32
      %lt3A_286 = vector.broadcast %lt3A_285 : i32 to vector<16xi32>
      %lt3A_287 = arith.cmpi slt, %sub3A_284, %lt3A_286 : vector<16xi32>
      %ge3A_288 = arith.constant 5056 : i32
      %ge3A_289 = vector.broadcast %ge3A_288 : i32 to vector<16xi32>
      %ge3A_290 = arith.cmpi sge, %sub3A_284, %ge3A_289 : vector<16xi32>
      %or3A_291 = arith.ori %lt3A_287, %ge3A_290 : vector<16xi1>
      %jit3A_292 = arith.constant 5056 : i32
      %broadcast_in_dim3A_293 = vector.broadcast %jit3A_292 : i32 to vector<16xi32>
      %select_n3A_294 = arith.select %or3A_291, %broadcast_in_dim3A_293, %sub3A_284 : vector<16xi1>, vector<16xi32>
      %swap3A_295 = arith.constant 0 : i32
      %swap3A_296 = arith.index_cast %swap3A_295 : i32 to index
      %swap3A_297 = arith.constant 16 : index
      %swap3A_298 = tpu.vector_load %arg11[%swap3A_296, %swap3A_297] {strides = array<i32>} : memref<1x32xi32, #tpu.memory_space<vmem>>, vector<16xi32>,
      tpu.vector_store %arg11[%swap3A_296, %swap3A_297], %select_n3A_294 {strides = array<i32>} : memref<1x32xi32, #tpu.memory_space<vmem>>, vector<16xi32>,
      %dma_start3A_299 = arith.constant 0 : i32
      %dma_start3A_300 = arith.constant 0 : i32
      %dma_start3A_301 = tpu.memref_slice %arg11[%dma_start3A_299, %dma_start3A_300] : memref<1x32xi32, #tpu.memory_space<vmem>> -> memref<1x32xi32, #tpu.memory_space<vmem>>
      %dma_start3A_302 = tpu.memref_squeeze %dma_start3A_301 : memref<1x32xi32, #tpu.memory_space<vmem>> -> memref<32xi32, #tpu.memory_space<vmem>>
      %dma_start3A_303 = arith.constant 0 : i32
      %dma_start3A_304 = arith.constant 0 : i32
      %dma_start3A_305 = tpu.memref_slice %arg6[%dma_start3A_303, %dma_start3A_304] : memref<5064x128xf32, #tpu.memory_space<vmem_shared>> -> memref<5064x128xf32, #tpu.memory_space<vmem_shared>>
      tpu.enqueue_indirect_dma source(%arg7 : memref<32x128xf32, #tpu.memory_space<vmem>>) target(%dma_start3A_305 : memref<5064x128xf32, #tpu.memory_space<vmem_shared>>) offsets(%dma_start3A_302 : memref<32xi32, #tpu.memory_space<vmem>>) semaphore(%arg15 : memref<!tpu.dma_semaphore, #tpu.memory_space<semaphore_mem>>) {add = true}
      %dma_wait3A_306 = arith.constant 0 : i32
      %dma_wait3A_307 = arith.constant 0 : i32
      %dma_wait3A_308 = tpu.memref_slice %arg2[%dma_wait3A_306, %dma_wait3A_307] : memref<10000x128xf32, #tpu.memory_space<hbm>> -> memref<32x128xf32, #tpu.memory_space<hbm>>
      %dma_wait3A_309 = arith.constant 0 : i32
      %dma_wait3A_310 = arith.constant 0 : i32
      %dma_wait3A_311 = tpu.memref_slice %arg2[%dma_wait3A_309, %dma_wait3A_310] : memref<10000x128xf32, #tpu.memory_space<hbm>> -> memref<32x128xf32, #tpu.memory_space<hbm>>
      tpu.wait_dma2 semaphore(%arg16 : memref<!tpu.dma_semaphore, #tpu.memory_space<semaphore_mem>>) src(%dma_wait3A_311 : memref<32x128xf32, #tpu.memory_space<hbm>>) dst(%arg8 : memref<32x128xf32, #tpu.memory_space<vmem>>)
      %dma_start3A_312 = arith.constant 3 : i32
      %dma_start3A_313 = arith.constant 0 : i32
      %dma_start3A_314 = tpu.memref_slice %arg9[%dma_start3A_312, %dma_start3A_313] : memref<8x64xi32, #tpu.memory_space<vmem>> -> memref<1x32xi32, #tpu.memory_space<vmem>>
      %dma_start3A_315 = tpu.memref_squeeze %dma_start3A_314 : memref<1x32xi32, #tpu.memory_space<vmem>> -> memref<32xi32, #tpu.memory_space<vmem>>
      %dma_start3A_316 = arith.constant 0 : i32
      %dma_start3A_317 = arith.constant 0 : i32
      %dma_start3A_318 = tpu.memref_slice %arg5[%dma_start3A_316, %dma_start3A_317] : memref<10000x128xf32, #tpu.memory_space<vmem_shared>> -> memref<10000x128xf32, #tpu.memory_space<vmem_shared>>
      tpu.enqueue_indirect_dma source(%dma_start3A_318 : memref<10000x128xf32, #tpu.memory_space<vmem_shared>>) target(%arg8 : memref<32x128xf32, #tpu.memory_space<vmem>>) offsets(%dma_start3A_315 : memref<32xi32, #tpu.memory_space<vmem>>) semaphore(%arg14 : memref<!tpu.dma_semaphore, #tpu.memory_space<semaphore_mem>>)
      %dma_wait3A_319 = arith.constant 0 : i32
      %dma_wait3A_320 = arith.constant 0 : i32
      %dma_wait3A_321 = tpu.memref_slice %arg2[%dma_wait3A_319, %dma_wait3A_320] : memref<10000x128xf32, #tpu.memory_space<hbm>> -> memref<32x128xf32, #tpu.memory_space<hbm>>
      %dma_wait3A_322 = arith.constant 0 : i32
      %dma_wait3A_323 = arith.constant 0 : i32
      %dma_wait3A_324 = tpu.memref_slice %arg2[%dma_wait3A_322, %dma_wait3A_323] : memref<10000x128xf32, #tpu.memory_space<hbm>> -> memref<32x128xf32, #tpu.memory_space<hbm>>
      tpu.wait_dma2 semaphore(%arg14 : memref<!tpu.dma_semaphore, #tpu.memory_space<semaphore_mem>>) src(%dma_wait3A_324 : memref<32x128xf32, #tpu.memory_space<hbm>>) dst(%arg8 : memref<32x128xf32, #tpu.memory_space<vmem>>)
      %get3A_325 = arith.constant 3 : i32
      %get3A_326 = arith.index_cast %get3A_325 : i32 to index
      %get3A_327 = arith.constant 32 : index
      %get3A_328 = tpu.vector_load %arg9[%get3A_326, %get3A_327] {strides = array<i32>} : memref<8x64xi32, #tpu.memory_space<vmem>>, vector<16xi32>,
      %sub3A_329 = vector.broadcast %mul3A_76 : i32 to vector<16xi32>
      %sub3A_330 = arith.subi %get3A_328, %sub3A_329 : vector<16xi32>
      %lt3A_331 = arith.constant 0 : i32
      %lt3A_332 = vector.broadcast %lt3A_331 : i32 to vector<16xi32>
      %lt3A_333 = arith.cmpi slt, %sub3A_330, %lt3A_332 : vector<16xi32>
      %ge3A_334 = arith.constant 5056 : i32
      %ge3A_335 = vector.broadcast %ge3A_334 : i32 to vector<16xi32>
      %ge3A_336 = arith.cmpi sge, %sub3A_330, %ge3A_335 : vector<16xi32>
      %or3A_337 = arith.ori %lt3A_333, %ge3A_336 : vector<16xi1>
      %jit3A_338 = arith.constant 5056 : i32
      %broadcast_in_dim3A_339 = vector.broadcast %jit3A_338 : i32 to vector<16xi32>
      %select_n3A_340 = arith.select %or3A_337, %broadcast_in_dim3A_339, %sub3A_330 : vector<16xi1>, vector<16xi32>
      %swap3A_341 = arith.constant 0 : i32
      %swap3A_342 = arith.index_cast %swap3A_341 : i32 to index
      %swap3A_343 = arith.constant 0 : index
      %swap3A_344 = tpu.vector_load %arg12[%swap3A_342, %swap3A_343] {strides = array<i32>} : memref<1x32xi32, #tpu.memory_space<vmem>>, vector<16xi32>,
      tpu.vector_store %arg12[%swap3A_342, %swap3A_343], %select_n3A_340 {strides = array<i32>} : memref<1x32xi32, #tpu.memory_space<vmem>>, vector<16xi32>,
      %get3A_345 = arith.constant 3 : i32
      %get3A_346 = arith.index_cast %get3A_345 : i32 to index
      %get3A_347 = arith.constant 48 : index
      %get3A_348 = tpu.vector_load %arg9[%get3A_346, %get3A_347] {strides = array<i32>} : memref<8x64xi32, #tpu.memory_space<vmem>>, vector<16xi32>,
      %sub3A_349 = vector.broadcast %mul3A_76 : i32 to vector<16xi32>
      %sub3A_350 = arith.subi %get3A_348, %sub3A_349 : vector<16xi32>
      %lt3A_351 = arith.constant 0 : i32
      %lt3A_352 = vector.broadcast %lt3A_351 : i32 to vector<16xi32>
      %lt3A_353 = arith.cmpi slt, %sub3A_350, %lt3A_352 : vector<16xi32>
      %ge3A_354 = arith.constant 5056 : i32
      %ge3A_355 = vector.broadcast %ge3A_354 : i32 to vector<16xi32>
      %ge3A_356 = arith.cmpi sge, %sub3A_350, %ge3A_355 : vector<16xi32>
      %or3A_357 = arith.ori %lt3A_353, %ge3A_356 : vector<16xi1>
      %jit3A_358 = arith.constant 5056 : i32
      %broadcast_in_dim3A_359 = vector.broadcast %jit3A_358 : i32 to vector<16xi32>
      %select_n3A_360 = arith.select %or3A_357, %broadcast_in_dim3A_359, %sub3A_350 : vector<16xi1>, vector<16xi32>
      %swap3A_361 = arith.constant 0 : i32
      %swap3A_362 = arith.index_cast %swap3A_361 : i32 to index
      %swap3A_363 = arith.constant 16 : index
      %swap3A_364 = tpu.vector_load %arg12[%swap3A_362, %swap3A_363] {strides = array<i32>} : memref<1x32xi32, #tpu.memory_space<vmem>>, vector<16xi32>,
      tpu.vector_store %arg12[%swap3A_362, %swap3A_363], %select_n3A_360 {strides = array<i32>} : memref<1x32xi32, #tpu.memory_space<vmem>>, vector<16xi32>,
      %dma_start3A_365 = arith.constant 0 : i32
      %dma_start3A_366 = arith.constant 0 : i32
      %dma_start3A_367 = tpu.memref_slice %arg12[%dma_start3A_365, %dma_start3A_366] : memref<1x32xi32, #tpu.memory_space<vmem>> -> memref<1x32xi32, #tpu.memory_space<vmem>>
      %dma_start3A_368 = tpu.memref_squeeze %dma_start3A_367 : memref<1x32xi32, #tpu.memory_space<vmem>> -> memref<32xi32, #tpu.memory_space<vmem>>
      %dma_start3A_369 = arith.constant 0 : i32
      %dma_start3A_370 = arith.constant 0 : i32
      %dma_start3A_371 = tpu.memref_slice %arg6[%dma_start3A_369, %dma_start3A_370] : memref<5064x128xf32, #tpu.memory_space<vmem_shared>> -> memref<5064x128xf32, #tpu.memory_space<vmem_shared>>
      tpu.enqueue_indirect_dma source(%arg8 : memref<32x128xf32, #tpu.memory_space<vmem>>) target(%dma_start3A_371 : memref<5064x128xf32, #tpu.memory_space<vmem_shared>>) offsets(%dma_start3A_368 : memref<32xi32, #tpu.memory_space<vmem>>) semaphore(%arg16 : memref<!tpu.dma_semaphore, #tpu.memory_space<semaphore_mem>>) {add = true}
      %dma_wait3A_372 = arith.constant 0 : i32
      %dma_wait3A_373 = arith.constant 0 : i32
      %dma_wait3A_374 = tpu.memref_slice %arg2[%dma_wait3A_372, %dma_wait3A_373] : memref<10000x128xf32, #tpu.memory_space<hbm>> -> memref<32x128xf32, #tpu.memory_space<hbm>>
      %dma_wait3A_375 = arith.constant 0 : i32
      %dma_wait3A_376 = arith.constant 0 : i32
      %dma_wait3A_377 = tpu.memref_slice %arg2[%dma_wait3A_375, %dma_wait3A_376] : memref<10000x128xf32, #tpu.memory_space<hbm>> -> memref<32x128xf32, #tpu.memory_space<hbm>>
      tpu.wait_dma2 semaphore(%arg15 : memref<!tpu.dma_semaphore, #tpu.memory_space<semaphore_mem>>) src(%dma_wait3A_377 : memref<32x128xf32, #tpu.memory_space<hbm>>) dst(%arg7 : memref<32x128xf32, #tpu.memory_space<vmem>>)
      %dma_start3A_378 = arith.constant 4 : i32
      %dma_start3A_379 = arith.constant 0 : i32
      %dma_start3A_380 = tpu.memref_slice %arg9[%dma_start3A_378, %dma_start3A_379] : memref<8x64xi32, #tpu.memory_space<vmem>> -> memref<1x32xi32, #tpu.memory_space<vmem>>
      %dma_start3A_381 = tpu.memref_squeeze %dma_start3A_380 : memref<1x32xi32, #tpu.memory_space<vmem>> -> memref<32xi32, #tpu.memory_space<vmem>>
      %dma_start3A_382 = arith.constant 0 : i32
      %dma_start3A_383 = arith.constant 0 : i32
      %dma_start3A_384 = tpu.memref_slice %arg5[%dma_start3A_382, %dma_start3A_383] : memref<10000x128xf32, #tpu.memory_space<vmem_shared>> -> memref<10000x128xf32, #tpu.memory_space<vmem_shared>>
      tpu.enqueue_indirect_dma source(%dma_start3A_384 : memref<10000x128xf32, #tpu.memory_space<vmem_shared>>) target(%arg7 : memref<32x128xf32, #tpu.memory_space<vmem>>) offsets(%dma_start3A_381 : memref<32xi32, #tpu.memory_space<vmem>>) semaphore(%arg13 : memref<!tpu.dma_semaphore, #tpu.memory_space<semaphore_mem>>)
      %dma_wait3A_385 = arith.constant 0 : i32
      %dma_wait3A_386 = arith.constant 0 : i32
      %dma_wait3A_387 = tpu.memref_slice %arg2[%dma_wait3A_385, %dma_wait3A_386] : memref<10000x128xf32, #tpu.memory_space<hbm>> -> memref<32x128xf32, #tpu.memory_space<hbm>>
      %dma_wait3A_388 = arith.constant 0 : i32
      %dma_wait3A_389 = arith.constant 0 : i32
      %dma_wait3A_390 = tpu.memref_slice %arg2[%dma_wait3A_388, %dma_wait3A_389] : memref<10000x128xf32, #tpu.memory_space<hbm>> -> memref<32x128xf32, #tpu.memory_space<hbm>>
      tpu.wait_dma2 semaphore(%arg13 : memref<!tpu.dma_semaphore, #tpu.memory_space<semaphore_mem>>) src(%dma_wait3A_390 : memref<32x128xf32, #tpu.memory_space<hbm>>) dst(%arg7 : memref<32x128xf32, #tpu.memory_space<vmem>>)
      %get3A_391 = arith.constant 4 : i32
      %get3A_392 = arith.index_cast %get3A_391 : i32 to index
      %get3A_393 = arith.constant 32 : index
      %get3A_394 = tpu.vector_load %arg9[%get3A_392, %get3A_393] {strides = array<i32>} : memref<8x64xi32, #tpu.memory_space<vmem>>, vector<16xi32>,
      %sub3A_395 = vector.broadcast %mul3A_76 : i32 to vector<16xi32>
      %sub3A_396 = arith.subi %get3A_394, %sub3A_395 : vector<16xi32>
      %lt3A_397 = arith.constant 0 : i32
      %lt3A_398 = vector.broadcast %lt3A_397 : i32 to vector<16xi32>
      %lt3A_399 = arith.cmpi slt, %sub3A_396, %lt3A_398 : vector<16xi32>
      %ge3A_400 = arith.constant 5056 : i32
      %ge3A_401 = vector.broadcast %ge3A_400 : i32 to vector<16xi32>
      %ge3A_402 = arith.cmpi sge, %sub3A_396, %ge3A_401 : vector<16xi32>
      %or3A_403 = arith.ori %lt3A_399, %ge3A_402 : vector<16xi1>
      %jit3A_404 = arith.constant 5056 : i32
      %broadcast_in_dim3A_405 = vector.broadcast %jit3A_404 : i32 to vector<16xi32>
      %select_n3A_406 = arith.select %or3A_403, %broadcast_in_dim3A_405, %sub3A_396 : vector<16xi1>, vector<16xi32>
      %swap3A_407 = arith.constant 0 : i32
      %swap3A_408 = arith.index_cast %swap3A_407 : i32 to index
      %swap3A_409 = arith.constant 0 : index
      %swap3A_410 = tpu.vector_load %arg11[%swap3A_408, %swap3A_409] {strides = array<i32>} : memref<1x32xi32, #tpu.memory_space<vmem>>, vector<16xi32>,
      tpu.vector_store %arg11[%swap3A_408, %swap3A_409], %select_n3A_406 {strides = array<i32>} : memref<1x32xi32, #tpu.memory_space<vmem>>, vector<16xi32>,
      %get3A_411 = arith.constant 4 : i32
      %get3A_412 = arith.index_cast %get3A_411 : i32 to index
      %get3A_413 = arith.constant 48 : index
      %get3A_414 = tpu.vector_load %arg9[%get3A_412, %get3A_413] {strides = array<i32>} : memref<8x64xi32, #tpu.memory_space<vmem>>, vector<16xi32>,
      %sub3A_415 = vector.broadcast %mul3A_76 : i32 to vector<16xi32>
      %sub3A_416 = arith.subi %get3A_414, %sub3A_415 : vector<16xi32>
      %lt3A_417 = arith.constant 0 : i32
      %lt3A_418 = vector.broadcast %lt3A_417 : i32 to vector<16xi32>
      %lt3A_419 = arith.cmpi slt, %sub3A_416, %lt3A_418 : vector<16xi32>
      %ge3A_420 = arith.constant 5056 : i32
      %ge3A_421 = vector.broadcast %ge3A_420 : i32 to vector<16xi32>
      %ge3A_422 = arith.cmpi sge, %sub3A_416, %ge3A_421 : vector<16xi32>
      %or3A_423 = arith.ori %lt3A_419, %ge3A_422 : vector<16xi1>
      %jit3A_424 = arith.constant 5056 : i32
      %broadcast_in_dim3A_425 = vector.broadcast %jit3A_424 : i32 to vector<16xi32>
      %select_n3A_426 = arith.select %or3A_423, %broadcast_in_dim3A_425, %sub3A_416 : vector<16xi1>, vector<16xi32>
      %swap3A_427 = arith.constant 0 : i32
      %swap3A_428 = arith.index_cast %swap3A_427 : i32 to index
      %swap3A_429 = arith.constant 16 : index
      %swap3A_430 = tpu.vector_load %arg11[%swap3A_428, %swap3A_429] {strides = array<i32>} : memref<1x32xi32, #tpu.memory_space<vmem>>, vector<16xi32>,
      tpu.vector_store %arg11[%swap3A_428, %swap3A_429], %select_n3A_426 {strides = array<i32>} : memref<1x32xi32, #tpu.memory_space<vmem>>, vector<16xi32>,
      %dma_start3A_431 = arith.constant 0 : i32
      %dma_start3A_432 = arith.constant 0 : i32
      %dma_start3A_433 = tpu.memref_slice %arg11[%dma_start3A_431, %dma_start3A_432] : memref<1x32xi32, #tpu.memory_space<vmem>> -> memref<1x32xi32, #tpu.memory_space<vmem>>
      %dma_start3A_434 = tpu.memref_squeeze %dma_start3A_433 : memref<1x32xi32, #tpu.memory_space<vmem>> -> memref<32xi32, #tpu.memory_space<vmem>>
      %dma_start3A_435 = arith.constant 0 : i32
      %dma_start3A_436 = arith.constant 0 : i32
      %dma_start3A_437 = tpu.memref_slice %arg6[%dma_start3A_435, %dma_start3A_436] : memref<5064x128xf32, #tpu.memory_space<vmem_shared>> -> memref<5064x128xf32, #tpu.memory_space<vmem_shared>>
      tpu.enqueue_indirect_dma source(%arg7 : memref<32x128xf32, #tpu.memory_space<vmem>>) target(%dma_start3A_437 : memref<5064x128xf32, #tpu.memory_space<vmem_shared>>) offsets(%dma_start3A_434 : memref<32xi32, #tpu.memory_space<vmem>>) semaphore(%arg15 : memref<!tpu.dma_semaphore, #tpu.memory_space<semaphore_mem>>) {add = true}
      %dma_wait3A_438 = arith.constant 0 : i32
      %dma_wait3A_439 = arith.constant 0 : i32
      %dma_wait3A_440 = tpu.memref_slice %arg2[%dma_wait3A_438, %dma_wait3A_439] : memref<10000x128xf32, #tpu.memory_space<hbm>> -> memref<32x128xf32, #tpu.memory_space<hbm>>
      %dma_wait3A_441 = arith.constant 0 : i32
      %dma_wait3A_442 = arith.constant 0 : i32
      %dma_wait3A_443 = tpu.memref_slice %arg2[%dma_wait3A_441, %dma_wait3A_442] : memref<10000x128xf32, #tpu.memory_space<hbm>> -> memref<32x128xf32, #tpu.memory_space<hbm>>
      tpu.wait_dma2 semaphore(%arg16 : memref<!tpu.dma_semaphore, #tpu.memory_space<semaphore_mem>>) src(%dma_wait3A_443 : memref<32x128xf32, #tpu.memory_space<hbm>>) dst(%arg8 : memref<32x128xf32, #tpu.memory_space<vmem>>)
      %dma_start3A_444 = arith.constant 5 : i32
      %dma_start3A_445 = arith.constant 0 : i32
      %dma_start3A_446 = tpu.memref_slice %arg9[%dma_start3A_444, %dma_start3A_445] : memref<8x64xi32, #tpu.memory_space<vmem>> -> memref<1x32xi32, #tpu.memory_space<vmem>>
      %dma_start3A_447 = tpu.memref_squeeze %dma_start3A_446 : memref<1x32xi32, #tpu.memory_space<vmem>> -> memref<32xi32, #tpu.memory_space<vmem>>
      %dma_start3A_448 = arith.constant 0 : i32
      %dma_start3A_449 = arith.constant 0 : i32
      %dma_start3A_450 = tpu.memref_slice %arg5[%dma_start3A_448, %dma_start3A_449] : memref<10000x128xf32, #tpu.memory_space<vmem_shared>> -> memref<10000x128xf32, #tpu.memory_space<vmem_shared>>
      tpu.enqueue_indirect_dma source(%dma_start3A_450 : memref<10000x128xf32, #tpu.memory_space<vmem_shared>>) target(%arg8 : memref<32x128xf32, #tpu.memory_space<vmem>>) offsets(%dma_start3A_447 : memref<32xi32, #tpu.memory_space<vmem>>) semaphore(%arg14 : memref<!tpu.dma_semaphore, #tpu.memory_space<semaphore_mem>>)
      %dma_wait3A_451 = arith.constant 0 : i32
      %dma_wait3A_452 = arith.constant 0 : i32
      %dma_wait3A_453 = tpu.memref_slice %arg3[%dma_wait3A_451, %dma_wait3A_452] : memref<10240x64xi32, #tpu.memory_space<hbm>> -> memref<8x64xi32, #tpu.memory_space<hbm>>
      %dma_wait3A_454 = arith.constant 0 : i32
      %dma_wait3A_455 = arith.constant 0 : i32
      %dma_wait3A_456 = tpu.memref_slice %arg3[%dma_wait3A_454, %dma_wait3A_455] : memref<10240x64xi32, #tpu.memory_space<hbm>> -> memref<8x64xi32, #tpu.memory_space<hbm>>
      tpu.wait_dma2 semaphore(%arg17 : memref<!tpu.dma_semaphore, #tpu.memory_space<semaphore_mem>>) src(%dma_wait3A_456 : memref<8x64xi32, #tpu.memory_space<hbm>>) dst(%arg10 : memref<8x64xi32, #tpu.memory_space<vmem>>)
      %dma_wait3A_457 = arith.constant 0 : i32
      %dma_wait3A_458 = arith.constant 0 : i32
      %dma_wait3A_459 = tpu.memref_slice %arg2[%dma_wait3A_457, %dma_wait3A_458] : memref<10000x128xf32, #tpu.memory_space<hbm>> -> memref<32x128xf32, #tpu.memory_space<hbm>>
      %dma_wait3A_460 = arith.constant 0 : i32
      %dma_wait3A_461 = arith.constant 0 : i32
      %dma_wait3A_462 = tpu.memref_slice %arg2[%dma_wait3A_460, %dma_wait3A_461] : memref<10000x128xf32, #tpu.memory_space<hbm>> -> memref<32x128xf32, #tpu.memory_space<hbm>>
      tpu.wait_dma2 semaphore(%arg14 : memref<!tpu.dma_semaphore, #tpu.memory_space<semaphore_mem>>) src(%dma_wait3A_462 : memref<32x128xf32, #tpu.memory_space<hbm>>) dst(%arg8 : memref<32x128xf32, #tpu.memory_space<vmem>>)
      %get3A_463 = arith.constant 5 : i32
      %get3A_464 = arith.index_cast %get3A_463 : i32 to index
      %get3A_465 = arith.constant 32 : index
      %get3A_466 = tpu.vector_load %arg9[%get3A_464, %get3A_465] {strides = array<i32>} : memref<8x64xi32, #tpu.memory_space<vmem>>, vector<16xi32>,
      %sub3A_467 = vector.broadcast %mul3A_76 : i32 to vector<16xi32>
      %sub3A_468 = arith.subi %get3A_466, %sub3A_467 : vector<16xi32>
      %lt3A_469 = arith.constant 0 : i32
      %lt3A_470 = vector.broadcast %lt3A_469 : i32 to vector<16xi32>
      %lt3A_471 = arith.cmpi slt, %sub3A_468, %lt3A_470 : vector<16xi32>
      %ge3A_472 = arith.constant 5056 : i32
      %ge3A_473 = vector.broadcast %ge3A_472 : i32 to vector<16xi32>
      %ge3A_474 = arith.cmpi sge, %sub3A_468, %ge3A_473 : vector<16xi32>
      %or3A_475 = arith.ori %lt3A_471, %ge3A_474 : vector<16xi1>
      %jit3A_476 = arith.constant 5056 : i32
      %broadcast_in_dim3A_477 = vector.broadcast %jit3A_476 : i32 to vector<16xi32>
      %select_n3A_478 = arith.select %or3A_475, %broadcast_in_dim3A_477, %sub3A_468 : vector<16xi1>, vector<16xi32>
      %swap3A_479 = arith.constant 0 : i32
      %swap3A_480 = arith.index_cast %swap3A_479 : i32 to index
      %swap3A_481 = arith.constant 0 : index
      %swap3A_482 = tpu.vector_load %arg12[%swap3A_480, %swap3A_481] {strides = array<i32>} : memref<1x32xi32, #tpu.memory_space<vmem>>, vector<16xi32>,
      tpu.vector_store %arg12[%swap3A_480, %swap3A_481], %select_n3A_478 {strides = array<i32>} : memref<1x32xi32, #tpu.memory_space<vmem>>, vector<16xi32>,
      %get3A_483 = arith.constant 5 : i32
      %get3A_484 = arith.index_cast %get3A_483 : i32 to index
      %get3A_485 = arith.constant 48 : index
      %get3A_486 = tpu.vector_load %arg9[%get3A_484, %get3A_485] {strides = array<i32>} : memref<8x64xi32, #tpu.memory_space<vmem>>, vector<16xi32>,
      %sub3A_487 = vector.broadcast %mul3A_76 : i32 to vector<16xi32>
      %sub3A_488 = arith.subi %get3A_486, %sub3A_487 : vector<16xi32>
      %lt3A_489 = arith.constant 0 : i32
      %lt3A_490 = vector.broadcast %lt3A_489 : i32 to vector<16xi32>
      %lt3A_491 = arith.cmpi slt, %sub3A_488, %lt3A_490 : vector<16xi32>
      %ge3A_492 = arith.constant 5056 : i32
      %ge3A_493 = vector.broadcast %ge3A_492 : i32 to vector<16xi32>
      %ge3A_494 = arith.cmpi sge, %sub3A_488, %ge3A_493 : vector<16xi32>
      %or3A_495 = arith.ori %lt3A_491, %ge3A_494 : vector<16xi1>
      %jit3A_496 = arith.constant 5056 : i32
      %broadcast_in_dim3A_497 = vector.broadcast %jit3A_496 : i32 to vector<16xi32>
      %select_n3A_498 = arith.select %or3A_495, %broadcast_in_dim3A_497, %sub3A_488 : vector<16xi1>, vector<16xi32>
      %swap3A_499 = arith.constant 0 : i32
      %swap3A_500 = arith.index_cast %swap3A_499 : i32 to index
      %swap3A_501 = arith.constant 16 : index
      %swap3A_502 = tpu.vector_load %arg12[%swap3A_500, %swap3A_501] {strides = array<i32>} : memref<1x32xi32, #tpu.memory_space<vmem>>, vector<16xi32>,
      tpu.vector_store %arg12[%swap3A_500, %swap3A_501], %select_n3A_498 {strides = array<i32>} : memref<1x32xi32, #tpu.memory_space<vmem>>, vector<16xi32>,
      %dma_start3A_503 = arith.constant 0 : i32
      %dma_start3A_504 = arith.constant 0 : i32
      %dma_start3A_505 = tpu.memref_slice %arg12[%dma_start3A_503, %dma_start3A_504] : memref<1x32xi32, #tpu.memory_space<vmem>> -> memref<1x32xi32, #tpu.memory_space<vmem>>
      %dma_start3A_506 = tpu.memref_squeeze %dma_start3A_505 : memref<1x32xi32, #tpu.memory_space<vmem>> -> memref<32xi32, #tpu.memory_space<vmem>>
      %dma_start3A_507 = arith.constant 0 : i32
      %dma_start3A_508 = arith.constant 0 : i32
      %dma_start3A_509 = tpu.memref_slice %arg6[%dma_start3A_507, %dma_start3A_508] : memref<5064x128xf32, #tpu.memory_space<vmem_shared>> -> memref<5064x128xf32, #tpu.memory_space<vmem_shared>>
      tpu.enqueue_indirect_dma source(%arg8 : memref<32x128xf32, #tpu.memory_space<vmem>>) target(%dma_start3A_509 : memref<5064x128xf32, #tpu.memory_space<vmem_shared>>) offsets(%dma_start3A_506 : memref<32xi32, #tpu.memory_space<vmem>>) semaphore(%arg16 : memref<!tpu.dma_semaphore, #tpu.memory_space<semaphore_mem>>) {add = true}
      %dma_wait3A_510 = arith.constant 0 : i32
      %dma_wait3A_511 = arith.constant 0 : i32
      %dma_wait3A_512 = tpu.memref_slice %arg2[%dma_wait3A_510, %dma_wait3A_511] : memref<10000x128xf32, #tpu.memory_space<hbm>> -> memref<32x128xf32, #tpu.memory_space<hbm>>
      %dma_wait3A_513 = arith.constant 0 : i32
      %dma_wait3A_514 = arith.constant 0 : i32
      %dma_wait3A_515 = tpu.memref_slice %arg2[%dma_wait3A_513, %dma_wait3A_514] : memref<10000x128xf32, #tpu.memory_space<hbm>> -> memref<32x128xf32, #tpu.memory_space<hbm>>
      tpu.wait_dma2 semaphore(%arg15 : memref<!tpu.dma_semaphore, #tpu.memory_space<semaphore_mem>>) src(%dma_wait3A_515 : memref<32x128xf32, #tpu.memory_space<hbm>>) dst(%arg7 : memref<32x128xf32, #tpu.memory_space<vmem>>)
      %dma_start3A_516 = arith.constant 6 : i32
      %dma_start3A_517 = arith.constant 0 : i32
      %dma_start3A_518 = tpu.memref_slice %arg9[%dma_start3A_516, %dma_start3A_517] : memref<8x64xi32, #tpu.memory_space<vmem>> -> memref<1x32xi32, #tpu.memory_space<vmem>>
      %dma_start3A_519 = tpu.memref_squeeze %dma_start3A_518 : memref<1x32xi32, #tpu.memory_space<vmem>> -> memref<32xi32, #tpu.memory_space<vmem>>
      %dma_start3A_520 = arith.constant 0 : i32
      %dma_start3A_521 = arith.constant 0 : i32
      %dma_start3A_522 = tpu.memref_slice %arg5[%dma_start3A_520, %dma_start3A_521] : memref<10000x128xf32, #tpu.memory_space<vmem_shared>> -> memref<10000x128xf32, #tpu.memory_space<vmem_shared>>
      tpu.enqueue_indirect_dma source(%dma_start3A_522 : memref<10000x128xf32, #tpu.memory_space<vmem_shared>>) target(%arg7 : memref<32x128xf32, #tpu.memory_space<vmem>>) offsets(%dma_start3A_519 : memref<32xi32, #tpu.memory_space<vmem>>) semaphore(%arg13 : memref<!tpu.dma_semaphore, #tpu.memory_space<semaphore_mem>>)
      %dma_wait3A_523 = arith.constant 0 : i32
      %dma_wait3A_524 = arith.constant 0 : i32
      %dma_wait3A_525 = tpu.memref_slice %arg2[%dma_wait3A_523, %dma_wait3A_524] : memref<10000x128xf32, #tpu.memory_space<hbm>> -> memref<32x128xf32, #tpu.memory_space<hbm>>
      %dma_wait3A_526 = arith.constant 0 : i32
      %dma_wait3A_527 = arith.constant 0 : i32
      %dma_wait3A_528 = tpu.memref_slice %arg2[%dma_wait3A_526, %dma_wait3A_527] : memref<10000x128xf32, #tpu.memory_space<hbm>> -> memref<32x128xf32, #tpu.memory_space<hbm>>
      tpu.wait_dma2 semaphore(%arg13 : memref<!tpu.dma_semaphore, #tpu.memory_space<semaphore_mem>>) src(%dma_wait3A_528 : memref<32x128xf32, #tpu.memory_space<hbm>>) dst(%arg7 : memref<32x128xf32, #tpu.memory_space<vmem>>)
      %get3A_529 = arith.constant 6 : i32
      %get3A_530 = arith.index_cast %get3A_529 : i32 to index
      %get3A_531 = arith.constant 32 : index
      %get3A_532 = tpu.vector_load %arg9[%get3A_530, %get3A_531] {strides = array<i32>} : memref<8x64xi32, #tpu.memory_space<vmem>>, vector<16xi32>,
      %sub3A_533 = vector.broadcast %mul3A_76 : i32 to vector<16xi32>
      %sub3A_534 = arith.subi %get3A_532, %sub3A_533 : vector<16xi32>
      %lt3A_535 = arith.constant 0 : i32
      %lt3A_536 = vector.broadcast %lt3A_535 : i32 to vector<16xi32>
      %lt3A_537 = arith.cmpi slt, %sub3A_534, %lt3A_536 : vector<16xi32>
      %ge3A_538 = arith.constant 5056 : i32
      %ge3A_539 = vector.broadcast %ge3A_538 : i32 to vector<16xi32>
      %ge3A_540 = arith.cmpi sge, %sub3A_534, %ge3A_539 : vector<16xi32>
      %or3A_541 = arith.ori %lt3A_537, %ge3A_540 : vector<16xi1>
      %jit3A_542 = arith.constant 5056 : i32
      %broadcast_in_dim3A_543 = vector.broadcast %jit3A_542 : i32 to vector<16xi32>
      %select_n3A_544 = arith.select %or3A_541, %broadcast_in_dim3A_543, %sub3A_534 : vector<16xi1>, vector<16xi32>
      %swap3A_545 = arith.constant 0 : i32
      %swap3A_546 = arith.index_cast %swap3A_545 : i32 to index
      %swap3A_547 = arith.constant 0 : index
      %swap3A_548 = tpu.vector_load %arg11[%swap3A_546, %swap3A_547] {strides = array<i32>} : memref<1x32xi32, #tpu.memory_space<vmem>>, vector<16xi32>,
      tpu.vector_store %arg11[%swap3A_546, %swap3A_547], %select_n3A_544 {strides = array<i32>} : memref<1x32xi32, #tpu.memory_space<vmem>>, vector<16xi32>,
      %get3A_549 = arith.constant 6 : i32
      %get3A_550 = arith.index_cast %get3A_549 : i32 to index
      %get3A_551 = arith.constant 48 : index
      %get3A_552 = tpu.vector_load %arg9[%get3A_550, %get3A_551] {strides = array<i32>} : memref<8x64xi32, #tpu.memory_space<vmem>>, vector<16xi32>,
      %sub3A_553 = vector.broadcast %mul3A_76 : i32 to vector<16xi32>
      %sub3A_554 = arith.subi %get3A_552, %sub3A_553 : vector<16xi32>
      %lt3A_555 = arith.constant 0 : i32
      %lt3A_556 = vector.broadcast %lt3A_555 : i32 to vector<16xi32>
      %lt3A_557 = arith.cmpi slt, %sub3A_554, %lt3A_556 : vector<16xi32>
      %ge3A_558 = arith.constant 5056 : i32
      %ge3A_559 = vector.broadcast %ge3A_558 : i32 to vector<16xi32>
      %ge3A_560 = arith.cmpi sge, %sub3A_554, %ge3A_559 : vector<16xi32>
      %or3A_561 = arith.ori %lt3A_557, %ge3A_560 : vector<16xi1>
      %jit3A_562 = arith.constant 5056 : i32
      %broadcast_in_dim3A_563 = vector.broadcast %jit3A_562 : i32 to vector<16xi32>
      %select_n3A_564 = arith.select %or3A_561, %broadcast_in_dim3A_563, %sub3A_554 : vector<16xi1>, vector<16xi32>
      %swap3A_565 = arith.constant 0 : i32
      %swap3A_566 = arith.index_cast %swap3A_565 : i32 to index
      %swap3A_567 = arith.constant 16 : index
      %swap3A_568 = tpu.vector_load %arg11[%swap3A_566, %swap3A_567] {strides = array<i32>} : memref<1x32xi32, #tpu.memory_space<vmem>>, vector<16xi32>,
      tpu.vector_store %arg11[%swap3A_566, %swap3A_567], %select_n3A_564 {strides = array<i32>} : memref<1x32xi32, #tpu.memory_space<vmem>>, vector<16xi32>,
      %dma_start3A_569 = arith.constant 0 : i32
      %dma_start3A_570 = arith.constant 0 : i32
      %dma_start3A_571 = tpu.memref_slice %arg11[%dma_start3A_569, %dma_start3A_570] : memref<1x32xi32, #tpu.memory_space<vmem>> -> memref<1x32xi32, #tpu.memory_space<vmem>>
      %dma_start3A_572 = tpu.memref_squeeze %dma_start3A_571 : memref<1x32xi32, #tpu.memory_space<vmem>> -> memref<32xi32, #tpu.memory_space<vmem>>
      %dma_start3A_573 = arith.constant 0 : i32
      %dma_start3A_574 = arith.constant 0 : i32
      %dma_start3A_575 = tpu.memref_slice %arg6[%dma_start3A_573, %dma_start3A_574] : memref<5064x128xf32, #tpu.memory_space<vmem_shared>> -> memref<5064x128xf32, #tpu.memory_space<vmem_shared>>
      tpu.enqueue_indirect_dma source(%arg7 : memref<32x128xf32, #tpu.memory_space<vmem>>) target(%dma_start3A_575 : memref<5064x128xf32, #tpu.memory_space<vmem_shared>>) offsets(%dma_start3A_572 : memref<32xi32, #tpu.memory_space<vmem>>) semaphore(%arg15 : memref<!tpu.dma_semaphore, #tpu.memory_space<semaphore_mem>>) {add = true}
      %dma_wait3A_576 = arith.constant 0 : i32
      %dma_wait3A_577 = arith.constant 0 : i32
      %dma_wait3A_578 = tpu.memref_slice %arg2[%dma_wait3A_576, %dma_wait3A_577] : memref<10000x128xf32, #tpu.memory_space<hbm>> -> memref<32x128xf32, #tpu.memory_space<hbm>>
      %dma_wait3A_579 = arith.constant 0 : i32
      %dma_wait3A_580 = arith.constant 0 : i32
      %dma_wait3A_581 = tpu.memref_slice %arg2[%dma_wait3A_579, %dma_wait3A_580] : memref<10000x128xf32, #tpu.memory_space<hbm>> -> memref<32x128xf32, #tpu.memory_space<hbm>>
      tpu.wait_dma2 semaphore(%arg16 : memref<!tpu.dma_semaphore, #tpu.memory_space<semaphore_mem>>) src(%dma_wait3A_581 : memref<32x128xf32, #tpu.memory_space<hbm>>) dst(%arg8 : memref<32x128xf32, #tpu.memory_space<vmem>>)
      %dma_start3A_582 = arith.constant 7 : i32
      %dma_start3A_583 = arith.constant 0 : i32
      %dma_start3A_584 = tpu.memref_slice %arg9[%dma_start3A_582, %dma_start3A_583] : memref<8x64xi32, #tpu.memory_space<vmem>> -> memref<1x32xi32, #tpu.memory_space<vmem>>
      %dma_start3A_585 = tpu.memref_squeeze %dma_start3A_584 : memref<1x32xi32, #tpu.memory_space<vmem>> -> memref<32xi32, #tpu.memory_space<vmem>>
      %dma_start3A_586 = arith.constant 0 : i32
      %dma_start3A_587 = arith.constant 0 : i32
      %dma_start3A_588 = tpu.memref_slice %arg5[%dma_start3A_586, %dma_start3A_587] : memref<10000x128xf32, #tpu.memory_space<vmem_shared>> -> memref<10000x128xf32, #tpu.memory_space<vmem_shared>>
      tpu.enqueue_indirect_dma source(%dma_start3A_588 : memref<10000x128xf32, #tpu.memory_space<vmem_shared>>) target(%arg8 : memref<32x128xf32, #tpu.memory_space<vmem>>) offsets(%dma_start3A_585 : memref<32xi32, #tpu.memory_space<vmem>>) semaphore(%arg14 : memref<!tpu.dma_semaphore, #tpu.memory_space<semaphore_mem>>)
      %dma_wait3A_589 = arith.constant 0 : i32
      %dma_wait3A_590 = arith.constant 0 : i32
      %dma_wait3A_591 = tpu.memref_slice %arg2[%dma_wait3A_589, %dma_wait3A_590] : memref<10000x128xf32, #tpu.memory_space<hbm>> -> memref<32x128xf32, #tpu.memory_space<hbm>>
      %dma_wait3A_592 = arith.constant 0 : i32
      %dma_wait3A_593 = arith.constant 0 : i32
      %dma_wait3A_594 = tpu.memref_slice %arg2[%dma_wait3A_592, %dma_wait3A_593] : memref<10000x128xf32, #tpu.memory_space<hbm>> -> memref<32x128xf32, #tpu.memory_space<hbm>>
      tpu.wait_dma2 semaphore(%arg14 : memref<!tpu.dma_semaphore, #tpu.memory_space<semaphore_mem>>) src(%dma_wait3A_594 : memref<32x128xf32, #tpu.memory_space<hbm>>) dst(%arg8 : memref<32x128xf32, #tpu.memory_space<vmem>>)
      %get3A_595 = arith.constant 7 : i32
      %get3A_596 = arith.index_cast %get3A_595 : i32 to index
      %get3A_597 = arith.constant 32 : index
      %get3A_598 = tpu.vector_load %arg9[%get3A_596, %get3A_597] {strides = array<i32>} : memref<8x64xi32, #tpu.memory_space<vmem>>, vector<16xi32>,
      %sub3A_599 = vector.broadcast %mul3A_76 : i32 to vector<16xi32>
      %sub3A_600 = arith.subi %get3A_598, %sub3A_599 : vector<16xi32>
      %lt3A_601 = arith.constant 0 : i32
      %lt3A_602 = vector.broadcast %lt3A_601 : i32 to vector<16xi32>
      %lt3A_603 = arith.cmpi slt, %sub3A_600, %lt3A_602 : vector<16xi32>
      %ge3A_604 = arith.constant 5056 : i32
      %ge3A_605 = vector.broadcast %ge3A_604 : i32 to vector<16xi32>
      %ge3A_606 = arith.cmpi sge, %sub3A_600, %ge3A_605 : vector<16xi32>
      %or3A_607 = arith.ori %lt3A_603, %ge3A_606 : vector<16xi1>
      %jit3A_608 = arith.constant 5056 : i32
      %broadcast_in_dim3A_609 = vector.broadcast %jit3A_608 : i32 to vector<16xi32>
      %select_n3A_610 = arith.select %or3A_607, %broadcast_in_dim3A_609, %sub3A_600 : vector<16xi1>, vector<16xi32>
      %swap3A_611 = arith.constant 0 : i32
      %swap3A_612 = arith.index_cast %swap3A_611 : i32 to index
      %swap3A_613 = arith.constant 0 : index
      %swap3A_614 = tpu.vector_load %arg12[%swap3A_612, %swap3A_613] {strides = array<i32>} : memref<1x32xi32, #tpu.memory_space<vmem>>, vector<16xi32>,
      tpu.vector_store %arg12[%swap3A_612, %swap3A_613], %select_n3A_610 {strides = array<i32>} : memref<1x32xi32, #tpu.memory_space<vmem>>, vector<16xi32>,
      %get3A_615 = arith.constant 7 : i32
      %get3A_616 = arith.index_cast %get3A_615 : i32 to index
      %get3A_617 = arith.constant 48 : index
      %get3A_618 = tpu.vector_load %arg9[%get3A_616, %get3A_617] {strides = array<i32>} : memref<8x64xi32, #tpu.memory_space<vmem>>, vector<16xi32>,
      %sub3A_619 = vector.broadcast %mul3A_76 : i32 to vector<16xi32>
      %sub3A_620 = arith.subi %get3A_618, %sub3A_619 : vector<16xi32>
      %lt3A_621 = arith.constant 0 : i32
      %lt3A_622 = vector.broadcast %lt3A_621 : i32 to vector<16xi32>
      %lt3A_623 = arith.cmpi slt, %sub3A_620, %lt3A_622 : vector<16xi32>
      %ge3A_624 = arith.constant 5056 : i32
      %ge3A_625 = vector.broadcast %ge3A_624 : i32 to vector<16xi32>
      %ge3A_626 = arith.cmpi sge, %sub3A_620, %ge3A_625 : vector<16xi32>
      %or3A_627 = arith.ori %lt3A_623, %ge3A_626 : vector<16xi1>
      %jit3A_628 = arith.constant 5056 : i32
      %broadcast_in_dim3A_629 = vector.broadcast %jit3A_628 : i32 to vector<16xi32>
      %select_n3A_630 = arith.select %or3A_627, %broadcast_in_dim3A_629, %sub3A_620 : vector<16xi1>, vector<16xi32>
      %swap3A_631 = arith.constant 0 : i32
      %swap3A_632 = arith.index_cast %swap3A_631 : i32 to index
      %swap3A_633 = arith.constant 16 : index
      %swap3A_634 = tpu.vector_load %arg12[%swap3A_632, %swap3A_633] {strides = array<i32>} : memref<1x32xi32, #tpu.memory_space<vmem>>, vector<16xi32>,
      tpu.vector_store %arg12[%swap3A_632, %swap3A_633], %select_n3A_630 {strides = array<i32>} : memref<1x32xi32, #tpu.memory_space<vmem>>, vector<16xi32>,
      %dma_start3A_635 = arith.constant 0 : i32
      %dma_start3A_636 = arith.constant 0 : i32
      %dma_start3A_637 = tpu.memref_slice %arg12[%dma_start3A_635, %dma_start3A_636] : memref<1x32xi32, #tpu.memory_space<vmem>> -> memref<1x32xi32, #tpu.memory_space<vmem>>
      %dma_start3A_638 = tpu.memref_squeeze %dma_start3A_637 : memref<1x32xi32, #tpu.memory_space<vmem>> -> memref<32xi32, #tpu.memory_space<vmem>>
      %dma_start3A_639 = arith.constant 0 : i32
      %dma_start3A_640 = arith.constant 0 : i32
      %dma_start3A_641 = tpu.memref_slice %arg6[%dma_start3A_639, %dma_start3A_640] : memref<5064x128xf32, #tpu.memory_space<vmem_shared>> -> memref<5064x128xf32, #tpu.memory_space<vmem_shared>>
      tpu.enqueue_indirect_dma source(%arg8 : memref<32x128xf32, #tpu.memory_space<vmem>>) target(%dma_start3A_641 : memref<5064x128xf32, #tpu.memory_space<vmem_shared>>) offsets(%dma_start3A_638 : memref<32xi32, #tpu.memory_space<vmem>>) semaphore(%arg16 : memref<!tpu.dma_semaphore, #tpu.memory_space<semaphore_mem>>) {add = true}
      %dma_wait3A_642 = arith.constant 0 : i32
      %dma_wait3A_643 = arith.constant 0 : i32
      %dma_wait3A_644 = tpu.memref_slice %arg2[%dma_wait3A_642, %dma_wait3A_643] : memref<10000x128xf32, #tpu.memory_space<hbm>> -> memref<32x128xf32, #tpu.memory_space<hbm>>
      %dma_wait3A_645 = arith.constant 0 : i32
      %dma_wait3A_646 = arith.constant 0 : i32
      %dma_wait3A_647 = tpu.memref_slice %arg2[%dma_wait3A_645, %dma_wait3A_646] : memref<10000x128xf32, #tpu.memory_space<hbm>> -> memref<32x128xf32, #tpu.memory_space<hbm>>
      tpu.wait_dma2 semaphore(%arg15 : memref<!tpu.dma_semaphore, #tpu.memory_space<semaphore_mem>>) src(%dma_wait3A_647 : memref<32x128xf32, #tpu.memory_space<hbm>>) dst(%arg7 : memref<32x128xf32, #tpu.memory_space<vmem>>)
      %dma_start3A_648 = arith.constant 0 : i32
      %dma_start3A_649 = arith.constant 0 : i32
      %dma_start3A_650 = tpu.memref_slice %arg10[%dma_start3A_648, %dma_start3A_649] : memref<8x64xi32, #tpu.memory_space<vmem>> -> memref<1x32xi32, #tpu.memory_space<vmem>>
      %dma_start3A_651 = tpu.memref_squeeze %dma_start3A_650 : memref<1x32xi32, #tpu.memory_space<vmem>> -> memref<32xi32, #tpu.memory_space<vmem>>
      %dma_start3A_652 = arith.constant 0 : i32
      %dma_start3A_653 = arith.constant 0 : i32
      %dma_start3A_654 = tpu.memref_slice %arg5[%dma_start3A_652, %dma_start3A_653] : memref<10000x128xf32, #tpu.memory_space<vmem_shared>> -> memref<10000x128xf32, #tpu.memory_space<vmem_shared>>
      tpu.enqueue_indirect_dma source(%dma_start3A_654 : memref<10000x128xf32, #tpu.memory_space<vmem_shared>>) target(%arg7 : memref<32x128xf32, #tpu.memory_space<vmem>>) offsets(%dma_start3A_651 : memref<32xi32, #tpu.memory_space<vmem>>) semaphore(%arg13 : memref<!tpu.dma_semaphore, #tpu.memory_space<semaphore_mem>>)
      %mul3A_655 = arith.constant 2 : i32
      %mul3A_656 = arith.muli %mul3A_655, %scan3A_125 : i32
      %add3A_657 = arith.constant 2 : i32
      %add3A_658 = arith.addi %mul3A_656, %add3A_657 : i32
      %min3A = arith.constant 79 : i32
      %min3A_659 = arith.minsi %add3A_658, %min3A : i32
      %mul3A_660 = arith.constant 8 : i32
      %mul3A_661 = arith.muli %min3A_659, %mul3A_660 : i32
      %add3A_662 = arith.addi %mul3A_74, %mul3A_661 : i32
      %dma_start3A_663 = arith.constant 0 : i32
      %dma_start3A_664 = tpu.memref_slice %arg3[%add3A_662, %dma_start3A_663] : memref<10240x64xi32, #tpu.memory_space<hbm>> -> memref<8x64xi32, #tpu.memory_space<hbm>>
      %dma_start3A_665 = arith.constant 0 : i32
      %dma_start3A_666 = tpu.memref_slice %arg3[%add3A_662, %dma_start3A_665] : memref<10240x64xi32, #tpu.memory_space<hbm>> -> memref<8x64xi32, #tpu.memory_space<hbm>>
      tpu.enqueue_dma source(%dma_start3A_666 : memref<8x64xi32, #tpu.memory_space<hbm>>) target(%arg9 : memref<8x64xi32, #tpu.memory_space<vmem>>) target_semaphore(%arg17 : memref<!tpu.dma_semaphore, #tpu.memory_space<semaphore_mem>>)
      %dma_wait3A_667 = arith.constant 0 : i32
      %dma_wait3A_668 = arith.constant 0 : i32
      %dma_wait3A_669 = tpu.memref_slice %arg2[%dma_wait3A_667, %dma_wait3A_668] : memref<10000x128xf32, #tpu.memory_space<hbm>> -> memref<32x128xf32, #tpu.memory_space<hbm>>
      %dma_wait3A_670 = arith.constant 0 : i32
      %dma_wait3A_671 = arith.constant 0 : i32
      %dma_wait3A_672 = tpu.memref_slice %arg2[%dma_wait3A_670, %dma_wait3A_671] : memref<10000x128xf32, #tpu.memory_space<hbm>> -> memref<32x128xf32, #tpu.memory_space<hbm>>
      tpu.wait_dma2 semaphore(%arg13 : memref<!tpu.dma_semaphore, #tpu.memory_space<semaphore_mem>>) src(%dma_wait3A_672 : memref<32x128xf32, #tpu.memory_space<hbm>>) dst(%arg7 : memref<32x128xf32, #tpu.memory_space<vmem>>)
      %get3A_673 = arith.constant 0 : i32
      %get3A_674 = arith.index_cast %get3A_673 : i32 to index
      %get3A_675 = arith.constant 32 : index
      %get3A_676 = tpu.vector_load %arg10[%get3A_674, %get3A_675] {strides = array<i32>} : memref<8x64xi32, #tpu.memory_space<vmem>>, vector<16xi32>,
      %sub3A_677 = vector.broadcast %mul3A_76 : i32 to vector<16xi32>
      %sub3A_678 = arith.subi %get3A_676, %sub3A_677 : vector<16xi32>
      %lt3A_679 = arith.constant 0 : i32
      %lt3A_680 = vector.broadcast %lt3A_679 : i32 to vector<16xi32>
      %lt3A_681 = arith.cmpi slt, %sub3A_678, %lt3A_680 : vector<16xi32>
      %ge3A_682 = arith.constant 5056 : i32
      %ge3A_683 = vector.broadcast %ge3A_682 : i32 to vector<16xi32>
      %ge3A_684 = arith.cmpi sge, %sub3A_678, %ge3A_683 : vector<16xi32>
      %or3A_685 = arith.ori %lt3A_681, %ge3A_684 : vector<16xi1>
      %jit3A_686 = arith.constant 5056 : i32
      %broadcast_in_dim3A_687 = vector.broadcast %jit3A_686 : i32 to vector<16xi32>
      %select_n3A_688 = arith.select %or3A_685, %broadcast_in_dim3A_687, %sub3A_678 : vector<16xi1>, vector<16xi32>
      %swap3A_689 = arith.constant 0 : i32
      %swap3A_690 = arith.index_cast %swap3A_689 : i32 to index
      %swap3A_691 = arith.constant 0 : index
      %swap3A_692 = tpu.vector_load %arg11[%swap3A_690, %swap3A_691] {strides = array<i32>} : memref<1x32xi32, #tpu.memory_space<vmem>>, vector<16xi32>,
      tpu.vector_store %arg11[%swap3A_690, %swap3A_691], %select_n3A_688 {strides = array<i32>} : memref<1x32xi32, #tpu.memory_space<vmem>>, vector<16xi32>,
      %get3A_693 = arith.constant 0 : i32
      %get3A_694 = arith.index_cast %get3A_693 : i32 to index
      %get3A_695 = arith.constant 48 : index
      %get3A_696 = tpu.vector_load %arg10[%get3A_694, %get3A_695] {strides = array<i32>} : memref<8x64xi32, #tpu.memory_space<vmem>>, vector<16xi32>,
      %sub3A_697 = vector.broadcast %mul3A_76 : i32 to vector<16xi32>
      %sub3A_698 = arith.subi %get3A_696, %sub3A_697 : vector<16xi32>
      %lt3A_699 = arith.constant 0 : i32
      %lt3A_700 = vector.broadcast %lt3A_699 : i32 to vector<16xi32>
      %lt3A_701 = arith.cmpi slt, %sub3A_698, %lt3A_700 : vector<16xi32>
      %ge3A_702 = arith.constant 5056 : i32
      %ge3A_703 = vector.broadcast %ge3A_702 : i32 to vector<16xi32>
      %ge3A_704 = arith.cmpi sge, %sub3A_698, %ge3A_703 : vector<16xi32>
      %or3A_705 = arith.ori %lt3A_701, %ge3A_704 : vector<16xi1>
      %jit3A_706 = arith.constant 5056 : i32
      %broadcast_in_dim3A_707 = vector.broadcast %jit3A_706 : i32 to vector<16xi32>
      %select_n3A_708 = arith.select %or3A_705, %broadcast_in_dim3A_707, %sub3A_698 : vector<16xi1>, vector<16xi32>
      %swap3A_709 = arith.constant 0 : i32
      %swap3A_710 = arith.index_cast %swap3A_709 : i32 to index
      %swap3A_711 = arith.constant 16 : index
      %swap3A_712 = tpu.vector_load %arg11[%swap3A_710, %swap3A_711] {strides = array<i32>} : memref<1x32xi32, #tpu.memory_space<vmem>>, vector<16xi32>,
      tpu.vector_store %arg11[%swap3A_710, %swap3A_711], %select_n3A_708 {strides = array<i32>} : memref<1x32xi32, #tpu.memory_space<vmem>>, vector<16xi32>,
      %dma_start3A_713 = arith.constant 0 : i32
      %dma_start3A_714 = arith.constant 0 : i32
      %dma_start3A_715 = tpu.memref_slice %arg11[%dma_start3A_713, %dma_start3A_714] : memref<1x32xi32, #tpu.memory_space<vmem>> -> memref<1x32xi32, #tpu.memory_space<vmem>>
      %dma_start3A_716 = tpu.memref_squeeze %dma_start3A_715 : memref<1x32xi32, #tpu.memory_space<vmem>> -> memref<32xi32, #tpu.memory_space<vmem>>
      %dma_start3A_717 = arith.constant 0 : i32
      %dma_start3A_718 = arith.constant 0 : i32
      %dma_start3A_719 = tpu.memref_slice %arg6[%dma_start3A_717, %dma_start3A_718] : memref<5064x128xf32, #tpu.memory_space<vmem_shared>> -> memref<5064x128xf32, #tpu.memory_space<vmem_shared>>
      tpu.enqueue_indirect_dma source(%arg7 : memref<32x128xf32, #tpu.memory_space<vmem>>) target(%dma_start3A_719 : memref<5064x128xf32, #tpu.memory_space<vmem_shared>>) offsets(%dma_start3A_716 : memref<32xi32, #tpu.memory_space<vmem>>) semaphore(%arg15 : memref<!tpu.dma_semaphore, #tpu.memory_space<semaphore_mem>>) {add = true}
      %dma_wait3A_720 = arith.constant 0 : i32
      %dma_wait3A_721 = arith.constant 0 : i32
      %dma_wait3A_722 = tpu.memref_slice %arg2[%dma_wait3A_720, %dma_wait3A_721] : memref<10000x128xf32, #tpu.memory_space<hbm>> -> memref<32x128xf32, #tpu.memory_space<hbm>>
      %dma_wait3A_723 = arith.constant 0 : i32
      %dma_wait3A_724 = arith.constant 0 : i32
      %dma_wait3A_725 = tpu.memref_slice %arg2[%dma_wait3A_723, %dma_wait3A_724] : memref<10000x128xf32, #tpu.memory_space<hbm>> -> memref<32x128xf32, #tpu.memory_space<hbm>>
      tpu.wait_dma2 semaphore(%arg16 : memref<!tpu.dma_semaphore, #tpu.memory_space<semaphore_mem>>) src(%dma_wait3A_725 : memref<32x128xf32, #tpu.memory_space<hbm>>) dst(%arg8 : memref<32x128xf32, #tpu.memory_space<vmem>>)
      %dma_start3A_726 = arith.constant 1 : i32
      %dma_start3A_727 = arith.constant 0 : i32
      %dma_start3A_728 = tpu.memref_slice %arg10[%dma_start3A_726, %dma_start3A_727] : memref<8x64xi32, #tpu.memory_space<vmem>> -> memref<1x32xi32, #tpu.memory_space<vmem>>
      %dma_start3A_729 = tpu.memref_squeeze %dma_start3A_728 : memref<1x32xi32, #tpu.memory_space<vmem>> -> memref<32xi32, #tpu.memory_space<vmem>>
      %dma_start3A_730 = arith.constant 0 : i32
      %dma_start3A_731 = arith.constant 0 : i32
      %dma_start3A_732 = tpu.memref_slice %arg5[%dma_start3A_730, %dma_start3A_731] : memref<10000x128xf32, #tpu.memory_space<vmem_shared>> -> memref<10000x128xf32, #tpu.memory_space<vmem_shared>>
      tpu.enqueue_indirect_dma source(%dma_start3A_732 : memref<10000x128xf32, #tpu.memory_space<vmem_shared>>) target(%arg8 : memref<32x128xf32, #tpu.memory_space<vmem>>) offsets(%dma_start3A_729 : memref<32xi32, #tpu.memory_space<vmem>>) semaphore(%arg14 : memref<!tpu.dma_semaphore, #tpu.memory_space<semaphore_mem>>)
      %dma_wait3A_733 = arith.constant 0 : i32
      %dma_wait3A_734 = arith.constant 0 : i32
      %dma_wait3A_735 = tpu.memref_slice %arg2[%dma_wait3A_733, %dma_wait3A_734] : memref<10000x128xf32, #tpu.memory_space<hbm>> -> memref<32x128xf32, #tpu.memory_space<hbm>>
      %dma_wait3A_736 = arith.constant 0 : i32
      %dma_wait3A_737 = arith.constant 0 : i32
      %dma_wait3A_738 = tpu.memref_slice %arg2[%dma_wait3A_736, %dma_wait3A_737] : memref<10000x128xf32, #tpu.memory_space<hbm>> -> memref<32x128xf32, #tpu.memory_space<hbm>>
      tpu.wait_dma2 semaphore(%arg14 : memref<!tpu.dma_semaphore, #tpu.memory_space<semaphore_mem>>) src(%dma_wait3A_738 : memref<32x128xf32, #tpu.memory_space<hbm>>) dst(%arg8 : memref<32x128xf32, #tpu.memory_space<vmem>>)
      %get3A_739 = arith.constant 1 : i32
      %get3A_740 = arith.index_cast %get3A_739 : i32 to index
      %get3A_741 = arith.constant 32 : index
      %get3A_742 = tpu.vector_load %arg10[%get3A_740, %get3A_741] {strides = array<i32>} : memref<8x64xi32, #tpu.memory_space<vmem>>, vector<16xi32>,
      %sub3A_743 = vector.broadcast %mul3A_76 : i32 to vector<16xi32>
      %sub3A_744 = arith.subi %get3A_742, %sub3A_743 : vector<16xi32>
      %lt3A_745 = arith.constant 0 : i32
      %lt3A_746 = vector.broadcast %lt3A_745 : i32 to vector<16xi32>
      %lt3A_747 = arith.cmpi slt, %sub3A_744, %lt3A_746 : vector<16xi32>
      %ge3A_748 = arith.constant 5056 : i32
      %ge3A_749 = vector.broadcast %ge3A_748 : i32 to vector<16xi32>
      %ge3A_750 = arith.cmpi sge, %sub3A_744, %ge3A_749 : vector<16xi32>
      %or3A_751 = arith.ori %lt3A_747, %ge3A_750 : vector<16xi1>
      %jit3A_752 = arith.constant 5056 : i32
      %broadcast_in_dim3A_753 = vector.broadcast %jit3A_752 : i32 to vector<16xi32>
      %select_n3A_754 = arith.select %or3A_751, %broadcast_in_dim3A_753, %sub3A_744 : vector<16xi1>, vector<16xi32>
      %swap3A_755 = arith.constant 0 : i32
      %swap3A_756 = arith.index_cast %swap3A_755 : i32 to index
      %swap3A_757 = arith.constant 0 : index
      %swap3A_758 = tpu.vector_load %arg12[%swap3A_756, %swap3A_757] {strides = array<i32>} : memref<1x32xi32, #tpu.memory_space<vmem>>, vector<16xi32>,
      tpu.vector_store %arg12[%swap3A_756, %swap3A_757], %select_n3A_754 {strides = array<i32>} : memref<1x32xi32, #tpu.memory_space<vmem>>, vector<16xi32>,
      %get3A_759 = arith.constant 1 : i32
      %get3A_760 = arith.index_cast %get3A_759 : i32 to index
      %get3A_761 = arith.constant 48 : index
      %get3A_762 = tpu.vector_load %arg10[%get3A_760, %get3A_761] {strides = array<i32>} : memref<8x64xi32, #tpu.memory_space<vmem>>, vector<16xi32>,
      %sub3A_763 = vector.broadcast %mul3A_76 : i32 to vector<16xi32>
      %sub3A_764 = arith.subi %get3A_762, %sub3A_763 : vector<16xi32>
      %lt3A_765 = arith.constant 0 : i32
      %lt3A_766 = vector.broadcast %lt3A_765 : i32 to vector<16xi32>
      %lt3A_767 = arith.cmpi slt, %sub3A_764, %lt3A_766 : vector<16xi32>
      %ge3A_768 = arith.constant 5056 : i32
      %ge3A_769 = vector.broadcast %ge3A_768 : i32 to vector<16xi32>
      %ge3A_770 = arith.cmpi sge, %sub3A_764, %ge3A_769 : vector<16xi32>
      %or3A_771 = arith.ori %lt3A_767, %ge3A_770 : vector<16xi1>
      %jit3A_772 = arith.constant 5056 : i32
      %broadcast_in_dim3A_773 = vector.broadcast %jit3A_772 : i32 to vector<16xi32>
      %select_n3A_774 = arith.select %or3A_771, %broadcast_in_dim3A_773, %sub3A_764 : vector<16xi1>, vector<16xi32>
      %swap3A_775 = arith.constant 0 : i32
      %swap3A_776 = arith.index_cast %swap3A_775 : i32 to index
      %swap3A_777 = arith.constant 16 : index
      %swap3A_778 = tpu.vector_load %arg12[%swap3A_776, %swap3A_777] {strides = array<i32>} : memref<1x32xi32, #tpu.memory_space<vmem>>, vector<16xi32>,
      tpu.vector_store %arg12[%swap3A_776, %swap3A_777], %select_n3A_774 {strides = array<i32>} : memref<1x32xi32, #tpu.memory_space<vmem>>, vector<16xi32>,
      %dma_start3A_779 = arith.constant 0 : i32
      %dma_start3A_780 = arith.constant 0 : i32
      %dma_start3A_781 = tpu.memref_slice %arg12[%dma_start3A_779, %dma_start3A_780] : memref<1x32xi32, #tpu.memory_space<vmem>> -> memref<1x32xi32, #tpu.memory_space<vmem>>
      %dma_start3A_782 = tpu.memref_squeeze %dma_start3A_781 : memref<1x32xi32, #tpu.memory_space<vmem>> -> memref<32xi32, #tpu.memory_space<vmem>>
      %dma_start3A_783 = arith.constant 0 : i32
      %dma_start3A_784 = arith.constant 0 : i32
      %dma_start3A_785 = tpu.memref_slice %arg6[%dma_start3A_783, %dma_start3A_784] : memref<5064x128xf32, #tpu.memory_space<vmem_shared>> -> memref<5064x128xf32, #tpu.memory_space<vmem_shared>>
      tpu.enqueue_indirect_dma source(%arg8 : memref<32x128xf32, #tpu.memory_space<vmem>>) target(%dma_start3A_785 : memref<5064x128xf32, #tpu.memory_space<vmem_shared>>) offsets(%dma_start3A_782 : memref<32xi32, #tpu.memory_space<vmem>>) semaphore(%arg16 : memref<!tpu.dma_semaphore, #tpu.memory_space<semaphore_mem>>) {add = true}
      %dma_wait3A_786 = arith.constant 0 : i32
      %dma_wait3A_787 = arith.constant 0 : i32
      %dma_wait3A_788 = tpu.memref_slice %arg2[%dma_wait3A_786, %dma_wait3A_787] : memref<10000x128xf32, #tpu.memory_space<hbm>> -> memref<32x128xf32, #tpu.memory_space<hbm>>
      %dma_wait3A_789 = arith.constant 0 : i32
      %dma_wait3A_790 = arith.constant 0 : i32
      %dma_wait3A_791 = tpu.memref_slice %arg2[%dma_wait3A_789, %dma_wait3A_790] : memref<10000x128xf32, #tpu.memory_space<hbm>> -> memref<32x128xf32, #tpu.memory_space<hbm>>
      tpu.wait_dma2 semaphore(%arg15 : memref<!tpu.dma_semaphore, #tpu.memory_space<semaphore_mem>>) src(%dma_wait3A_791 : memref<32x128xf32, #tpu.memory_space<hbm>>) dst(%arg7 : memref<32x128xf32, #tpu.memory_space<vmem>>)
      %dma_start3A_792 = arith.constant 2 : i32
      %dma_start3A_793 = arith.constant 0 : i32
      %dma_start3A_794 = tpu.memref_slice %arg10[%dma_start3A_792, %dma_start3A_793] : memref<8x64xi32, #tpu.memory_space<vmem>> -> memref<1x32xi32, #tpu.memory_space<vmem>>
      %dma_start3A_795 = tpu.memref_squeeze %dma_start3A_794 : memref<1x32xi32, #tpu.memory_space<vmem>> -> memref<32xi32, #tpu.memory_space<vmem>>
      %dma_start3A_796 = arith.constant 0 : i32
      %dma_start3A_797 = arith.constant 0 : i32
      %dma_start3A_798 = tpu.memref_slice %arg5[%dma_start3A_796, %dma_start3A_797] : memref<10000x128xf32, #tpu.memory_space<vmem_shared>> -> memref<10000x128xf32, #tpu.memory_space<vmem_shared>>
      tpu.enqueue_indirect_dma source(%dma_start3A_798 : memref<10000x128xf32, #tpu.memory_space<vmem_shared>>) target(%arg7 : memref<32x128xf32, #tpu.memory_space<vmem>>) offsets(%dma_start3A_795 : memref<32xi32, #tpu.memory_space<vmem>>) semaphore(%arg13 : memref<!tpu.dma_semaphore, #tpu.memory_space<semaphore_mem>>)
      %dma_wait3A_799 = arith.constant 0 : i32
      %dma_wait3A_800 = arith.constant 0 : i32
      %dma_wait3A_801 = tpu.memref_slice %arg2[%dma_wait3A_799, %dma_wait3A_800] : memref<10000x128xf32, #tpu.memory_space<hbm>> -> memref<32x128xf32, #tpu.memory_space<hbm>>
      %dma_wait3A_802 = arith.constant 0 : i32
      %dma_wait3A_803 = arith.constant 0 : i32
      %dma_wait3A_804 = tpu.memref_slice %arg2[%dma_wait3A_802, %dma_wait3A_803] : memref<10000x128xf32, #tpu.memory_space<hbm>> -> memref<32x128xf32, #tpu.memory_space<hbm>>
      tpu.wait_dma2 semaphore(%arg13 : memref<!tpu.dma_semaphore, #tpu.memory_space<semaphore_mem>>) src(%dma_wait3A_804 : memref<32x128xf32, #tpu.memory_space<hbm>>) dst(%arg7 : memref<32x128xf32, #tpu.memory_space<vmem>>)
      %get3A_805 = arith.constant 2 : i32
      %get3A_806 = arith.index_cast %get3A_805 : i32 to index
      %get3A_807 = arith.constant 32 : index
      %get3A_808 = tpu.vector_load %arg10[%get3A_806, %get3A_807] {strides = array<i32>} : memref<8x64xi32, #tpu.memory_space<vmem>>, vector<16xi32>,
      %sub3A_809 = vector.broadcast %mul3A_76 : i32 to vector<16xi32>
      %sub3A_810 = arith.subi %get3A_808, %sub3A_809 : vector<16xi32>
      %lt3A_811 = arith.constant 0 : i32
      %lt3A_812 = vector.broadcast %lt3A_811 : i32 to vector<16xi32>
      %lt3A_813 = arith.cmpi slt, %sub3A_810, %lt3A_812 : vector<16xi32>
      %ge3A_814 = arith.constant 5056 : i32
      %ge3A_815 = vector.broadcast %ge3A_814 : i32 to vector<16xi32>
      %ge3A_816 = arith.cmpi sge, %sub3A_810, %ge3A_815 : vector<16xi32>
      %or3A_817 = arith.ori %lt3A_813, %ge3A_816 : vector<16xi1>
      %jit3A_818 = arith.constant 5056 : i32
      %broadcast_in_dim3A_819 = vector.broadcast %jit3A_818 : i32 to vector<16xi32>
      %select_n3A_820 = arith.select %or3A_817, %broadcast_in_dim3A_819, %sub3A_810 : vector<16xi1>, vector<16xi32>
      %swap3A_821 = arith.constant 0 : i32
      %swap3A_822 = arith.index_cast %swap3A_821 : i32 to index
      %swap3A_823 = arith.constant 0 : index
      %swap3A_824 = tpu.vector_load %arg11[%swap3A_822, %swap3A_823] {strides = array<i32>} : memref<1x32xi32, #tpu.memory_space<vmem>>, vector<16xi32>,
      tpu.vector_store %arg11[%swap3A_822, %swap3A_823], %select_n3A_820 {strides = array<i32>} : memref<1x32xi32, #tpu.memory_space<vmem>>, vector<16xi32>,
      %get3A_825 = arith.constant 2 : i32
      %get3A_826 = arith.index_cast %get3A_825 : i32 to index
      %get3A_827 = arith.constant 48 : index
      %get3A_828 = tpu.vector_load %arg10[%get3A_826, %get3A_827] {strides = array<i32>} : memref<8x64xi32, #tpu.memory_space<vmem>>, vector<16xi32>,
      %sub3A_829 = vector.broadcast %mul3A_76 : i32 to vector<16xi32>
      %sub3A_830 = arith.subi %get3A_828, %sub3A_829 : vector<16xi32>
      %lt3A_831 = arith.constant 0 : i32
      %lt3A_832 = vector.broadcast %lt3A_831 : i32 to vector<16xi32>
      %lt3A_833 = arith.cmpi slt, %sub3A_830, %lt3A_832 : vector<16xi32>
      %ge3A_834 = arith.constant 5056 : i32
      %ge3A_835 = vector.broadcast %ge3A_834 : i32 to vector<16xi32>
      %ge3A_836 = arith.cmpi sge, %sub3A_830, %ge3A_835 : vector<16xi32>
      %or3A_837 = arith.ori %lt3A_833, %ge3A_836 : vector<16xi1>
      %jit3A_838 = arith.constant 5056 : i32
      %broadcast_in_dim3A_839 = vector.broadcast %jit3A_838 : i32 to vector<16xi32>
      %select_n3A_840 = arith.select %or3A_837, %broadcast_in_dim3A_839, %sub3A_830 : vector<16xi1>, vector<16xi32>
      %swap3A_841 = arith.constant 0 : i32
      %swap3A_842 = arith.index_cast %swap3A_841 : i32 to index
      %swap3A_843 = arith.constant 16 : index
      %swap3A_844 = tpu.vector_load %arg11[%swap3A_842, %swap3A_843] {strides = array<i32>} : memref<1x32xi32, #tpu.memory_space<vmem>>, vector<16xi32>,
      tpu.vector_store %arg11[%swap3A_842, %swap3A_843], %select_n3A_840 {strides = array<i32>} : memref<1x32xi32, #tpu.memory_space<vmem>>, vector<16xi32>,
      %dma_start3A_845 = arith.constant 0 : i32
      %dma_start3A_846 = arith.constant 0 : i32
      %dma_start3A_847 = tpu.memref_slice %arg11[%dma_start3A_845, %dma_start3A_846] : memref<1x32xi32, #tpu.memory_space<vmem>> -> memref<1x32xi32, #tpu.memory_space<vmem>>
      %dma_start3A_848 = tpu.memref_squeeze %dma_start3A_847 : memref<1x32xi32, #tpu.memory_space<vmem>> -> memref<32xi32, #tpu.memory_space<vmem>>
      %dma_start3A_849 = arith.constant 0 : i32
      %dma_start3A_850 = arith.constant 0 : i32
      %dma_start3A_851 = tpu.memref_slice %arg6[%dma_start3A_849, %dma_start3A_850] : memref<5064x128xf32, #tpu.memory_space<vmem_shared>> -> memref<5064x128xf32, #tpu.memory_space<vmem_shared>>
      tpu.enqueue_indirect_dma source(%arg7 : memref<32x128xf32, #tpu.memory_space<vmem>>) target(%dma_start3A_851 : memref<5064x128xf32, #tpu.memory_space<vmem_shared>>) offsets(%dma_start3A_848 : memref<32xi32, #tpu.memory_space<vmem>>) semaphore(%arg15 : memref<!tpu.dma_semaphore, #tpu.memory_space<semaphore_mem>>) {add = true}
      %dma_wait3A_852 = arith.constant 0 : i32
      %dma_wait3A_853 = arith.constant 0 : i32
      %dma_wait3A_854 = tpu.memref_slice %arg2[%dma_wait3A_852, %dma_wait3A_853] : memref<10000x128xf32, #tpu.memory_space<hbm>> -> memref<32x128xf32, #tpu.memory_space<hbm>>
      %dma_wait3A_855 = arith.constant 0 : i32
      %dma_wait3A_856 = arith.constant 0 : i32
      %dma_wait3A_857 = tpu.memref_slice %arg2[%dma_wait3A_855, %dma_wait3A_856] : memref<10000x128xf32, #tpu.memory_space<hbm>> -> memref<32x128xf32, #tpu.memory_space<hbm>>
      tpu.wait_dma2 semaphore(%arg16 : memref<!tpu.dma_semaphore, #tpu.memory_space<semaphore_mem>>) src(%dma_wait3A_857 : memref<32x128xf32, #tpu.memory_space<hbm>>) dst(%arg8 : memref<32x128xf32, #tpu.memory_space<vmem>>)
      %dma_start3A_858 = arith.constant 3 : i32
      %dma_start3A_859 = arith.constant 0 : i32
      %dma_start3A_860 = tpu.memref_slice %arg10[%dma_start3A_858, %dma_start3A_859] : memref<8x64xi32, #tpu.memory_space<vmem>> -> memref<1x32xi32, #tpu.memory_space<vmem>>
      %dma_start3A_861 = tpu.memref_squeeze %dma_start3A_860 : memref<1x32xi32, #tpu.memory_space<vmem>> -> memref<32xi32, #tpu.memory_space<vmem>>
      %dma_start3A_862 = arith.constant 0 : i32
      %dma_start3A_863 = arith.constant 0 : i32
      %dma_start3A_864 = tpu.memref_slice %arg5[%dma_start3A_862, %dma_start3A_863] : memref<10000x128xf32, #tpu.memory_space<vmem_shared>> -> memref<10000x128xf32, #tpu.memory_space<vmem_shared>>
      tpu.enqueue_indirect_dma source(%dma_start3A_864 : memref<10000x128xf32, #tpu.memory_space<vmem_shared>>) target(%arg8 : memref<32x128xf32, #tpu.memory_space<vmem>>) offsets(%dma_start3A_861 : memref<32xi32, #tpu.memory_space<vmem>>) semaphore(%arg14 : memref<!tpu.dma_semaphore, #tpu.memory_space<semaphore_mem>>)
      %dma_wait3A_865 = arith.constant 0 : i32
      %dma_wait3A_866 = arith.constant 0 : i32
      %dma_wait3A_867 = tpu.memref_slice %arg2[%dma_wait3A_865, %dma_wait3A_866] : memref<10000x128xf32, #tpu.memory_space<hbm>> -> memref<32x128xf32, #tpu.memory_space<hbm>>
      %dma_wait3A_868 = arith.constant 0 : i32
      %dma_wait3A_869 = arith.constant 0 : i32
      %dma_wait3A_870 = tpu.memref_slice %arg2[%dma_wait3A_868, %dma_wait3A_869] : memref<10000x128xf32, #tpu.memory_space<hbm>> -> memref<32x128xf32, #tpu.memory_space<hbm>>
      tpu.wait_dma2 semaphore(%arg14 : memref<!tpu.dma_semaphore, #tpu.memory_space<semaphore_mem>>) src(%dma_wait3A_870 : memref<32x128xf32, #tpu.memory_space<hbm>>) dst(%arg8 : memref<32x128xf32, #tpu.memory_space<vmem>>)
      %get3A_871 = arith.constant 3 : i32
      %get3A_872 = arith.index_cast %get3A_871 : i32 to index
      %get3A_873 = arith.constant 32 : index
      %get3A_874 = tpu.vector_load %arg10[%get3A_872, %get3A_873] {strides = array<i32>} : memref<8x64xi32, #tpu.memory_space<vmem>>, vector<16xi32>,
      %sub3A_875 = vector.broadcast %mul3A_76 : i32 to vector<16xi32>
      %sub3A_876 = arith.subi %get3A_874, %sub3A_875 : vector<16xi32>
      %lt3A_877 = arith.constant 0 : i32
      %lt3A_878 = vector.broadcast %lt3A_877 : i32 to vector<16xi32>
      %lt3A_879 = arith.cmpi slt, %sub3A_876, %lt3A_878 : vector<16xi32>
      %ge3A_880 = arith.constant 5056 : i32
      %ge3A_881 = vector.broadcast %ge3A_880 : i32 to vector<16xi32>
      %ge3A_882 = arith.cmpi sge, %sub3A_876, %ge3A_881 : vector<16xi32>
      %or3A_883 = arith.ori %lt3A_879, %ge3A_882 : vector<16xi1>
      %jit3A_884 = arith.constant 5056 : i32
      %broadcast_in_dim3A_885 = vector.broadcast %jit3A_884 : i32 to vector<16xi32>
      %select_n3A_886 = arith.select %or3A_883, %broadcast_in_dim3A_885, %sub3A_876 : vector<16xi1>, vector<16xi32>
      %swap3A_887 = arith.constant 0 : i32
      %swap3A_888 = arith.index_cast %swap3A_887 : i32 to index
      %swap3A_889 = arith.constant 0 : index
      %swap3A_890 = tpu.vector_load %arg12[%swap3A_888, %swap3A_889] {strides = array<i32>} : memref<1x32xi32, #tpu.memory_space<vmem>>, vector<16xi32>,
      tpu.vector_store %arg12[%swap3A_888, %swap3A_889], %select_n3A_886 {strides = array<i32>} : memref<1x32xi32, #tpu.memory_space<vmem>>, vector<16xi32>,
      %get3A_891 = arith.constant 3 : i32
      %get3A_892 = arith.index_cast %get3A_891 : i32 to index
      %get3A_893 = arith.constant 48 : index
      %get3A_894 = tpu.vector_load %arg10[%get3A_892, %get3A_893] {strides = array<i32>} : memref<8x64xi32, #tpu.memory_space<vmem>>, vector<16xi32>,
      %sub3A_895 = vector.broadcast %mul3A_76 : i32 to vector<16xi32>
      %sub3A_896 = arith.subi %get3A_894, %sub3A_895 : vector<16xi32>
      %lt3A_897 = arith.constant 0 : i32
      %lt3A_898 = vector.broadcast %lt3A_897 : i32 to vector<16xi32>
      %lt3A_899 = arith.cmpi slt, %sub3A_896, %lt3A_898 : vector<16xi32>
      %ge3A_900 = arith.constant 5056 : i32
      %ge3A_901 = vector.broadcast %ge3A_900 : i32 to vector<16xi32>
      %ge3A_902 = arith.cmpi sge, %sub3A_896, %ge3A_901 : vector<16xi32>
      %or3A_903 = arith.ori %lt3A_899, %ge3A_902 : vector<16xi1>
      %jit3A_904 = arith.constant 5056 : i32
      %broadcast_in_dim3A_905 = vector.broadcast %jit3A_904 : i32 to vector<16xi32>
      %select_n3A_906 = arith.select %or3A_903, %broadcast_in_dim3A_905, %sub3A_896 : vector<16xi1>, vector<16xi32>
      %swap3A_907 = arith.constant 0 : i32
      %swap3A_908 = arith.index_cast %swap3A_907 : i32 to index
      %swap3A_909 = arith.constant 16 : index
      %swap3A_910 = tpu.vector_load %arg12[%swap3A_908, %swap3A_909] {strides = array<i32>} : memref<1x32xi32, #tpu.memory_space<vmem>>, vector<16xi32>,
      tpu.vector_store %arg12[%swap3A_908, %swap3A_909], %select_n3A_906 {strides = array<i32>} : memref<1x32xi32, #tpu.memory_space<vmem>>, vector<16xi32>,
      %dma_start3A_911 = arith.constant 0 : i32
      %dma_start3A_912 = arith.constant 0 : i32
      %dma_start3A_913 = tpu.memref_slice %arg12[%dma_start3A_911, %dma_start3A_912] : memref<1x32xi32, #tpu.memory_space<vmem>> -> memref<1x32xi32, #tpu.memory_space<vmem>>
      %dma_start3A_914 = tpu.memref_squeeze %dma_start3A_913 : memref<1x32xi32, #tpu.memory_space<vmem>> -> memref<32xi32, #tpu.memory_space<vmem>>
      %dma_start3A_915 = arith.constant 0 : i32
      %dma_start3A_916 = arith.constant 0 : i32
      %dma_start3A_917 = tpu.memref_slice %arg6[%dma_start3A_915, %dma_start3A_916] : memref<5064x128xf32, #tpu.memory_space<vmem_shared>> -> memref<5064x128xf32, #tpu.memory_space<vmem_shared>>
      tpu.enqueue_indirect_dma source(%arg8 : memref<32x128xf32, #tpu.memory_space<vmem>>) target(%dma_start3A_917 : memref<5064x128xf32, #tpu.memory_space<vmem_shared>>) offsets(%dma_start3A_914 : memref<32xi32, #tpu.memory_space<vmem>>) semaphore(%arg16 : memref<!tpu.dma_semaphore, #tpu.memory_space<semaphore_mem>>) {add = true}
      %dma_wait3A_918 = arith.constant 0 : i32
      %dma_wait3A_919 = arith.constant 0 : i32
      %dma_wait3A_920 = tpu.memref_slice %arg2[%dma_wait3A_918, %dma_wait3A_919] : memref<10000x128xf32, #tpu.memory_space<hbm>> -> memref<32x128xf32, #tpu.memory_space<hbm>>
      %dma_wait3A_921 = arith.constant 0 : i32
      %dma_wait3A_922 = arith.constant 0 : i32
      %dma_wait3A_923 = tpu.memref_slice %arg2[%dma_wait3A_921, %dma_wait3A_922] : memref<10000x128xf32, #tpu.memory_space<hbm>> -> memref<32x128xf32, #tpu.memory_space<hbm>>
      tpu.wait_dma2 semaphore(%arg15 : memref<!tpu.dma_semaphore, #tpu.memory_space<semaphore_mem>>) src(%dma_wait3A_923 : memref<32x128xf32, #tpu.memory_space<hbm>>) dst(%arg7 : memref<32x128xf32, #tpu.memory_space<vmem>>)
      %dma_start3A_924 = arith.constant 4 : i32
      %dma_start3A_925 = arith.constant 0 : i32
      %dma_start3A_926 = tpu.memref_slice %arg10[%dma_start3A_924, %dma_start3A_925] : memref<8x64xi32, #tpu.memory_space<vmem>> -> memref<1x32xi32, #tpu.memory_space<vmem>>
      %dma_start3A_927 = tpu.memref_squeeze %dma_start3A_926 : memref<1x32xi32, #tpu.memory_space<vmem>> -> memref<32xi32, #tpu.memory_space<vmem>>
      %dma_start3A_928 = arith.constant 0 : i32
      %dma_start3A_929 = arith.constant 0 : i32
      %dma_start3A_930 = tpu.memref_slice %arg5[%dma_start3A_928, %dma_start3A_929] : memref<10000x128xf32, #tpu.memory_space<vmem_shared>> -> memref<10000x128xf32, #tpu.memory_space<vmem_shared>>
      tpu.enqueue_indirect_dma source(%dma_start3A_930 : memref<10000x128xf32, #tpu.memory_space<vmem_shared>>) target(%arg7 : memref<32x128xf32, #tpu.memory_space<vmem>>) offsets(%dma_start3A_927 : memref<32xi32, #tpu.memory_space<vmem>>) semaphore(%arg13 : memref<!tpu.dma_semaphore, #tpu.memory_space<semaphore_mem>>)
      %dma_wait3A_931 = arith.constant 0 : i32
      %dma_wait3A_932 = arith.constant 0 : i32
      %dma_wait3A_933 = tpu.memref_slice %arg2[%dma_wait3A_931, %dma_wait3A_932] : memref<10000x128xf32, #tpu.memory_space<hbm>> -> memref<32x128xf32, #tpu.memory_space<hbm>>
      %dma_wait3A_934 = arith.constant 0 : i32
      %dma_wait3A_935 = arith.constant 0 : i32
      %dma_wait3A_936 = tpu.memref_slice %arg2[%dma_wait3A_934, %dma_wait3A_935] : memref<10000x128xf32, #tpu.memory_space<hbm>> -> memref<32x128xf32, #tpu.memory_space<hbm>>
      tpu.wait_dma2 semaphore(%arg13 : memref<!tpu.dma_semaphore, #tpu.memory_space<semaphore_mem>>) src(%dma_wait3A_936 : memref<32x128xf32, #tpu.memory_space<hbm>>) dst(%arg7 : memref<32x128xf32, #tpu.memory_space<vmem>>)
      %get3A_937 = arith.constant 4 : i32
      %get3A_938 = arith.index_cast %get3A_937 : i32 to index
      %get3A_939 = arith.constant 32 : index
      %get3A_940 = tpu.vector_load %arg10[%get3A_938, %get3A_939] {strides = array<i32>} : memref<8x64xi32, #tpu.memory_space<vmem>>, vector<16xi32>,
      %sub3A_941 = vector.broadcast %mul3A_76 : i32 to vector<16xi32>
      %sub3A_942 = arith.subi %get3A_940, %sub3A_941 : vector<16xi32>
      %lt3A_943 = arith.constant 0 : i32
      %lt3A_944 = vector.broadcast %lt3A_943 : i32 to vector<16xi32>
      %lt3A_945 = arith.cmpi slt, %sub3A_942, %lt3A_944 : vector<16xi32>
      %ge3A_946 = arith.constant 5056 : i32
      %ge3A_947 = vector.broadcast %ge3A_946 : i32 to vector<16xi32>
      %ge3A_948 = arith.cmpi sge, %sub3A_942, %ge3A_947 : vector<16xi32>
      %or3A_949 = arith.ori %lt3A_945, %ge3A_948 : vector<16xi1>
      %jit3A_950 = arith.constant 5056 : i32
      %broadcast_in_dim3A_951 = vector.broadcast %jit3A_950 : i32 to vector<16xi32>
      %select_n3A_952 = arith.select %or3A_949, %broadcast_in_dim3A_951, %sub3A_942 : vector<16xi1>, vector<16xi32>
      %swap3A_953 = arith.constant 0 : i32
      %swap3A_954 = arith.index_cast %swap3A_953 : i32 to index
      %swap3A_955 = arith.constant 0 : index
      %swap3A_956 = tpu.vector_load %arg11[%swap3A_954, %swap3A_955] {strides = array<i32>} : memref<1x32xi32, #tpu.memory_space<vmem>>, vector<16xi32>,
      tpu.vector_store %arg11[%swap3A_954, %swap3A_955], %select_n3A_952 {strides = array<i32>} : memref<1x32xi32, #tpu.memory_space<vmem>>, vector<16xi32>,
      %get3A_957 = arith.constant 4 : i32
      %get3A_958 = arith.index_cast %get3A_957 : i32 to index
      %get3A_959 = arith.constant 48 : index
      %get3A_960 = tpu.vector_load %arg10[%get3A_958, %get3A_959] {strides = array<i32>} : memref<8x64xi32, #tpu.memory_space<vmem>>, vector<16xi32>,
      %sub3A_961 = vector.broadcast %mul3A_76 : i32 to vector<16xi32>
      %sub3A_962 = arith.subi %get3A_960, %sub3A_961 : vector<16xi32>
      %lt3A_963 = arith.constant 0 : i32
      %lt3A_964 = vector.broadcast %lt3A_963 : i32 to vector<16xi32>
      %lt3A_965 = arith.cmpi slt, %sub3A_962, %lt3A_964 : vector<16xi32>
      %ge3A_966 = arith.constant 5056 : i32
      %ge3A_967 = vector.broadcast %ge3A_966 : i32 to vector<16xi32>
      %ge3A_968 = arith.cmpi sge, %sub3A_962, %ge3A_967 : vector<16xi32>
      %or3A_969 = arith.ori %lt3A_965, %ge3A_968 : vector<16xi1>
      %jit3A_970 = arith.constant 5056 : i32
      %broadcast_in_dim3A_971 = vector.broadcast %jit3A_970 : i32 to vector<16xi32>
      %select_n3A_972 = arith.select %or3A_969, %broadcast_in_dim3A_971, %sub3A_962 : vector<16xi1>, vector<16xi32>
      %swap3A_973 = arith.constant 0 : i32
      %swap3A_974 = arith.index_cast %swap3A_973 : i32 to index
      %swap3A_975 = arith.constant 16 : index
      %swap3A_976 = tpu.vector_load %arg11[%swap3A_974, %swap3A_975] {strides = array<i32>} : memref<1x32xi32, #tpu.memory_space<vmem>>, vector<16xi32>,
      tpu.vector_store %arg11[%swap3A_974, %swap3A_975], %select_n3A_972 {strides = array<i32>} : memref<1x32xi32, #tpu.memory_space<vmem>>, vector<16xi32>,
      %dma_start3A_977 = arith.constant 0 : i32
      %dma_start3A_978 = arith.constant 0 : i32
      %dma_start3A_979 = tpu.memref_slice %arg11[%dma_start3A_977, %dma_start3A_978] : memref<1x32xi32, #tpu.memory_space<vmem>> -> memref<1x32xi32, #tpu.memory_space<vmem>>
      %dma_start3A_980 = tpu.memref_squeeze %dma_start3A_979 : memref<1x32xi32, #tpu.memory_space<vmem>> -> memref<32xi32, #tpu.memory_space<vmem>>
      %dma_start3A_981 = arith.constant 0 : i32
      %dma_start3A_982 = arith.constant 0 : i32
      %dma_start3A_983 = tpu.memref_slice %arg6[%dma_start3A_981, %dma_start3A_982] : memref<5064x128xf32, #tpu.memory_space<vmem_shared>> -> memref<5064x128xf32, #tpu.memory_space<vmem_shared>>
      tpu.enqueue_indirect_dma source(%arg7 : memref<32x128xf32, #tpu.memory_space<vmem>>) target(%dma_start3A_983 : memref<5064x128xf32, #tpu.memory_space<vmem_shared>>) offsets(%dma_start3A_980 : memref<32xi32, #tpu.memory_space<vmem>>) semaphore(%arg15 : memref<!tpu.dma_semaphore, #tpu.memory_space<semaphore_mem>>) {add = true}
      %dma_wait3A_984 = arith.constant 0 : i32
      %dma_wait3A_985 = arith.constant 0 : i32
      %dma_wait3A_986 = tpu.memref_slice %arg2[%dma_wait3A_984, %dma_wait3A_985] : memref<10000x128xf32, #tpu.memory_space<hbm>> -> memref<32x128xf32, #tpu.memory_space<hbm>>
      %dma_wait3A_987 = arith.constant 0 : i32
      %dma_wait3A_988 = arith.constant 0 : i32
      %dma_wait3A_989 = tpu.memref_slice %arg2[%dma_wait3A_987, %dma_wait3A_988] : memref<10000x128xf32, #tpu.memory_space<hbm>> -> memref<32x128xf32, #tpu.memory_space<hbm>>
      tpu.wait_dma2 semaphore(%arg16 : memref<!tpu.dma_semaphore, #tpu.memory_space<semaphore_mem>>) src(%dma_wait3A_989 : memref<32x128xf32, #tpu.memory_space<hbm>>) dst(%arg8 : memref<32x128xf32, #tpu.memory_space<vmem>>)
      %dma_start3A_990 = arith.constant 5 : i32
      %dma_start3A_991 = arith.constant 0 : i32
      %dma_start3A_992 = tpu.memref_slice %arg10[%dma_start3A_990, %dma_start3A_991] : memref<8x64xi32, #tpu.memory_space<vmem>> -> memref<1x32xi32, #tpu.memory_space<vmem>>
      %dma_start3A_993 = tpu.memref_squeeze %dma_start3A_992 : memref<1x32xi32, #tpu.memory_space<vmem>> -> memref<32xi32, #tpu.memory_space<vmem>>
      %dma_start3A_994 = arith.constant 0 : i32
      %dma_start3A_995 = arith.constant 0 : i32
      %dma_start3A_996 = tpu.memref_slice %arg5[%dma_start3A_994, %dma_start3A_995] : memref<10000x128xf32, #tpu.memory_space<vmem_shared>> -> memref<10000x128xf32, #tpu.memory_space<vmem_shared>>
      tpu.enqueue_indirect_dma source(%dma_start3A_996 : memref<10000x128xf32, #tpu.memory_space<vmem_shared>>) target(%arg8 : memref<32x128xf32, #tpu.memory_space<vmem>>) offsets(%dma_start3A_993 : memref<32xi32, #tpu.memory_space<vmem>>) semaphore(%arg14 : memref<!tpu.dma_semaphore, #tpu.memory_space<semaphore_mem>>)
      %dma_wait3A_997 = arith.constant 0 : i32
      %dma_wait3A_998 = arith.constant 0 : i32
      %dma_wait3A_999 = tpu.memref_slice %arg3[%dma_wait3A_997, %dma_wait3A_998] : memref<10240x64xi32, #tpu.memory_space<hbm>> -> memref<8x64xi32, #tpu.memory_space<hbm>>
      %dma_wait3A_1000 = arith.constant 0 : i32
      %dma_wait3A_1001 = arith.constant 0 : i32
      %dma_wait3A_1002 = tpu.memref_slice %arg3[%dma_wait3A_1000, %dma_wait3A_1001] : memref<10240x64xi32, #tpu.memory_space<hbm>> -> memref<8x64xi32, #tpu.memory_space<hbm>>
      tpu.wait_dma2 semaphore(%arg17 : memref<!tpu.dma_semaphore, #tpu.memory_space<semaphore_mem>>) src(%dma_wait3A_1002 : memref<8x64xi32, #tpu.memory_space<hbm>>) dst(%arg9 : memref<8x64xi32, #tpu.memory_space<vmem>>)
      %dma_wait3A_1003 = arith.constant 0 : i32
      %dma_wait3A_1004 = arith.constant 0 : i32
      %dma_wait3A_1005 = tpu.memref_slice %arg2[%dma_wait3A_1003, %dma_wait3A_1004] : memref<10000x128xf32, #tpu.memory_space<hbm>> -> memref<32x128xf32, #tpu.memory_space<hbm>>
      %dma_wait3A_1006 = arith.constant 0 : i32
      %dma_wait3A_1007 = arith.constant 0 : i32
      %dma_wait3A_1008 = tpu.memref_slice %arg2[%dma_wait3A_1006, %dma_wait3A_1007] : memref<10000x128xf32, #tpu.memory_space<hbm>> -> memref<32x128xf32, #tpu.memory_space<hbm>>
      tpu.wait_dma2 semaphore(%arg14 : memref<!tpu.dma_semaphore, #tpu.memory_space<semaphore_mem>>) src(%dma_wait3A_1008 : memref<32x128xf32, #tpu.memory_space<hbm>>) dst(%arg8 : memref<32x128xf32, #tpu.memory_space<vmem>>)
      %get3A_1009 = arith.constant 5 : i32
      %get3A_1010 = arith.index_cast %get3A_1009 : i32 to index
      %get3A_1011 = arith.constant 32 : index
      %get3A_1012 = tpu.vector_load %arg10[%get3A_1010, %get3A_1011] {strides = array<i32>} : memref<8x64xi32, #tpu.memory_space<vmem>>, vector<16xi32>,
      %sub3A_1013 = vector.broadcast %mul3A_76 : i32 to vector<16xi32>
      %sub3A_1014 = arith.subi %get3A_1012, %sub3A_1013 : vector<16xi32>
      %lt3A_1015 = arith.constant 0 : i32
      %lt3A_1016 = vector.broadcast %lt3A_1015 : i32 to vector<16xi32>
      %lt3A_1017 = arith.cmpi slt, %sub3A_1014, %lt3A_1016 : vector<16xi32>
      %ge3A_1018 = arith.constant 5056 : i32
      %ge3A_1019 = vector.broadcast %ge3A_1018 : i32 to vector<16xi32>
      %ge3A_1020 = arith.cmpi sge, %sub3A_1014, %ge3A_1019 : vector<16xi32>
      %or3A_1021 = arith.ori %lt3A_1017, %ge3A_1020 : vector<16xi1>
      %jit3A_1022 = arith.constant 5056 : i32
      %broadcast_in_dim3A_1023 = vector.broadcast %jit3A_1022 : i32 to vector<16xi32>
      %select_n3A_1024 = arith.select %or3A_1021, %broadcast_in_dim3A_1023, %sub3A_1014 : vector<16xi1>, vector<16xi32>
      %swap3A_1025 = arith.constant 0 : i32
      %swap3A_1026 = arith.index_cast %swap3A_1025 : i32 to index
      %swap3A_1027 = arith.constant 0 : index
      %swap3A_1028 = tpu.vector_load %arg12[%swap3A_1026, %swap3A_1027] {strides = array<i32>} : memref<1x32xi32, #tpu.memory_space<vmem>>, vector<16xi32>,
      tpu.vector_store %arg12[%swap3A_1026, %swap3A_1027], %select_n3A_1024 {strides = array<i32>} : memref<1x32xi32, #tpu.memory_space<vmem>>, vector<16xi32>,
      %get3A_1029 = arith.constant 5 : i32
      %get3A_1030 = arith.index_cast %get3A_1029 : i32 to index
      %get3A_1031 = arith.constant 48 : index
      %get3A_1032 = tpu.vector_load %arg10[%get3A_1030, %get3A_1031] {strides = array<i32>} : memref<8x64xi32, #tpu.memory_space<vmem>>, vector<16xi32>,
      %sub3A_1033 = vector.broadcast %mul3A_76 : i32 to vector<16xi32>
      %sub3A_1034 = arith.subi %get3A_1032, %sub3A_1033 : vector<16xi32>
      %lt3A_1035 = arith.constant 0 : i32
      %lt3A_1036 = vector.broadcast %lt3A_1035 : i32 to vector<16xi32>
      %lt3A_1037 = arith.cmpi slt, %sub3A_1034, %lt3A_1036 : vector<16xi32>
      %ge3A_1038 = arith.constant 5056 : i32
      %ge3A_1039 = vector.broadcast %ge3A_1038 : i32 to vector<16xi32>
      %ge3A_1040 = arith.cmpi sge, %sub3A_1034, %ge3A_1039 : vector<16xi32>
      %or3A_1041 = arith.ori %lt3A_1037, %ge3A_1040 : vector<16xi1>
      %jit3A_1042 = arith.constant 5056 : i32
      %broadcast_in_dim3A_1043 = vector.broadcast %jit3A_1042 : i32 to vector<16xi32>
      %select_n3A_1044 = arith.select %or3A_1041, %broadcast_in_dim3A_1043, %sub3A_1034 : vector<16xi1>, vector<16xi32>
      %swap3A_1045 = arith.constant 0 : i32
      %swap3A_1046 = arith.index_cast %swap3A_1045 : i32 to index
      %swap3A_1047 = arith.constant 16 : index
      %swap3A_1048 = tpu.vector_load %arg12[%swap3A_1046, %swap3A_1047] {strides = array<i32>} : memref<1x32xi32, #tpu.memory_space<vmem>>, vector<16xi32>,
      tpu.vector_store %arg12[%swap3A_1046, %swap3A_1047], %select_n3A_1044 {strides = array<i32>} : memref<1x32xi32, #tpu.memory_space<vmem>>, vector<16xi32>,
      %dma_start3A_1049 = arith.constant 0 : i32
      %dma_start3A_1050 = arith.constant 0 : i32
      %dma_start3A_1051 = tpu.memref_slice %arg12[%dma_start3A_1049, %dma_start3A_1050] : memref<1x32xi32, #tpu.memory_space<vmem>> -> memref<1x32xi32, #tpu.memory_space<vmem>>
      %dma_start3A_1052 = tpu.memref_squeeze %dma_start3A_1051 : memref<1x32xi32, #tpu.memory_space<vmem>> -> memref<32xi32, #tpu.memory_space<vmem>>
      %dma_start3A_1053 = arith.constant 0 : i32
      %dma_start3A_1054 = arith.constant 0 : i32
      %dma_start3A_1055 = tpu.memref_slice %arg6[%dma_start3A_1053, %dma_start3A_1054] : memref<5064x128xf32, #tpu.memory_space<vmem_shared>> -> memref<5064x128xf32, #tpu.memory_space<vmem_shared>>
      tpu.enqueue_indirect_dma source(%arg8 : memref<32x128xf32, #tpu.memory_space<vmem>>) target(%dma_start3A_1055 : memref<5064x128xf32, #tpu.memory_space<vmem_shared>>) offsets(%dma_start3A_1052 : memref<32xi32, #tpu.memory_space<vmem>>) semaphore(%arg16 : memref<!tpu.dma_semaphore, #tpu.memory_space<semaphore_mem>>) {add = true}
      %dma_wait3A_1056 = arith.constant 0 : i32
      %dma_wait3A_1057 = arith.constant 0 : i32
      %dma_wait3A_1058 = tpu.memref_slice %arg2[%dma_wait3A_1056, %dma_wait3A_1057] : memref<10000x128xf32, #tpu.memory_space<hbm>> -> memref<32x128xf32, #tpu.memory_space<hbm>>
      %dma_wait3A_1059 = arith.constant 0 : i32
      %dma_wait3A_1060 = arith.constant 0 : i32
      %dma_wait3A_1061 = tpu.memref_slice %arg2[%dma_wait3A_1059, %dma_wait3A_1060] : memref<10000x128xf32, #tpu.memory_space<hbm>> -> memref<32x128xf32, #tpu.memory_space<hbm>>
      tpu.wait_dma2 semaphore(%arg15 : memref<!tpu.dma_semaphore, #tpu.memory_space<semaphore_mem>>) src(%dma_wait3A_1061 : memref<32x128xf32, #tpu.memory_space<hbm>>) dst(%arg7 : memref<32x128xf32, #tpu.memory_space<vmem>>)
      %dma_start3A_1062 = arith.constant 6 : i32
      %dma_start3A_1063 = arith.constant 0 : i32
      %dma_start3A_1064 = tpu.memref_slice %arg10[%dma_start3A_1062, %dma_start3A_1063] : memref<8x64xi32, #tpu.memory_space<vmem>> -> memref<1x32xi32, #tpu.memory_space<vmem>>
      %dma_start3A_1065 = tpu.memref_squeeze %dma_start3A_1064 : memref<1x32xi32, #tpu.memory_space<vmem>> -> memref<32xi32, #tpu.memory_space<vmem>>
      %dma_start3A_1066 = arith.constant 0 : i32
      %dma_start3A_1067 = arith.constant 0 : i32
      %dma_start3A_1068 = tpu.memref_slice %arg5[%dma_start3A_1066, %dma_start3A_1067] : memref<10000x128xf32, #tpu.memory_space<vmem_shared>> -> memref<10000x128xf32, #tpu.memory_space<vmem_shared>>
      tpu.enqueue_indirect_dma source(%dma_start3A_1068 : memref<10000x128xf32, #tpu.memory_space<vmem_shared>>) target(%arg7 : memref<32x128xf32, #tpu.memory_space<vmem>>) offsets(%dma_start3A_1065 : memref<32xi32, #tpu.memory_space<vmem>>) semaphore(%arg13 : memref<!tpu.dma_semaphore, #tpu.memory_space<semaphore_mem>>)
      %dma_wait3A_1069 = arith.constant 0 : i32
      %dma_wait3A_1070 = arith.constant 0 : i32
      %dma_wait3A_1071 = tpu.memref_slice %arg2[%dma_wait3A_1069, %dma_wait3A_1070] : memref<10000x128xf32, #tpu.memory_space<hbm>> -> memref<32x128xf32, #tpu.memory_space<hbm>>
      %dma_wait3A_1072 = arith.constant 0 : i32
      %dma_wait3A_1073 = arith.constant 0 : i32
      %dma_wait3A_1074 = tpu.memref_slice %arg2[%dma_wait3A_1072, %dma_wait3A_1073] : memref<10000x128xf32, #tpu.memory_space<hbm>> -> memref<32x128xf32, #tpu.memory_space<hbm>>
      tpu.wait_dma2 semaphore(%arg13 : memref<!tpu.dma_semaphore, #tpu.memory_space<semaphore_mem>>) src(%dma_wait3A_1074 : memref<32x128xf32, #tpu.memory_space<hbm>>) dst(%arg7 : memref<32x128xf32, #tpu.memory_space<vmem>>)
      %get3A_1075 = arith.constant 6 : i32
      %get3A_1076 = arith.index_cast %get3A_1075 : i32 to index
      %get3A_1077 = arith.constant 32 : index
      %get3A_1078 = tpu.vector_load %arg10[%get3A_1076, %get3A_1077] {strides = array<i32>} : memref<8x64xi32, #tpu.memory_space<vmem>>, vector<16xi32>,
      %sub3A_1079 = vector.broadcast %mul3A_76 : i32 to vector<16xi32>
      %sub3A_1080 = arith.subi %get3A_1078, %sub3A_1079 : vector<16xi32>
      %lt3A_1081 = arith.constant 0 : i32
      %lt3A_1082 = vector.broadcast %lt3A_1081 : i32 to vector<16xi32>
      %lt3A_1083 = arith.cmpi slt, %sub3A_1080, %lt3A_1082 : vector<16xi32>
      %ge3A_1084 = arith.constant 5056 : i32
      %ge3A_1085 = vector.broadcast %ge3A_1084 : i32 to vector<16xi32>
      %ge3A_1086 = arith.cmpi sge, %sub3A_1080, %ge3A_1085 : vector<16xi32>
      %or3A_1087 = arith.ori %lt3A_1083, %ge3A_1086 : vector<16xi1>
      %jit3A_1088 = arith.constant 5056 : i32
      %broadcast_in_dim3A_1089 = vector.broadcast %jit3A_1088 : i32 to vector<16xi32>
      %select_n3A_1090 = arith.select %or3A_1087, %broadcast_in_dim3A_1089, %sub3A_1080 : vector<16xi1>, vector<16xi32>
      %swap3A_1091 = arith.constant 0 : i32
      %swap3A_1092 = arith.index_cast %swap3A_1091 : i32 to index
      %swap3A_1093 = arith.constant 0 : index
      %swap3A_1094 = tpu.vector_load %arg11[%swap3A_1092, %swap3A_1093] {strides = array<i32>} : memref<1x32xi32, #tpu.memory_space<vmem>>, vector<16xi32>,
      tpu.vector_store %arg11[%swap3A_1092, %swap3A_1093], %select_n3A_1090 {strides = array<i32>} : memref<1x32xi32, #tpu.memory_space<vmem>>, vector<16xi32>,
      %get3A_1095 = arith.constant 6 : i32
      %get3A_1096 = arith.index_cast %get3A_1095 : i32 to index
      %get3A_1097 = arith.constant 48 : index
      %get3A_1098 = tpu.vector_load %arg10[%get3A_1096, %get3A_1097] {strides = array<i32>} : memref<8x64xi32, #tpu.memory_space<vmem>>, vector<16xi32>,
      %sub3A_1099 = vector.broadcast %mul3A_76 : i32 to vector<16xi32>
      %sub3A_1100 = arith.subi %get3A_1098, %sub3A_1099 : vector<16xi32>
      %lt3A_1101 = arith.constant 0 : i32
      %lt3A_1102 = vector.broadcast %lt3A_1101 : i32 to vector<16xi32>
      %lt3A_1103 = arith.cmpi slt, %sub3A_1100, %lt3A_1102 : vector<16xi32>
      %ge3A_1104 = arith.constant 5056 : i32
      %ge3A_1105 = vector.broadcast %ge3A_1104 : i32 to vector<16xi32>
      %ge3A_1106 = arith.cmpi sge, %sub3A_1100, %ge3A_1105 : vector<16xi32>
      %or3A_1107 = arith.ori %lt3A_1103, %ge3A_1106 : vector<16xi1>
      %jit3A_1108 = arith.constant 5056 : i32
      %broadcast_in_dim3A_1109 = vector.broadcast %jit3A_1108 : i32 to vector<16xi32>
      %select_n3A_1110 = arith.select %or3A_1107, %broadcast_in_dim3A_1109, %sub3A_1100 : vector<16xi1>, vector<16xi32>
      %swap3A_1111 = arith.constant 0 : i32
      %swap3A_1112 = arith.index_cast %swap3A_1111 : i32 to index
      %swap3A_1113 = arith.constant 16 : index
      %swap3A_1114 = tpu.vector_load %arg11[%swap3A_1112, %swap3A_1113] {strides = array<i32>} : memref<1x32xi32, #tpu.memory_space<vmem>>, vector<16xi32>,
      tpu.vector_store %arg11[%swap3A_1112, %swap3A_1113], %select_n3A_1110 {strides = array<i32>} : memref<1x32xi32, #tpu.memory_space<vmem>>, vector<16xi32>,
      %dma_start3A_1115 = arith.constant 0 : i32
      %dma_start3A_1116 = arith.constant 0 : i32
      %dma_start3A_1117 = tpu.memref_slice %arg11[%dma_start3A_1115, %dma_start3A_1116] : memref<1x32xi32, #tpu.memory_space<vmem>> -> memref<1x32xi32, #tpu.memory_space<vmem>>
      %dma_start3A_1118 = tpu.memref_squeeze %dma_start3A_1117 : memref<1x32xi32, #tpu.memory_space<vmem>> -> memref<32xi32, #tpu.memory_space<vmem>>
      %dma_start3A_1119 = arith.constant 0 : i32
      %dma_start3A_1120 = arith.constant 0 : i32
      %dma_start3A_1121 = tpu.memref_slice %arg6[%dma_start3A_1119, %dma_start3A_1120] : memref<5064x128xf32, #tpu.memory_space<vmem_shared>> -> memref<5064x128xf32, #tpu.memory_space<vmem_shared>>
      tpu.enqueue_indirect_dma source(%arg7 : memref<32x128xf32, #tpu.memory_space<vmem>>) target(%dma_start3A_1121 : memref<5064x128xf32, #tpu.memory_space<vmem_shared>>) offsets(%dma_start3A_1118 : memref<32xi32, #tpu.memory_space<vmem>>) semaphore(%arg15 : memref<!tpu.dma_semaphore, #tpu.memory_space<semaphore_mem>>) {add = true}
      %dma_wait3A_1122 = arith.constant 0 : i32
      %dma_wait3A_1123 = arith.constant 0 : i32
      %dma_wait3A_1124 = tpu.memref_slice %arg2[%dma_wait3A_1122, %dma_wait3A_1123] : memref<10000x128xf32, #tpu.memory_space<hbm>> -> memref<32x128xf32, #tpu.memory_space<hbm>>
      %dma_wait3A_1125 = arith.constant 0 : i32
      %dma_wait3A_1126 = arith.constant 0 : i32
      %dma_wait3A_1127 = tpu.memref_slice %arg2[%dma_wait3A_1125, %dma_wait3A_1126] : memref<10000x128xf32, #tpu.memory_space<hbm>> -> memref<32x128xf32, #tpu.memory_space<hbm>>
      tpu.wait_dma2 semaphore(%arg16 : memref<!tpu.dma_semaphore, #tpu.memory_space<semaphore_mem>>) src(%dma_wait3A_1127 : memref<32x128xf32, #tpu.memory_space<hbm>>) dst(%arg8 : memref<32x128xf32, #tpu.memory_space<vmem>>)
      %dma_start3A_1128 = arith.constant 7 : i32
      %dma_start3A_1129 = arith.constant 0 : i32
      %dma_start3A_1130 = tpu.memref_slice %arg10[%dma_start3A_1128, %dma_start3A_1129] : memref<8x64xi32, #tpu.memory_space<vmem>> -> memref<1x32xi32, #tpu.memory_space<vmem>>
      %dma_start3A_1131 = tpu.memref_squeeze %dma_start3A_1130 : memref<1x32xi32, #tpu.memory_space<vmem>> -> memref<32xi32, #tpu.memory_space<vmem>>
      %dma_start3A_1132 = arith.constant 0 : i32
      %dma_start3A_1133 = arith.constant 0 : i32
      %dma_start3A_1134 = tpu.memref_slice %arg5[%dma_start3A_1132, %dma_start3A_1133] : memref<10000x128xf32, #tpu.memory_space<vmem_shared>> -> memref<10000x128xf32, #tpu.memory_space<vmem_shared>>
      tpu.enqueue_indirect_dma source(%dma_start3A_1134 : memref<10000x128xf32, #tpu.memory_space<vmem_shared>>) target(%arg8 : memref<32x128xf32, #tpu.memory_space<vmem>>) offsets(%dma_start3A_1131 : memref<32xi32, #tpu.memory_space<vmem>>) semaphore(%arg14 : memref<!tpu.dma_semaphore, #tpu.memory_space<semaphore_mem>>)
      %dma_wait3A_1135 = arith.constant 0 : i32
      %dma_wait3A_1136 = arith.constant 0 : i32
      %dma_wait3A_1137 = tpu.memref_slice %arg2[%dma_wait3A_1135, %dma_wait3A_1136] : memref<10000x128xf32, #tpu.memory_space<hbm>> -> memref<32x128xf32, #tpu.memory_space<hbm>>
      %dma_wait3A_1138 = arith.constant 0 : i32
      %dma_wait3A_1139 = arith.constant 0 : i32
      %dma_wait3A_1140 = tpu.memref_slice %arg2[%dma_wait3A_1138, %dma_wait3A_1139] : memref<10000x128xf32, #tpu.memory_space<hbm>> -> memref<32x128xf32, #tpu.memory_space<hbm>>
      tpu.wait_dma2 semaphore(%arg14 : memref<!tpu.dma_semaphore, #tpu.memory_space<semaphore_mem>>) src(%dma_wait3A_1140 : memref<32x128xf32, #tpu.memory_space<hbm>>) dst(%arg8 : memref<32x128xf32, #tpu.memory_space<vmem>>)
      %get3A_1141 = arith.constant 7 : i32
      %get3A_1142 = arith.index_cast %get3A_1141 : i32 to index
      %get3A_1143 = arith.constant 32 : index
      %get3A_1144 = tpu.vector_load %arg10[%get3A_1142, %get3A_1143] {strides = array<i32>} : memref<8x64xi32, #tpu.memory_space<vmem>>, vector<16xi32>,
      %sub3A_1145 = vector.broadcast %mul3A_76 : i32 to vector<16xi32>
      %sub3A_1146 = arith.subi %get3A_1144, %sub3A_1145 : vector<16xi32>
      %lt3A_1147 = arith.constant 0 : i32
      %lt3A_1148 = vector.broadcast %lt3A_1147 : i32 to vector<16xi32>
      %lt3A_1149 = arith.cmpi slt, %sub3A_1146, %lt3A_1148 : vector<16xi32>
      %ge3A_1150 = arith.constant 5056 : i32
      %ge3A_1151 = vector.broadcast %ge3A_1150 : i32 to vector<16xi32>
      %ge3A_1152 = arith.cmpi sge, %sub3A_1146, %ge3A_1151 : vector<16xi32>
      %or3A_1153 = arith.ori %lt3A_1149, %ge3A_1152 : vector<16xi1>
      %jit3A_1154 = arith.constant 5056 : i32
      %broadcast_in_dim3A_1155 = vector.broadcast %jit3A_1154 : i32 to vector<16xi32>
      %select_n3A_1156 = arith.select %or3A_1153, %broadcast_in_dim3A_1155, %sub3A_1146 : vector<16xi1>, vector<16xi32>
      %swap3A_1157 = arith.constant 0 : i32
      %swap3A_1158 = arith.index_cast %swap3A_1157 : i32 to index
      %swap3A_1159 = arith.constant 0 : index
      %swap3A_1160 = tpu.vector_load %arg12[%swap3A_1158, %swap3A_1159] {strides = array<i32>} : memref<1x32xi32, #tpu.memory_space<vmem>>, vector<16xi32>,
      tpu.vector_store %arg12[%swap3A_1158, %swap3A_1159], %select_n3A_1156 {strides = array<i32>} : memref<1x32xi32, #tpu.memory_space<vmem>>, vector<16xi32>,
      %get3A_1161 = arith.constant 7 : i32
      %get3A_1162 = arith.index_cast %get3A_1161 : i32 to index
      %get3A_1163 = arith.constant 48 : index
      %get3A_1164 = tpu.vector_load %arg10[%get3A_1162, %get3A_1163] {strides = array<i32>} : memref<8x64xi32, #tpu.memory_space<vmem>>, vector<16xi32>,
      %sub3A_1165 = vector.broadcast %mul3A_76 : i32 to vector<16xi32>
      %sub3A_1166 = arith.subi %get3A_1164, %sub3A_1165 : vector<16xi32>
      %lt3A_1167 = arith.constant 0 : i32
      %lt3A_1168 = vector.broadcast %lt3A_1167 : i32 to vector<16xi32>
      %lt3A_1169 = arith.cmpi slt, %sub3A_1166, %lt3A_1168 : vector<16xi32>
      %ge3A_1170 = arith.constant 5056 : i32
      %ge3A_1171 = vector.broadcast %ge3A_1170 : i32 to vector<16xi32>
      %ge3A_1172 = arith.cmpi sge, %sub3A_1166, %ge3A_1171 : vector<16xi32>
      %or3A_1173 = arith.ori %lt3A_1169, %ge3A_1172 : vector<16xi1>
      %jit3A_1174 = arith.constant 5056 : i32
      %broadcast_in_dim3A_1175 = vector.broadcast %jit3A_1174 : i32 to vector<16xi32>
      %select_n3A_1176 = arith.select %or3A_1173, %broadcast_in_dim3A_1175, %sub3A_1166 : vector<16xi1>, vector<16xi32>
      %swap3A_1177 = arith.constant 0 : i32
      %swap3A_1178 = arith.index_cast %swap3A_1177 : i32 to index
      %swap3A_1179 = arith.constant 16 : index
      %swap3A_1180 = tpu.vector_load %arg12[%swap3A_1178, %swap3A_1179] {strides = array<i32>} : memref<1x32xi32, #tpu.memory_space<vmem>>, vector<16xi32>,
      tpu.vector_store %arg12[%swap3A_1178, %swap3A_1179], %select_n3A_1176 {strides = array<i32>} : memref<1x32xi32, #tpu.memory_space<vmem>>, vector<16xi32>,
      %dma_start3A_1181 = arith.constant 0 : i32
      %dma_start3A_1182 = arith.constant 0 : i32
      %dma_start3A_1183 = tpu.memref_slice %arg12[%dma_start3A_1181, %dma_start3A_1182] : memref<1x32xi32, #tpu.memory_space<vmem>> -> memref<1x32xi32, #tpu.memory_space<vmem>>
      %dma_start3A_1184 = tpu.memref_squeeze %dma_start3A_1183 : memref<1x32xi32, #tpu.memory_space<vmem>> -> memref<32xi32, #tpu.memory_space<vmem>>
      %dma_start3A_1185 = arith.constant 0 : i32
      %dma_start3A_1186 = arith.constant 0 : i32
      %dma_start3A_1187 = tpu.memref_slice %arg6[%dma_start3A_1185, %dma_start3A_1186] : memref<5064x128xf32, #tpu.memory_space<vmem_shared>> -> memref<5064x128xf32, #tpu.memory_space<vmem_shared>>
      tpu.enqueue_indirect_dma source(%arg8 : memref<32x128xf32, #tpu.memory_space<vmem>>) target(%dma_start3A_1187 : memref<5064x128xf32, #tpu.memory_space<vmem_shared>>) offsets(%dma_start3A_1184 : memref<32xi32, #tpu.memory_space<vmem>>) semaphore(%arg16 : memref<!tpu.dma_semaphore, #tpu.memory_space<semaphore_mem>>) {add = true}
      %dma_wait3A_1188 = arith.constant 0 : i32
      %dma_wait3A_1189 = arith.constant 0 : i32
      %dma_wait3A_1190 = tpu.memref_slice %arg2[%dma_wait3A_1188, %dma_wait3A_1189] : memref<10000x128xf32, #tpu.memory_space<hbm>> -> memref<32x128xf32, #tpu.memory_space<hbm>>
      %dma_wait3A_1191 = arith.constant 0 : i32
      %dma_wait3A_1192 = arith.constant 0 : i32
      %dma_wait3A_1193 = tpu.memref_slice %arg2[%dma_wait3A_1191, %dma_wait3A_1192] : memref<10000x128xf32, #tpu.memory_space<hbm>> -> memref<32x128xf32, #tpu.memory_space<hbm>>
      tpu.wait_dma2 semaphore(%arg15 : memref<!tpu.dma_semaphore, #tpu.memory_space<semaphore_mem>>) src(%dma_wait3A_1193 : memref<32x128xf32, #tpu.memory_space<hbm>>) dst(%arg7 : memref<32x128xf32, #tpu.memory_space<vmem>>)
      %dma_start3A_1194 = arith.constant 0 : i32
      %dma_start3A_1195 = arith.constant 0 : i32
      %dma_start3A_1196 = tpu.memref_slice %arg9[%dma_start3A_1194, %dma_start3A_1195] : memref<8x64xi32, #tpu.memory_space<vmem>> -> memref<1x32xi32, #tpu.memory_space<vmem>>
      %dma_start3A_1197 = tpu.memref_squeeze %dma_start3A_1196 : memref<1x32xi32, #tpu.memory_space<vmem>> -> memref<32xi32, #tpu.memory_space<vmem>>
      %dma_start3A_1198 = arith.constant 0 : i32
      %dma_start3A_1199 = arith.constant 0 : i32
      %dma_start3A_1200 = tpu.memref_slice %arg5[%dma_start3A_1198, %dma_start3A_1199] : memref<10000x128xf32, #tpu.memory_space<vmem_shared>> -> memref<10000x128xf32, #tpu.memory_space<vmem_shared>>
      tpu.enqueue_indirect_dma source(%dma_start3A_1200 : memref<10000x128xf32, #tpu.memory_space<vmem_shared>>) target(%arg7 : memref<32x128xf32, #tpu.memory_space<vmem>>) offsets(%dma_start3A_1197 : memref<32xi32, #tpu.memory_space<vmem>>) semaphore(%arg13 : memref<!tpu.dma_semaphore, #tpu.memory_space<semaphore_mem>>)
      %mul3A_1201 = arith.constant 2 : i32
      %mul3A_1202 = arith.muli %mul3A_1201, %scan3A_125 : i32
      %add3A_1203 = arith.constant 3 : i32
      %add3A_1204 = arith.addi %mul3A_1202, %add3A_1203 : i32
      %min3A_1205 = arith.constant 79 : i32
      %min3A_1206 = arith.minsi %add3A_1204, %min3A_1205 : i32
      %mul3A_1207 = arith.constant 8 : i32
      %mul3A_1208 = arith.muli %min3A_1206, %mul3A_1207 : i32
      %add3A_1209 = arith.addi %mul3A_74, %mul3A_1208 : i32
      %dma_start3A_1210 = arith.constant 0 : i32
      %dma_start3A_1211 = tpu.memref_slice %arg3[%add3A_1209, %dma_start3A_1210] : memref<10240x64xi32, #tpu.memory_space<hbm>> -> memref<8x64xi32, #tpu.memory_space<hbm>>
      %dma_start3A_1212 = arith.constant 0 : i32
      %dma_start3A_1213 = tpu.memref_slice %arg3[%add3A_1209, %dma_start3A_1212] : memref<10240x64xi32, #tpu.memory_space<hbm>> -> memref<8x64xi32, #tpu.memory_space<hbm>>
      tpu.enqueue_dma source(%dma_start3A_1213 : memref<8x64xi32, #tpu.memory_space<hbm>>) target(%arg10 : memref<8x64xi32, #tpu.memory_space<vmem>>) target_semaphore(%arg17 : memref<!tpu.dma_semaphore, #tpu.memory_space<semaphore_mem>>)
      %scan3A_1214 = arith.constant 0 : i32
      scf.yield %scan3A_1214 : i32
    }
    %scan3A_97 = arith.constant 40 : i32
    %dma_wait3A = arith.constant 0 : i32
    %dma_wait3A_98 = arith.constant 0 : i32
    %dma_wait3A_99 = tpu.memref_slice %arg3[%dma_wait3A, %dma_wait3A_98] : memref<10240x64xi32, #tpu.memory_space<hbm>> -> memref<8x64xi32, #tpu.memory_space<hbm>>
    %dma_wait3A_100 = arith.constant 0 : i32
    %dma_wait3A_101 = arith.constant 0 : i32
    %dma_wait3A_102 = tpu.memref_slice %arg3[%dma_wait3A_100, %dma_wait3A_101] : memref<10240x64xi32, #tpu.memory_space<hbm>> -> memref<8x64xi32, #tpu.memory_space<hbm>>
    tpu.wait_dma2 semaphore(%arg17 : memref<!tpu.dma_semaphore, #tpu.memory_space<semaphore_mem>>) src(%dma_wait3A_102 : memref<8x64xi32, #tpu.memory_space<hbm>>) dst(%arg10 : memref<8x64xi32, #tpu.memory_space<vmem>>)
    %dma_wait3A_103 = arith.constant 0 : i32
    %dma_wait3A_104 = arith.constant 0 : i32
    %dma_wait3A_105 = tpu.memref_slice %arg2[%dma_wait3A_103, %dma_wait3A_104] : memref<10000x128xf32, #tpu.memory_space<hbm>> -> memref<32x128xf32, #tpu.memory_space<hbm>>
    %dma_wait3A_106 = arith.constant 0 : i32
    %dma_wait3A_107 = arith.constant 0 : i32
    %dma_wait3A_108 = tpu.memref_slice %arg2[%dma_wait3A_106, %dma_wait3A_107] : memref<10000x128xf32, #tpu.memory_space<hbm>> -> memref<32x128xf32, #tpu.memory_space<hbm>>
    tpu.wait_dma2 semaphore(%arg16 : memref<!tpu.dma_semaphore, #tpu.memory_space<semaphore_mem>>) src(%dma_wait3A_108 : memref<32x128xf32, #tpu.memory_space<hbm>>) dst(%arg8 : memref<32x128xf32, #tpu.memory_space<vmem>>)
    %dma_wait3A_109 = arith.constant 0 : i32
    %dma_wait3A_110 = arith.constant 0 : i32
    %dma_wait3A_111 = tpu.memref_slice %arg2[%dma_wait3A_109, %dma_wait3A_110] : memref<10000x128xf32, #tpu.memory_space<hbm>> -> memref<32x128xf32, #tpu.memory_space<hbm>>
    %dma_wait3A_112 = arith.constant 0 : i32
    %dma_wait3A_113 = arith.constant 0 : i32
    %dma_wait3A_114 = tpu.memref_slice %arg2[%dma_wait3A_112, %dma_wait3A_113] : memref<10000x128xf32, #tpu.memory_space<hbm>> -> memref<32x128xf32, #tpu.memory_space<hbm>>
    tpu.wait_dma2 semaphore(%arg13 : memref<!tpu.dma_semaphore, #tpu.memory_space<semaphore_mem>>) src(%dma_wait3A_114 : memref<32x128xf32, #tpu.memory_space<hbm>>) dst(%arg7 : memref<32x128xf32, #tpu.memory_space<vmem>>)
    %barrier3A_115 = arith.constant 0 : index
    tpu.barrier barrier_id(%barrier3A_115)
    %mul3A_116 = arith.constant 312 : i32
    %mul3A_117 = arith.muli %arg1, %mul3A_116 : i32
    %mul3A_118 = arith.constant 312 : i32
    %mul3A_119 = arith.muli %arg1, %mul3A_118 : i32
    "tpu.region"() ({
      %run_scoped3A = tpu.sem_alloc : memref<!tpu.dma_semaphore, #tpu.memory_space<semaphore_mem>>
      %dma_start3A_125 = arith.constant 0 : i32
      %dma_start3A_126 = tpu.memref_slice %arg4[%arg0, %mul3A_119, %dma_start3A_125] : memref<2x5064x128xf32, #tpu.memory_space<hbm>> -> memref<1x312x128xf32, #tpu.memory_space<hbm>>
      %dma_start3A_127 = tpu.memref_squeeze %dma_start3A_126 : memref<1x312x128xf32, #tpu.memory_space<hbm>> -> memref<312x128xf32, #tpu.memory_space<hbm>>
      %dma_start3A_128 = arith.constant 0 : i32
      %dma_start3A_129 = tpu.memref_slice %arg6[%mul3A_117, %dma_start3A_128] : memref<5064x128xf32, #tpu.memory_space<vmem_shared>> -> memref<312x128xf32, #tpu.memory_space<vmem_shared>>
      tpu.enqueue_dma source(%dma_start3A_129 : memref<312x128xf32, #tpu.memory_space<vmem_shared>>) target(%dma_start3A_127 : memref<312x128xf32, #tpu.memory_space<hbm>>) target_semaphore(%run_scoped3A : memref<!tpu.dma_semaphore, #tpu.memory_space<semaphore_mem>>)
      %dma_wait3A_130 = arith.constant 0 : i32
      %dma_wait3A_131 = tpu.memref_slice %arg4[%arg0, %mul3A_119, %dma_wait3A_130] : memref<2x5064x128xf32, #tpu.memory_space<hbm>> -> memref<1x312x128xf32, #tpu.memory_space<hbm>>
      %dma_wait3A_132 = tpu.memref_squeeze %dma_wait3A_131 : memref<1x312x128xf32, #tpu.memory_space<hbm>> -> memref<312x128xf32, #tpu.memory_space<hbm>>
      %dma_wait3A_133 = arith.constant 0 : i32
      %dma_wait3A_134 = tpu.memref_slice %arg6[%mul3A_117, %dma_wait3A_133] : memref<5064x128xf32, #tpu.memory_space<vmem_shared>> -> memref<312x128xf32, #tpu.memory_space<vmem_shared>>
      tpu.wait_dma2 semaphore(%run_scoped3A : memref<!tpu.dma_semaphore, #tpu.memory_space<semaphore_mem>>) src(%dma_wait3A_134 : memref<312x128xf32, #tpu.memory_space<vmem_shared>>) dst(%dma_wait3A_132 : memref<312x128xf32, #tpu.memory_space<hbm>>)
      tpu.yield
    }) : () -> ()
    %lt3A_120 = arith.constant 9 : i32
    %lt3A_121 = arith.cmpi slt, %arg1, %lt3A_120 : i32
    %convert_element_type3A_122 = arith.extui %lt3A_121 : i1 to i32
    %cond3A_123 = arith.constant 0 : i32
    %cond3A_124 = arith.cmpi ne, %convert_element_type3A_122, %cond3A_123 : i32
    scf.if %cond3A_124 {
      %mul3A_125 = arith.constant 8 : i32
      %mul3A_126 = arith.muli %arg1, %mul3A_125 : i32
      %add3A_127 = arith.constant 4992 : i32
      %add3A_128 = arith.addi %add3A_127, %mul3A_126 : i32
      %mul3A_129 = arith.constant 8 : i32
      %mul3A_130 = arith.muli %arg1, %mul3A_129 : i32
      %add3A_131 = arith.constant 4992 : i32
      %add3A_132 = arith.addi %add3A_131, %mul3A_130 : i32
      "tpu.region"() ({
        %run_scoped3A = tpu.sem_alloc : memref<!tpu.dma_semaphore, #tpu.memory_space<semaphore_mem>>
        %dma_start3A_133 = arith.constant 0 : i32
        %dma_start3A_134 = tpu.memref_slice %arg4[%arg0, %add3A_132, %dma_start3A_133] : memref<2x5064x128xf32, #tpu.memory_space<hbm>> -> memref<1x8x128xf32, #tpu.memory_space<hbm>>
        %dma_start3A_135 = tpu.memref_squeeze %dma_start3A_134 : memref<1x8x128xf32, #tpu.memory_space<hbm>> -> memref<8x128xf32, #tpu.memory_space<hbm>>
        %dma_start3A_136 = arith.constant 0 : i32
        %dma_start3A_137 = tpu.memref_slice %arg6[%add3A_128, %dma_start3A_136] : memref<5064x128xf32, #tpu.memory_space<vmem_shared>> -> memref<8x128xf32, #tpu.memory_space<vmem_shared>>
        tpu.enqueue_dma source(%dma_start3A_137 : memref<8x128xf32, #tpu.memory_space<vmem_shared>>) target(%dma_start3A_135 : memref<8x128xf32, #tpu.memory_space<hbm>>) target_semaphore(%run_scoped3A : memref<!tpu.dma_semaphore, #tpu.memory_space<semaphore_mem>>)
        %dma_wait3A_138 = arith.constant 0 : i32
        %dma_wait3A_139 = tpu.memref_slice %arg4[%arg0, %add3A_132, %dma_wait3A_138] : memref<2x5064x128xf32, #tpu.memory_space<hbm>> -> memref<1x8x128xf32, #tpu.memory_space<hbm>>
        %dma_wait3A_140 = tpu.memref_squeeze %dma_wait3A_139 : memref<1x8x128xf32, #tpu.memory_space<hbm>> -> memref<8x128xf32, #tpu.memory_space<hbm>>
        %dma_wait3A_141 = arith.constant 0 : i32
        %dma_wait3A_142 = tpu.memref_slice %arg6[%add3A_128, %dma_wait3A_141] : memref<5064x128xf32, #tpu.memory_space<vmem_shared>> -> memref<8x128xf32, #tpu.memory_space<vmem_shared>>
        tpu.wait_dma2 semaphore(%run_scoped3A : memref<!tpu.dma_semaphore, #tpu.memory_space<semaphore_mem>>) src(%dma_wait3A_142 : memref<8x128xf32, #tpu.memory_space<vmem_shared>>) dst(%dma_wait3A_140 : memref<8x128xf32, #tpu.memory_space<hbm>>)
        tpu.yield
      }) : () -> ()
    } else {
    }
    return
  }
}

module attributes {stable_mosaic.version = 14 : i64} {
  func.func @_mm1_body(%arg0: memref<10000x128xf32, #tpu.memory_space<vmem>>, %arg1: memref<128x128xf32, #tpu.memory_space<vmem>>, %arg2: memref<10112x32xf32, #tpu.memory_space<vmem>>, %arg3: memref<10000x128xf32, #tpu.memory_space<vmem>>) attributes {dimension_semantics = [], scalar_prefetch = 0 : i64, scratch_operands = 0 : i64, tpu.core_type = #tpu.core_type<tc>} {
    %get3A = arith.constant 0 : index
    %get3A_0 = arith.constant 0 : index
    %get3A_1 = vector.load %arg0[%get3A, %get3A_0] : memref<10000x128xf32, #tpu.memory_space<vmem>>, vector<10000x128xf32>
    %get3A_2 = arith.constant 0 : index
    %get3A_3 = arith.constant 0 : index
    %get3A_4 = vector.load %arg1[%get3A_2, %get3A_3] : memref<128x128xf32, #tpu.memory_space<vmem>>, vector<128x128xf32>
    %dot_general3A = arith.constant dense<0.000000e+00> : vector<10000x128xf32>
    %dot_general3A_5 = tpu.matmul %get3A_1, %get3A_4, %dot_general3A {dimension_numbers = #tpu.dot_dimension_numbers<[1], [0], [0], [1], [0, 0, 1, 1], [], []>, transpose_lhs_hint = false} : vector<10000x128xf32>, vector<128x128xf32>, vector<10000x128xf32> -> vector<10000x128xf32>
    %get3A_6 = arith.constant 0 : index
    %get3A_7 = arith.constant 0 : index
    %get3A_8 = vector.load %arg2[%get3A_6, %get3A_7] : memref<10112x32xf32, #tpu.memory_space<vmem>>, vector<10000x32xf32>
    %reduce_sum3A = arith.constant dense<0.000000e+00> : vector<10000xf32>
    %reduce_sum3A_9 = vector.multi_reduction <add>, %get3A_8, %reduce_sum3A [1] : vector<10000x32xf32> to vector<10000xf32>
    %broadcast_in_dim3A = vector.shape_cast %reduce_sum3A_9 : vector<10000xf32> to vector<10000x1xf32>
    %add3A = arith.constant 1.000000e+00 : f32
    %add3A_10 = vector.broadcast %add3A : f32 to vector<10000x1xf32>
    %add3A_11 = arith.addf %broadcast_in_dim3A, %add3A_10 : vector<10000x1xf32>
    %rsqrt3A = math.rsqrt %add3A_11 : vector<10000x1xf32>
    %mul3A = vector.broadcast %rsqrt3A : vector<10000x1xf32> to vector<10000x128xf32>
    %mul3A_12 = arith.mulf %dot_general3A_5, %mul3A : vector<10000x128xf32>
    %swap3A = arith.constant 0 : index
    %swap3A_13 = arith.constant 0 : index
    %swap3A_14 = vector.load %arg3[%swap3A, %swap3A_13] : memref<10000x128xf32, #tpu.memory_space<vmem>>, vector<10000x128xf32>
    tpu.vector_store %arg3[%swap3A, %swap3A_13], %mul3A_12 {strides = array<i32>} : memref<10000x128xf32, #tpu.memory_space<vmem>>, vector<10000x128xf32>,
    return
  }
}

module attributes {stable_mosaic.version = 14 : i64} {
  func.func @_c2_body(%arg0: memref<2x5064x128xf32, #tpu.memory_space<vmem>>, %arg1: memref<10000x128xf32, #tpu.memory_space<vmem>>, %arg2: memref<10112x32xf32, #tpu.memory_space<vmem>>, %arg3: memref<128x128xf32, #tpu.memory_space<vmem>>, %arg4: memref<1x128xf32, #tpu.memory_space<vmem>>, %arg5: memref<10000x128xf32, #tpu.memory_space<vmem>>) attributes {dimension_semantics = [], scalar_prefetch = 0 : i64, scratch_operands = 0 : i64, tpu.core_type = #tpu.core_type<tc>} {
    %get3A = arith.constant 0 : index
    %get3A_0 = arith.constant 0 : index
    %get3A_1 = vector.load %arg2[%get3A, %get3A_0] : memref<10112x32xf32, #tpu.memory_space<vmem>>, vector<10000x32xf32>
    %reduce_sum3A = arith.constant dense<0.000000e+00> : vector<10000xf32>
    %reduce_sum3A_2 = vector.multi_reduction <add>, %get3A_1, %reduce_sum3A [1] : vector<10000x32xf32> to vector<10000xf32>
    %broadcast_in_dim3A = vector.shape_cast %reduce_sum3A_2 : vector<10000xf32> to vector<10000x1xf32>
    %add3A = arith.constant 1.000000e+00 : f32
    %add3A_3 = vector.broadcast %add3A : f32 to vector<10000x1xf32>
    %add3A_4 = arith.addf %broadcast_in_dim3A, %add3A_3 : vector<10000x1xf32>
    %rsqrt3A = math.rsqrt %add3A_4 : vector<10000x1xf32>
    %get3A_5 = arith.constant 0 : index
    %get3A_6 = arith.constant 0 : index
    %get3A_7 = arith.constant 0 : index
    %get3A_8 = vector.load %arg0[%get3A_5, %get3A_6, %get3A_7] : memref<2x5064x128xf32, #tpu.memory_space<vmem>>, vector<1x5056x128xf32>
    %get3A_9 = vector.shape_cast %get3A_8 : vector<1x5056x128xf32> to vector<5056x128xf32>
    %get3A_10 = arith.constant 1 : index
    %get3A_11 = arith.constant 0 : index
    %get3A_12 = arith.constant 0 : index
    %get3A_13 = vector.load %arg0[%get3A_10, %get3A_11, %get3A_12] : memref<2x5064x128xf32, #tpu.memory_space<vmem>>, vector<1x4944x128xf32>
    %get3A_14 = vector.shape_cast %get3A_13 : vector<1x4944x128xf32> to vector<4944x128xf32>
    %concatenate3A = tpu.concatenate %get3A_9, %get3A_14 in 0 : vector<5056x128xf32>, vector<4944x128xf32> -> vector<10000x128xf32>
    %get3A_15 = arith.constant 0 : index
    %get3A_16 = arith.constant 0 : index
    %get3A_17 = vector.load %arg1[%get3A_15, %get3A_16] : memref<10000x128xf32, #tpu.memory_space<vmem>>, vector<10000x128xf32>
    %add3A_18 = arith.addf %concatenate3A, %get3A_17 : vector<10000x128xf32>
    %mul3A = vector.broadcast %rsqrt3A : vector<10000x1xf32> to vector<10000x128xf32>
    %mul3A_19 = arith.mulf %add3A_18, %mul3A : vector<10000x128xf32>
    %get3A_20 = arith.constant 0 : index
    %get3A_21 = arith.constant 0 : index
    %get3A_22 = vector.load %arg4[%get3A_20, %get3A_21] : memref<1x128xf32, #tpu.memory_space<vmem>>, vector<1x128xf32>
    %add3A_23 = vector.broadcast %get3A_22 : vector<1x128xf32> to vector<10000x128xf32>
    %add3A_24 = arith.addf %mul3A_19, %add3A_23 : vector<10000x128xf32>
    %get3A_25 = arith.constant 0 : index
    %get3A_26 = arith.constant 0 : index
    %get3A_27 = vector.load %arg3[%get3A_25, %get3A_26] : memref<128x128xf32, #tpu.memory_space<vmem>>, vector<128x128xf32>
    %dot_general3A = arith.constant dense<0.000000e+00> : vector<10000x128xf32>
    %dot_general3A_28 = tpu.matmul %add3A_24, %get3A_27, %dot_general3A {dimension_numbers = #tpu.dot_dimension_numbers<[1], [0], [0], [1], [0, 0, 1, 1], [], []>, transpose_lhs_hint = false} : vector<10000x128xf32>, vector<128x128xf32>, vector<10000x128xf32> -> vector<10000x128xf32>
    %mul3A_29 = vector.broadcast %rsqrt3A : vector<10000x1xf32> to vector<10000x128xf32>
    %mul3A_30 = arith.mulf %dot_general3A_28, %mul3A_29 : vector<10000x128xf32>
    %swap3A = arith.constant 0 : index
    %swap3A_31 = arith.constant 0 : index
    %swap3A_32 = vector.load %arg5[%swap3A, %swap3A_31] : memref<10000x128xf32, #tpu.memory_space<vmem>>, vector<10000x128xf32>
    tpu.vector_store %arg5[%swap3A, %swap3A_31], %mul3A_30 {strides = array<i32>} : memref<10000x128xf32, #tpu.memory_space<vmem>>, vector<10000x128xf32>,
    return
  }
}

module attributes {stable_mosaic.version = 14 : i64} {
  func.func @_c3_body(%arg0: memref<2x5064x128xf32, #tpu.memory_space<vmem>>, %arg1: memref<10000x128xf32, #tpu.memory_space<vmem>>, %arg2: memref<10112x32xf32, #tpu.memory_space<vmem>>, %arg3: memref<1x128xf32, #tpu.memory_space<vmem>>, %arg4: memref<10000x128xf32, #tpu.memory_space<vmem>>) attributes {dimension_semantics = [], scalar_prefetch = 0 : i64, scratch_operands = 0 : i64, tpu.core_type = #tpu.core_type<tc>} {
    %get3A = arith.constant 0 : index
    %get3A_0 = arith.constant 0 : index
    %get3A_1 = vector.load %arg2[%get3A, %get3A_0] : memref<10112x32xf32, #tpu.memory_space<vmem>>, vector<10000x32xf32>
    %reduce_sum3A = arith.constant dense<0.000000e+00> : vector<10000xf32>
    %reduce_sum3A_2 = vector.multi_reduction <add>, %get3A_1, %reduce_sum3A [1] : vector<10000x32xf32> to vector<10000xf32>
    %broadcast_in_dim3A = vector.shape_cast %reduce_sum3A_2 : vector<10000xf32> to vector<10000x1xf32>
    %add3A = arith.constant 1.000000e+00 : f32
    %add3A_3 = vector.broadcast %add3A : f32 to vector<10000x1xf32>
    %add3A_4 = arith.addf %broadcast_in_dim3A, %add3A_3 : vector<10000x1xf32>
    %rsqrt3A = math.rsqrt %add3A_4 : vector<10000x1xf32>
    %get3A_5 = arith.constant 0 : index
    %get3A_6 = arith.constant 0 : index
    %get3A_7 = arith.constant 0 : index
    %get3A_8 = vector.load %arg0[%get3A_5, %get3A_6, %get3A_7] : memref<2x5064x128xf32, #tpu.memory_space<vmem>>, vector<1x5056x128xf32>
    %get3A_9 = vector.shape_cast %get3A_8 : vector<1x5056x128xf32> to vector<5056x128xf32>
    %get3A_10 = arith.constant 1 : index
    %get3A_11 = arith.constant 0 : index
    %get3A_12 = arith.constant 0 : index
    %get3A_13 = vector.load %arg0[%get3A_10, %get3A_11, %get3A_12] : memref<2x5064x128xf32, #tpu.memory_space<vmem>>, vector<1x4944x128xf32>
    %get3A_14 = vector.shape_cast %get3A_13 : vector<1x4944x128xf32> to vector<4944x128xf32>
    %concatenate3A = tpu.concatenate %get3A_9, %get3A_14 in 0 : vector<5056x128xf32>, vector<4944x128xf32> -> vector<10000x128xf32>
    %get3A_15 = arith.constant 0 : index
    %get3A_16 = arith.constant 0 : index
    %get3A_17 = vector.load %arg1[%get3A_15, %get3A_16] : memref<10000x128xf32, #tpu.memory_space<vmem>>, vector<10000x128xf32>
    %add3A_18 = arith.addf %concatenate3A, %get3A_17 : vector<10000x128xf32>
    %mul3A = vector.broadcast %rsqrt3A : vector<10000x1xf32> to vector<10000x128xf32>
    %mul3A_19 = arith.mulf %add3A_18, %mul3A : vector<10000x128xf32>
    %get3A_20 = arith.constant 0 : index
    %get3A_21 = arith.constant 0 : index
    %get3A_22 = vector.load %arg3[%get3A_20, %get3A_21] : memref<1x128xf32, #tpu.memory_space<vmem>>, vector<1x128xf32>
    %add3A_23 = vector.broadcast %get3A_22 : vector<1x128xf32> to vector<10000x128xf32>
    %add3A_24 = arith.addf %mul3A_19, %add3A_23 : vector<10000x128xf32>
    %swap3A = arith.constant 0 : index
    %swap3A_25 = arith.constant 0 : index
    %swap3A_26 = vector.load %arg4[%swap3A, %swap3A_25] : memref<10000x128xf32, #tpu.memory_space<vmem>>, vector<10000x128xf32>
    tpu.vector_store %arg4[%swap3A, %swap3A_25], %add3A_24 {strides = array<i32>} : memref<10000x128xf32, #tpu.memory_space<vmem>>, vector<10000x128xf32>,
    return
  }
}

</mosaic_0001>

<sc_bundles>
// kernel: kernel.11.cloned.1.call-start
scs
__scs_entry_jumppad:
0x0: {  	(pc) =	sbr.rel $0x88, $3  }
0x1: {  	(tag) =	ssettag $0x0;
	lr =	simm.s32 $0x1  }
0x2: {  	[smem:$0x3F9A] =	sst lr;
	_ =	strace $0xD0000000  }
0x3: {  	_ = 	snop  }
0x4: {  	_ = 	snop  }
0x5: {  	_ = 	snop  }
0x6: {  	_ = 	snop  }
0x7: {  	_ = 	snop  }
__scs_overlays_trampoline_lowered:
0x8: {  	[smem:$0x3FA9] =	sst s0  }
0x9: {  	[smem:$0x3FAA] =	sst s1  }
0xa: {  	[smem:$0x3FAB] =	sst s2  }
0xb: {  	[smem:$0x3FAC] =	sst s3  }
0xc: {  	[smem:$0x3FAD] =	sst s4  }
0xd: {  	[smem:$0x3FAE] =	sst s5  }
0xe: {  	[smem:$0x3FAF] =	sst s6  }
0xf: {  	[smem:$0x3FB0] =	sst s7  }
0x10: {  	[smem:$0x3FB1] =	sst s8  }
0x11: {  	[smem:$0x3FB2] =	sst s9;
	s0 =	simm.s32 @!p0 $0x0  }
0x12: {  	s1 =	sld [smem:$0x3F98];
	s0 =	simm.s32 @p0 $0x1  }
0x13: {  	[smem:$0x3FB3] =	sst s0;
	s0 =	simm.s32 @!p1 $0x0  }
0x14: {  	s2 =	sld [smem:$0x3F97];
	s0 =	simm.s32 @p1 $0x1  }
0x15: {  	[smem:$0x3FB4] =	sst s0;
	s0 =	simm.s32 @!p2 $0x0  }
0x16: {  	s3 =	sld [smem:$0x3FDB];
	s0 =	simm.s32 @p2 $0x1  }
0x17: {  	s4 =	simm.s32 $0x1BF5;
	[smem:$0x3FB6] =	sst s0  }
0x18: {  	s0 =	sld [smem:$0x3F99];
	_ =	swait.ge [sflag:s4], $0x0  }
0x19: {  	s7 =	sld [smem:$0x3F9A]  }
0x1a: {  	s8 =	sadd.s32 $0xFFFFE003, lr  }
0x1b: {  	s9 =	sadd.s32 $0xFFFFFEF7, lr;
	s5 =	simm.s32 $0xFFFFFFFF;
	p2 =	slt.u32 s8, $0xFFFFF086  }
0x1c: {  	p1 =	slt.u32 s9, $0xF7A;
	s5 =	simm.s32 @!p2 $0x0  }
0x1d: {  	s5 =	simm.s32 @p1 $0x1;
	p0 =	seq.s32 s7, s2  }
0x1e: {  	s7 =	smul.u32 @!p0 $0xF7A, s2;
	p2 =	seq.s32 @!p0 s5, $0x0  }
0x1f: {  	s9 =	smul.u32 $0xF7A, s1;
	s8 =	simm.s32 @!p0 $0x1BF5;
	p2 =	por !p2, p0  }
0x20: {  	[sflag:s8] =	ssyncset.s32 @!p0 $0xFFFFF086;
	s6 =	sadd.s32 @!p0 s3, s7;
	s7 =	simm.s32 @!p0 $0x108  }
0x21: {  	s3 =	sadd.s32 s3, s9;
	s6 =	sadd.s32 @!p0 $0x88, s6;
	s7 =	simm.s32 @p2 $0x1082  }
0x22: {  	[simem:s7], [sflag:s8] =	dma.local @!p0 [hbm:s6], $0xF7A  }
0x23: {  	s9 =	sor.u32 $0xD0000000, s2;
	s6 =	simm.s32 $0x108;
	_ =	swait.ge @!p0 [sflag:s8], $0x0  }
0x24: {  	s3 =	sadd.s32 $0x88, s3;
	s6 =	simm.s32 @!p1 $0x1082;
	[sflag:s4] =	ssyncset.s32 $0xFFFFF086  }
0x25: {  	[simem:s6], [sflag:s4] =	dma.local [hbm:s3], $0xF7A  }
0x26: {  	[smem:$0x3F9A] =	sst s1;
	(tag) =	ssettag s2;
	_ =	strace s9  }
0x27: {  	s1 =	sld [smem:$0x3FAA]  }
0x28: {  	s2 =	sld [smem:$0x3FAB]  }
0x29: {  	s4 =	sld [smem:$0x3FAD]  }
0x2a: {  	p0 =	seq.s32 s5, $0x0;
	s5 =	sld [smem:$0x3FAE]  }
0x2b: {  	s6 =	sld [smem:$0x3FAF]  }
0x2c: {  	s7 =	sld [smem:$0x3FB0]  }
0x2d: {  	s3 =	simm.s32 $0x108;
	s8 =	sld [smem:$0x3FB1]  }
0x2e: {  	s3 =	simm.s32 @!p0 $0x1082;
	s9 =	sld [smem:$0x3FB2]  }
0x2f: {  	lr =	sadd.s32 s0, s3;
	s0 =	sld [smem:$0x3FA9]  }
0x30: {  	s3 =	sld [smem:$0x3FAC]  }
0x31: {  	[smem:$0x3FB5] =	sst s10  }
0x32: {  	s10 =	sld [smem:$0x3FB3];
	_ =	sdelay $0x3  }
0x33: {  	p0 =	seq.s32 s10, $0x1;
	s10 =	sld [smem:$0x3FB5];
	_ =	sdelay $0x3  }
0x34: {  	[smem:$0x3FB5] =	sst s10  }
0x35: {  	s10 =	sld [smem:$0x3FB4];
	_ =	sdelay $0x3  }
0x36: {  	p1 =	seq.s32 s10, $0x1;
	s10 =	sld [smem:$0x3FB5];
	_ =	sdelay $0x3  }
0x37: {  	[smem:$0x3FB5] =	sst s10  }
0x38: {  	s10 =	sld [smem:$0x3FB6]  }
0x39: {  	_ = 	snop;
	(pc) =	sbr.ind lr, $3  }
0x3a: {  	_ = 	snop  }
0x3b: {  	_ = 	snop  }
0x3c: {  	p2 =	seq.s32 s10, $0x1;
	s10 =	sld [smem:$0x3FB5]  }
0x3d: {  	_ =	shalt  }
0x3e: {  	_ =	shalt  }
0x3f: {  	_ =	shalt  }
0x40: {  	_ =	shalt  }
0x41: {  	_ =	shalt  }
0x42: {  	_ =	shalt  }
0x43: {  	_ =	shalt  }
0x44: {  	_ =	shalt  }
0x45: {  	_ =	shalt  }
0x46: {  	_ =	shalt  }
0x47: {  	_ =	shalt  }
0x48: {  	_ =	shalt  }
0x49: {  	_ =	shalt  }
0x4a: {  	_ =	shalt  }
0x4b: {  	_ =	shalt  }
0x4c: {  	_ =	shalt  }
0x4d: {  	_ =	shalt  }
0x4e: {  	_ =	shalt  }
0x4f: {  	_ =	shalt  }
0x50: {  	_ =	shalt  }
0x51: {  	_ =	shalt  }
0x52: {  	_ =	shalt  }
0x53: {  	_ =	shalt  }
0x54: {  	_ =	shalt  }
0x55: {  	_ =	shalt  }
0x56: {  	_ =	shalt  }
0x57: {  	_ =	shalt  }
0x58: {  	_ =	shalt  }
0x59: {  	_ =	shalt  }
0x5a: {  	_ =	shalt  }
0x5b: {  	_ =	shalt  }
0x5c: {  	_ =	shalt  }
0x5d: {  	_ =	shalt  }
0x5e: {  	_ =	shalt  }
0x5f: {  	_ =	shalt  }
0x60: {  	_ =	shalt  }
0x61: {  	_ =	shalt  }
0x62: {  	_ =	shalt  }
0x63: {  	_ =	shalt  }
0x64: {  	_ =	shalt  }
0x65: {  	_ =	shalt  }
0x66: {  	_ =	shalt  }
0x67: {  	_ =	shalt  }
0x68: {  	_ =	shalt  }
0x69: {  	_ =	shalt  }
0x6a: {  	_ =	shalt  }
0x6b: {  	_ =	shalt  }
0x6c: {  	_ =	shalt  }
0x6d: {  	_ =	shalt  }
0x6e: {  	_ =	shalt  }
0x6f: {  	_ =	shalt  }
0x70: {  	_ =	shalt  }
0x71: {  	_ =	shalt  }
0x72: {  	_ =	shalt  }
0x73: {  	_ =	shalt  }
0x74: {  	_ =	shalt  }
0x75: {  	_ =	shalt  }
0x76: {  	_ =	shalt  }
0x77: {  	_ =	shalt  }
0x78: {  	_ =	shalt  }
0x79: {  	_ =	shalt  }
0x7a: {  	_ =	shalt  }
0x7b: {  	_ =	shalt  }
0x7c: {  	_ =	shalt  }
0x7d: {  	_ =	shalt  }
0x7e: {  	_ =	shalt  }
0x7f: {  	_ =	shalt  }
0x80: {  	_ =	shalt  }
0x81: {  	_ =	shalt  }
0x82: {  	_ =	shalt  }
0x83: {  	_ =	shalt  }
0x84: {  	_ =	shalt  }
0x85: {  	_ =	shalt  }
0x86: {  	_ =	shalt  }
0x87: {  	_ =	shalt  }
.Lfunc_end0:
.L_simem_size_0:
called_computation.1_lowered:
.L_overlay_start_0:
0x88: {  	s2 =	sld [smem:$0x3FD9]  }
0x89: {  	s3 =	sld [smem:$0x3FFE];
	_ =	sdelay $0x1  }
0x8a: {  	s1 =	srdreg.scid  }
0x8b: {  	s0 =	sand.u32 $0x1, s1  }
0x8c: {  	s17 =	sshll.u32 s0, $0xA;
	s2 =	sadd.s32 s3, s2  }
0x8d: {  	s2 =	sadd.s32 s2, s17  }
0x8e: {  	[smem:$0x3FC1] =	sst s2  }
0x8f: {  	_ = 	snop  }
0x90: {  	s2 =	sld [smem:$0x3FD0];
	(tm) =	ssettm $0x1  }
0x91: {  	s18 =	sld [smem:$0x3FFB];
	_ =	sdelay $0x3  }
0x92: {  	_ =	strace s18  }
0x93: {  	s3 =	sld [smem:$0x3FFC];
	_ =	sdelay $0x3  }
0x94: {  	_ =	strace s3  }
0x95: {  	s3 =	sld [smem:$0x3FFD];
	_ =	sdelay $0x3  }
0x96: {  	_ =	strace s3  }
0x97: {  	_ =	strace $0x8FFFFFFF  }
0x98: {  	s19 =	sld [smem:$0x3FDB];
	_ =	sdelay $0x1  }
0x99: {  	s4 =	simm.s32 $_scs_section_size  }
0x9a: {  	s5 =	simm.s32 $_size__tile_overlayer_lowered;
	s6 =	simm.s32 $_tile_overlayer_lowered  }
0x9b: {  	s22 =	simm.s32 $0x1BFF;
	s21 =	sshll.u32 s6, $0x1;
	s3 =	sadd.s32 s4, s19  }
0x9c: {  	s7 =	simm.s32 $0x0;
	s20 =	sshll.u32 s5, $0x1;
	s5 =	sadd.s32 s21, s3  }
0x9d: {  	[timem:s7], [sflag:s22] =	dma.local [hbm:s5], s20  }
0x9e: {  	_ =	swait.ge [sflag:s22], s20  }
0x9f: {  	s4 =	ssub.s32 $0x0, s20;
	[sflag:s22] =	ssyncset.done $0x0  }
0xa0: {  	[sflag:s22] =	ssyncadd.s32 s4;
	_ =	sdelay $0x1  }
0xa1: {  	s23 =	simm.s32 $0x1B8B  }
0xa2: {  	_ =	swait.ge [sflag:s23], $0x1  }
0xa3: {  	[sflag:s23] =	ssyncset.done $0x0  }
0xa4: {  	s25 =	simm.s32 $0x1B8E;
	s24 =	sld [smem:$0x3FFE];
	[sflag:s23] =	ssyncadd.s32 $0xFFFFFFFF  }
0xa5: {  	s26 =	simm.s32 $execute0_lowered;
	[smem:$0x3FD2] =	sst s25  }
0xa6: {  	s5 =	sshll.u32 s26, $0x1;
	_ =	strace $0x80000049;
	[dreg:$0x1] =	wrdreg $0xFFFFFFFF  }
0xa7: {  	s28 =	simm.s32 $_size_execute0_lowered;
	s3 =	sadd.s32 s3, s5;
	[dreg:$0x0] =	wrdreg $0x0  }
0xa8: {  	s5 =	sshll.u32 s28, $0x1;
	[dreg:$0x2] =	wrdreg s3  }
0xa9: {  	[dreg:$0x3] =	wrdreg s5  }
0xaa: {  	[dreg:$0x4] =	wrdreg $0xC0  }
0xab: {  	_ =	task [dreg:s7], $0x5FFFF  }
0xac: {  	[dreg:$0x1] =	wrdreg $0xFFFFFFFF  }
0xad: {  	[dreg:$0x0] =	wrdreg $0x60  }
0xae: {  	[dreg:$0x2] =	wrdreg s2  }
0xaf: {  	[dreg:$0x3] =	wrdreg s24  }
0xb0: {  	[dreg:$0x4] =	wrdreg $0x0  }
0xb1: {  	[dreg:$0x5] =	wrdreg $0x138800  }
0xb2: {  	[dreg:$0x6] =	wrdreg $0x9  }
0xb3: {  	_ =	task.clear_ibuf [dreg:s7], $0x7FFFF;
	_ =	strace $0x90000049  }
0xb4: {  	s29 =	simm.s32 $0x9;
	_ =	strace $0x8000004B  }
0xb5: {  	_ =	swait.ge [sflag:s29], $0x1  }
0xb6: {  	[sflag:s29] =	ssyncadd.s32 $0xFFFFFFFF  }
0xb7: {  	_ =	strace $0x9000004B  }
0xb8: {  	_ =	sfence  }
0xb9: {  	s30 =	sld [smem:$0x0];
	_ =	sdelay $0x2  }
0xba: {  	s31 =	sshll.u32 s1, $0xD;
	s1 =	sshrl.u32 s1, $0x2  }
0xbb: {  	s3 =	sand.u32 $0x4000, s31;
	s1 =	sadd.s32 s1, s30  }
0xbc: {  	s0 =	sor.u32 s3, s0;
	s1 =	sshll.u32 s1, $0x11  }
0xbd: {  	s0 =	sor.u32 s1, s0  }
0xbe: {  	s0 =	sadd.s32 $0x8F2B, s0  }
0xbf: {  	[sflag:s0] =	ssyncadd.remote.s32 $0x1  }
0xc0: {  	_ =	sfence.sel $0xFFFF  }
0xc1: {  	[dreg:$0x0] =	wrdreg $0xFFFFFFFF;
	(pc) =	sbr.abs _section_cstart, $3  }
0xc2: {  	[dreg:$0x1] =	wrdreg $0xFFFFFFFF  }
0xc3: {  	_ =	task.clear_ibuf [dreg:s7], $0x2FFFF;
	_ =	strace $0x9FFFFFFF  }
0xc4: {  	(tm) =	ssettm $0x7FFFFFFF  }
0xc5: {  	_ =	shalt  }
tec
execute0_lowered:
.L_overlay_start_1:
0x0: {  	(tag) =	ssettag $0x1  }
0x1: {  	s0 =	rddreg [dreg:$0x0]  }
0x2: {  	s4 =	rddreg [dreg:$0x1]  }
0x3: {  	s1 =	rddreg [dreg:$0x2]  }
0x4: {  	s2 =	rddreg [dreg:$0x3];
	s3 =	simm.s32 $0x0;
	s5 =	srdreg.scid  }
0x5: {  	s15 =	stileid.u32;
	s24 =	simm.s32 $0x1F740;
	s26 =	simm.s32 $0x1F7C0  }
0x6: {  	s28 =	simm.s32 $0x1D6C0;
	s29 =	simm.s32 $0x6;
	s30 =	simm.s32 $0x1F6C0  }
0x7: {  	[smem:$0x7FF] =	sst s3;
	s7 =	sand.u32 $0x1, s5;
	s6 =	smul.u32 $0x27000, s15  }
0x8: {  	s20 =	sshll.u32 s15, $0xA;
	_ =	strace $0x8000004A;
	s8 =	ssub.s32 $0x2, s7  }
0x9: {  	s21 =	sadd.s32 s20, s2;
	[dreg:$0x7] =	wrdreg s24;
	s9 =	sshrl.u32 s8, $0x1  }
0xa: {  	[dreg:$0x8] =	wrdreg s26;
	s6 =	sshrl.u32 s6, $0x2;
	s8 =	ssub.s32 s8, s9  }
0xb: {  	s6 =	sadd.s32 s6, s2;
	s9 =	sor.u32 $0x9C000, s20;
	s20 =	simm.s32 $0x1FA40  }
0xc: {  	s31 =	simm.s32 $0x1FAC0;
	s12 =	sadd.s32 $0x1000, s6;
	[dreg:$0xd] =	wrdreg s20  }
0xd: {  	s5 =	sadd.s32 $0xC200, s4;
	s13 =	sadd.s32 $0x2000, s6;
	[dreg:$0x10] =	wrdreg s12  }
0xe: {  	s4 =	sadd.s32 $0x34200, s4;
	s14 =	sadd.s32 $0x3000, s6;
	[dreg:$0x11] =	wrdreg s13  }
0xf: {  	s10 =	smul.u32 $0x4E000, s15;
	s16 =	sadd.s32 $0x4000, s6;
	[dreg:$0x12] =	wrdreg s14  }
0x10: {  	s22 =	smul.u32 $0x2700, s15;
	s17 =	sadd.s32 $0x5000, s6;
	[dreg:$0x13] =	wrdreg s16  }
0x11: {  	s23 =	smul.u32 $0x9C00, s15;
	s18 =	sadd.s32 $0x6000, s6;
	[dreg:$0x14] =	wrdreg s17  }
0x12: {  	p1 =	sgt.u32 s15, $0x8;
	s19 =	sadd.s32 $0x7000, s6;
	[dreg:$0x15] =	wrdreg s18  }
0x13: {  	p0 =	sne.s32 s15, $0x0;
	s11 =	sadd.s32 $0x8000, s6;
	[dreg:$0x16] =	wrdreg s19  }
0x14: {  	s10 =	sshrl.u32 s10, $0x2;
	s24 =	smax.u32 s8, $0x1;
	[dreg:$0x17] =	wrdreg s11  }
0x15: {  	s10 =	sadd.s32 s10, s1;
	s26 =	sadd.s32 $0x9000, s6;
	[dreg:$0x1d] =	wrdreg s24  }
0x16: {  	s8 =	simm.s32 $0x1E6C0;
	s11 =	sadd.s32 $0x9C000, s21;
	[smem:$0x7FD] =	sst s26  }
0x17: {  	s12 =	smul.u32 $0x50, s15;
	s16 =	simm.s32 $0x1F8C0;
	[dreg:$0x18] =	wrdreg s11  }
0x18: {  	s14 =	smul.u32 $0x9E400, s7;
	s17 =	simm.s32 $0x1F940;
	[dreg:$0xa] =	wrdreg s16  }
0x19: {  	s19 =	simm.s32 $0x1F9C0;
	s21 =	simm.s32 $0x1FB40;
	[dreg:$0xb] =	wrdreg s17  }
0x1a: {  	s11 =	sadd.s32 s0, s22;
	[dreg:$0xc] =	wrdreg s19;
	s22 =	smul.u32 $0x2800, s15  }
0x1b: {  	[dreg:$0xe] =	wrdreg s21;
	s0 =	sadd.s32 $0x27000, s0;
	s17 =	smul.u32 $0x13C0, s7  }
0x1c: {  	s7 =	simm.s32 $0x1FEC0;
	s15 =	simm.s32 $0x1FCC0;
	s16 =	simm.s32 $0x1FD40  }
0x1d: {  	s19 =	simm.s32 $0x0;
	s13 =	sor.u32 $0x2, s12;
	s12 =	sor.u32 $0x3, s12  }
0x1e: {  	[dreg:$0x19] =	wrdreg s11;
	s25 =	sadd.s32 s23, s14;
	s18 =	sadd.s32 s14, s9  }
0x1f: {  	s23 =	simm.s32 $0x1FBC0;
	[dreg:$0x1c] =	wrdreg s0;
	s0 =	sadd.s32 s9, s2  }
0x20: {  	s9 =	simm.s32 $0x2;
	s11 =	simm.s32 $0x3;
	[dreg:$0x5] =	wrdreg s13  }
0x21: {  	s14 =	simm.s32 $0x1FC40;
	[dreg:$0x6] =	wrdreg s12;
	s12 =	sshrl.u32 s25, $0x3  }
0x22: {  	s13 =	simm.s32 $0x1F840;
	[dreg:$0xf] =	wrdreg s23;
	s20 =	sadd.s32 s5, s22  }
0x23: {  	s25 =	sshrl.u32 s10, $0x3;
	s0 =	sshrl.u32 @!p1 s0, $0x3;
	[dreg:$0x9] =	wrdreg s13  }
0x24: {  	s10 =	simm.s32 $0x1FF40;
	s12 =	sadd.s32 s4, s12;
	[dreg:$0x1e] =	wrdreg s25  }
0x25: {  	v0 =	vmov s17;
	s17 =	simm.s32 $0x1FDC0;
	[dreg:$0x1a] =	wrdreg s12;
	s12 =	sshrl.u32 s18, $0x3  }
0x26: {  	[smem:$0x7FC] =	sst s0;
	s26 =	sadd.s32 $0x80, s20;
	s4 =	sadd.s32 s4, s12  }
0x27: {  	s0 =	simm.s32 $0x20;
	[dreg:$0x1b] =	wrdreg s4;
	s4 =	sadd.s32 $0x138000, s1  }
0x28: {  	s13 =	simm.s32 $0x5;
	s18 =	simm.s32 $0x1FE40;
	s4 =	sshrl.u32 @!p0 s4, $0x3  }
0x29: {  	v1 =	vimm.f32 $0.0e+00;
	s12 =	simm.s32 $0x4;
	[dreg:$0x1f] =	wrdreg s4;
	s4 =	simm.s32 $0x1  }
.LBB2_1:
0x2a: {  	s21 =	simm.s32 $0x0;
	s22 =	simm.s32 $0x200  }
.LBB2_2:
0x2b: {  	p2 =	sne.s32 s22, $0x3E00;
	[tilespmem:s21+$0x1D730] =	vst v1  }
0x2c: {  	[tilespmem:s21+$0x1D6C0] =	vst v1  }
0x2d: {  	[tilespmem:s21+$0x1D6D0] =	vst v1  }
.Ltmp0:
0x2e: {  	[tilespmem:s21+$0x1D6E0] =	vst v1;
	(pc) =	sbr.rel @p2 .LBB2_2-.Ltmp0, $4  }
0x2f: {  	[tilespmem:s21+$0x1D6F0] =	vst v1  }
0x30: {  	[tilespmem:s21+$0x1D700] =	vst v1  }
0x31: {  	[tilespmem:s21+$0x1D710] =	vst v1  }
0x32: {  	[tilespmem:s21+$0x1D720] =	vst v1;
	s21 =	sshra.s32 s22, $0x2;
	s22 =	sadd.s32 $0x200, s22  }
0x33: {  	[tilespmem:s21+$0x1D730] =	vst v1  }
0x34: {  	[tilespmem:s21+$0x1D6C0] =	vst v1  }
0x35: {  	[tilespmem:s21+$0x1D6D0] =	vst v1  }
0x36: {  	[tilespmem:s21+$0x1D6E0] =	vst v1  }
0x37: {  	[tilespmem:s21+$0x1D6F0] =	vst v1  }
0x38: {  	[tilespmem:s21+$0x1D700] =	vst v1  }
0x39: {  	[tilespmem:s21+$0x1D710] =	vst v1  }
0x3a: {  	[tilespmem:s21+$0x1D720] =	vst v1  }
0x3b: {  	[spmem:s6] =	stream.linear.scatter [tilespmem:s28], [sflag:$0x6], $0x1000, $0x38;
	v63 =	vld [tilespmem:$0x0]  }
0x3c: {  	_ =	swait.ge [sflag:s29], $0x1000  }
0x3d: {  	[sflag:s29] =	ssyncset.done $0x0  }
0x3e: {  	s23 =	rddreg [dreg:$0x10];
	[sflag:s29] =	ssyncadd.s32 $0xFFFFF000  }
0x3f: {  	[spmem:s23] =	stream.linear.scatter [tilespmem:s28], [sflag:$0x6], $0x1000, $0x38;
	v63 =	vld [tilespmem:$0x0]  }
0x40: {  	_ =	swait.ge [sflag:s29], $0x1000  }
0x41: {  	[sflag:s29] =	ssyncset.done $0x0  }
0x42: {  	s24 =	rddreg [dreg:$0x11];
	[sflag:s29] =	ssyncadd.s32 $0xFFFFF000  }
0x43: {  	[spmem:s24] =	stream.linear.scatter [tilespmem:s28], [sflag:$0x6], $0x1000, $0x38;
	v63 =	vld [tilespmem:$0x0]  }
0x44: {  	_ =	swait.ge [sflag:s29], $0x1000  }
0x45: {  	[sflag:s29] =	ssyncset.done $0x0  }
0x46: {  	s25 =	rddreg [dreg:$0x12];
	[sflag:s29] =	ssyncadd.s32 $0xFFFFF000  }
0x47: {  	[spmem:s25] =	stream.linear.scatter [tilespmem:s28], [sflag:$0x6], $0x1000, $0x38;
	v63 =	vld [tilespmem:$0x0]  }
0x48: {  	_ =	swait.ge [sflag:s29], $0x1000  }
0x49: {  	[sflag:s29] =	ssyncset.done $0x0  }
0x4a: {  	s22 =	rddreg [dreg:$0x13];
	[sflag:s29] =	ssyncadd.s32 $0xFFFFF000  }
0x4b: {  	[spmem:s22] =	stream.linear.scatter [tilespmem:s28], [sflag:$0x6], $0x1000, $0x38;
	v63 =	vld [tilespmem:$0x0]  }
0x4c: {  	_ =	swait.ge [sflag:s29], $0x1000  }
0x4d: {  	[sflag:s29] =	ssyncset.done $0x0  }
0x4e: {  	s23 =	rddreg [dreg:$0x14];
	[sflag:s29] =	ssyncadd.s32 $0xFFFFF000  }
0x4f: {  	[spmem:s23] =	stream.linear.scatter [tilespmem:s28], [sflag:$0x6], $0x1000, $0x38;
	v63 =	vld [tilespmem:$0x0]  }
0x50: {  	_ =	swait.ge [sflag:s29], $0x1000  }
0x51: {  	[sflag:s29] =	ssyncset.done $0x0  }
0x52: {  	s24 =	rddreg [dreg:$0x15];
	[sflag:s29] =	ssyncadd.s32 $0xFFFFF000  }
0x53: {  	[spmem:s24] =	stream.linear.scatter [tilespmem:s28], [sflag:$0x6], $0x1000, $0x38;
	v63 =	vld [tilespmem:$0x0]  }
0x54: {  	_ =	swait.ge [sflag:s29], $0x1000  }
0x55: {  	[sflag:s29] =	ssyncset.done $0x0  }
0x56: {  	s25 =	rddreg [dreg:$0x16];
	[sflag:s29] =	ssyncadd.s32 $0xFFFFF000  }
0x57: {  	[spmem:s25] =	stream.linear.scatter [tilespmem:s28], [sflag:$0x6], $0x1000, $0x38;
	v63 =	vld [tilespmem:$0x0]  }
0x58: {  	_ =	swait.ge [sflag:s29], $0x1000  }
0x59: {  	[sflag:s29] =	ssyncset.done $0x0  }
0x5a: {  	s22 =	rddreg [dreg:$0x17];
	[sflag:s29] =	ssyncadd.s32 $0xFFFFF000  }
0x5b: {  	[spmem:s22] =	stream.linear.scatter [tilespmem:s28], [sflag:$0x6], $0x1000, $0x38;
	v63 =	vld [tilespmem:$0x0]  }
0x5c: {  	_ =	swait.ge [sflag:s29], $0x1000  }
0x5d: {  	s23 =	sld [smem:$0x7FD]  }
0x5e: {  	[sflag:s29] =	ssyncset.done $0x0  }
0x5f: {  	[sflag:s29] =	ssyncadd.s32 $0xFFFFF000  }
0x60: {  	[spmem:s23] =	stream.linear.scatter [tilespmem:s28], [sflag:$0x6], $0xC00, $0x38;
	v63 =	vld [tilespmem:$0x0]  }
0x61: {  	_ =	swait.ge [sflag:s29], $0xC00  }
0x62: {  	[sflag:s29] =	ssyncset.done $0x0  }
0x63: {  	s21 =	simm.s32 @!p1 $0x1D6C0;
	s22 =	rddreg [dreg:$0x18];
	[sflag:s29] =	ssyncadd.s32 $0xFFFFF400  }
0x64: {  	[spmem:s22] =	stream.linear.scatter @!p1 [tilespmem:s21], [sflag:$0x6], $0x400, $0x38;
	v63 =	vld [tilespmem:$0x0]  }
0x65: {  	s21 =	simm.s32 @!p1 $0x6  }
0x66: {  	s24 =	stileid.u32;
	_ =	swait.ge @!p1 [sflag:s21], $0x400  }
0x67: {  	s22 =	sshll.u32 s24, $0x6;
	[sflag:s21] =	ssyncset.done @!p1 $0x0;
	s25 =	rddreg [dreg:$0x19]  }
0x68: {  	s23 =	rddreg [dreg:$0x1e];
	[sflag:s21] =	ssyncadd.s32 @!p1 $0xFFFFFC00;
	s21 =	sor.u32 $0x1C06, s22  }
0x69: {  	[spmem:s23], [sflag:s21] =	dma.local [hbm:s25], $0x2700  }
0x6a: {  	_ =	swait.ge [sflag:s29], $0x2700  }
0x6b: {  	[sflag:s29] =	ssyncset.done $0x0;
	s22 =	rddreg [dreg:$0x1c]  }
0x6c: {  	s23 =	rddreg [dreg:$0x1f];
	[sflag:s29] =	ssyncadd.s32 $0xFFFFD900  }
0x6d: {  	[spmem:s23], [sflag:s21] =	dma.local @!p0 [hbm:s22], $0x100  }
0x6e: {  	s22 =	simm.s32 @!p0 $0x6  }
0x6f: {  	_ =	swait.ge @!p0 [sflag:s22], $0x100  }
0x70: {  	[sflag:s22] =	ssyncset.done @!p0 $0x0  }
0x71: {  	[sflag:s22] =	ssyncadd.s32 @!p0 $0xFFFFFF00  }
0x72: {  	s23 =	simm.s32 $0x0;
	[bflag:$0x0] =	sbarrier.arrive $0xFFFF  }
0x73: {  	[tilespmem:s30], [sflag:$0x6] =	stream.linear.gather [hbm4b:s20+s23], $0x400, $0x38;
	v63 =	vld [tilespmem:$0x0]  }
0x74: {  	_ =	swait.ge [sflag:s29], $0x400  }
0x75: {  	[sflag:s29] =	ssyncset.done $0x0  }
0x76: {  	[sflag:s29] =	ssyncadd.s32 $0xFFFFFC00  }
0x77: {  	[tilespmem:s31], [sflag:$0x6] =	stream.linear.gather [hbm4b:s26+s23], $0x400, $0x38;
	v63 =	vld [tilespmem:$0x0]  }
0x78: {  	_ =	swait.ge [sflag:s29], $0x400  }
0x79: {  	[sflag:s29] =	ssyncset.done $0x0  }
0x7a: {  	[sflag:s29] =	ssyncadd.s32 $0xFFFFFC00  }
0x7b: {  	[tilespmem:s31], [sflag:$0x5] =	stream.linear.gather [hbm4b:s26+s23], $0x400, $0x38;
	v63 =	vld [tilespmem:$0x0]  }
0x7c: {  	_ = 	snop  }
0x7d: {  	[tilespmem:s28], [sflag:$0x1] =	stream.indirect.gather [spmem:s1], $0x80, s30, s0, $0xb8;
	v63 =	vld [tilespmem:$0x0]  }
0x7e: {  	_ =	swait.ge [sflag:s4], $0x1000  }
0x7f: {  	[sflag:s4] =	ssyncset.done $0x0  }
0x80: {  	[sflag:s4] =	ssyncadd.s32 $0xFFFFF000  }
0x81: {  	v2 =	vld [tilespmem:$0x1F6E0]  }
0x82: {  	v3 =	vld [tilespmem:$0x1F6F0];
	_ =	sdelay $0x3  }
0x83: {  	v2 =	vsub.s32 v2, v0  }
0x84: {  	v3 =	vsub.s32 v3, v0;
	v2 =	vmin.u32 v2, $0x13C0  }
0x85: {  	p2 =	por $0x1, $0x1;
	[tilespmem:$0x1FEC0] =	vst v2;
	v2 =	vmin.u32 v3, $0x13C0  }
0x86: {  	s22 =	simm.s32 @!p2 $0x4;
	[tilespmem:$0x1FED0] =	vst v2  }
0x87: {  	[spmem:s2] =	stream.indirect.scatter.add.f32 [tilespmem:s28], [sflag:$0x3], $0x80, s7, s0, $0xb8;
	v63 =	vld [tilespmem:$0x0]  }
0x88: {  	_ =	swait.ge @!p2 [sflag:s22], $0x1000  }
0x89: {  	[sflag:s22] =	ssyncset.done @!p2 $0x0  }
0x8a: {  	s24 =	rddreg [dreg:$0x7];
	[sflag:s22] =	ssyncadd.s32 @!p2 $0xFFFFF000  }
0x8b: {  	[tilespmem:s8], [sflag:$0x2] =	stream.indirect.gather [spmem:s1], $0x80, s24, s0, $0xb8;
	v63 =	vld [tilespmem:$0x0]  }
0x8c: {  	_ =	swait.ge [sflag:s9], $0x1000  }
0x8d: {  	[sflag:s9] =	ssyncset.done $0x0  }
0x8e: {  	[sflag:s9] =	ssyncadd.s32 $0xFFFFF000  }
0x8f: {  	v2 =	vld [tilespmem:$0x1F760]  }
0x90: {  	v3 =	vld [tilespmem:$0x1F770];
	_ =	sdelay $0x3  }
0x91: {  	v2 =	vsub.s32 v2, v0  }
0x92: {  	v3 =	vsub.s32 v3, v0;
	v2 =	vmin.u32 v2, $0x13C0  }
0x93: {  	[tilespmem:$0x1FF40] =	vst v2;
	v2 =	vmin.u32 v3, $0x13C0  }
0x94: {  	[tilespmem:$0x1FF50] =	vst v2  }
0x95: {  	[spmem:s2] =	stream.indirect.scatter.add.f32 [tilespmem:s8], [sflag:$0x4], $0x80, s10, s0, $0xb8;
	v63 =	vld [tilespmem:$0x0]  }
0x96: {  	_ =	swait.ge [sflag:s11], $0x1000  }
0x97: {  	[sflag:s11] =	ssyncset.done $0x0  }
0x98: {  	s24 =	rddreg [dreg:$0x8];
	[sflag:s11] =	ssyncadd.s32 $0xFFFFF000  }
0x99: {  	[tilespmem:s28], [sflag:$0x1] =	stream.indirect.gather [spmem:s1], $0x80, s24, s0, $0xb8;
	v63 =	vld [tilespmem:$0x0]  }
0x9a: {  	_ =	swait.ge [sflag:s4], $0x1000  }
0x9b: {  	[sflag:s4] =	ssyncset.done $0x0  }
0x9c: {  	[sflag:s4] =	ssyncadd.s32 $0xFFFFF000  }
0x9d: {  	v2 =	vld [tilespmem:$0x1F7E0]  }
0x9e: {  	v3 =	vld [tilespmem:$0x1F7F0];
	_ =	sdelay $0x3  }
0x9f: {  	v2 =	vsub.s32 v2, v0  }
0xa0: {  	v3 =	vsub.s32 v3, v0;
	v2 =	vmin.u32 v2, $0x13C0  }
0xa1: {  	[tilespmem:$0x1FEC0] =	vst v2;
	v2 =	vmin.u32 v3, $0x13C0  }
0xa2: {  	[tilespmem:$0x1FED0] =	vst v2  }
0xa3: {  	[spmem:s2] =	stream.indirect.scatter.add.f32 [tilespmem:s28], [sflag:$0x3], $0x80, s7, s0, $0xb8;
	v63 =	vld [tilespmem:$0x0]  }
0xa4: {  	_ =	swait.ge [sflag:s12], $0x1000  }
0xa5: {  	[sflag:s12] =	ssyncset.done $0x0  }
0xa6: {  	s25 =	rddreg [dreg:$0x9];
	[sflag:s12] =	ssyncadd.s32 $0xFFFFF000  }
0xa7: {  	[tilespmem:s8], [sflag:$0x2] =	stream.indirect.gather [spmem:s1], $0x80, s25, s0, $0xb8;
	v63 =	vld [tilespmem:$0x0]  }
0xa8: {  	_ =	swait.ge [sflag:s9], $0x1000  }
0xa9: {  	[sflag:s9] =	ssyncset.done $0x0  }
0xaa: {  	[sflag:s9] =	ssyncadd.s32 $0xFFFFF000  }
0xab: {  	v2 =	vld [tilespmem:$0x1F860]  }
0xac: {  	v3 =	vld [tilespmem:$0x1F870];
	_ =	sdelay $0x3  }
0xad: {  	v2 =	vsub.s32 v2, v0  }
0xae: {  	v3 =	vsub.s32 v3, v0;
	v2 =	vmin.u32 v2, $0x13C0  }
0xaf: {  	[tilespmem:$0x1FF40] =	vst v2;
	v2 =	vmin.u32 v3, $0x13C0  }
0xb0: {  	[tilespmem:$0x1FF50] =	vst v2  }
0xb1: {  	[spmem:s2] =	stream.indirect.scatter.add.f32 [tilespmem:s8], [sflag:$0x4], $0x80, s10, s0, $0xb8;
	v63 =	vld [tilespmem:$0x0]  }
0xb2: {  	_ =	swait.ge [sflag:s11], $0x1000  }
0xb3: {  	[sflag:s11] =	ssyncset.done $0x0  }
0xb4: {  	s24 =	rddreg [dreg:$0xa];
	[sflag:s11] =	ssyncadd.s32 $0xFFFFF000  }
0xb5: {  	[tilespmem:s28], [sflag:$0x1] =	stream.indirect.gather [spmem:s1], $0x80, s24, s0, $0xb8;
	v63 =	vld [tilespmem:$0x0]  }
0xb6: {  	_ =	swait.ge [sflag:s4], $0x1000  }
0xb7: {  	[sflag:s4] =	ssyncset.done $0x0  }
0xb8: {  	[sflag:s4] =	ssyncadd.s32 $0xFFFFF000  }
0xb9: {  	v2 =	vld [tilespmem:$0x1F8E0]  }
0xba: {  	v3 =	vld [tilespmem:$0x1F8F0];
	_ =	sdelay $0x3  }
0xbb: {  	v2 =	vsub.s32 v2, v0  }
0xbc: {  	v3 =	vsub.s32 v3, v0;
	v2 =	vmin.u32 v2, $0x13C0  }
0xbd: {  	[tilespmem:$0x1FEC0] =	vst v2;
	v2 =	vmin.u32 v3, $0x13C0  }
0xbe: {  	[tilespmem:$0x1FED0] =	vst v2  }
0xbf: {  	[spmem:s2] =	stream.indirect.scatter.add.f32 [tilespmem:s28], [sflag:$0x3], $0x80, s7, s0, $0xb8;
	v63 =	vld [tilespmem:$0x0]  }
0xc0: {  	_ =	swait.ge [sflag:s12], $0x1000  }
0xc1: {  	[sflag:s12] =	ssyncset.done $0x0  }
0xc2: {  	s25 =	rddreg [dreg:$0xb];
	[sflag:s12] =	ssyncadd.s32 $0xFFFFF000  }
0xc3: {  	[tilespmem:s8], [sflag:$0x2] =	stream.indirect.gather [spmem:s1], $0x80, s25, s0, $0xb8;
	v63 =	vld [tilespmem:$0x0]  }
0xc4: {  	_ =	swait.ge [sflag:s13], $0x400  }
0xc5: {  	[sflag:s13] =	ssyncset.done $0x0  }
0xc6: {  	[sflag:s13] =	ssyncadd.s32 $0xFFFFFC00  }
0xc7: {  	_ =	swait.ge [sflag:s9], $0x1000  }
0xc8: {  	[sflag:s9] =	ssyncset.done $0x0  }
0xc9: {  	[sflag:s9] =	ssyncadd.s32 $0xFFFFF000  }
0xca: {  	v2 =	vld [tilespmem:$0x1F960]  }
0xcb: {  	v3 =	vld [tilespmem:$0x1F970];
	_ =	sdelay $0x3  }
0xcc: {  	v2 =	vsub.s32 v2, v0  }
0xcd: {  	v3 =	vsub.s32 v3, v0;
	v2 =	vmin.u32 v2, $0x13C0  }
0xce: {  	[tilespmem:$0x1FF40] =	vst v2;
	v2 =	vmin.u32 v3, $0x13C0  }
0xcf: {  	[tilespmem:$0x1FF50] =	vst v2  }
0xd0: {  	[spmem:s2] =	stream.indirect.scatter.add.f32 [tilespmem:s8], [sflag:$0x4], $0x80, s10, s0, $0xb8;
	v63 =	vld [tilespmem:$0x0]  }
0xd1: {  	_ =	swait.ge [sflag:s11], $0x1000  }
0xd2: {  	[sflag:s11] =	ssyncset.done $0x0  }
0xd3: {  	s24 =	rddreg [dreg:$0xc];
	[sflag:s11] =	ssyncadd.s32 $0xFFFFF000  }
0xd4: {  	[tilespmem:s28], [sflag:$0x1] =	stream.indirect.gather [spmem:s1], $0x80, s24, s0, $0xb8;
	v63 =	vld [tilespmem:$0x0]  }
0xd5: {  	_ =	swait.ge [sflag:s4], $0x1000  }
0xd6: {  	[sflag:s4] =	ssyncset.done $0x0  }
0xd7: {  	[sflag:s4] =	ssyncadd.s32 $0xFFFFF000  }
0xd8: {  	v2 =	vld [tilespmem:$0x1F9E0]  }
0xd9: {  	v3 =	vld [tilespmem:$0x1F9F0];
	_ =	sdelay $0x3  }
0xda: {  	v2 =	vsub.s32 v2, v0  }
0xdb: {  	v3 =	vsub.s32 v3, v0;
	v2 =	vmin.u32 v2, $0x13C0  }
0xdc: {  	[tilespmem:$0x1FEC0] =	vst v2;
	v2 =	vmin.u32 v3, $0x13C0  }
0xdd: {  	[tilespmem:$0x1FED0] =	vst v2  }
0xde: {  	[spmem:s2] =	stream.indirect.scatter.add.f32 [tilespmem:s28], [sflag:$0x3], $0x80, s7, s0, $0xb8;
	v63 =	vld [tilespmem:$0x0]  }
0xdf: {  	_ =	swait.ge [sflag:s12], $0x1000  }
0xe0: {  	[sflag:s12] =	ssyncset.done $0x0  }
0xe1: {  	s25 =	rddreg [dreg:$0xd];
	[sflag:s12] =	ssyncadd.s32 $0xFFFFF000  }
0xe2: {  	[tilespmem:s8], [sflag:$0x2] =	stream.indirect.gather [spmem:s1], $0x80, s25, s0, $0xb8;
	v63 =	vld [tilespmem:$0x0]  }
0xe3: {  	_ =	swait.ge [sflag:s9], $0x1000  }
0xe4: {  	[sflag:s9] =	ssyncset.done $0x0  }
0xe5: {  	[sflag:s9] =	ssyncadd.s32 $0xFFFFF000  }
0xe6: {  	v2 =	vld [tilespmem:$0x1FA60]  }
0xe7: {  	v3 =	vld [tilespmem:$0x1FA70];
	_ =	sdelay $0x3  }
0xe8: {  	v2 =	vsub.s32 v2, v0  }
0xe9: {  	v3 =	vsub.s32 v3, v0;
	v2 =	vmin.u32 v2, $0x13C0  }
0xea: {  	[tilespmem:$0x1FF40] =	vst v2;
	v2 =	vmin.u32 v3, $0x13C0  }
0xeb: {  	[tilespmem:$0x1FF50] =	vst v2  }
0xec: {  	[spmem:s2] =	stream.indirect.scatter.add.f32 [tilespmem:s8], [sflag:$0x4], $0x80, s10, s0, $0xb8;
	v63 =	vld [tilespmem:$0x0]  }
0xed: {  	_ =	swait.ge [sflag:s11], $0x1000  }
0xee: {  	s25 =	smin.u32 s23, $0x4D;
	s24 =	rddreg [dreg:$0x5];
	[sflag:s11] =	ssyncset.done $0x0  }
0xef: {  	s22 =	sadd.s32 s25, s24;
	[sflag:s11] =	ssyncadd.s32 $0xFFFFF000  }
0xf0: {  	[tilespmem:s28], [sflag:$0x1] =	stream.indirect.gather [spmem:s1], $0x80, s31, s0, $0xb8;
	v63 =	vld [tilespmem:$0x0]  }
0xf1: {  	s22 =	sshll.u32 s22, $0x7  }
0xf2: {  	s22 =	sadd.s32 s5, s22  }
0xf3: {  	[tilespmem:s30], [sflag:$0x5] =	stream.linear.gather [hbm4b:s22+s3], $0x400, $0x38;
	v63 =	vld [tilespmem:$0x0]  }
0xf4: {  	_ =	swait.ge [sflag:s4], $0x1000  }
0xf5: {  	[sflag:s4] =	ssyncset.done $0x0  }
0xf6: {  	[sflag:s4] =	ssyncadd.s32 $0xFFFFF000  }
0xf7: {  	v2 =	vld [tilespmem:$0x1FAE0]  }
0xf8: {  	v3 =	vld [tilespmem:$0x1FAF0];
	_ =	sdelay $0x3  }
0xf9: {  	v2 =	vsub.s32 v2, v0  }
0xfa: {  	v3 =	vsub.s32 v3, v0;
	v2 =	vmin.u32 v2, $0x13C0  }
0xfb: {  	[tilespmem:$0x1FEC0] =	vst v2;
	v2 =	vmin.u32 v3, $0x13C0  }
0xfc: {  	[tilespmem:$0x1FED0] =	vst v2  }
0xfd: {  	[spmem:s2] =	stream.indirect.scatter.add.f32 [tilespmem:s28], [sflag:$0x3], $0x80, s7, s0, $0xb8;
	v63 =	vld [tilespmem:$0x0]  }
0xfe: {  	_ =	swait.ge [sflag:s12], $0x1000  }
0xff: {  	[sflag:s12] =	ssyncset.done $0x0  }
0x100: {  	s24 =	rddreg [dreg:$0xe];
	[sflag:s12] =	ssyncadd.s32 $0xFFFFF000  }
0x101: {  	[tilespmem:s8], [sflag:$0x2] =	stream.indirect.gather [spmem:s1], $0x80, s24, s0, $0xb8;
	v63 =	vld [tilespmem:$0x0]  }
0x102: {  	_ =	swait.ge [sflag:s9], $0x1000  }
0x103: {  	[sflag:s9] =	ssyncset.done $0x0  }
0x104: {  	[sflag:s9] =	ssyncadd.s32 $0xFFFFF000  }
0x105: {  	v2 =	vld [tilespmem:$0x1FB60]  }
0x106: {  	v3 =	vld [tilespmem:$0x1FB70];
	_ =	sdelay $0x3  }
0x107: {  	v2 =	vsub.s32 v2, v0  }
0x108: {  	v3 =	vsub.s32 v3, v0;
	v2 =	vmin.u32 v2, $0x13C0  }
0x109: {  	[tilespmem:$0x1FF40] =	vst v2;
	v2 =	vmin.u32 v3, $0x13C0  }
0x10a: {  	[tilespmem:$0x1FF50] =	vst v2  }
0x10b: {  	[spmem:s2] =	stream.indirect.scatter.add.f32 [tilespmem:s8], [sflag:$0x4], $0x80, s10, s0, $0xb8;
	v63 =	vld [tilespmem:$0x0]  }
0x10c: {  	_ =	swait.ge [sflag:s11], $0x1000  }
0x10d: {  	[sflag:s11] =	ssyncset.done $0x0  }
0x10e: {  	s25 =	rddreg [dreg:$0xf];
	[sflag:s11] =	ssyncadd.s32 $0xFFFFF000  }
0x10f: {  	[tilespmem:s28], [sflag:$0x1] =	stream.indirect.gather [spmem:s1], $0x80, s25, s0, $0xb8;
	v63 =	vld [tilespmem:$0x0]  }
0x110: {  	_ =	swait.ge [sflag:s4], $0x1000  }
0x111: {  	[sflag:s4] =	ssyncset.done $0x0  }
0x112: {  	[sflag:s4] =	ssyncadd.s32 $0xFFFFF000  }
0x113: {  	v2 =	vld [tilespmem:$0x1FBE0]  }
0x114: {  	v3 =	vld [tilespmem:$0x1FBF0];
	_ =	sdelay $0x3  }
0x115: {  	v2 =	vsub.s32 v2, v0  }
0x116: {  	v3 =	vsub.s32 v3, v0;
	v2 =	vmin.u32 v2, $0x13C0  }
0x117: {  	[tilespmem:$0x1FEC0] =	vst v2;
	v2 =	vmin.u32 v3, $0x13C0  }
0x118: {  	[tilespmem:$0x1FED0] =	vst v2  }
0x119: {  	[spmem:s2] =	stream.indirect.scatter.add.f32 [tilespmem:s28], [sflag:$0x3], $0x80, s7, s0, $0xb8;
	v63 =	vld [tilespmem:$0x0]  }
0x11a: {  	_ =	swait.ge [sflag:s12], $0x1000  }
0x11b: {  	[sflag:s12] =	ssyncset.done $0x0  }
0x11c: {  	[sflag:s12] =	ssyncadd.s32 $0xFFFFF000  }
0x11d: {  	[tilespmem:s8], [sflag:$0x2] =	stream.indirect.gather [spmem:s1], $0x80, s14, s0, $0xb8;
	v63 =	vld [tilespmem:$0x0]  }
0x11e: {  	_ =	swait.ge [sflag:s9], $0x1000  }
0x11f: {  	[sflag:s9] =	ssyncset.done $0x0  }
0x120: {  	[sflag:s9] =	ssyncadd.s32 $0xFFFFF000  }
0x121: {  	v2 =	vld [tilespmem:$0x1FC60]  }
0x122: {  	v3 =	vld [tilespmem:$0x1FC70];
	_ =	sdelay $0x3  }
0x123: {  	v2 =	vsub.s32 v2, v0  }
0x124: {  	v3 =	vsub.s32 v3, v0;
	v2 =	vmin.u32 v2, $0x13C0  }
0x125: {  	[tilespmem:$0x1FF40] =	vst v2;
	v2 =	vmin.u32 v3, $0x13C0  }
0x126: {  	[tilespmem:$0x1FF50] =	vst v2  }
0x127: {  	[spmem:s2] =	stream.indirect.scatter.add.f32 [tilespmem:s8], [sflag:$0x4], $0x80, s10, s0, $0xb8;
	v63 =	vld [tilespmem:$0x0]  }
0x128: {  	_ =	swait.ge [sflag:s11], $0x1000  }
0x129: {  	[sflag:s11] =	ssyncset.done $0x0  }
0x12a: {  	[sflag:s11] =	ssyncadd.s32 $0xFFFFF000  }
0x12b: {  	[tilespmem:s28], [sflag:$0x1] =	stream.indirect.gather [spmem:s1], $0x80, s15, s0, $0xb8;
	v63 =	vld [tilespmem:$0x0]  }
0x12c: {  	_ =	swait.ge [sflag:s4], $0x1000  }
0x12d: {  	[sflag:s4] =	ssyncset.done $0x0  }
0x12e: {  	[sflag:s4] =	ssyncadd.s32 $0xFFFFF000  }
0x12f: {  	v2 =	vld [tilespmem:$0x1FCE0]  }
0x130: {  	v3 =	vld [tilespmem:$0x1FCF0];
	_ =	sdelay $0x3  }
0x131: {  	v2 =	vsub.s32 v2, v0  }
0x132: {  	v3 =	vsub.s32 v3, v0;
	v2 =	vmin.u32 v2, $0x13C0  }
0x133: {  	[tilespmem:$0x1FEC0] =	vst v2;
	v2 =	vmin.u32 v3, $0x13C0  }
0x134: {  	[tilespmem:$0x1FED0] =	vst v2  }
0x135: {  	[spmem:s2] =	stream.indirect.scatter.add.f32 [tilespmem:s28], [sflag:$0x3], $0x80, s7, s0, $0xb8;
	v63 =	vld [tilespmem:$0x0]  }
0x136: {  	_ =	swait.ge [sflag:s12], $0x1000  }
0x137: {  	[sflag:s12] =	ssyncset.done $0x0  }
0x138: {  	[sflag:s12] =	ssyncadd.s32 $0xFFFFF000  }
0x139: {  	[tilespmem:s8], [sflag:$0x2] =	stream.indirect.gather [spmem:s1], $0x80, s16, s0, $0xb8;
	v63 =	vld [tilespmem:$0x0]  }
0x13a: {  	_ =	swait.ge [sflag:s13], $0x400  }
0x13b: {  	[sflag:s13] =	ssyncset.done $0x0  }
0x13c: {  	[sflag:s13] =	ssyncadd.s32 $0xFFFFFC00  }
0x13d: {  	_ =	swait.ge [sflag:s9], $0x1000  }
0x13e: {  	[sflag:s9] =	ssyncset.done $0x0  }
0x13f: {  	[sflag:s9] =	ssyncadd.s32 $0xFFFFF000  }
0x140: {  	v2 =	vld [tilespmem:$0x1FD60]  }
0x141: {  	v3 =	vld [tilespmem:$0x1FD70];
	_ =	sdelay $0x3  }
0x142: {  	v2 =	vsub.s32 v2, v0  }
0x143: {  	v3 =	vsub.s32 v3, v0;
	v2 =	vmin.u32 v2, $0x13C0  }
0x144: {  	[tilespmem:$0x1FF40] =	vst v2;
	v2 =	vmin.u32 v3, $0x13C0  }
0x145: {  	[tilespmem:$0x1FF50] =	vst v2  }
0x146: {  	[spmem:s2] =	stream.indirect.scatter.add.f32 [tilespmem:s8], [sflag:$0x4], $0x80, s10, s0, $0xb8;
	v63 =	vld [tilespmem:$0x0]  }
0x147: {  	_ =	swait.ge [sflag:s11], $0x1000  }
0x148: {  	[sflag:s11] =	ssyncset.done $0x0  }
0x149: {  	[sflag:s11] =	ssyncadd.s32 $0xFFFFF000  }
0x14a: {  	[tilespmem:s28], [sflag:$0x1] =	stream.indirect.gather [spmem:s1], $0x80, s17, s0, $0xb8;
	v63 =	vld [tilespmem:$0x0]  }
0x14b: {  	_ =	swait.ge [sflag:s4], $0x1000  }
0x14c: {  	[sflag:s4] =	ssyncset.done $0x0  }
0x14d: {  	[sflag:s4] =	ssyncadd.s32 $0xFFFFF000  }
0x14e: {  	v2 =	vld [tilespmem:$0x1FDE0]  }
0x14f: {  	v3 =	vld [tilespmem:$0x1FDF0];
	_ =	sdelay $0x3  }
0x150: {  	v2 =	vsub.s32 v2, v0  }
0x151: {  	v3 =	vsub.s32 v3, v0;
	v2 =	vmin.u32 v2, $0x13C0  }
0x152: {  	[tilespmem:$0x1FEC0] =	vst v2;
	v2 =	vmin.u32 v3, $0x13C0  }
0x153: {  	[tilespmem:$0x1FED0] =	vst v2  }
0x154: {  	[spmem:s2] =	stream.indirect.scatter.add.f32 [tilespmem:s28], [sflag:$0x3], $0x80, s7, s0, $0xb8;
	v63 =	vld [tilespmem:$0x0]  }
0x155: {  	_ =	swait.ge [sflag:s12], $0x1000  }
0x156: {  	[sflag:s12] =	ssyncset.done $0x0  }
0x157: {  	[sflag:s12] =	ssyncadd.s32 $0xFFFFF000  }
0x158: {  	[tilespmem:s8], [sflag:$0x2] =	stream.indirect.gather [spmem:s1], $0x80, s18, s0, $0xb8;
	v63 =	vld [tilespmem:$0x0]  }
0x159: {  	_ =	swait.ge [sflag:s9], $0x1000  }
0x15a: {  	[sflag:s9] =	ssyncset.done $0x0  }
0x15b: {  	[sflag:s9] =	ssyncadd.s32 $0xFFFFF000  }
0x15c: {  	s22 =	simm.s32 $0x2;
	s24 =	smin.u32 s23, $0x4C;
	v2 =	vld [tilespmem:$0x1FE60]  }
.LBB2_4:
0x15d: {  	v3 =	vld [tilespmem:$0x1FE70];
	_ =	sdelay $0x3  }
0x15e: {  	v2 =	vsub.s32 v2, v0  }
0x15f: {  	v2 =	vmin.u32 v2, $0x13C0;
	v3 =	vsub.s32 v3, v0  }
0x160: {  	[tilespmem:$0x1FF40] =	vst v2;
	v2 =	vmin.u32 v3, $0x13C0  }
0x161: {  	[tilespmem:$0x1FF50] =	vst v2  }
0x162: {  	[spmem:s2] =	stream.indirect.scatter.add.f32 [tilespmem:s8], [sflag:$0x4], $0x80, s10, s0, $0xb8;
	v63 =	vld [tilespmem:$0x0]  }
0x163: {  	_ =	swait.ge [sflag:s11], $0x1000  }
0x164: {  	[sflag:s11] =	ssyncset.done $0x0;
	s25 =	rddreg [dreg:$0x6]  }
0x165: {  	[sflag:s11] =	ssyncadd.s32 $0xFFFFF000;
	s24 =	sadd.s32 s24, s25  }
0x166: {  	[tilespmem:s28], [sflag:$0x1] =	stream.indirect.gather [spmem:s1], $0x80, s30, s0, $0xb8;
	v63 =	vld [tilespmem:$0x0]  }
0x167: {  	s24 =	sshll.u32 s24, $0x7  }
0x168: {  	s24 =	sadd.s32 s5, s24  }
0x169: {  	[tilespmem:s31], [sflag:$0x5] =	stream.linear.gather [hbm4b:s24+s3], $0x400, $0x38;
	v63 =	vld [tilespmem:$0x0]  }
0x16a: {  	_ =	swait.ge [sflag:s4], $0x1000  }
0x16b: {  	[sflag:s4] =	ssyncset.done $0x0  }
0x16c: {  	[sflag:s4] =	ssyncadd.s32 $0xFFFFF000  }
0x16d: {  	v2 =	vld [tilespmem:$0x1F6E0]  }
0x16e: {  	v3 =	vld [tilespmem:$0x1F6F0];
	_ =	sdelay $0x3  }
0x16f: {  	v2 =	vsub.s32 v2, v0  }
0x170: {  	s23 =	smov.u32 s22;
	v3 =	vsub.s32 v3, v0;
	v2 =	vmin.u32 v2, $0x13C0  }
0x171: {  	p3 =	seq.s32 s23, $0x0;
	[tilespmem:$0x1FEC0] =	vst v2;
	v2 =	vmin.u32 v3, $0x13C0  }
0x172: {  	s24 =	simm.s32 @!p3 $0x4;
	[tilespmem:$0x1FED0] =	vst v2  }
0x173: {  	[spmem:s2] =	stream.indirect.scatter.add.f32 [tilespmem:s28], [sflag:$0x3], $0x80, s7, s0, $0xb8;
	v63 =	vld [tilespmem:$0x0]  }
0x174: {  	_ =	swait.ge @!p3 [sflag:s24], $0x1000  }
0x175: {  	[sflag:s24] =	ssyncset.done @!p3 $0x0  }
0x176: {  	s25 =	rddreg [dreg:$0x7];
	[sflag:s24] =	ssyncadd.s32 @!p3 $0xFFFFF000  }
0x177: {  	[tilespmem:s8], [sflag:$0x2] =	stream.indirect.gather [spmem:s1], $0x80, s25, s0, $0xb8;
	v63 =	vld [tilespmem:$0x0]  }
0x178: {  	_ =	swait.ge [sflag:s9], $0x1000  }
0x179: {  	[sflag:s9] =	ssyncset.done $0x0  }
0x17a: {  	[sflag:s9] =	ssyncadd.s32 $0xFFFFF000  }
0x17b: {  	v2 =	vld [tilespmem:$0x1F760]  }
0x17c: {  	v3 =	vld [tilespmem:$0x1F770];
	_ =	sdelay $0x3  }
0x17d: {  	v2 =	vsub.s32 v2, v0  }
0x17e: {  	v3 =	vsub.s32 v3, v0;
	v2 =	vmin.u32 v2, $0x13C0  }
0x17f: {  	[tilespmem:$0x1FF40] =	vst v2;
	v2 =	vmin.u32 v3, $0x13C0  }
0x180: {  	[tilespmem:$0x1FF50] =	vst v2  }
0x181: {  	[spmem:s2] =	stream.indirect.scatter.add.f32 [tilespmem:s8], [sflag:$0x4], $0x80, s10, s0, $0xb8;
	v63 =	vld [tilespmem:$0x0]  }
0x182: {  	_ =	swait.ge [sflag:s11], $0x1000  }
0x183: {  	[sflag:s11] =	ssyncset.done $0x0  }
0x184: {  	s25 =	rddreg [dreg:$0x8];
	[sflag:s11] =	ssyncadd.s32 $0xFFFFF000  }
0x185: {  	[tilespmem:s28], [sflag:$0x1] =	stream.indirect.gather [spmem:s1], $0x80, s25, s0, $0xb8;
	v63 =	vld [tilespmem:$0x0]  }
0x186: {  	_ =	swait.ge [sflag:s4], $0x1000  }
0x187: {  	[sflag:s4] =	ssyncset.done $0x0  }
0x188: {  	[sflag:s4] =	ssyncadd.s32 $0xFFFFF000  }
0x189: {  	v2 =	vld [tilespmem:$0x1F7E0]  }
0x18a: {  	v3 =	vld [tilespmem:$0x1F7F0];
	_ =	sdelay $0x3  }
0x18b: {  	v2 =	vsub.s32 v2, v0  }
0x18c: {  	v3 =	vsub.s32 v3, v0;
	v2 =	vmin.u32 v2, $0x13C0  }
0x18d: {  	[tilespmem:$0x1FEC0] =	vst v2;
	v2 =	vmin.u32 v3, $0x13C0  }
0x18e: {  	[tilespmem:$0x1FED0] =	vst v2  }
0x18f: {  	[spmem:s2] =	stream.indirect.scatter.add.f32 [tilespmem:s28], [sflag:$0x3], $0x80, s7, s0, $0xb8;
	v63 =	vld [tilespmem:$0x0]  }
0x190: {  	_ =	swait.ge [sflag:s12], $0x1000  }
0x191: {  	[sflag:s12] =	ssyncset.done $0x0  }
0x192: {  	s25 =	rddreg [dreg:$0x9];
	[sflag:s12] =	ssyncadd.s32 $0xFFFFF000  }
0x193: {  	[tilespmem:s8], [sflag:$0x2] =	stream.indirect.gather [spmem:s1], $0x80, s25, s0, $0xb8;
	v63 =	vld [tilespmem:$0x0]  }
0x194: {  	_ =	swait.ge [sflag:s9], $0x1000  }
0x195: {  	[sflag:s9] =	ssyncset.done $0x0  }
0x196: {  	[sflag:s9] =	ssyncadd.s32 $0xFFFFF000  }
0x197: {  	v2 =	vld [tilespmem:$0x1F860]  }
0x198: {  	v3 =	vld [tilespmem:$0x1F870];
	_ =	sdelay $0x3  }
0x199: {  	v2 =	vsub.s32 v2, v0  }
0x19a: {  	v3 =	vsub.s32 v3, v0;
	v2 =	vmin.u32 v2, $0x13C0  }
0x19b: {  	[tilespmem:$0x1FF40] =	vst v2;
	v2 =	vmin.u32 v3, $0x13C0  }
0x19c: {  	[tilespmem:$0x1FF50] =	vst v2  }
0x19d: {  	[spmem:s2] =	stream.indirect.scatter.add.f32 [tilespmem:s8], [sflag:$0x4], $0x80, s10, s0, $0xb8;
	v63 =	vld [tilespmem:$0x0]  }
0x19e: {  	_ =	swait.ge [sflag:s11], $0x1000  }
0x19f: {  	[sflag:s11] =	ssyncset.done $0x0  }
0x1a0: {  	s25 =	rddreg [dreg:$0xa];
	[sflag:s11] =	ssyncadd.s32 $0xFFFFF000  }
0x1a1: {  	[tilespmem:s28], [sflag:$0x1] =	stream.indirect.gather [spmem:s1], $0x80, s25, s0, $0xb8;
	v63 =	vld [tilespmem:$0x0]  }
0x1a2: {  	_ =	swait.ge [sflag:s4], $0x1000  }
0x1a3: {  	[sflag:s4] =	ssyncset.done $0x0  }
0x1a4: {  	[sflag:s4] =	ssyncadd.s32 $0xFFFFF000  }
0x1a5: {  	v2 =	vld [tilespmem:$0x1F8E0]  }
0x1a6: {  	v3 =	vld [tilespmem:$0x1F8F0];
	_ =	sdelay $0x3  }
0x1a7: {  	v2 =	vsub.s32 v2, v0  }
0x1a8: {  	v3 =	vsub.s32 v3, v0;
	v2 =	vmin.u32 v2, $0x13C0  }
0x1a9: {  	[tilespmem:$0x1FEC0] =	vst v2;
	v2 =	vmin.u32 v3, $0x13C0  }
0x1aa: {  	[tilespmem:$0x1FED0] =	vst v2  }
0x1ab: {  	[spmem:s2] =	stream.indirect.scatter.add.f32 [tilespmem:s28], [sflag:$0x3], $0x80, s7, s0, $0xb8;
	v63 =	vld [tilespmem:$0x0]  }
0x1ac: {  	_ =	swait.ge [sflag:s12], $0x1000  }
0x1ad: {  	[sflag:s12] =	ssyncset.done $0x0  }
0x1ae: {  	s25 =	rddreg [dreg:$0xb];
	[sflag:s12] =	ssyncadd.s32 $0xFFFFF000  }
0x1af: {  	[tilespmem:s8], [sflag:$0x2] =	stream.indirect.gather [spmem:s1], $0x80, s25, s0, $0xb8;
	v63 =	vld [tilespmem:$0x0]  }
0x1b0: {  	_ =	swait.ge [sflag:s13], $0x400  }
0x1b1: {  	[sflag:s13] =	ssyncset.done $0x0  }
0x1b2: {  	[sflag:s13] =	ssyncadd.s32 $0xFFFFFC00  }
0x1b3: {  	_ =	swait.ge [sflag:s9], $0x1000  }
0x1b4: {  	[sflag:s9] =	ssyncset.done $0x0  }
0x1b5: {  	[sflag:s9] =	ssyncadd.s32 $0xFFFFF000  }
0x1b6: {  	v2 =	vld [tilespmem:$0x1F960]  }
0x1b7: {  	v3 =	vld [tilespmem:$0x1F970];
	_ =	sdelay $0x3  }
0x1b8: {  	v2 =	vsub.s32 v2, v0  }
0x1b9: {  	v3 =	vsub.s32 v3, v0;
	v2 =	vmin.u32 v2, $0x13C0  }
0x1ba: {  	[tilespmem:$0x1FF40] =	vst v2;
	v2 =	vmin.u32 v3, $0x13C0  }
0x1bb: {  	[tilespmem:$0x1FF50] =	vst v2  }
0x1bc: {  	[spmem:s2] =	stream.indirect.scatter.add.f32 [tilespmem:s8], [sflag:$0x4], $0x80, s10, s0, $0xb8;
	v63 =	vld [tilespmem:$0x0]  }
0x1bd: {  	_ =	swait.ge [sflag:s11], $0x1000  }
0x1be: {  	[sflag:s11] =	ssyncset.done $0x0  }
0x1bf: {  	s25 =	rddreg [dreg:$0xc];
	[sflag:s11] =	ssyncadd.s32 $0xFFFFF000  }
0x1c0: {  	[tilespmem:s28], [sflag:$0x1] =	stream.indirect.gather [spmem:s1], $0x80, s25, s0, $0xb8;
	v63 =	vld [tilespmem:$0x0]  }
0x1c1: {  	_ =	swait.ge [sflag:s4], $0x1000  }
0x1c2: {  	[sflag:s4] =	ssyncset.done $0x0  }
0x1c3: {  	[sflag:s4] =	ssyncadd.s32 $0xFFFFF000  }
0x1c4: {  	v2 =	vld [tilespmem:$0x1F9E0]  }
0x1c5: {  	v3 =	vld [tilespmem:$0x1F9F0];
	_ =	sdelay $0x3  }
0x1c6: {  	v2 =	vsub.s32 v2, v0  }
0x1c7: {  	v3 =	vsub.s32 v3, v0;
	v2 =	vmin.u32 v2, $0x13C0  }
0x1c8: {  	[tilespmem:$0x1FEC0] =	vst v2;
	v2 =	vmin.u32 v3, $0x13C0  }
0x1c9: {  	[tilespmem:$0x1FED0] =	vst v2  }
0x1ca: {  	[spmem:s2] =	stream.indirect.scatter.add.f32 [tilespmem:s28], [sflag:$0x3], $0x80, s7, s0, $0xb8;
	v63 =	vld [tilespmem:$0x0]  }
0x1cb: {  	_ =	swait.ge [sflag:s12], $0x1000  }
0x1cc: {  	[sflag:s12] =	ssyncset.done $0x0  }
0x1cd: {  	s25 =	rddreg [dreg:$0xd];
	[sflag:s12] =	ssyncadd.s32 $0xFFFFF000  }
0x1ce: {  	[tilespmem:s8], [sflag:$0x2] =	stream.indirect.gather [spmem:s1], $0x80, s25, s0, $0xb8;
	v63 =	vld [tilespmem:$0x0]  }
0x1cf: {  	_ =	swait.ge [sflag:s9], $0x1000  }
0x1d0: {  	[sflag:s9] =	ssyncset.done $0x0  }
0x1d1: {  	[sflag:s9] =	ssyncadd.s32 $0xFFFFF000  }
0x1d2: {  	v2 =	vld [tilespmem:$0x1FA60]  }
0x1d3: {  	v3 =	vld [tilespmem:$0x1FA70];
	_ =	sdelay $0x3  }
0x1d4: {  	v2 =	vsub.s32 v2, v0  }
0x1d5: {  	v3 =	vsub.s32 v3, v0;
	v2 =	vmin.u32 v2, $0x13C0  }
0x1d6: {  	[tilespmem:$0x1FF40] =	vst v2;
	v2 =	vmin.u32 v3, $0x13C0  }
0x1d7: {  	[tilespmem:$0x1FF50] =	vst v2  }
0x1d8: {  	[spmem:s2] =	stream.indirect.scatter.add.f32 [tilespmem:s8], [sflag:$0x4], $0x80, s10, s0, $0xb8;
	v63 =	vld [tilespmem:$0x0]  }
0x1d9: {  	_ =	swait.ge [sflag:s11], $0x1000  }
0x1da: {  	s24 =	smin.u32 s23, $0x4D;
	[sflag:s11] =	ssyncset.done $0x0;
	s25 =	rddreg [dreg:$0x5]  }
0x1db: {  	[sflag:s11] =	ssyncadd.s32 $0xFFFFF000;
	s24 =	sadd.s32 s24, s25  }
0x1dc: {  	[tilespmem:s28], [sflag:$0x1] =	stream.indirect.gather [spmem:s1], $0x80, s31, s0, $0xb8;
	v63 =	vld [tilespmem:$0x0]  }
0x1dd: {  	s24 =	sshll.u32 s24, $0x7  }
0x1de: {  	s24 =	sadd.s32 s5, s24  }
0x1df: {  	[tilespmem:s30], [sflag:$0x5] =	stream.linear.gather [hbm4b:s24+s3], $0x400, $0x38;
	v63 =	vld [tilespmem:$0x0]  }
0x1e0: {  	_ =	swait.ge [sflag:s4], $0x1000  }
0x1e1: {  	[sflag:s4] =	ssyncset.done $0x0  }
0x1e2: {  	[sflag:s4] =	ssyncadd.s32 $0xFFFFF000  }
0x1e3: {  	v2 =	vld [tilespmem:$0x1FAE0]  }
0x1e4: {  	v3 =	vld [tilespmem:$0x1FAF0];
	_ =	sdelay $0x3  }
0x1e5: {  	v2 =	vsub.s32 v2, v0  }
0x1e6: {  	v3 =	vsub.s32 v3, v0;
	v2 =	vmin.u32 v2, $0x13C0  }
0x1e7: {  	[tilespmem:$0x1FEC0] =	vst v2;
	v2 =	vmin.u32 v3, $0x13C0  }
0x1e8: {  	[tilespmem:$0x1FED0] =	vst v2  }
0x1e9: {  	[spmem:s2] =	stream.indirect.scatter.add.f32 [tilespmem:s28], [sflag:$0x3], $0x80, s7, s0, $0xb8;
	v63 =	vld [tilespmem:$0x0]  }
0x1ea: {  	_ =	swait.ge [sflag:s12], $0x1000  }
0x1eb: {  	[sflag:s12] =	ssyncset.done $0x0  }
0x1ec: {  	s25 =	rddreg [dreg:$0xe];
	[sflag:s12] =	ssyncadd.s32 $0xFFFFF000  }
0x1ed: {  	[tilespmem:s8], [sflag:$0x2] =	stream.indirect.gather [spmem:s1], $0x80, s25, s0, $0xb8;
	v63 =	vld [tilespmem:$0x0]  }
0x1ee: {  	_ =	swait.ge [sflag:s9], $0x1000  }
0x1ef: {  	[sflag:s9] =	ssyncset.done $0x0  }
0x1f0: {  	[sflag:s9] =	ssyncadd.s32 $0xFFFFF000  }
0x1f1: {  	v2 =	vld [tilespmem:$0x1FB60]  }
0x1f2: {  	v3 =	vld [tilespmem:$0x1FB70];
	_ =	sdelay $0x3  }
0x1f3: {  	v2 =	vsub.s32 v2, v0  }
0x1f4: {  	v3 =	vsub.s32 v3, v0;
	v2 =	vmin.u32 v2, $0x13C0  }
0x1f5: {  	[tilespmem:$0x1FF40] =	vst v2;
	v2 =	vmin.u32 v3, $0x13C0  }
0x1f6: {  	[tilespmem:$0x1FF50] =	vst v2  }
0x1f7: {  	[spmem:s2] =	stream.indirect.scatter.add.f32 [tilespmem:s8], [sflag:$0x4], $0x80, s10, s0, $0xb8;
	v63 =	vld [tilespmem:$0x0]  }
0x1f8: {  	_ =	swait.ge [sflag:s11], $0x1000  }
0x1f9: {  	[sflag:s11] =	ssyncset.done $0x0  }
0x1fa: {  	s25 =	rddreg [dreg:$0xf];
	[sflag:s11] =	ssyncadd.s32 $0xFFFFF000  }
0x1fb: {  	[tilespmem:s28], [sflag:$0x1] =	stream.indirect.gather [spmem:s1], $0x80, s25, s0, $0xb8;
	v63 =	vld [tilespmem:$0x0]  }
0x1fc: {  	_ =	swait.ge [sflag:s4], $0x1000  }
0x1fd: {  	[sflag:s4] =	ssyncset.done $0x0  }
0x1fe: {  	[sflag:s4] =	ssyncadd.s32 $0xFFFFF000  }
0x1ff: {  	v2 =	vld [tilespmem:$0x1FBE0]  }
0x200: {  	v3 =	vld [tilespmem:$0x1FBF0];
	_ =	sdelay $0x3  }
0x201: {  	v2 =	vsub.s32 v2, v0  }
0x202: {  	v3 =	vsub.s32 v3, v0;
	v2 =	vmin.u32 v2, $0x13C0  }
0x203: {  	[tilespmem:$0x1FEC0] =	vst v2;
	v2 =	vmin.u32 v3, $0x13C0  }
0x204: {  	[tilespmem:$0x1FED0] =	vst v2  }
0x205: {  	[spmem:s2] =	stream.indirect.scatter.add.f32 [tilespmem:s28], [sflag:$0x3], $0x80, s7, s0, $0xb8;
	v63 =	vld [tilespmem:$0x0]  }
0x206: {  	_ =	swait.ge [sflag:s12], $0x1000  }
0x207: {  	[sflag:s12] =	ssyncset.done $0x0  }
0x208: {  	[sflag:s12] =	ssyncadd.s32 $0xFFFFF000  }
0x209: {  	[tilespmem:s8], [sflag:$0x2] =	stream.indirect.gather [spmem:s1], $0x80, s14, s0, $0xb8;
	v63 =	vld [tilespmem:$0x0]  }
0x20a: {  	_ =	swait.ge [sflag:s9], $0x1000  }
0x20b: {  	[sflag:s9] =	ssyncset.done $0x0  }
0x20c: {  	[sflag:s9] =	ssyncadd.s32 $0xFFFFF000  }
0x20d: {  	v2 =	vld [tilespmem:$0x1FC60]  }
0x20e: {  	v3 =	vld [tilespmem:$0x1FC70];
	_ =	sdelay $0x3  }
0x20f: {  	v2 =	vsub.s32 v2, v0  }
0x210: {  	v3 =	vsub.s32 v3, v0;
	v2 =	vmin.u32 v2, $0x13C0  }
0x211: {  	[tilespmem:$0x1FF40] =	vst v2;
	v2 =	vmin.u32 v3, $0x13C0  }
0x212: {  	[tilespmem:$0x1FF50] =	vst v2  }
0x213: {  	[spmem:s2] =	stream.indirect.scatter.add.f32 [tilespmem:s8], [sflag:$0x4], $0x80, s10, s0, $0xb8;
	v63 =	vld [tilespmem:$0x0]  }
0x214: {  	_ =	swait.ge [sflag:s11], $0x1000  }
0x215: {  	[sflag:s11] =	ssyncset.done $0x0  }
0x216: {  	[sflag:s11] =	ssyncadd.s32 $0xFFFFF000  }
0x217: {  	[tilespmem:s28], [sflag:$0x1] =	stream.indirect.gather [spmem:s1], $0x80, s15, s0, $0xb8;
	v63 =	vld [tilespmem:$0x0]  }
0x218: {  	_ =	swait.ge [sflag:s4], $0x1000  }
0x219: {  	[sflag:s4] =	ssyncset.done $0x0  }
0x21a: {  	[sflag:s4] =	ssyncadd.s32 $0xFFFFF000  }
0x21b: {  	v2 =	vld [tilespmem:$0x1FCE0]  }
0x21c: {  	v3 =	vld [tilespmem:$0x1FCF0];
	_ =	sdelay $0x3  }
0x21d: {  	v2 =	vsub.s32 v2, v0  }
0x21e: {  	v3 =	vsub.s32 v3, v0;
	v2 =	vmin.u32 v2, $0x13C0  }
0x21f: {  	[tilespmem:$0x1FEC0] =	vst v2;
	v2 =	vmin.u32 v3, $0x13C0  }
0x220: {  	[tilespmem:$0x1FED0] =	vst v2  }
0x221: {  	[spmem:s2] =	stream.indirect.scatter.add.f32 [tilespmem:s28], [sflag:$0x3], $0x80, s7, s0, $0xb8;
	v63 =	vld [tilespmem:$0x0]  }
0x222: {  	_ =	swait.ge [sflag:s12], $0x1000  }
0x223: {  	[sflag:s12] =	ssyncset.done $0x0  }
0x224: {  	[sflag:s12] =	ssyncadd.s32 $0xFFFFF000  }
0x225: {  	[tilespmem:s8], [sflag:$0x2] =	stream.indirect.gather [spmem:s1], $0x80, s16, s0, $0xb8;
	v63 =	vld [tilespmem:$0x0]  }
0x226: {  	_ =	swait.ge [sflag:s13], $0x400  }
0x227: {  	[sflag:s13] =	ssyncset.done $0x0  }
0x228: {  	[sflag:s13] =	ssyncadd.s32 $0xFFFFFC00  }
0x229: {  	_ =	swait.ge [sflag:s9], $0x1000  }
0x22a: {  	[sflag:s9] =	ssyncset.done $0x0  }
0x22b: {  	[sflag:s9] =	ssyncadd.s32 $0xFFFFF000  }
0x22c: {  	v2 =	vld [tilespmem:$0x1FD60]  }
0x22d: {  	v3 =	vld [tilespmem:$0x1FD70];
	_ =	sdelay $0x3  }
0x22e: {  	v2 =	vsub.s32 v2, v0  }
0x22f: {  	v3 =	vsub.s32 v3, v0;
	v2 =	vmin.u32 v2, $0x13C0  }
0x230: {  	[tilespmem:$0x1FF40] =	vst v2;
	v2 =	vmin.u32 v3, $0x13C0  }
0x231: {  	[tilespmem:$0x1FF50] =	vst v2  }
0x232: {  	[spmem:s2] =	stream.indirect.scatter.add.f32 [tilespmem:s8], [sflag:$0x4], $0x80, s10, s0, $0xb8;
	v63 =	vld [tilespmem:$0x0]  }
0x233: {  	_ =	swait.ge [sflag:s11], $0x1000  }
0x234: {  	[sflag:s11] =	ssyncset.done $0x0  }
0x235: {  	[sflag:s11] =	ssyncadd.s32 $0xFFFFF000  }
0x236: {  	[tilespmem:s28], [sflag:$0x1] =	stream.indirect.gather [spmem:s1], $0x80, s17, s0, $0xb8;
	v63 =	vld [tilespmem:$0x0]  }
0x237: {  	_ =	swait.ge [sflag:s4], $0x1000  }
0x238: {  	[sflag:s4] =	ssyncset.done $0x0  }
0x239: {  	[sflag:s4] =	ssyncadd.s32 $0xFFFFF000  }
0x23a: {  	v2 =	vld [tilespmem:$0x1FDE0]  }
0x23b: {  	v3 =	vld [tilespmem:$0x1FDF0];
	_ =	sdelay $0x3  }
0x23c: {  	v2 =	vsub.s32 v2, v0  }
0x23d: {  	v3 =	vsub.s32 v3, v0;
	v2 =	vmin.u32 v2, $0x13C0  }
0x23e: {  	[tilespmem:$0x1FEC0] =	vst v2;
	v2 =	vmin.u32 v3, $0x13C0  }
0x23f: {  	[tilespmem:$0x1FED0] =	vst v2  }
0x240: {  	[spmem:s2] =	stream.indirect.scatter.add.f32 [tilespmem:s28], [sflag:$0x3], $0x80, s7, s0, $0xb8;
	v63 =	vld [tilespmem:$0x0]  }
0x241: {  	_ =	swait.ge [sflag:s12], $0x1000  }
0x242: {  	s22 =	sadd.s32 $0x2, s22;
	[sflag:s12] =	ssyncset.done $0x0  }
0x243: {  	p2 =	sne.s32 s22, $0x50;
	[sflag:s12] =	ssyncadd.s32 $0xFFFFF000  }
0x244: {  	[tilespmem:s8], [sflag:$0x2] =	stream.indirect.gather [spmem:s1], $0x80, s18, s0, $0xb8;
	v63 =	vld [tilespmem:$0x0]  }
.Ltmp1:
0x245: {  	_ = 	snop;
	(pc) =	sbr.rel @p2 .LBB2_4-.Ltmp1, $4  }
0x246: {  	_ =	swait.ge [sflag:s9], $0x1000  }
0x247: {  	[sflag:s9] =	ssyncset.done $0x0  }
0x248: {  	[sflag:s9] =	ssyncadd.s32 $0xFFFFF000  }
0x249: {  	s24 =	smin.u32 s23, $0x4C;
	v2 =	vld [tilespmem:$0x1FE60]  }
0x24a: {  	v3 =	vld [tilespmem:$0x1FE70];
	_ =	sdelay $0x3  }
0x24b: {  	v2 =	vsub.s32 v2, v0  }
0x24c: {  	v2 =	vmin.u32 v2, $0x13C0;
	v3 =	vsub.s32 v3, v0  }
0x24d: {  	[tilespmem:$0x1FF40] =	vst v2;
	v2 =	vmin.u32 v3, $0x13C0  }
0x24e: {  	[tilespmem:$0x1FF50] =	vst v2  }
0x24f: {  	[spmem:s2] =	stream.indirect.scatter.add.f32 [tilespmem:s8], [sflag:$0x4], $0x80, s10, s0, $0xb8;
	v63 =	vld [tilespmem:$0x0]  }
0x250: {  	_ =	swait.ge [sflag:s11], $0x1000  }
0x251: {  	[sflag:s11] =	ssyncset.done $0x0;
	s22 =	rddreg [dreg:$0x6]  }
0x252: {  	[sflag:s11] =	ssyncadd.s32 $0xFFFFF000;
	s22 =	sadd.s32 s24, s22  }
0x253: {  	[tilespmem:s28], [sflag:$0x1] =	stream.indirect.gather [spmem:s1], $0x80, s30, s0, $0xb8;
	v63 =	vld [tilespmem:$0x0]  }
0x254: {  	s22 =	sshll.u32 s22, $0x7  }
0x255: {  	s22 =	sadd.s32 s5, s22  }
0x256: {  	[tilespmem:s31], [sflag:$0x5] =	stream.linear.gather [hbm4b:s22+s3], $0x400, $0x38;
	v63 =	vld [tilespmem:$0x0]  }
0x257: {  	_ =	swait.ge [sflag:s13], $0x400  }
0x258: {  	[sflag:s13] =	ssyncset.done $0x0  }
0x259: {  	[sflag:s13] =	ssyncadd.s32 $0xFFFFFC00  }
0x25a: {  	_ =	swait.ge [sflag:s12], $0x1000  }
0x25b: {  	[sflag:s12] =	ssyncset.done $0x0  }
0x25c: {  	[sflag:s12] =	ssyncadd.s32 $0xFFFFF000  }
0x25d: {  	_ =	swait.ge [sflag:s4], $0x1000  }
0x25e: {  	[sflag:s4] =	ssyncset.done $0x0  }
0x25f: {  	[sflag:s4] =	ssyncadd.s32 $0xFFFFF000  }
0x260: {  	[bflag:$0x0] =	sbarrier.arrive $0xFFFF  }
0x261: {  	s24 =	sshrl.u32 s6, $0x3;
	s23 =	rddreg [dreg:$0x1a]  }
0x262: {  	[hbm:s23], [sflag:s21] =	dma.local [spmem:s24], $0x1380  }
0x263: {  	_ =	swait.ge [sflag:s29], $0x1380  }
0x264: {  	s23 =	sld [smem:$0x7FC]  }
0x265: {  	[sflag:s29] =	ssyncset.done $0x0  }
0x266: {  	s22 =	rddreg [dreg:$0x1b];
	[sflag:s29] =	ssyncadd.s32 $0xFFFFEC80  }
0x267: {  	[hbm:s22], [sflag:s21] =	dma.local @!p1 [spmem:s23], $0x80  }
0x268: {  	s21 =	simm.s32 @!p1 $0x6  }
0x269: {  	_ =	swait.ge @!p1 [sflag:s21], $0x80  }
0x26a: {  	s19 =	sadd.s32 $0x1, s19;
	s25 =	rddreg [dreg:$0x1d]  }
0x26b: {  	p2 =	sne.s32 s19, s25  }
.Ltmp2:
0x26c: {  	_ = 	snop;
	(pc) =	sbr.rel @p2 .LBB2_1-.Ltmp2, $3  }
0x26d: {  	_ =	sdelay $0x1  }
0x26e: {  	[sflag:s21] =	ssyncset.done @!p1 $0x0  }
0x26f: {  	[sflag:s21] =	ssyncadd.s32 @!p1 $0xFFFFFF80  }
0x270: {  	_ =	sfence.sel $0x180000  }
0x271: {  	[bflag:$0x0] =	sbarrier.arrive $0xFFFF  }
0x272: {  	_ =	strace $0x9000004A  }
0x273: {  	[bflag:$0x2] =	sbarrier.arrive $0xFFFF  }
0x274: {  	s0 =	rddreg [dreg:$0x4]  }
0x275: {  	s0 =	sadd.s32 @!p0 $0x100000, s0  }
0x276: {  	[sflag:s0] =	ssyncadd.tile.s32 @!p0 $0x1;
	_ =	shalt  }
.Lfunc_end2:
_tile_overlayer_lowered:
.L_overlay_start_2:
0x277: {  	(tag) =	ssettag $0x2  }
0x278: {  	s0 =	rddreg [dreg:$0x0];
	s2 =	stileid.u32  }
0x279: {  	s1 =	rddreg [dreg:$0x1];
	p0 =	sne.s32 s2, $0x0  }
0x27a: {  	s3 =	rddreg [dreg:$0x2];
	[bflag:$0x3] =	sbarrier.arrive $0xFFFF;
	s2 =	simm.s32 @!p0 $0x1C06  }
0x27b: {  	[timem:s3], [sflag:s2] =	dma.local @!p0 [hbm:s0], s1  }
0x27c: {  	s0 =	simm.s32 @!p0 $0x6  }
0x27d: {  	_ =	swait.ge @!p0 [sflag:s0], s1  }
0x27e: {  	s1 =	ssub.s32 @!p0 $0x0, s1;
	[sflag:s0] =	ssyncset.done @!p0 $0x0  }
0x27f: {  	[sflag:s0] =	ssyncadd.s32 @!p0 s1  }
0x280: {  	[bflag:$0x3] =	sbarrier.arrive $0xFFFF  }
0x281: {  	_ =	shalt  }

// kernel: kernel.14.cloned.1.call-start
scs
__scs_entry_jumppad:
0x0: {  	(pc) =	sbr.rel $0x88, $3  }
0x1: {  	(tag) =	ssettag $0x0;
	lr =	simm.s32 $0x1  }
0x2: {  	[smem:$0x3F9A] =	sst lr;
	_ =	strace $0xD0000000  }
0x3: {  	_ = 	snop  }
0x4: {  	_ = 	snop  }
0x5: {  	_ = 	snop  }
0x6: {  	_ = 	snop  }
0x7: {  	_ = 	snop  }
__scs_overlays_trampoline_lowered:
0x8: {  	[smem:$0x3FA9] =	sst s0  }
0x9: {  	[smem:$0x3FAA] =	sst s1  }
0xa: {  	[smem:$0x3FAB] =	sst s2  }
0xb: {  	[smem:$0x3FAC] =	sst s3  }
0xc: {  	[smem:$0x3FAD] =	sst s4  }
0xd: {  	[smem:$0x3FAE] =	sst s5  }
0xe: {  	[smem:$0x3FAF] =	sst s6  }
0xf: {  	[smem:$0x3FB0] =	sst s7  }
0x10: {  	[smem:$0x3FB1] =	sst s8  }
0x11: {  	[smem:$0x3FB2] =	sst s9;
	s0 =	simm.s32 @!p0 $0x0  }
0x12: {  	s1 =	sld [smem:$0x3F98];
	s0 =	simm.s32 @p0 $0x1  }
0x13: {  	[smem:$0x3FB3] =	sst s0;
	s0 =	simm.s32 @!p1 $0x0  }
0x14: {  	s2 =	sld [smem:$0x3F97];
	s0 =	simm.s32 @p1 $0x1  }
0x15: {  	[smem:$0x3FB4] =	sst s0;
	s0 =	simm.s32 @!p2 $0x0  }
0x16: {  	s3 =	sld [smem:$0x3FDB];
	s0 =	simm.s32 @p2 $0x1  }
0x17: {  	s4 =	simm.s32 $0x1BF5;
	[smem:$0x3FB6] =	sst s0  }
0x18: {  	s0 =	sld [smem:$0x3F99];
	_ =	swait.ge [sflag:s4], $0x0  }
0x19: {  	s7 =	sld [smem:$0x3F9A]  }
0x1a: {  	s8 =	sadd.s32 $0xFFFFE003, lr  }
0x1b: {  	s9 =	sadd.s32 $0xFFFFFEF7, lr;
	s5 =	simm.s32 $0xFFFFFFFF;
	p2 =	slt.u32 s8, $0xFFFFF086  }
0x1c: {  	p1 =	slt.u32 s9, $0xF7A;
	s5 =	simm.s32 @!p2 $0x0  }
0x1d: {  	s5 =	simm.s32 @p1 $0x1;
	p0 =	seq.s32 s7, s2  }
0x1e: {  	s7 =	smul.u32 @!p0 $0xF7A, s2;
	p2 =	seq.s32 @!p0 s5, $0x0  }
0x1f: {  	s9 =	smul.u32 $0xF7A, s1;
	s8 =	simm.s32 @!p0 $0x1BF5;
	p2 =	por !p2, p0  }
0x20: {  	[sflag:s8] =	ssyncset.s32 @!p0 $0xFFFFF086;
	s6 =	sadd.s32 @!p0 s3, s7;
	s7 =	simm.s32 @!p0 $0x108  }
0x21: {  	s3 =	sadd.s32 s3, s9;
	s6 =	sadd.s32 @!p0 $0x88, s6;
	s7 =	simm.s32 @p2 $0x1082  }
0x22: {  	[simem:s7], [sflag:s8] =	dma.local @!p0 [hbm:s6], $0xF7A  }
0x23: {  	s9 =	sor.u32 $0xD0000000, s2;
	s6 =	simm.s32 $0x108;
	_ =	swait.ge @!p0 [sflag:s8], $0x0  }
0x24: {  	s3 =	sadd.s32 $0x88, s3;
	s6 =	simm.s32 @!p1 $0x1082;
	[sflag:s4] =	ssyncset.s32 $0xFFFFF086  }
0x25: {  	[simem:s6], [sflag:s4] =	dma.local [hbm:s3], $0xF7A  }
0x26: {  	[smem:$0x3F9A] =	sst s1;
	(tag) =	ssettag s2;
	_ =	strace s9  }
0x27: {  	s1 =	sld [smem:$0x3FAA]  }
0x28: {  	s2 =	sld [smem:$0x3FAB]  }
0x29: {  	s4 =	sld [smem:$0x3FAD]  }
0x2a: {  	p0 =	seq.s32 s5, $0x0;
	s5 =	sld [smem:$0x3FAE]  }
0x2b: {  	s6 =	sld [smem:$0x3FAF]  }
0x2c: {  	s7 =	sld [smem:$0x3FB0]  }
0x2d: {  	s3 =	simm.s32 $0x108;
	s8 =	sld [smem:$0x3FB1]  }
0x2e: {  	s3 =	simm.s32 @!p0 $0x1082;
	s9 =	sld [smem:$0x3FB2]  }
0x2f: {  	lr =	sadd.s32 s0, s3;
	s0 =	sld [smem:$0x3FA9]  }
0x30: {  	s3 =	sld [smem:$0x3FAC]  }
0x31: {  	[smem:$0x3FB5] =	sst s10  }
0x32: {  	s10 =	sld [smem:$0x3FB3];
	_ =	sdelay $0x3  }
0x33: {  	p0 =	seq.s32 s10, $0x1;
	s10 =	sld [smem:$0x3FB5];
	_ =	sdelay $0x3  }
0x34: {  	[smem:$0x3FB5] =	sst s10  }
0x35: {  	s10 =	sld [smem:$0x3FB4];
	_ =	sdelay $0x3  }
0x36: {  	p1 =	seq.s32 s10, $0x1;
	s10 =	sld [smem:$0x3FB5];
	_ =	sdelay $0x3  }
0x37: {  	[smem:$0x3FB5] =	sst s10  }
0x38: {  	s10 =	sld [smem:$0x3FB6]  }
0x39: {  	_ = 	snop;
	(pc) =	sbr.ind lr, $3  }
0x3a: {  	_ = 	snop  }
0x3b: {  	_ = 	snop  }
0x3c: {  	p2 =	seq.s32 s10, $0x1;
	s10 =	sld [smem:$0x3FB5]  }
0x3d: {  	_ =	shalt  }
0x3e: {  	_ =	shalt  }
0x3f: {  	_ =	shalt  }
0x40: {  	_ =	shalt  }
0x41: {  	_ =	shalt  }
0x42: {  	_ =	shalt  }
0x43: {  	_ =	shalt  }
0x44: {  	_ =	shalt  }
0x45: {  	_ =	shalt  }
0x46: {  	_ =	shalt  }
0x47: {  	_ =	shalt  }
0x48: {  	_ =	shalt  }
0x49: {  	_ =	shalt  }
0x4a: {  	_ =	shalt  }
0x4b: {  	_ =	shalt  }
0x4c: {  	_ =	shalt  }
0x4d: {  	_ =	shalt  }
0x4e: {  	_ =	shalt  }
0x4f: {  	_ =	shalt  }
0x50: {  	_ =	shalt  }
0x51: {  	_ =	shalt  }
0x52: {  	_ =	shalt  }
0x53: {  	_ =	shalt  }
0x54: {  	_ =	shalt  }
0x55: {  	_ =	shalt  }
0x56: {  	_ =	shalt  }
0x57: {  	_ =	shalt  }
0x58: {  	_ =	shalt  }
0x59: {  	_ =	shalt  }
0x5a: {  	_ =	shalt  }
0x5b: {  	_ =	shalt  }
0x5c: {  	_ =	shalt  }
0x5d: {  	_ =	shalt  }
0x5e: {  	_ =	shalt  }
0x5f: {  	_ =	shalt  }
0x60: {  	_ =	shalt  }
0x61: {  	_ =	shalt  }
0x62: {  	_ =	shalt  }
0x63: {  	_ =	shalt  }
0x64: {  	_ =	shalt  }
0x65: {  	_ =	shalt  }
0x66: {  	_ =	shalt  }
0x67: {  	_ =	shalt  }
0x68: {  	_ =	shalt  }
0x69: {  	_ =	shalt  }
0x6a: {  	_ =	shalt  }
0x6b: {  	_ =	shalt  }
0x6c: {  	_ =	shalt  }
0x6d: {  	_ =	shalt  }
0x6e: {  	_ =	shalt  }
0x6f: {  	_ =	shalt  }
0x70: {  	_ =	shalt  }
0x71: {  	_ =	shalt  }
0x72: {  	_ =	shalt  }
0x73: {  	_ =	shalt  }
0x74: {  	_ =	shalt  }
0x75: {  	_ =	shalt  }
0x76: {  	_ =	shalt  }
0x77: {  	_ =	shalt  }
0x78: {  	_ =	shalt  }
0x79: {  	_ =	shalt  }
0x7a: {  	_ =	shalt  }
0x7b: {  	_ =	shalt  }
0x7c: {  	_ =	shalt  }
0x7d: {  	_ =	shalt  }
0x7e: {  	_ =	shalt  }
0x7f: {  	_ =	shalt  }
0x80: {  	_ =	shalt  }
0x81: {  	_ =	shalt  }
0x82: {  	_ =	shalt  }
0x83: {  	_ =	shalt  }
0x84: {  	_ =	shalt  }
0x85: {  	_ =	shalt  }
0x86: {  	_ =	shalt  }
0x87: {  	_ =	shalt  }
.Lfunc_end0:
.L_simem_size_0:
called_computation.2_lowered:
.L_overlay_start_0:
0x88: {  	s2 =	sld [smem:$0x3FD9]  }
0x89: {  	s3 =	sld [smem:$0x3FFE];
	_ =	sdelay $0x1  }
0x8a: {  	s1 =	srdreg.scid  }
0x8b: {  	s0 =	sand.u32 $0x1, s1  }
0x8c: {  	s17 =	sshll.u32 s0, $0xA;
	s2 =	sadd.s32 s3, s2  }
0x8d: {  	s2 =	sadd.s32 s2, s17  }
0x8e: {  	[smem:$0x3FC1] =	sst s2  }
0x8f: {  	_ = 	snop  }
0x90: {  	s2 =	sld [smem:$0x3FD0];
	(tm) =	ssettm $0x1  }
0x91: {  	s18 =	sld [smem:$0x3FFB];
	_ =	sdelay $0x3  }
0x92: {  	_ =	strace s18  }
0x93: {  	s3 =	sld [smem:$0x3FFC];
	_ =	sdelay $0x3  }
0x94: {  	_ =	strace s3  }
0x95: {  	s3 =	sld [smem:$0x3FFD];
	_ =	sdelay $0x3  }
0x96: {  	_ =	strace s3  }
0x97: {  	_ =	strace $0x8FFFFFFF  }
0x98: {  	s19 =	sld [smem:$0x3FDB];
	_ =	sdelay $0x1  }
0x99: {  	s4 =	simm.s32 $_scs_section_size  }
0x9a: {  	s5 =	simm.s32 $_size__tile_overlayer_lowered;
	s6 =	simm.s32 $_tile_overlayer_lowered  }
0x9b: {  	s22 =	simm.s32 $0x1BFF;
	s21 =	sshll.u32 s6, $0x1;
	s3 =	sadd.s32 s4, s19  }
0x9c: {  	s7 =	simm.s32 $0x0;
	s20 =	sshll.u32 s5, $0x1;
	s5 =	sadd.s32 s21, s3  }
0x9d: {  	[timem:s7], [sflag:s22] =	dma.local [hbm:s5], s20  }
0x9e: {  	_ =	swait.ge [sflag:s22], s20  }
0x9f: {  	s4 =	ssub.s32 $0x0, s20;
	[sflag:s22] =	ssyncset.done $0x0  }
0xa0: {  	[sflag:s22] =	ssyncadd.s32 s4;
	_ =	sdelay $0x1  }
0xa1: {  	s23 =	simm.s32 $0x1B8B  }
0xa2: {  	_ =	swait.ge [sflag:s23], $0x1  }
0xa3: {  	[sflag:s23] =	ssyncset.done $0x0  }
0xa4: {  	s25 =	simm.s32 $0x1B8E;
	s24 =	sld [smem:$0x3FFE];
	[sflag:s23] =	ssyncadd.s32 $0xFFFFFFFF  }
0xa5: {  	s26 =	simm.s32 $execute0_lowered;
	[smem:$0x3FD2] =	sst s25  }
0xa6: {  	s5 =	sshll.u32 s26, $0x1;
	_ =	strace $0x8000004C;
	[dreg:$0x1] =	wrdreg $0xFFFFFFFF  }
0xa7: {  	s28 =	simm.s32 $_size_execute0_lowered;
	s3 =	sadd.s32 s3, s5;
	[dreg:$0x0] =	wrdreg $0x0  }
0xa8: {  	s5 =	sshll.u32 s28, $0x1;
	[dreg:$0x2] =	wrdreg s3  }
0xa9: {  	[dreg:$0x3] =	wrdreg s5  }
0xaa: {  	[dreg:$0x4] =	wrdreg $0xC0  }
0xab: {  	_ =	task [dreg:s7], $0x5FFFF  }
0xac: {  	[dreg:$0x1] =	wrdreg $0xFFFFFFFF  }
0xad: {  	[dreg:$0x0] =	wrdreg $0x60  }
0xae: {  	[dreg:$0x2] =	wrdreg s2  }
0xaf: {  	[dreg:$0x3] =	wrdreg s24  }
0xb0: {  	[dreg:$0x4] =	wrdreg $0x0  }
0xb1: {  	[dreg:$0x5] =	wrdreg $0x138800  }
0xb2: {  	[dreg:$0x6] =	wrdreg $0x9  }
0xb3: {  	_ =	task.clear_ibuf [dreg:s7], $0x7FFFF;
	_ =	strace $0x9000004C  }
0xb4: {  	s29 =	simm.s32 $0x9;
	_ =	strace $0x8000004E  }
0xb5: {  	_ =	swait.ge [sflag:s29], $0x1  }
0xb6: {  	[sflag:s29] =	ssyncadd.s32 $0xFFFFFFFF  }
0xb7: {  	_ =	strace $0x9000004E  }
0xb8: {  	_ =	sfence  }
0xb9: {  	s30 =	sld [smem:$0x0];
	_ =	sdelay $0x2  }
0xba: {  	s31 =	sshll.u32 s1, $0xD;
	s1 =	sshrl.u32 s1, $0x2  }
0xbb: {  	s3 =	sand.u32 $0x4000, s31;
	s1 =	sadd.s32 s1, s30  }
0xbc: {  	s0 =	sor.u32 s3, s0;
	s1 =	sshll.u32 s1, $0x11  }
0xbd: {  	s0 =	sor.u32 s1, s0  }
0xbe: {  	s0 =	sadd.s32 $0x8F2B, s0  }
0xbf: {  	[sflag:s0] =	ssyncadd.remote.s32 $0x1  }
0xc0: {  	_ =	sfence.sel $0xFFFF  }
0xc1: {  	[dreg:$0x0] =	wrdreg $0xFFFFFFFF;
	(pc) =	sbr.abs _section_cstart, $3  }
0xc2: {  	[dreg:$0x1] =	wrdreg $0xFFFFFFFF  }
0xc3: {  	_ =	task.clear_ibuf [dreg:s7], $0x2FFFF;
	_ =	strace $0x9FFFFFFF  }
0xc4: {  	(tm) =	ssettm $0x7FFFFFFF  }
0xc5: {  	_ =	shalt  }
tec
execute0_lowered:
.L_overlay_start_1:
0x0: {  	(tag) =	ssettag $0x1  }
0x1: {  	s0 =	rddreg [dreg:$0x0]  }
0x2: {  	s4 =	rddreg [dreg:$0x1]  }
0x3: {  	s1 =	rddreg [dreg:$0x2]  }
0x4: {  	s2 =	rddreg [dreg:$0x3];
	s3 =	simm.s32 $0x0;
	s5 =	srdreg.scid  }
0x5: {  	s15 =	stileid.u32;
	s24 =	simm.s32 $0x1F740;
	s26 =	simm.s32 $0x1F7C0  }
0x6: {  	s28 =	simm.s32 $0x1D6C0;
	s29 =	simm.s32 $0x6;
	s30 =	simm.s32 $0x1F6C0  }
0x7: {  	[smem:$0x7FF] =	sst s3;
	s7 =	sand.u32 $0x1, s5;
	s6 =	smul.u32 $0x27000, s15  }
0x8: {  	s20 =	sshll.u32 s15, $0xA;
	_ =	strace $0x8000004D;
	s8 =	ssub.s32 $0x2, s7  }
0x9: {  	s21 =	sadd.s32 s20, s2;
	[dreg:$0x7] =	wrdreg s24;
	s9 =	sshrl.u32 s8, $0x1  }
0xa: {  	[dreg:$0x8] =	wrdreg s26;
	s6 =	sshrl.u32 s6, $0x2;
	s8 =	ssub.s32 s8, s9  }
0xb: {  	s6 =	sadd.s32 s6, s2;
	s9 =	sor.u32 $0x9C000, s20;
	s20 =	simm.s32 $0x1FA40  }
0xc: {  	s31 =	simm.s32 $0x1FAC0;
	s12 =	sadd.s32 $0x1000, s6;
	[dreg:$0xd] =	wrdreg s20  }
0xd: {  	s5 =	sadd.s32 $0xC200, s4;
	s13 =	sadd.s32 $0x2000, s6;
	[dreg:$0x10] =	wrdreg s12  }
0xe: {  	s4 =	sadd.s32 $0x34200, s4;
	s14 =	sadd.s32 $0x3000, s6;
	[dreg:$0x11] =	wrdreg s13  }
0xf: {  	s10 =	smul.u32 $0x4E000, s15;
	s16 =	sadd.s32 $0x4000, s6;
	[dreg:$0x12] =	wrdreg s14  }
0x10: {  	s22 =	smul.u32 $0x2700, s15;
	s17 =	sadd.s32 $0x5000, s6;
	[dreg:$0x13] =	wrdreg s16  }
0x11: {  	s23 =	smul.u32 $0x9C00, s15;
	s18 =	sadd.s32 $0x6000, s6;
	[dreg:$0x14] =	wrdreg s17  }
0x12: {  	p1 =	sgt.u32 s15, $0x8;
	s19 =	sadd.s32 $0x7000, s6;
	[dreg:$0x15] =	wrdreg s18  }
0x13: {  	p0 =	sne.s32 s15, $0x0;
	s11 =	sadd.s32 $0x8000, s6;
	[dreg:$0x16] =	wrdreg s19  }
0x14: {  	s10 =	sshrl.u32 s10, $0x2;
	s24 =	smax.u32 s8, $0x1;
	[dreg:$0x17] =	wrdreg s11  }
0x15: {  	s10 =	sadd.s32 s10, s1;
	s26 =	sadd.s32 $0x9000, s6;
	[dreg:$0x1d] =	wrdreg s24  }
0x16: {  	s8 =	simm.s32 $0x1E6C0;
	s11 =	sadd.s32 $0x9C000, s21;
	[smem:$0x7FD] =	sst s26  }
0x17: {  	s12 =	smul.u32 $0x50, s15;
	s16 =	simm.s32 $0x1F8C0;
	[dreg:$0x18] =	wrdreg s11  }
0x18: {  	s14 =	smul.u32 $0x9E400, s7;
	s17 =	simm.s32 $0x1F940;
	[dreg:$0xa] =	wrdreg s16  }
0x19: {  	s19 =	simm.s32 $0x1F9C0;
	s21 =	simm.s32 $0x1FB40;
	[dreg:$0xb] =	wrdreg s17  }
0x1a: {  	s11 =	sadd.s32 s0, s22;
	[dreg:$0xc] =	wrdreg s19;
	s22 =	smul.u32 $0x2800, s15  }
0x1b: {  	[dreg:$0xe] =	wrdreg s21;
	s0 =	sadd.s32 $0x27000, s0;
	s17 =	smul.u32 $0x13C0, s7  }
0x1c: {  	s7 =	simm.s32 $0x1FEC0;
	s15 =	simm.s32 $0x1FCC0;
	s16 =	simm.s32 $0x1FD40  }
0x1d: {  	s19 =	simm.s32 $0x0;
	s13 =	sor.u32 $0x2, s12;
	s12 =	sor.u32 $0x3, s12  }
0x1e: {  	[dreg:$0x19] =	wrdreg s11;
	s25 =	sadd.s32 s23, s14;
	s18 =	sadd.s32 s14, s9  }
0x1f: {  	s23 =	simm.s32 $0x1FBC0;
	[dreg:$0x1c] =	wrdreg s0;
	s0 =	sadd.s32 s9, s2  }
0x20: {  	s9 =	simm.s32 $0x2;
	s11 =	simm.s32 $0x3;
	[dreg:$0x5] =	wrdreg s13  }
0x21: {  	s14 =	simm.s32 $0x1FC40;
	[dreg:$0x6] =	wrdreg s12;
	s12 =	sshrl.u32 s25, $0x3  }
0x22: {  	s13 =	simm.s32 $0x1F840;
	[dreg:$0xf] =	wrdreg s23;
	s20 =	sadd.s32 s5, s22  }
0x23: {  	s25 =	sshrl.u32 s10, $0x3;
	s0 =	sshrl.u32 @!p1 s0, $0x3;
	[dreg:$0x9] =	wrdreg s13  }
0x24: {  	s10 =	simm.s32 $0x1FF40;
	s12 =	sadd.s32 s4, s12;
	[dreg:$0x1e] =	wrdreg s25  }
0x25: {  	v0 =	vmov s17;
	s17 =	simm.s32 $0x1FDC0;
	[dreg:$0x1a] =	wrdreg s12;
	s12 =	sshrl.u32 s18, $0x3  }
0x26: {  	[smem:$0x7FC] =	sst s0;
	s26 =	sadd.s32 $0x80, s20;
	s4 =	sadd.s32 s4, s12  }
0x27: {  	s0 =	simm.s32 $0x20;
	[dreg:$0x1b] =	wrdreg s4;
	s4 =	sadd.s32 $0x138000, s1  }
0x28: {  	s13 =	simm.s32 $0x5;
	s18 =	simm.s32 $0x1FE40;
	s4 =	sshrl.u32 @!p0 s4, $0x3  }
0x29: {  	v1 =	vimm.f32 $0.0e+00;
	s12 =	simm.s32 $0x4;
	[dreg:$0x1f] =	wrdreg s4;
	s4 =	simm.s32 $0x1  }
.LBB2_1:
0x2a: {  	s21 =	simm.s32 $0x0;
	s22 =	simm.s32 $0x200  }
.LBB2_2:
0x2b: {  	p2 =	sne.s32 s22, $0x3E00;
	[tilespmem:s21+$0x1D730] =	vst v1  }
0x2c: {  	[tilespmem:s21+$0x1D6C0] =	vst v1  }
0x2d: {  	[tilespmem:s21+$0x1D6D0] =	vst v1  }
.Ltmp0:
0x2e: {  	[tilespmem:s21+$0x1D6E0] =	vst v1;
	(pc) =	sbr.rel @p2 .LBB2_2-.Ltmp0, $4  }
0x2f: {  	[tilespmem:s21+$0x1D6F0] =	vst v1  }
0x30: {  	[tilespmem:s21+$0x1D700] =	vst v1  }
0x31: {  	[tilespmem:s21+$0x1D710] =	vst v1  }
0x32: {  	[tilespmem:s21+$0x1D720] =	vst v1;
	s21 =	sshra.s32 s22, $0x2;
	s22 =	sadd.s32 $0x200, s22  }
0x33: {  	[tilespmem:s21+$0x1D730] =	vst v1  }
0x34: {  	[tilespmem:s21+$0x1D6C0] =	vst v1  }
0x35: {  	[tilespmem:s21+$0x1D6D0] =	vst v1  }
0x36: {  	[tilespmem:s21+$0x1D6E0] =	vst v1  }
0x37: {  	[tilespmem:s21+$0x1D6F0] =	vst v1  }
0x38: {  	[tilespmem:s21+$0x1D700] =	vst v1  }
0x39: {  	[tilespmem:s21+$0x1D710] =	vst v1  }
0x3a: {  	[tilespmem:s21+$0x1D720] =	vst v1  }
0x3b: {  	[spmem:s6] =	stream.linear.scatter [tilespmem:s28], [sflag:$0x6], $0x1000, $0x38;
	v63 =	vld [tilespmem:$0x0]  }
0x3c: {  	_ =	swait.ge [sflag:s29], $0x1000  }
0x3d: {  	[sflag:s29] =	ssyncset.done $0x0  }
0x3e: {  	s23 =	rddreg [dreg:$0x10];
	[sflag:s29] =	ssyncadd.s32 $0xFFFFF000  }
0x3f: {  	[spmem:s23] =	stream.linear.scatter [tilespmem:s28], [sflag:$0x6], $0x1000, $0x38;
	v63 =	vld [tilespmem:$0x0]  }
0x40: {  	_ =	swait.ge [sflag:s29], $0x1000  }
0x41: {  	[sflag:s29] =	ssyncset.done $0x0  }
0x42: {  	s24 =	rddreg [dreg:$0x11];
	[sflag:s29] =	ssyncadd.s32 $0xFFFFF000  }
0x43: {  	[spmem:s24] =	stream.linear.scatter [tilespmem:s28], [sflag:$0x6], $0x1000, $0x38;
	v63 =	vld [tilespmem:$0x0]  }
0x44: {  	_ =	swait.ge [sflag:s29], $0x1000  }
0x45: {  	[sflag:s29] =	ssyncset.done $0x0  }
0x46: {  	s25 =	rddreg [dreg:$0x12];
	[sflag:s29] =	ssyncadd.s32 $0xFFFFF000  }
0x47: {  	[spmem:s25] =	stream.linear.scatter [tilespmem:s28], [sflag:$0x6], $0x1000, $0x38;
	v63 =	vld [tilespmem:$0x0]  }
0x48: {  	_ =	swait.ge [sflag:s29], $0x1000  }
0x49: {  	[sflag:s29] =	ssyncset.done $0x0  }
0x4a: {  	s22 =	rddreg [dreg:$0x13];
	[sflag:s29] =	ssyncadd.s32 $0xFFFFF000  }
0x4b: {  	[spmem:s22] =	stream.linear.scatter [tilespmem:s28], [sflag:$0x6], $0x1000, $0x38;
	v63 =	vld [tilespmem:$0x0]  }
0x4c: {  	_ =	swait.ge [sflag:s29], $0x1000  }
0x4d: {  	[sflag:s29] =	ssyncset.done $0x0  }
0x4e: {  	s23 =	rddreg [dreg:$0x14];
	[sflag:s29] =	ssyncadd.s32 $0xFFFFF000  }
0x4f: {  	[spmem:s23] =	stream.linear.scatter [tilespmem:s28], [sflag:$0x6], $0x1000, $0x38;
	v63 =	vld [tilespmem:$0x0]  }
0x50: {  	_ =	swait.ge [sflag:s29], $0x1000  }
0x51: {  	[sflag:s29] =	ssyncset.done $0x0  }
0x52: {  	s24 =	rddreg [dreg:$0x15];
	[sflag:s29] =	ssyncadd.s32 $0xFFFFF000  }
0x53: {  	[spmem:s24] =	stream.linear.scatter [tilespmem:s28], [sflag:$0x6], $0x1000, $0x38;
	v63 =	vld [tilespmem:$0x0]  }
0x54: {  	_ =	swait.ge [sflag:s29], $0x1000  }
0x55: {  	[sflag:s29] =	ssyncset.done $0x0  }
0x56: {  	s25 =	rddreg [dreg:$0x16];
	[sflag:s29] =	ssyncadd.s32 $0xFFFFF000  }
0x57: {  	[spmem:s25] =	stream.linear.scatter [tilespmem:s28], [sflag:$0x6], $0x1000, $0x38;
	v63 =	vld [tilespmem:$0x0]  }
0x58: {  	_ =	swait.ge [sflag:s29], $0x1000  }
0x59: {  	[sflag:s29] =	ssyncset.done $0x0  }
0x5a: {  	s22 =	rddreg [dreg:$0x17];
	[sflag:s29] =	ssyncadd.s32 $0xFFFFF000  }
0x5b: {  	[spmem:s22] =	stream.linear.scatter [tilespmem:s28], [sflag:$0x6], $0x1000, $0x38;
	v63 =	vld [tilespmem:$0x0]  }
0x5c: {  	_ =	swait.ge [sflag:s29], $0x1000  }
0x5d: {  	s23 =	sld [smem:$0x7FD]  }
0x5e: {  	[sflag:s29] =	ssyncset.done $0x0  }
0x5f: {  	[sflag:s29] =	ssyncadd.s32 $0xFFFFF000  }
0x60: {  	[spmem:s23] =	stream.linear.scatter [tilespmem:s28], [sflag:$0x6], $0xC00, $0x38;
	v63 =	vld [tilespmem:$0x0]  }
0x61: {  	_ =	swait.ge [sflag:s29], $0xC00  }
0x62: {  	[sflag:s29] =	ssyncset.done $0x0  }
0x63: {  	s21 =	simm.s32 @!p1 $0x1D6C0;
	s22 =	rddreg [dreg:$0x18];
	[sflag:s29] =	ssyncadd.s32 $0xFFFFF400  }
0x64: {  	[spmem:s22] =	stream.linear.scatter @!p1 [tilespmem:s21], [sflag:$0x6], $0x400, $0x38;
	v63 =	vld [tilespmem:$0x0]  }
0x65: {  	s21 =	simm.s32 @!p1 $0x6  }
0x66: {  	s24 =	stileid.u32;
	_ =	swait.ge @!p1 [sflag:s21], $0x400  }
0x67: {  	s22 =	sshll.u32 s24, $0x6;
	[sflag:s21] =	ssyncset.done @!p1 $0x0;
	s25 =	rddreg [dreg:$0x19]  }
0x68: {  	s23 =	rddreg [dreg:$0x1e];
	[sflag:s21] =	ssyncadd.s32 @!p1 $0xFFFFFC00;
	s21 =	sor.u32 $0x1C06, s22  }
0x69: {  	[spmem:s23], [sflag:s21] =	dma.local [hbm:s25], $0x2700  }
0x6a: {  	_ =	swait.ge [sflag:s29], $0x2700  }
0x6b: {  	[sflag:s29] =	ssyncset.done $0x0;
	s22 =	rddreg [dreg:$0x1c]  }
0x6c: {  	s23 =	rddreg [dreg:$0x1f];
	[sflag:s29] =	ssyncadd.s32 $0xFFFFD900  }
0x6d: {  	[spmem:s23], [sflag:s21] =	dma.local @!p0 [hbm:s22], $0x100  }
0x6e: {  	s22 =	simm.s32 @!p0 $0x6  }
0x6f: {  	_ =	swait.ge @!p0 [sflag:s22], $0x100  }
0x70: {  	[sflag:s22] =	ssyncset.done @!p0 $0x0  }
0x71: {  	[sflag:s22] =	ssyncadd.s32 @!p0 $0xFFFFFF00  }
0x72: {  	s23 =	simm.s32 $0x0;
	[bflag:$0x0] =	sbarrier.arrive $0xFFFF  }
0x73: {  	[tilespmem:s30], [sflag:$0x6] =	stream.linear.gather [hbm4b:s20+s23], $0x400, $0x38;
	v63 =	vld [tilespmem:$0x0]  }
0x74: {  	_ =	swait.ge [sflag:s29], $0x400  }
0x75: {  	[sflag:s29] =	ssyncset.done $0x0  }
0x76: {  	[sflag:s29] =	ssyncadd.s32 $0xFFFFFC00  }
0x77: {  	[tilespmem:s31], [sflag:$0x6] =	stream.linear.gather [hbm4b:s26+s23], $0x400, $0x38;
	v63 =	vld [tilespmem:$0x0]  }
0x78: {  	_ =	swait.ge [sflag:s29], $0x400  }
0x79: {  	[sflag:s29] =	ssyncset.done $0x0  }
0x7a: {  	[sflag:s29] =	ssyncadd.s32 $0xFFFFFC00  }
0x7b: {  	[tilespmem:s31], [sflag:$0x5] =	stream.linear.gather [hbm4b:s26+s23], $0x400, $0x38;
	v63 =	vld [tilespmem:$0x0]  }
0x7c: {  	_ = 	snop  }
0x7d: {  	[tilespmem:s28], [sflag:$0x1] =	stream.indirect.gather [spmem:s1], $0x80, s30, s0, $0xb8;
	v63 =	vld [tilespmem:$0x0]  }
0x7e: {  	_ =	swait.ge [sflag:s4], $0x1000  }
0x7f: {  	[sflag:s4] =	ssyncset.done $0x0  }
0x80: {  	[sflag:s4] =	ssyncadd.s32 $0xFFFFF000  }
0x81: {  	v2 =	vld [tilespmem:$0x1F6E0]  }
0x82: {  	v3 =	vld [tilespmem:$0x1F6F0];
	_ =	sdelay $0x3  }
0x83: {  	v2 =	vsub.s32 v2, v0  }
0x84: {  	v3 =	vsub.s32 v3, v0;
	v2 =	vmin.u32 v2, $0x13C0  }
0x85: {  	p2 =	por $0x1, $0x1;
	[tilespmem:$0x1FEC0] =	vst v2;
	v2 =	vmin.u32 v3, $0x13C0  }
0x86: {  	s22 =	simm.s32 @!p2 $0x4;
	[tilespmem:$0x1FED0] =	vst v2  }
0x87: {  	[spmem:s2] =	stream.indirect.scatter.add.f32 [tilespmem:s28], [sflag:$0x3], $0x80, s7, s0, $0xb8;
	v63 =	vld [tilespmem:$0x0]  }
0x88: {  	_ =	swait.ge @!p2 [sflag:s22], $0x1000  }
0x89: {  	[sflag:s22] =	ssyncset.done @!p2 $0x0  }
0x8a: {  	s24 =	rddreg [dreg:$0x7];
	[sflag:s22] =	ssyncadd.s32 @!p2 $0xFFFFF000  }
0x8b: {  	[tilespmem:s8], [sflag:$0x2] =	stream.indirect.gather [spmem:s1], $0x80, s24, s0, $0xb8;
	v63 =	vld [tilespmem:$0x0]  }
0x8c: {  	_ =	swait.ge [sflag:s9], $0x1000  }
0x8d: {  	[sflag:s9] =	ssyncset.done $0x0  }
0x8e: {  	[sflag:s9] =	ssyncadd.s32 $0xFFFFF000  }
0x8f: {  	v2 =	vld [tilespmem:$0x1F760]  }
0x90: {  	v3 =	vld [tilespmem:$0x1F770];
	_ =	sdelay $0x3  }
0x91: {  	v2 =	vsub.s32 v2, v0  }
0x92: {  	v3 =	vsub.s32 v3, v0;
	v2 =	vmin.u32 v2, $0x13C0  }
0x93: {  	[tilespmem:$0x1FF40] =	vst v2;
	v2 =	vmin.u32 v3, $0x13C0  }
0x94: {  	[tilespmem:$0x1FF50] =	vst v2  }
0x95: {  	[spmem:s2] =	stream.indirect.scatter.add.f32 [tilespmem:s8], [sflag:$0x4], $0x80, s10, s0, $0xb8;
	v63 =	vld [tilespmem:$0x0]  }
0x96: {  	_ =	swait.ge [sflag:s11], $0x1000  }
0x97: {  	[sflag:s11] =	ssyncset.done $0x0  }
0x98: {  	s24 =	rddreg [dreg:$0x8];
	[sflag:s11] =	ssyncadd.s32 $0xFFFFF000  }
0x99: {  	[tilespmem:s28], [sflag:$0x1] =	stream.indirect.gather [spmem:s1], $0x80, s24, s0, $0xb8;
	v63 =	vld [tilespmem:$0x0]  }
0x9a: {  	_ =	swait.ge [sflag:s4], $0x1000  }
0x9b: {  	[sflag:s4] =	ssyncset.done $0x0  }
0x9c: {  	[sflag:s4] =	ssyncadd.s32 $0xFFFFF000  }
0x9d: {  	v2 =	vld [tilespmem:$0x1F7E0]  }
0x9e: {  	v3 =	vld [tilespmem:$0x1F7F0];
	_ =	sdelay $0x3  }
0x9f: {  	v2 =	vsub.s32 v2, v0  }
0xa0: {  	v3 =	vsub.s32 v3, v0;
	v2 =	vmin.u32 v2, $0x13C0  }
0xa1: {  	[tilespmem:$0x1FEC0] =	vst v2;
	v2 =	vmin.u32 v3, $0x13C0  }
0xa2: {  	[tilespmem:$0x1FED0] =	vst v2  }
0xa3: {  	[spmem:s2] =	stream.indirect.scatter.add.f32 [tilespmem:s28], [sflag:$0x3], $0x80, s7, s0, $0xb8;
	v63 =	vld [tilespmem:$0x0]  }
0xa4: {  	_ =	swait.ge [sflag:s12], $0x1000  }
0xa5: {  	[sflag:s12] =	ssyncset.done $0x0  }
0xa6: {  	s25 =	rddreg [dreg:$0x9];
	[sflag:s12] =	ssyncadd.s32 $0xFFFFF000  }
0xa7: {  	[tilespmem:s8], [sflag:$0x2] =	stream.indirect.gather [spmem:s1], $0x80, s25, s0, $0xb8;
	v63 =	vld [tilespmem:$0x0]  }
0xa8: {  	_ =	swait.ge [sflag:s9], $0x1000  }
0xa9: {  	[sflag:s9] =	ssyncset.done $0x0  }
0xaa: {  	[sflag:s9] =	ssyncadd.s32 $0xFFFFF000  }
0xab: {  	v2 =	vld [tilespmem:$0x1F860]  }
0xac: {  	v3 =	vld [tilespmem:$0x1F870];
	_ =	sdelay $0x3  }
0xad: {  	v2 =	vsub.s32 v2, v0  }
0xae: {  	v3 =	vsub.s32 v3, v0;
	v2 =	vmin.u32 v2, $0x13C0  }
0xaf: {  	[tilespmem:$0x1FF40] =	vst v2;
	v2 =	vmin.u32 v3, $0x13C0  }
0xb0: {  	[tilespmem:$0x1FF50] =	vst v2  }
0xb1: {  	[spmem:s2] =	stream.indirect.scatter.add.f32 [tilespmem:s8], [sflag:$0x4], $0x80, s10, s0, $0xb8;
	v63 =	vld [tilespmem:$0x0]  }
0xb2: {  	_ =	swait.ge [sflag:s11], $0x1000  }
0xb3: {  	[sflag:s11] =	ssyncset.done $0x0  }
0xb4: {  	s24 =	rddreg [dreg:$0xa];
	[sflag:s11] =	ssyncadd.s32 $0xFFFFF000  }
0xb5: {  	[tilespmem:s28], [sflag:$0x1] =	stream.indirect.gather [spmem:s1], $0x80, s24, s0, $0xb8;
	v63 =	vld [tilespmem:$0x0]  }
0xb6: {  	_ =	swait.ge [sflag:s4], $0x1000  }
0xb7: {  	[sflag:s4] =	ssyncset.done $0x0  }
0xb8: {  	[sflag:s4] =	ssyncadd.s32 $0xFFFFF000  }
0xb9: {  	v2 =	vld [tilespmem:$0x1F8E0]  }
0xba: {  	v3 =	vld [tilespmem:$0x1F8F0];
	_ =	sdelay $0x3  }
0xbb: {  	v2 =	vsub.s32 v2, v0  }
0xbc: {  	v3 =	vsub.s32 v3, v0;
	v2 =	vmin.u32 v2, $0x13C0  }
0xbd: {  	[tilespmem:$0x1FEC0] =	vst v2;
	v2 =	vmin.u32 v3, $0x13C0  }
0xbe: {  	[tilespmem:$0x1FED0] =	vst v2  }
0xbf: {  	[spmem:s2] =	stream.indirect.scatter.add.f32 [tilespmem:s28], [sflag:$0x3], $0x80, s7, s0, $0xb8;
	v63 =	vld [tilespmem:$0x0]  }
0xc0: {  	_ =	swait.ge [sflag:s12], $0x1000  }
0xc1: {  	[sflag:s12] =	ssyncset.done $0x0  }
0xc2: {  	s25 =	rddreg [dreg:$0xb];
	[sflag:s12] =	ssyncadd.s32 $0xFFFFF000  }
0xc3: {  	[tilespmem:s8], [sflag:$0x2] =	stream.indirect.gather [spmem:s1], $0x80, s25, s0, $0xb8;
	v63 =	vld [tilespmem:$0x0]  }
0xc4: {  	_ =	swait.ge [sflag:s13], $0x400  }
0xc5: {  	[sflag:s13] =	ssyncset.done $0x0  }
0xc6: {  	[sflag:s13] =	ssyncadd.s32 $0xFFFFFC00  }
0xc7: {  	_ =	swait.ge [sflag:s9], $0x1000  }
0xc8: {  	[sflag:s9] =	ssyncset.done $0x0  }
0xc9: {  	[sflag:s9] =	ssyncadd.s32 $0xFFFFF000  }
0xca: {  	v2 =	vld [tilespmem:$0x1F960]  }
0xcb: {  	v3 =	vld [tilespmem:$0x1F970];
	_ =	sdelay $0x3  }
0xcc: {  	v2 =	vsub.s32 v2, v0  }
0xcd: {  	v3 =	vsub.s32 v3, v0;
	v2 =	vmin.u32 v2, $0x13C0  }
0xce: {  	[tilespmem:$0x1FF40] =	vst v2;
	v2 =	vmin.u32 v3, $0x13C0  }
0xcf: {  	[tilespmem:$0x1FF50] =	vst v2  }
0xd0: {  	[spmem:s2] =	stream.indirect.scatter.add.f32 [tilespmem:s8], [sflag:$0x4], $0x80, s10, s0, $0xb8;
	v63 =	vld [tilespmem:$0x0]  }
0xd1: {  	_ =	swait.ge [sflag:s11], $0x1000  }
0xd2: {  	[sflag:s11] =	ssyncset.done $0x0  }
0xd3: {  	s24 =	rddreg [dreg:$0xc];
	[sflag:s11] =	ssyncadd.s32 $0xFFFFF000  }
0xd4: {  	[tilespmem:s28], [sflag:$0x1] =	stream.indirect.gather [spmem:s1], $0x80, s24, s0, $0xb8;
	v63 =	vld [tilespmem:$0x0]  }
0xd5: {  	_ =	swait.ge [sflag:s4], $0x1000  }
0xd6: {  	[sflag:s4] =	ssyncset.done $0x0  }
0xd7: {  	[sflag:s4] =	ssyncadd.s32 $0xFFFFF000  }
0xd8: {  	v2 =	vld [tilespmem:$0x1F9E0]  }
0xd9: {  	v3 =	vld [tilespmem:$0x1F9F0];
	_ =	sdelay $0x3  }
0xda: {  	v2 =	vsub.s32 v2, v0  }
0xdb: {  	v3 =	vsub.s32 v3, v0;
	v2 =	vmin.u32 v2, $0x13C0  }
0xdc: {  	[tilespmem:$0x1FEC0] =	vst v2;
	v2 =	vmin.u32 v3, $0x13C0  }
0xdd: {  	[tilespmem:$0x1FED0] =	vst v2  }
0xde: {  	[spmem:s2] =	stream.indirect.scatter.add.f32 [tilespmem:s28], [sflag:$0x3], $0x80, s7, s0, $0xb8;
	v63 =	vld [tilespmem:$0x0]  }
0xdf: {  	_ =	swait.ge [sflag:s12], $0x1000  }
0xe0: {  	[sflag:s12] =	ssyncset.done $0x0  }
0xe1: {  	s25 =	rddreg [dreg:$0xd];
	[sflag:s12] =	ssyncadd.s32 $0xFFFFF000  }
0xe2: {  	[tilespmem:s8], [sflag:$0x2] =	stream.indirect.gather [spmem:s1], $0x80, s25, s0, $0xb8;
	v63 =	vld [tilespmem:$0x0]  }
0xe3: {  	_ =	swait.ge [sflag:s9], $0x1000  }
0xe4: {  	[sflag:s9] =	ssyncset.done $0x0  }
0xe5: {  	[sflag:s9] =	ssyncadd.s32 $0xFFFFF000  }
0xe6: {  	v2 =	vld [tilespmem:$0x1FA60]  }
0xe7: {  	v3 =	vld [tilespmem:$0x1FA70];
	_ =	sdelay $0x3  }
0xe8: {  	v2 =	vsub.s32 v2, v0  }
0xe9: {  	v3 =	vsub.s32 v3, v0;
	v2 =	vmin.u32 v2, $0x13C0  }
0xea: {  	[tilespmem:$0x1FF40] =	vst v2;
	v2 =	vmin.u32 v3, $0x13C0  }
0xeb: {  	[tilespmem:$0x1FF50] =	vst v2  }
0xec: {  	[spmem:s2] =	stream.indirect.scatter.add.f32 [tilespmem:s8], [sflag:$0x4], $0x80, s10, s0, $0xb8;
	v63 =	vld [tilespmem:$0x0]  }
0xed: {  	_ =	swait.ge [sflag:s11], $0x1000  }
0xee: {  	s25 =	smin.u32 s23, $0x4D;
	s24 =	rddreg [dreg:$0x5];
	[sflag:s11] =	ssyncset.done $0x0  }
0xef: {  	s22 =	sadd.s32 s25, s24;
	[sflag:s11] =	ssyncadd.s32 $0xFFFFF000  }
0xf0: {  	[tilespmem:s28], [sflag:$0x1] =	stream.indirect.gather [spmem:s1], $0x80, s31, s0, $0xb8;
	v63 =	vld [tilespmem:$0x0]  }
0xf1: {  	s22 =	sshll.u32 s22, $0x7  }
0xf2: {  	s22 =	sadd.s32 s5, s22  }
0xf3: {  	[tilespmem:s30], [sflag:$0x5] =	stream.linear.gather [hbm4b:s22+s3], $0x400, $0x38;
	v63 =	vld [tilespmem:$0x0]  }
0xf4: {  	_ =	swait.ge [sflag:s4], $0x1000  }
0xf5: {  	[sflag:s4] =	ssyncset.done $0x0  }
0xf6: {  	[sflag:s4] =	ssyncadd.s32 $0xFFFFF000  }
0xf7: {  	v2 =	vld [tilespmem:$0x1FAE0]  }
0xf8: {  	v3 =	vld [tilespmem:$0x1FAF0];
	_ =	sdelay $0x3  }
0xf9: {  	v2 =	vsub.s32 v2, v0  }
0xfa: {  	v3 =	vsub.s32 v3, v0;
	v2 =	vmin.u32 v2, $0x13C0  }
0xfb: {  	[tilespmem:$0x1FEC0] =	vst v2;
	v2 =	vmin.u32 v3, $0x13C0  }
0xfc: {  	[tilespmem:$0x1FED0] =	vst v2  }
0xfd: {  	[spmem:s2] =	stream.indirect.scatter.add.f32 [tilespmem:s28], [sflag:$0x3], $0x80, s7, s0, $0xb8;
	v63 =	vld [tilespmem:$0x0]  }
0xfe: {  	_ =	swait.ge [sflag:s12], $0x1000  }
0xff: {  	[sflag:s12] =	ssyncset.done $0x0  }
0x100: {  	s24 =	rddreg [dreg:$0xe];
	[sflag:s12] =	ssyncadd.s32 $0xFFFFF000  }
0x101: {  	[tilespmem:s8], [sflag:$0x2] =	stream.indirect.gather [spmem:s1], $0x80, s24, s0, $0xb8;
	v63 =	vld [tilespmem:$0x0]  }
0x102: {  	_ =	swait.ge [sflag:s9], $0x1000  }
0x103: {  	[sflag:s9] =	ssyncset.done $0x0  }
0x104: {  	[sflag:s9] =	ssyncadd.s32 $0xFFFFF000  }
0x105: {  	v2 =	vld [tilespmem:$0x1FB60]  }
0x106: {  	v3 =	vld [tilespmem:$0x1FB70];
	_ =	sdelay $0x3  }
0x107: {  	v2 =	vsub.s32 v2, v0  }
0x108: {  	v3 =	vsub.s32 v3, v0;
	v2 =	vmin.u32 v2, $0x13C0  }
0x109: {  	[tilespmem:$0x1FF40] =	vst v2;
	v2 =	vmin.u32 v3, $0x13C0  }
0x10a: {  	[tilespmem:$0x1FF50] =	vst v2  }
0x10b: {  	[spmem:s2] =	stream.indirect.scatter.add.f32 [tilespmem:s8], [sflag:$0x4], $0x80, s10, s0, $0xb8;
	v63 =	vld [tilespmem:$0x0]  }
0x10c: {  	_ =	swait.ge [sflag:s11], $0x1000  }
0x10d: {  	[sflag:s11] =	ssyncset.done $0x0  }
0x10e: {  	s25 =	rddreg [dreg:$0xf];
	[sflag:s11] =	ssyncadd.s32 $0xFFFFF000  }
0x10f: {  	[tilespmem:s28], [sflag:$0x1] =	stream.indirect.gather [spmem:s1], $0x80, s25, s0, $0xb8;
	v63 =	vld [tilespmem:$0x0]  }
0x110: {  	_ =	swait.ge [sflag:s4], $0x1000  }
0x111: {  	[sflag:s4] =	ssyncset.done $0x0  }
0x112: {  	[sflag:s4] =	ssyncadd.s32 $0xFFFFF000  }
0x113: {  	v2 =	vld [tilespmem:$0x1FBE0]  }
0x114: {  	v3 =	vld [tilespmem:$0x1FBF0];
	_ =	sdelay $0x3  }
0x115: {  	v2 =	vsub.s32 v2, v0  }
0x116: {  	v3 =	vsub.s32 v3, v0;
	v2 =	vmin.u32 v2, $0x13C0  }
0x117: {  	[tilespmem:$0x1FEC0] =	vst v2;
	v2 =	vmin.u32 v3, $0x13C0  }
0x118: {  	[tilespmem:$0x1FED0] =	vst v2  }
0x119: {  	[spmem:s2] =	stream.indirect.scatter.add.f32 [tilespmem:s28], [sflag:$0x3], $0x80, s7, s0, $0xb8;
	v63 =	vld [tilespmem:$0x0]  }
0x11a: {  	_ =	swait.ge [sflag:s12], $0x1000  }
0x11b: {  	[sflag:s12] =	ssyncset.done $0x0  }
0x11c: {  	[sflag:s12] =	ssyncadd.s32 $0xFFFFF000  }
0x11d: {  	[tilespmem:s8], [sflag:$0x2] =	stream.indirect.gather [spmem:s1], $0x80, s14, s0, $0xb8;
	v63 =	vld [tilespmem:$0x0]  }
0x11e: {  	_ =	swait.ge [sflag:s9], $0x1000  }
0x11f: {  	[sflag:s9] =	ssyncset.done $0x0  }
0x120: {  	[sflag:s9] =	ssyncadd.s32 $0xFFFFF000  }
0x121: {  	v2 =	vld [tilespmem:$0x1FC60]  }
0x122: {  	v3 =	vld [tilespmem:$0x1FC70];
	_ =	sdelay $0x3  }
0x123: {  	v2 =	vsub.s32 v2, v0  }
0x124: {  	v3 =	vsub.s32 v3, v0;
	v2 =	vmin.u32 v2, $0x13C0  }
0x125: {  	[tilespmem:$0x1FF40] =	vst v2;
	v2 =	vmin.u32 v3, $0x13C0  }
0x126: {  	[tilespmem:$0x1FF50] =	vst v2  }
0x127: {  	[spmem:s2] =	stream.indirect.scatter.add.f32 [tilespmem:s8], [sflag:$0x4], $0x80, s10, s0, $0xb8;
	v63 =	vld [tilespmem:$0x0]  }
0x128: {  	_ =	swait.ge [sflag:s11], $0x1000  }
0x129: {  	[sflag:s11] =	ssyncset.done $0x0  }
0x12a: {  	[sflag:s11] =	ssyncadd.s32 $0xFFFFF000  }
0x12b: {  	[tilespmem:s28], [sflag:$0x1] =	stream.indirect.gather [spmem:s1], $0x80, s15, s0, $0xb8;
	v63 =	vld [tilespmem:$0x0]  }
0x12c: {  	_ =	swait.ge [sflag:s4], $0x1000  }
0x12d: {  	[sflag:s4] =	ssyncset.done $0x0  }
0x12e: {  	[sflag:s4] =	ssyncadd.s32 $0xFFFFF000  }
0x12f: {  	v2 =	vld [tilespmem:$0x1FCE0]  }
0x130: {  	v3 =	vld [tilespmem:$0x1FCF0];
	_ =	sdelay $0x3  }
0x131: {  	v2 =	vsub.s32 v2, v0  }
0x132: {  	v3 =	vsub.s32 v3, v0;
	v2 =	vmin.u32 v2, $0x13C0  }
0x133: {  	[tilespmem:$0x1FEC0] =	vst v2;
	v2 =	vmin.u32 v3, $0x13C0  }
0x134: {  	[tilespmem:$0x1FED0] =	vst v2  }
0x135: {  	[spmem:s2] =	stream.indirect.scatter.add.f32 [tilespmem:s28], [sflag:$0x3], $0x80, s7, s0, $0xb8;
	v63 =	vld [tilespmem:$0x0]  }
0x136: {  	_ =	swait.ge [sflag:s12], $0x1000  }
0x137: {  	[sflag:s12] =	ssyncset.done $0x0  }
0x138: {  	[sflag:s12] =	ssyncadd.s32 $0xFFFFF000  }
0x139: {  	[tilespmem:s8], [sflag:$0x2] =	stream.indirect.gather [spmem:s1], $0x80, s16, s0, $0xb8;
	v63 =	vld [tilespmem:$0x0]  }
0x13a: {  	_ =	swait.ge [sflag:s13], $0x400  }
0x13b: {  	[sflag:s13] =	ssyncset.done $0x0  }
0x13c: {  	[sflag:s13] =	ssyncadd.s32 $0xFFFFFC00  }
0x13d: {  	_ =	swait.ge [sflag:s9], $0x1000  }
0x13e: {  	[sflag:s9] =	ssyncset.done $0x0  }
0x13f: {  	[sflag:s9] =	ssyncadd.s32 $0xFFFFF000  }
0x140: {  	v2 =	vld [tilespmem:$0x1FD60]  }
0x141: {  	v3 =	vld [tilespmem:$0x1FD70];
	_ =	sdelay $0x3  }
0x142: {  	v2 =	vsub.s32 v2, v0  }
0x143: {  	v3 =	vsub.s32 v3, v0;
	v2 =	vmin.u32 v2, $0x13C0  }
0x144: {  	[tilespmem:$0x1FF40] =	vst v2;
	v2 =	vmin.u32 v3, $0x13C0  }
0x145: {  	[tilespmem:$0x1FF50] =	vst v2  }
0x146: {  	[spmem:s2] =	stream.indirect.scatter.add.f32 [tilespmem:s8], [sflag:$0x4], $0x80, s10, s0, $0xb8;
	v63 =	vld [tilespmem:$0x0]  }
0x147: {  	_ =	swait.ge [sflag:s11], $0x1000  }
0x148: {  	[sflag:s11] =	ssyncset.done $0x0  }
0x149: {  	[sflag:s11] =	ssyncadd.s32 $0xFFFFF000  }
0x14a: {  	[tilespmem:s28], [sflag:$0x1] =	stream.indirect.gather [spmem:s1], $0x80, s17, s0, $0xb8;
	v63 =	vld [tilespmem:$0x0]  }
0x14b: {  	_ =	swait.ge [sflag:s4], $0x1000  }
0x14c: {  	[sflag:s4] =	ssyncset.done $0x0  }
0x14d: {  	[sflag:s4] =	ssyncadd.s32 $0xFFFFF000  }
0x14e: {  	v2 =	vld [tilespmem:$0x1FDE0]  }
0x14f: {  	v3 =	vld [tilespmem:$0x1FDF0];
	_ =	sdelay $0x3  }
0x150: {  	v2 =	vsub.s32 v2, v0  }
0x151: {  	v3 =	vsub.s32 v3, v0;
	v2 =	vmin.u32 v2, $0x13C0  }
0x152: {  	[tilespmem:$0x1FEC0] =	vst v2;
	v2 =	vmin.u32 v3, $0x13C0  }
0x153: {  	[tilespmem:$0x1FED0] =	vst v2  }
0x154: {  	[spmem:s2] =	stream.indirect.scatter.add.f32 [tilespmem:s28], [sflag:$0x3], $0x80, s7, s0, $0xb8;
	v63 =	vld [tilespmem:$0x0]  }
0x155: {  	_ =	swait.ge [sflag:s12], $0x1000  }
0x156: {  	[sflag:s12] =	ssyncset.done $0x0  }
0x157: {  	[sflag:s12] =	ssyncadd.s32 $0xFFFFF000  }
0x158: {  	[tilespmem:s8], [sflag:$0x2] =	stream.indirect.gather [spmem:s1], $0x80, s18, s0, $0xb8;
	v63 =	vld [tilespmem:$0x0]  }
0x159: {  	_ =	swait.ge [sflag:s9], $0x1000  }
0x15a: {  	[sflag:s9] =	ssyncset.done $0x0  }
0x15b: {  	[sflag:s9] =	ssyncadd.s32 $0xFFFFF000  }
0x15c: {  	s22 =	simm.s32 $0x2;
	s24 =	smin.u32 s23, $0x4C;
	v2 =	vld [tilespmem:$0x1FE60]  }
.LBB2_4:
0x15d: {  	v3 =	vld [tilespmem:$0x1FE70];
	_ =	sdelay $0x3  }
0x15e: {  	v2 =	vsub.s32 v2, v0  }
0x15f: {  	v2 =	vmin.u32 v2, $0x13C0;
	v3 =	vsub.s32 v3, v0  }
0x160: {  	[tilespmem:$0x1FF40] =	vst v2;
	v2 =	vmin.u32 v3, $0x13C0  }
0x161: {  	[tilespmem:$0x1FF50] =	vst v2  }
0x162: {  	[spmem:s2] =	stream.indirect.scatter.add.f32 [tilespmem:s8], [sflag:$0x4], $0x80, s10, s0, $0xb8;
	v63 =	vld [tilespmem:$0x0]  }
0x163: {  	_ =	swait.ge [sflag:s11], $0x1000  }
0x164: {  	[sflag:s11] =	ssyncset.done $0x0;
	s25 =	rddreg [dreg:$0x6]  }
0x165: {  	[sflag:s11] =	ssyncadd.s32 $0xFFFFF000;
	s24 =	sadd.s32 s24, s25  }
0x166: {  	[tilespmem:s28], [sflag:$0x1] =	stream.indirect.gather [spmem:s1], $0x80, s30, s0, $0xb8;
	v63 =	vld [tilespmem:$0x0]  }
0x167: {  	s24 =	sshll.u32 s24, $0x7  }
0x168: {  	s24 =	sadd.s32 s5, s24  }
0x169: {  	[tilespmem:s31], [sflag:$0x5] =	stream.linear.gather [hbm4b:s24+s3], $0x400, $0x38;
	v63 =	vld [tilespmem:$0x0]  }
0x16a: {  	_ =	swait.ge [sflag:s4], $0x1000  }
0x16b: {  	[sflag:s4] =	ssyncset.done $0x0  }
0x16c: {  	[sflag:s4] =	ssyncadd.s32 $0xFFFFF000  }
0x16d: {  	v2 =	vld [tilespmem:$0x1F6E0]  }
0x16e: {  	v3 =	vld [tilespmem:$0x1F6F0];
	_ =	sdelay $0x3  }
0x16f: {  	v2 =	vsub.s32 v2, v0  }
0x170: {  	s23 =	smov.u32 s22;
	v3 =	vsub.s32 v3, v0;
	v2 =	vmin.u32 v2, $0x13C0  }
0x171: {  	p3 =	seq.s32 s23, $0x0;
	[tilespmem:$0x1FEC0] =	vst v2;
	v2 =	vmin.u32 v3, $0x13C0  }
0x172: {  	s24 =	simm.s32 @!p3 $0x4;
	[tilespmem:$0x1FED0] =	vst v2  }
0x173: {  	[spmem:s2] =	stream.indirect.scatter.add.f32 [tilespmem:s28], [sflag:$0x3], $0x80, s7, s0, $0xb8;
	v63 =	vld [tilespmem:$0x0]  }
0x174: {  	_ =	swait.ge @!p3 [sflag:s24], $0x1000  }
0x175: {  	[sflag:s24] =	ssyncset.done @!p3 $0x0  }
0x176: {  	s25 =	rddreg [dreg:$0x7];
	[sflag:s24] =	ssyncadd.s32 @!p3 $0xFFFFF000  }
0x177: {  	[tilespmem:s8], [sflag:$0x2] =	stream.indirect.gather [spmem:s1], $0x80, s25, s0, $0xb8;
	v63 =	vld [tilespmem:$0x0]  }
0x178: {  	_ =	swait.ge [sflag:s9], $0x1000  }
0x179: {  	[sflag:s9] =	ssyncset.done $0x0  }
0x17a: {  	[sflag:s9] =	ssyncadd.s32 $0xFFFFF000  }
0x17b: {  	v2 =	vld [tilespmem:$0x1F760]  }
0x17c: {  	v3 =	vld [tilespmem:$0x1F770];
	_ =	sdelay $0x3  }
0x17d: {  	v2 =	vsub.s32 v2, v0  }
0x17e: {  	v3 =	vsub.s32 v3, v0;
	v2 =	vmin.u32 v2, $0x13C0  }
0x17f: {  	[tilespmem:$0x1FF40] =	vst v2;
	v2 =	vmin.u32 v3, $0x13C0  }
0x180: {  	[tilespmem:$0x1FF50] =	vst v2  }
0x181: {  	[spmem:s2] =	stream.indirect.scatter.add.f32 [tilespmem:s8], [sflag:$0x4], $0x80, s10, s0, $0xb8;
	v63 =	vld [tilespmem:$0x0]  }
0x182: {  	_ =	swait.ge [sflag:s11], $0x1000  }
0x183: {  	[sflag:s11] =	ssyncset.done $0x0  }
0x184: {  	s25 =	rddreg [dreg:$0x8];
	[sflag:s11] =	ssyncadd.s32 $0xFFFFF000  }
0x185: {  	[tilespmem:s28], [sflag:$0x1] =	stream.indirect.gather [spmem:s1], $0x80, s25, s0, $0xb8;
	v63 =	vld [tilespmem:$0x0]  }
0x186: {  	_ =	swait.ge [sflag:s4], $0x1000  }
0x187: {  	[sflag:s4] =	ssyncset.done $0x0  }
0x188: {  	[sflag:s4] =	ssyncadd.s32 $0xFFFFF000  }
0x189: {  	v2 =	vld [tilespmem:$0x1F7E0]  }
0x18a: {  	v3 =	vld [tilespmem:$0x1F7F0];
	_ =	sdelay $0x3  }
0x18b: {  	v2 =	vsub.s32 v2, v0  }
0x18c: {  	v3 =	vsub.s32 v3, v0;
	v2 =	vmin.u32 v2, $0x13C0  }
0x18d: {  	[tilespmem:$0x1FEC0] =	vst v2;
	v2 =	vmin.u32 v3, $0x13C0  }
0x18e: {  	[tilespmem:$0x1FED0] =	vst v2  }
0x18f: {  	[spmem:s2] =	stream.indirect.scatter.add.f32 [tilespmem:s28], [sflag:$0x3], $0x80, s7, s0, $0xb8;
	v63 =	vld [tilespmem:$0x0]  }
0x190: {  	_ =	swait.ge [sflag:s12], $0x1000  }
0x191: {  	[sflag:s12] =	ssyncset.done $0x0  }
0x192: {  	s25 =	rddreg [dreg:$0x9];
	[sflag:s12] =	ssyncadd.s32 $0xFFFFF000  }
0x193: {  	[tilespmem:s8], [sflag:$0x2] =	stream.indirect.gather [spmem:s1], $0x80, s25, s0, $0xb8;
	v63 =	vld [tilespmem:$0x0]  }
0x194: {  	_ =	swait.ge [sflag:s9], $0x1000  }
0x195: {  	[sflag:s9] =	ssyncset.done $0x0  }
0x196: {  	[sflag:s9] =	ssyncadd.s32 $0xFFFFF000  }
0x197: {  	v2 =	vld [tilespmem:$0x1F860]  }
0x198: {  	v3 =	vld [tilespmem:$0x1F870];
	_ =	sdelay $0x3  }
0x199: {  	v2 =	vsub.s32 v2, v0  }
0x19a: {  	v3 =	vsub.s32 v3, v0;
	v2 =	vmin.u32 v2, $0x13C0  }
0x19b: {  	[tilespmem:$0x1FF40] =	vst v2;
	v2 =	vmin.u32 v3, $0x13C0  }
0x19c: {  	[tilespmem:$0x1FF50] =	vst v2  }
0x19d: {  	[spmem:s2] =	stream.indirect.scatter.add.f32 [tilespmem:s8], [sflag:$0x4], $0x80, s10, s0, $0xb8;
	v63 =	vld [tilespmem:$0x0]  }
0x19e: {  	_ =	swait.ge [sflag:s11], $0x1000  }
0x19f: {  	[sflag:s11] =	ssyncset.done $0x0  }
0x1a0: {  	s25 =	rddreg [dreg:$0xa];
	[sflag:s11] =	ssyncadd.s32 $0xFFFFF000  }
0x1a1: {  	[tilespmem:s28], [sflag:$0x1] =	stream.indirect.gather [spmem:s1], $0x80, s25, s0, $0xb8;
	v63 =	vld [tilespmem:$0x0]  }
0x1a2: {  	_ =	swait.ge [sflag:s4], $0x1000  }
0x1a3: {  	[sflag:s4] =	ssyncset.done $0x0  }
0x1a4: {  	[sflag:s4] =	ssyncadd.s32 $0xFFFFF000  }
0x1a5: {  	v2 =	vld [tilespmem:$0x1F8E0]  }
0x1a6: {  	v3 =	vld [tilespmem:$0x1F8F0];
	_ =	sdelay $0x3  }
0x1a7: {  	v2 =	vsub.s32 v2, v0  }
0x1a8: {  	v3 =	vsub.s32 v3, v0;
	v2 =	vmin.u32 v2, $0x13C0  }
0x1a9: {  	[tilespmem:$0x1FEC0] =	vst v2;
	v2 =	vmin.u32 v3, $0x13C0  }
0x1aa: {  	[tilespmem:$0x1FED0] =	vst v2  }
0x1ab: {  	[spmem:s2] =	stream.indirect.scatter.add.f32 [tilespmem:s28], [sflag:$0x3], $0x80, s7, s0, $0xb8;
	v63 =	vld [tilespmem:$0x0]  }
0x1ac: {  	_ =	swait.ge [sflag:s12], $0x1000  }
0x1ad: {  	[sflag:s12] =	ssyncset.done $0x0  }
0x1ae: {  	s25 =	rddreg [dreg:$0xb];
	[sflag:s12] =	ssyncadd.s32 $0xFFFFF000  }
0x1af: {  	[tilespmem:s8], [sflag:$0x2] =	stream.indirect.gather [spmem:s1], $0x80, s25, s0, $0xb8;
	v63 =	vld [tilespmem:$0x0]  }
0x1b0: {  	_ =	swait.ge [sflag:s13], $0x400  }
0x1b1: {  	[sflag:s13] =	ssyncset.done $0x0  }
0x1b2: {  	[sflag:s13] =	ssyncadd.s32 $0xFFFFFC00  }
0x1b3: {  	_ =	swait.ge [sflag:s9], $0x1000  }
0x1b4: {  	[sflag:s9] =	ssyncset.done $0x0  }
0x1b5: {  	[sflag:s9] =	ssyncadd.s32 $0xFFFFF000  }
0x1b6: {  	v2 =	vld [tilespmem:$0x1F960]  }
0x1b7: {  	v3 =	vld [tilespmem:$0x1F970];
	_ =	sdelay $0x3  }
0x1b8: {  	v2 =	vsub.s32 v2, v0  }
0x1b9: {  	v3 =	vsub.s32 v3, v0;
	v2 =	vmin.u32 v2, $0x13C0  }
0x1ba: {  	[tilespmem:$0x1FF40] =	vst v2;
	v2 =	vmin.u32 v3, $0x13C0  }
0x1bb: {  	[tilespmem:$0x1FF50] =	vst v2  }
0x1bc: {  	[spmem:s2] =	stream.indirect.scatter.add.f32 [tilespmem:s8], [sflag:$0x4], $0x80, s10, s0, $0xb8;
	v63 =	vld [tilespmem:$0x0]  }
0x1bd: {  	_ =	swait.ge [sflag:s11], $0x1000  }
0x1be: {  	[sflag:s11] =	ssyncset.done $0x0  }
0x1bf: {  	s25 =	rddreg [dreg:$0xc];
	[sflag:s11] =	ssyncadd.s32 $0xFFFFF000  }
0x1c0: {  	[tilespmem:s28], [sflag:$0x1] =	stream.indirect.gather [spmem:s1], $0x80, s25, s0, $0xb8;
	v63 =	vld [tilespmem:$0x0]  }
0x1c1: {  	_ =	swait.ge [sflag:s4], $0x1000  }
0x1c2: {  	[sflag:s4] =	ssyncset.done $0x0  }
0x1c3: {  	[sflag:s4] =	ssyncadd.s32 $0xFFFFF000  }
0x1c4: {  	v2 =	vld [tilespmem:$0x1F9E0]  }
0x1c5: {  	v3 =	vld [tilespmem:$0x1F9F0];
	_ =	sdelay $0x3  }
0x1c6: {  	v2 =	vsub.s32 v2, v0  }
0x1c7: {  	v3 =	vsub.s32 v3, v0;
	v2 =	vmin.u32 v2, $0x13C0  }
0x1c8: {  	[tilespmem:$0x1FEC0] =	vst v2;
	v2 =	vmin.u32 v3, $0x13C0  }
0x1c9: {  	[tilespmem:$0x1FED0] =	vst v2  }
0x1ca: {  	[spmem:s2] =	stream.indirect.scatter.add.f32 [tilespmem:s28], [sflag:$0x3], $0x80, s7, s0, $0xb8;
	v63 =	vld [tilespmem:$0x0]  }
0x1cb: {  	_ =	swait.ge [sflag:s12], $0x1000  }
0x1cc: {  	[sflag:s12] =	ssyncset.done $0x0  }
0x1cd: {  	s25 =	rddreg [dreg:$0xd];
	[sflag:s12] =	ssyncadd.s32 $0xFFFFF000  }
0x1ce: {  	[tilespmem:s8], [sflag:$0x2] =	stream.indirect.gather [spmem:s1], $0x80, s25, s0, $0xb8;
	v63 =	vld [tilespmem:$0x0]  }
0x1cf: {  	_ =	swait.ge [sflag:s9], $0x1000  }
0x1d0: {  	[sflag:s9] =	ssyncset.done $0x0  }
0x1d1: {  	[sflag:s9] =	ssyncadd.s32 $0xFFFFF000  }
0x1d2: {  	v2 =	vld [tilespmem:$0x1FA60]  }
0x1d3: {  	v3 =	vld [tilespmem:$0x1FA70];
	_ =	sdelay $0x3  }
0x1d4: {  	v2 =	vsub.s32 v2, v0  }
0x1d5: {  	v3 =	vsub.s32 v3, v0;
	v2 =	vmin.u32 v2, $0x13C0  }
0x1d6: {  	[tilespmem:$0x1FF40] =	vst v2;
	v2 =	vmin.u32 v3, $0x13C0  }
0x1d7: {  	[tilespmem:$0x1FF50] =	vst v2  }
0x1d8: {  	[spmem:s2] =	stream.indirect.scatter.add.f32 [tilespmem:s8], [sflag:$0x4], $0x80, s10, s0, $0xb8;
	v63 =	vld [tilespmem:$0x0]  }
0x1d9: {  	_ =	swait.ge [sflag:s11], $0x1000  }
0x1da: {  	s24 =	smin.u32 s23, $0x4D;
	[sflag:s11] =	ssyncset.done $0x0;
	s25 =	rddreg [dreg:$0x5]  }
0x1db: {  	[sflag:s11] =	ssyncadd.s32 $0xFFFFF000;
	s24 =	sadd.s32 s24, s25  }
0x1dc: {  	[tilespmem:s28], [sflag:$0x1] =	stream.indirect.gather [spmem:s1], $0x80, s31, s0, $0xb8;
	v63 =	vld [tilespmem:$0x0]  }
0x1dd: {  	s24 =	sshll.u32 s24, $0x7  }
0x1de: {  	s24 =	sadd.s32 s5, s24  }
0x1df: {  	[tilespmem:s30], [sflag:$0x5] =	stream.linear.gather [hbm4b:s24+s3], $0x400, $0x38;
	v63 =	vld [tilespmem:$0x0]  }
0x1e0: {  	_ =	swait.ge [sflag:s4], $0x1000  }
0x1e1: {  	[sflag:s4] =	ssyncset.done $0x0  }
0x1e2: {  	[sflag:s4] =	ssyncadd.s32 $0xFFFFF000  }
0x1e3: {  	v2 =	vld [tilespmem:$0x1FAE0]  }
0x1e4: {  	v3 =	vld [tilespmem:$0x1FAF0];
	_ =	sdelay $0x3  }
0x1e5: {  	v2 =	vsub.s32 v2, v0  }
0x1e6: {  	v3 =	vsub.s32 v3, v0;
	v2 =	vmin.u32 v2, $0x13C0  }
0x1e7: {  	[tilespmem:$0x1FEC0] =	vst v2;
	v2 =	vmin.u32 v3, $0x13C0  }
0x1e8: {  	[tilespmem:$0x1FED0] =	vst v2  }
0x1e9: {  	[spmem:s2] =	stream.indirect.scatter.add.f32 [tilespmem:s28], [sflag:$0x3], $0x80, s7, s0, $0xb8;
	v63 =	vld [tilespmem:$0x0]  }
0x1ea: {  	_ =	swait.ge [sflag:s12], $0x1000  }
0x1eb: {  	[sflag:s12] =	ssyncset.done $0x0  }
0x1ec: {  	s25 =	rddreg [dreg:$0xe];
	[sflag:s12] =	ssyncadd.s32 $0xFFFFF000  }
0x1ed: {  	[tilespmem:s8], [sflag:$0x2] =	stream.indirect.gather [spmem:s1], $0x80, s25, s0, $0xb8;
	v63 =	vld [tilespmem:$0x0]  }
0x1ee: {  	_ =	swait.ge [sflag:s9], $0x1000  }
0x1ef: {  	[sflag:s9] =	ssyncset.done $0x0  }
0x1f0: {  	[sflag:s9] =	ssyncadd.s32 $0xFFFFF000  }
0x1f1: {  	v2 =	vld [tilespmem:$0x1FB60]  }
0x1f2: {  	v3 =	vld [tilespmem:$0x1FB70];
	_ =	sdelay $0x3  }
0x1f3: {  	v2 =	vsub.s32 v2, v0  }
0x1f4: {  	v3 =	vsub.s32 v3, v0;
	v2 =	vmin.u32 v2, $0x13C0  }
0x1f5: {  	[tilespmem:$0x1FF40] =	vst v2;
	v2 =	vmin.u32 v3, $0x13C0  }
0x1f6: {  	[tilespmem:$0x1FF50] =	vst v2  }
0x1f7: {  	[spmem:s2] =	stream.indirect.scatter.add.f32 [tilespmem:s8], [sflag:$0x4], $0x80, s10, s0, $0xb8;
	v63 =	vld [tilespmem:$0x0]  }
0x1f8: {  	_ =	swait.ge [sflag:s11], $0x1000  }
0x1f9: {  	[sflag:s11] =	ssyncset.done $0x0  }
0x1fa: {  	s25 =	rddreg [dreg:$0xf];
	[sflag:s11] =	ssyncadd.s32 $0xFFFFF000  }
0x1fb: {  	[tilespmem:s28], [sflag:$0x1] =	stream.indirect.gather [spmem:s1], $0x80, s25, s0, $0xb8;
	v63 =	vld [tilespmem:$0x0]  }
0x1fc: {  	_ =	swait.ge [sflag:s4], $0x1000  }
0x1fd: {  	[sflag:s4] =	ssyncset.done $0x0  }
0x1fe: {  	[sflag:s4] =	ssyncadd.s32 $0xFFFFF000  }
0x1ff: {  	v2 =	vld [tilespmem:$0x1FBE0]  }
0x200: {  	v3 =	vld [tilespmem:$0x1FBF0];
	_ =	sdelay $0x3  }
0x201: {  	v2 =	vsub.s32 v2, v0  }
0x202: {  	v3 =	vsub.s32 v3, v0;
	v2 =	vmin.u32 v2, $0x13C0  }
0x203: {  	[tilespmem:$0x1FEC0] =	vst v2;
	v2 =	vmin.u32 v3, $0x13C0  }
0x204: {  	[tilespmem:$0x1FED0] =	vst v2  }
0x205: {  	[spmem:s2] =	stream.indirect.scatter.add.f32 [tilespmem:s28], [sflag:$0x3], $0x80, s7, s0, $0xb8;
	v63 =	vld [tilespmem:$0x0]  }
0x206: {  	_ =	swait.ge [sflag:s12], $0x1000  }
0x207: {  	[sflag:s12] =	ssyncset.done $0x0  }
0x208: {  	[sflag:s12] =	ssyncadd.s32 $0xFFFFF000  }
0x209: {  	[tilespmem:s8], [sflag:$0x2] =	stream.indirect.gather [spmem:s1], $0x80, s14, s0, $0xb8;
	v63 =	vld [tilespmem:$0x0]  }
0x20a: {  	_ =	swait.ge [sflag:s9], $0x1000  }
0x20b: {  	[sflag:s9] =	ssyncset.done $0x0  }
0x20c: {  	[sflag:s9] =	ssyncadd.s32 $0xFFFFF000  }
0x20d: {  	v2 =	vld [tilespmem:$0x1FC60]  }
0x20e: {  	v3 =	vld [tilespmem:$0x1FC70];
	_ =	sdelay $0x3  }
0x20f: {  	v2 =	vsub.s32 v2, v0  }
0x210: {  	v3 =	vsub.s32 v3, v0;
	v2 =	vmin.u32 v2, $0x13C0  }
0x211: {  	[tilespmem:$0x1FF40] =	vst v2;
	v2 =	vmin.u32 v3, $0x13C0  }
0x212: {  	[tilespmem:$0x1FF50] =	vst v2  }
0x213: {  	[spmem:s2] =	stream.indirect.scatter.add.f32 [tilespmem:s8], [sflag:$0x4], $0x80, s10, s0, $0xb8;
	v63 =	vld [tilespmem:$0x0]  }
0x214: {  	_ =	swait.ge [sflag:s11], $0x1000  }
0x215: {  	[sflag:s11] =	ssyncset.done $0x0  }
0x216: {  	[sflag:s11] =	ssyncadd.s32 $0xFFFFF000  }
0x217: {  	[tilespmem:s28], [sflag:$0x1] =	stream.indirect.gather [spmem:s1], $0x80, s15, s0, $0xb8;
	v63 =	vld [tilespmem:$0x0]  }
0x218: {  	_ =	swait.ge [sflag:s4], $0x1000  }
0x219: {  	[sflag:s4] =	ssyncset.done $0x0  }
0x21a: {  	[sflag:s4] =	ssyncadd.s32 $0xFFFFF000  }
0x21b: {  	v2 =	vld [tilespmem:$0x1FCE0]  }
0x21c: {  	v3 =	vld [tilespmem:$0x1FCF0];
	_ =	sdelay $0x3  }
0x21d: {  	v2 =	vsub.s32 v2, v0  }
0x21e: {  	v3 =	vsub.s32 v3, v0;
	v2 =	vmin.u32 v2, $0x13C0  }
0x21f: {  	[tilespmem:$0x1FEC0] =	vst v2;
	v2 =	vmin.u32 v3, $0x13C0  }
0x220: {  	[tilespmem:$0x1FED0] =	vst v2  }
0x221: {  	[spmem:s2] =	stream.indirect.scatter.add.f32 [tilespmem:s28], [sflag:$0x3], $0x80, s7, s0, $0xb8;
	v63 =	vld [tilespmem:$0x0]  }
0x222: {  	_ =	swait.ge [sflag:s12], $0x1000  }
0x223: {  	[sflag:s12] =	ssyncset.done $0x0  }
0x224: {  	[sflag:s12] =	ssyncadd.s32 $0xFFFFF000  }
0x225: {  	[tilespmem:s8], [sflag:$0x2] =	stream.indirect.gather [spmem:s1], $0x80, s16, s0, $0xb8;
	v63 =	vld [tilespmem:$0x0]  }
0x226: {  	_ =	swait.ge [sflag:s13], $0x400  }
0x227: {  	[sflag:s13] =	ssyncset.done $0x0  }
0x228: {  	[sflag:s13] =	ssyncadd.s32 $0xFFFFFC00  }
0x229: {  	_ =	swait.ge [sflag:s9], $0x1000  }
0x22a: {  	[sflag:s9] =	ssyncset.done $0x0  }
0x22b: {  	[sflag:s9] =	ssyncadd.s32 $0xFFFFF000  }
0x22c: {  	v2 =	vld [tilespmem:$0x1FD60]  }
0x22d: {  	v3 =	vld [tilespmem:$0x1FD70];
	_ =	sdelay $0x3  }
0x22e: {  	v2 =	vsub.s32 v2, v0  }
0x22f: {  	v3 =	vsub.s32 v3, v0;
	v2 =	vmin.u32 v2, $0x13C0  }
0x230: {  	[tilespmem:$0x1FF40] =	vst v2;
	v2 =	vmin.u32 v3, $0x13C0  }
0x231: {  	[tilespmem:$0x1FF50] =	vst v2  }
0x232: {  	[spmem:s2] =	stream.indirect.scatter.add.f32 [tilespmem:s8], [sflag:$0x4], $0x80, s10, s0, $0xb8;
	v63 =	vld [tilespmem:$0x0]  }
0x233: {  	_ =	swait.ge [sflag:s11], $0x1000  }
0x234: {  	[sflag:s11] =	ssyncset.done $0x0  }
0x235: {  	[sflag:s11] =	ssyncadd.s32 $0xFFFFF000  }
0x236: {  	[tilespmem:s28], [sflag:$0x1] =	stream.indirect.gather [spmem:s1], $0x80, s17, s0, $0xb8;
	v63 =	vld [tilespmem:$0x0]  }
0x237: {  	_ =	swait.ge [sflag:s4], $0x1000  }
0x238: {  	[sflag:s4] =	ssyncset.done $0x0  }
0x239: {  	[sflag:s4] =	ssyncadd.s32 $0xFFFFF000  }
0x23a: {  	v2 =	vld [tilespmem:$0x1FDE0]  }
0x23b: {  	v3 =	vld [tilespmem:$0x1FDF0];
	_ =	sdelay $0x3  }
0x23c: {  	v2 =	vsub.s32 v2, v0  }
0x23d: {  	v3 =	vsub.s32 v3, v0;
	v2 =	vmin.u32 v2, $0x13C0  }
0x23e: {  	[tilespmem:$0x1FEC0] =	vst v2;
	v2 =	vmin.u32 v3, $0x13C0  }
0x23f: {  	[tilespmem:$0x1FED0] =	vst v2  }
0x240: {  	[spmem:s2] =	stream.indirect.scatter.add.f32 [tilespmem:s28], [sflag:$0x3], $0x80, s7, s0, $0xb8;
	v63 =	vld [tilespmem:$0x0]  }
0x241: {  	_ =	swait.ge [sflag:s12], $0x1000  }
0x242: {  	s22 =	sadd.s32 $0x2, s22;
	[sflag:s12] =	ssyncset.done $0x0  }
0x243: {  	p2 =	sne.s32 s22, $0x50;
	[sflag:s12] =	ssyncadd.s32 $0xFFFFF000  }
0x244: {  	[tilespmem:s8], [sflag:$0x2] =	stream.indirect.gather [spmem:s1], $0x80, s18, s0, $0xb8;
	v63 =	vld [tilespmem:$0x0]  }
.Ltmp1:
0x245: {  	_ = 	snop;
	(pc) =	sbr.rel @p2 .LBB2_4-.Ltmp1, $4  }
0x246: {  	_ =	swait.ge [sflag:s9], $0x1000  }
0x247: {  	[sflag:s9] =	ssyncset.done $0x0  }
0x248: {  	[sflag:s9] =	ssyncadd.s32 $0xFFFFF000  }
0x249: {  	s24 =	smin.u32 s23, $0x4C;
	v2 =	vld [tilespmem:$0x1FE60]  }
0x24a: {  	v3 =	vld [tilespmem:$0x1FE70];
	_ =	sdelay $0x3  }
0x24b: {  	v2 =	vsub.s32 v2, v0  }
0x24c: {  	v2 =	vmin.u32 v2, $0x13C0;
	v3 =	vsub.s32 v3, v0  }
0x24d: {  	[tilespmem:$0x1FF40] =	vst v2;
	v2 =	vmin.u32 v3, $0x13C0  }
0x24e: {  	[tilespmem:$0x1FF50] =	vst v2  }
0x24f: {  	[spmem:s2] =	stream.indirect.scatter.add.f32 [tilespmem:s8], [sflag:$0x4], $0x80, s10, s0, $0xb8;
	v63 =	vld [tilespmem:$0x0]  }
0x250: {  	_ =	swait.ge [sflag:s11], $0x1000  }
0x251: {  	[sflag:s11] =	ssyncset.done $0x0;
	s22 =	rddreg [dreg:$0x6]  }
0x252: {  	[sflag:s11] =	ssyncadd.s32 $0xFFFFF000;
	s22 =	sadd.s32 s24, s22  }
0x253: {  	[tilespmem:s28], [sflag:$0x1] =	stream.indirect.gather [spmem:s1], $0x80, s30, s0, $0xb8;
	v63 =	vld [tilespmem:$0x0]  }
0x254: {  	s22 =	sshll.u32 s22, $0x7  }
0x255: {  	s22 =	sadd.s32 s5, s22  }
0x256: {  	[tilespmem:s31], [sflag:$0x5] =	stream.linear.gather [hbm4b:s22+s3], $0x400, $0x38;
	v63 =	vld [tilespmem:$0x0]  }
0x257: {  	_ =	swait.ge [sflag:s13], $0x400  }
0x258: {  	[sflag:s13] =	ssyncset.done $0x0  }
0x259: {  	[sflag:s13] =	ssyncadd.s32 $0xFFFFFC00  }
0x25a: {  	_ =	swait.ge [sflag:s12], $0x1000  }
0x25b: {  	[sflag:s12] =	ssyncset.done $0x0  }
0x25c: {  	[sflag:s12] =	ssyncadd.s32 $0xFFFFF000  }
0x25d: {  	_ =	swait.ge [sflag:s4], $0x1000  }
0x25e: {  	[sflag:s4] =	ssyncset.done $0x0  }
0x25f: {  	[sflag:s4] =	ssyncadd.s32 $0xFFFFF000  }
0x260: {  	[bflag:$0x0] =	sbarrier.arrive $0xFFFF  }
0x261: {  	s24 =	sshrl.u32 s6, $0x3;
	s23 =	rddreg [dreg:$0x1a]  }
0x262: {  	[hbm:s23], [sflag:s21] =	dma.local [spmem:s24], $0x1380  }
0x263: {  	_ =	swait.ge [sflag:s29], $0x1380  }
0x264: {  	s23 =	sld [smem:$0x7FC]  }
0x265: {  	[sflag:s29] =	ssyncset.done $0x0  }
0x266: {  	s22 =	rddreg [dreg:$0x1b];
	[sflag:s29] =	ssyncadd.s32 $0xFFFFEC80  }
0x267: {  	[hbm:s22], [sflag:s21] =	dma.local @!p1 [spmem:s23], $0x80  }
0x268: {  	s21 =	simm.s32 @!p1 $0x6  }
0x269: {  	_ =	swait.ge @!p1 [sflag:s21], $0x80  }
0x26a: {  	s19 =	sadd.s32 $0x1, s19;
	s25 =	rddreg [dreg:$0x1d]  }
0x26b: {  	p2 =	sne.s32 s19, s25  }
.Ltmp2:
0x26c: {  	_ = 	snop;
	(pc) =	sbr.rel @p2 .LBB2_1-.Ltmp2, $3  }
0x26d: {  	_ =	sdelay $0x1  }
0x26e: {  	[sflag:s21] =	ssyncset.done @!p1 $0x0  }
0x26f: {  	[sflag:s21] =	ssyncadd.s32 @!p1 $0xFFFFFF80  }
0x270: {  	_ =	sfence.sel $0x180000  }
0x271: {  	[bflag:$0x0] =	sbarrier.arrive $0xFFFF  }
0x272: {  	_ =	strace $0x9000004D  }
0x273: {  	[bflag:$0x2] =	sbarrier.arrive $0xFFFF  }
0x274: {  	s0 =	rddreg [dreg:$0x4]  }
0x275: {  	s0 =	sadd.s32 @!p0 $0x100000, s0  }
0x276: {  	[sflag:s0] =	ssyncadd.tile.s32 @!p0 $0x1;
	_ =	shalt  }
.Lfunc_end2:
_tile_overlayer_lowered:
.L_overlay_start_2:
0x277: {  	(tag) =	ssettag $0x2  }
0x278: {  	s0 =	rddreg [dreg:$0x0];
	s2 =	stileid.u32  }
0x279: {  	s1 =	rddreg [dreg:$0x1];
	p0 =	sne.s32 s2, $0x0  }
0x27a: {  	s3 =	rddreg [dreg:$0x2];
	[bflag:$0x3] =	sbarrier.arrive $0xFFFF;
	s2 =	simm.s32 @!p0 $0x1C06  }
0x27b: {  	[timem:s3], [sflag:s2] =	dma.local @!p0 [hbm:s0], s1  }
0x27c: {  	s0 =	simm.s32 @!p0 $0x6  }
0x27d: {  	_ =	swait.ge @!p0 [sflag:s0], s1  }
0x27e: {  	s1 =	ssub.s32 @!p0 $0x0, s1;
	[sflag:s0] =	ssyncset.done @!p0 $0x0  }
0x27f: {  	[sflag:s0] =	ssyncadd.s32 @!p0 s1  }
0x280: {  	[bflag:$0x3] =	sbarrier.arrive $0xFFFF  }
0x281: {  	_ =	shalt  }

// kernel: kernel.8.cloned.1.call-start
scs
__scs_entry_jumppad:
0x0: {  	(pc) =	sbr.rel $0x88, $3  }
0x1: {  	(tag) =	ssettag $0x0;
	lr =	simm.s32 $0x1  }
0x2: {  	[smem:$0x3F9A] =	sst lr;
	_ =	strace $0xD0000000  }
0x3: {  	_ = 	snop  }
0x4: {  	_ = 	snop  }
0x5: {  	_ = 	snop  }
0x6: {  	_ = 	snop  }
0x7: {  	_ = 	snop  }
__scs_overlays_trampoline_lowered:
0x8: {  	[smem:$0x3FA9] =	sst s0  }
0x9: {  	[smem:$0x3FAA] =	sst s1  }
0xa: {  	[smem:$0x3FAB] =	sst s2  }
0xb: {  	[smem:$0x3FAC] =	sst s3  }
0xc: {  	[smem:$0x3FAD] =	sst s4  }
0xd: {  	[smem:$0x3FAE] =	sst s5  }
0xe: {  	[smem:$0x3FAF] =	sst s6  }
0xf: {  	[smem:$0x3FB0] =	sst s7  }
0x10: {  	[smem:$0x3FB1] =	sst s8  }
0x11: {  	[smem:$0x3FB2] =	sst s9;
	s0 =	simm.s32 @!p0 $0x0  }
0x12: {  	s1 =	sld [smem:$0x3F98];
	s0 =	simm.s32 @p0 $0x1  }
0x13: {  	[smem:$0x3FB3] =	sst s0;
	s0 =	simm.s32 @!p1 $0x0  }
0x14: {  	s2 =	sld [smem:$0x3F97];
	s0 =	simm.s32 @p1 $0x1  }
0x15: {  	[smem:$0x3FB4] =	sst s0;
	s0 =	simm.s32 @!p2 $0x0  }
0x16: {  	s3 =	sld [smem:$0x3FDB];
	s0 =	simm.s32 @p2 $0x1  }
0x17: {  	s4 =	simm.s32 $0x1BF5;
	[smem:$0x3FB6] =	sst s0  }
0x18: {  	s0 =	sld [smem:$0x3F99];
	_ =	swait.ge [sflag:s4], $0x0  }
0x19: {  	s7 =	sld [smem:$0x3F9A]  }
0x1a: {  	s8 =	sadd.s32 $0xFFFFE003, lr  }
0x1b: {  	s9 =	sadd.s32 $0xFFFFFEF7, lr;
	s5 =	simm.s32 $0xFFFFFFFF;
	p2 =	slt.u32 s8, $0xFFFFF086  }
0x1c: {  	p1 =	slt.u32 s9, $0xF7A;
	s5 =	simm.s32 @!p2 $0x0  }
0x1d: {  	s5 =	simm.s32 @p1 $0x1;
	p0 =	seq.s32 s7, s2  }
0x1e: {  	s7 =	smul.u32 @!p0 $0xF7A, s2;
	p2 =	seq.s32 @!p0 s5, $0x0  }
0x1f: {  	s9 =	smul.u32 $0xF7A, s1;
	s8 =	simm.s32 @!p0 $0x1BF5;
	p2 =	por !p2, p0  }
0x20: {  	[sflag:s8] =	ssyncset.s32 @!p0 $0xFFFFF086;
	s6 =	sadd.s32 @!p0 s3, s7;
	s7 =	simm.s32 @!p0 $0x108  }
0x21: {  	s3 =	sadd.s32 s3, s9;
	s6 =	sadd.s32 @!p0 $0x88, s6;
	s7 =	simm.s32 @p2 $0x1082  }
0x22: {  	[simem:s7], [sflag:s8] =	dma.local @!p0 [hbm:s6], $0xF7A  }
0x23: {  	s9 =	sor.u32 $0xD0000000, s2;
	s6 =	simm.s32 $0x108;
	_ =	swait.ge @!p0 [sflag:s8], $0x0  }
0x24: {  	s3 =	sadd.s32 $0x88, s3;
	s6 =	simm.s32 @!p1 $0x1082;
	[sflag:s4] =	ssyncset.s32 $0xFFFFF086  }
0x25: {  	[simem:s6], [sflag:s4] =	dma.local [hbm:s3], $0xF7A  }
0x26: {  	[smem:$0x3F9A] =	sst s1;
	(tag) =	ssettag s2;
	_ =	strace s9  }
0x27: {  	s1 =	sld [smem:$0x3FAA]  }
0x28: {  	s2 =	sld [smem:$0x3FAB]  }
0x29: {  	s4 =	sld [smem:$0x3FAD]  }
0x2a: {  	p0 =	seq.s32 s5, $0x0;
	s5 =	sld [smem:$0x3FAE]  }
0x2b: {  	s6 =	sld [smem:$0x3FAF]  }
0x2c: {  	s7 =	sld [smem:$0x3FB0]  }
0x2d: {  	s3 =	simm.s32 $0x108;
	s8 =	sld [smem:$0x3FB1]  }
0x2e: {  	s3 =	simm.s32 @!p0 $0x1082;
	s9 =	sld [smem:$0x3FB2]  }
0x2f: {  	lr =	sadd.s32 s0, s3;
	s0 =	sld [smem:$0x3FA9]  }
0x30: {  	s3 =	sld [smem:$0x3FAC]  }
0x31: {  	[smem:$0x3FB5] =	sst s10  }
0x32: {  	s10 =	sld [smem:$0x3FB3];
	_ =	sdelay $0x3  }
0x33: {  	p0 =	seq.s32 s10, $0x1;
	s10 =	sld [smem:$0x3FB5];
	_ =	sdelay $0x3  }
0x34: {  	[smem:$0x3FB5] =	sst s10  }
0x35: {  	s10 =	sld [smem:$0x3FB4];
	_ =	sdelay $0x3  }
0x36: {  	p1 =	seq.s32 s10, $0x1;
	s10 =	sld [smem:$0x3FB5];
	_ =	sdelay $0x3  }
0x37: {  	[smem:$0x3FB5] =	sst s10  }
0x38: {  	s10 =	sld [smem:$0x3FB6]  }
0x39: {  	_ = 	snop;
	(pc) =	sbr.ind lr, $3  }
0x3a: {  	_ = 	snop  }
0x3b: {  	_ = 	snop  }
0x3c: {  	p2 =	seq.s32 s10, $0x1;
	s10 =	sld [smem:$0x3FB5]  }
0x3d: {  	_ =	shalt  }
0x3e: {  	_ =	shalt  }
0x3f: {  	_ =	shalt  }
0x40: {  	_ =	shalt  }
0x41: {  	_ =	shalt  }
0x42: {  	_ =	shalt  }
0x43: {  	_ =	shalt  }
0x44: {  	_ =	shalt  }
0x45: {  	_ =	shalt  }
0x46: {  	_ =	shalt  }
0x47: {  	_ =	shalt  }
0x48: {  	_ =	shalt  }
0x49: {  	_ =	shalt  }
0x4a: {  	_ =	shalt  }
0x4b: {  	_ =	shalt  }
0x4c: {  	_ =	shalt  }
0x4d: {  	_ =	shalt  }
0x4e: {  	_ =	shalt  }
0x4f: {  	_ =	shalt  }
0x50: {  	_ =	shalt  }
0x51: {  	_ =	shalt  }
0x52: {  	_ =	shalt  }
0x53: {  	_ =	shalt  }
0x54: {  	_ =	shalt  }
0x55: {  	_ =	shalt  }
0x56: {  	_ =	shalt  }
0x57: {  	_ =	shalt  }
0x58: {  	_ =	shalt  }
0x59: {  	_ =	shalt  }
0x5a: {  	_ =	shalt  }
0x5b: {  	_ =	shalt  }
0x5c: {  	_ =	shalt  }
0x5d: {  	_ =	shalt  }
0x5e: {  	_ =	shalt  }
0x5f: {  	_ =	shalt  }
0x60: {  	_ =	shalt  }
0x61: {  	_ =	shalt  }
0x62: {  	_ =	shalt  }
0x63: {  	_ =	shalt  }
0x64: {  	_ =	shalt  }
0x65: {  	_ =	shalt  }
0x66: {  	_ =	shalt  }
0x67: {  	_ =	shalt  }
0x68: {  	_ =	shalt  }
0x69: {  	_ =	shalt  }
0x6a: {  	_ =	shalt  }
0x6b: {  	_ =	shalt  }
0x6c: {  	_ =	shalt  }
0x6d: {  	_ =	shalt  }
0x6e: {  	_ =	shalt  }
0x6f: {  	_ =	shalt  }
0x70: {  	_ =	shalt  }
0x71: {  	_ =	shalt  }
0x72: {  	_ =	shalt  }
0x73: {  	_ =	shalt  }
0x74: {  	_ =	shalt  }
0x75: {  	_ =	shalt  }
0x76: {  	_ =	shalt  }
0x77: {  	_ =	shalt  }
0x78: {  	_ =	shalt  }
0x79: {  	_ =	shalt  }
0x7a: {  	_ =	shalt  }
0x7b: {  	_ =	shalt  }
0x7c: {  	_ =	shalt  }
0x7d: {  	_ =	shalt  }
0x7e: {  	_ =	shalt  }
0x7f: {  	_ =	shalt  }
0x80: {  	_ =	shalt  }
0x81: {  	_ =	shalt  }
0x82: {  	_ =	shalt  }
0x83: {  	_ =	shalt  }
0x84: {  	_ =	shalt  }
0x85: {  	_ =	shalt  }
0x86: {  	_ =	shalt  }
0x87: {  	_ =	shalt  }
.Lfunc_end0:
.L_simem_size_0:
called_computation_lowered:
.L_overlay_start_0:
0x88: {  	s2 =	sld [smem:$0x3FD9]  }
0x89: {  	s3 =	sld [smem:$0x3FFE];
	_ =	sdelay $0x1  }
0x8a: {  	s1 =	srdreg.scid  }
0x8b: {  	s0 =	sand.u32 $0x1, s1  }
0x8c: {  	s17 =	sshll.u32 s0, $0xA;
	s2 =	sadd.s32 s3, s2  }
0x8d: {  	s2 =	sadd.s32 s2, s17  }
0x8e: {  	[smem:$0x3FC1] =	sst s2  }
0x8f: {  	_ = 	snop  }
0x90: {  	s2 =	sld [smem:$0x3FD0];
	(tm) =	ssettm $0x1  }
0x91: {  	s18 =	sld [smem:$0x3FFB];
	_ =	sdelay $0x3  }
0x92: {  	_ =	strace s18  }
0x93: {  	s3 =	sld [smem:$0x3FFC];
	_ =	sdelay $0x3  }
0x94: {  	_ =	strace s3  }
0x95: {  	s3 =	sld [smem:$0x3FFD];
	_ =	sdelay $0x3  }
0x96: {  	_ =	strace s3  }
0x97: {  	_ =	strace $0x8FFFFFFF  }
0x98: {  	s19 =	sld [smem:$0x3FDB];
	_ =	sdelay $0x1  }
0x99: {  	s4 =	simm.s32 $_scs_section_size  }
0x9a: {  	s5 =	simm.s32 $_size__tile_overlayer_lowered;
	s6 =	simm.s32 $_tile_overlayer_lowered  }
0x9b: {  	s22 =	simm.s32 $0x1BFF;
	s21 =	sshll.u32 s6, $0x1;
	s3 =	sadd.s32 s4, s19  }
0x9c: {  	s7 =	simm.s32 $0x0;
	s20 =	sshll.u32 s5, $0x1;
	s5 =	sadd.s32 s21, s3  }
0x9d: {  	[timem:s7], [sflag:s22] =	dma.local [hbm:s5], s20  }
0x9e: {  	_ =	swait.ge [sflag:s22], s20  }
0x9f: {  	s4 =	ssub.s32 $0x0, s20;
	[sflag:s22] =	ssyncset.done $0x0  }
0xa0: {  	[sflag:s22] =	ssyncadd.s32 s4;
	_ =	sdelay $0x1  }
0xa1: {  	s23 =	simm.s32 $0x1B8B  }
0xa2: {  	_ =	swait.ge [sflag:s23], $0x1  }
0xa3: {  	[sflag:s23] =	ssyncset.done $0x0  }
0xa4: {  	s25 =	simm.s32 $0x1B8E;
	s24 =	sld [smem:$0x3FFE];
	[sflag:s23] =	ssyncadd.s32 $0xFFFFFFFF  }
0xa5: {  	s26 =	simm.s32 $execute0_lowered;
	[smem:$0x3FD2] =	sst s25  }
0xa6: {  	s5 =	sshll.u32 s26, $0x1;
	_ =	strace $0x80000046;
	[dreg:$0x1] =	wrdreg $0xFFFFFFFF  }
0xa7: {  	s28 =	simm.s32 $_size_execute0_lowered;
	s3 =	sadd.s32 s3, s5;
	[dreg:$0x0] =	wrdreg $0x0  }
0xa8: {  	s5 =	sshll.u32 s28, $0x1;
	[dreg:$0x2] =	wrdreg s3  }
0xa9: {  	[dreg:$0x3] =	wrdreg s5  }
0xaa: {  	[dreg:$0x4] =	wrdreg $0xC0  }
0xab: {  	_ =	task [dreg:s7], $0x5FFFF  }
0xac: {  	[dreg:$0x1] =	wrdreg $0xFFFFFFFF  }
0xad: {  	[dreg:$0x0] =	wrdreg $0x60  }
0xae: {  	[dreg:$0x2] =	wrdreg s2  }
0xaf: {  	[dreg:$0x3] =	wrdreg s24  }
0xb0: {  	[dreg:$0x4] =	wrdreg $0x9  }
0xb1: {  	_ =	task.clear_ibuf [dreg:s7], $0x5FFFF;
	_ =	strace $0x90000046  }
0xb2: {  	s29 =	simm.s32 $0x9;
	_ =	strace $0x80000048  }
0xb3: {  	_ =	swait.ge [sflag:s29], $0x1  }
0xb4: {  	[sflag:s29] =	ssyncadd.s32 $0xFFFFFFFF  }
0xb5: {  	_ =	strace $0x90000048  }
0xb6: {  	_ =	sfence  }
0xb7: {  	s30 =	sld [smem:$0x0];
	_ =	sdelay $0x2  }
0xb8: {  	s31 =	sshll.u32 s1, $0xD;
	s1 =	sshrl.u32 s1, $0x2  }
0xb9: {  	s3 =	sand.u32 $0x4000, s31;
	s1 =	sadd.s32 s1, s30  }
0xba: {  	s0 =	sor.u32 s3, s0;
	s1 =	sshll.u32 s1, $0x11  }
0xbb: {  	s0 =	sor.u32 s1, s0  }
0xbc: {  	s0 =	sadd.s32 $0x8F2B, s0  }
0xbd: {  	[sflag:s0] =	ssyncadd.remote.s32 $0x1  }
0xbe: {  	_ =	sfence.sel $0xFFFF  }
0xbf: {  	[dreg:$0x0] =	wrdreg $0xFFFFFFFF;
	(pc) =	sbr.abs _section_cstart, $3  }
0xc0: {  	[dreg:$0x1] =	wrdreg $0xFFFFFFFF  }
0xc1: {  	_ =	task.clear_ibuf [dreg:s7], $0x2FFFF;
	_ =	strace $0x9FFFFFFF  }
0xc2: {  	(tm) =	ssettm $0x7FFFFFFF  }
0xc3: {  	_ =	shalt  }
tec
execute0_lowered:
.L_overlay_start_1:
0x0: {  	(tag) =	ssettag $0x1  }
0x1: {  	s0 =	srdreg.scid  }
0x2: {  	s3 =	sand.u32 $0x1, s0  }
0x3: {  	s4 =	rddreg [dreg:$0x0];
	s0 =	stileid.u32;
	s1 =	sshll.u32 s3, $0x4  }
0x4: {  	s5 =	rddreg [dreg:$0x1];
	s2 =	simm.s32 $0x0;
	s6 =	sor.u32 s0, s1  }
0x5: {  	s9 =	simm.s32 $0x400;
	[smem:$0x7FF] =	sst s2;
	s7 =	sshrl.u32 s6, $0x3  }
0x6: {  	s8 =	sshll.u32 s0, $0x7;
	s3 =	ssub.s32 $0x2, s3;
	s7 =	smul.u32 $0x13C00, s7  }
0x7: {  	s1 =	rddreg [dreg:$0x2];
	s8 =	sand.u32 $0x380, s8;
	s6 =	smul.u32 $0x500, s6  }
0x8: {  	_ =	strace $0x80000047;
	s30 =	sshrl.u32 s3, $0x1;
	s7 =	sor.u32 s8, s7  }
0x9: {  	s31 =	ssub.s32 s3, s30;
	s3 =	sadd.s32 s4, s6;
	s7 =	sshrl.u32 s7, $0x3  }
0xa: {  	s6 =	simm.s32 $0x1;
	s8 =	simm.s32 $0x80;
	s5 =	sadd.s32 s7, s5  }
0xb: {  	v0 =	vimm.f32 $0.0e+00;
	v1 =	vimm.f32 $1.000000000e+00;
	s7 =	simm.s32 $0x2800;
	s4 =	sadd.s32 $0x2400, s5;
	s5 =	smax.u32 s31, $0x1  }
.LBB2_1:
0xc: {  	s10 =	simm.s32 $0x40;
	s11 =	simm.s32 $0x0  }
.LBB2_2:
0xd: {  	p0 =	sne.s32 s10, $0x9DC0;
	[tilespmem:s11+$0x2800] =	vst v0;
	s11 =	smov.u32 s10;
	s10 =	sadd.s32 $0x40, s10  }
.Ltmp0:
0xe: {  	(pc) =	sbr.rel @p0 .LBB2_2-.Ltmp0, $2  }
0xf: {  	_ =	sdelay $0x2  }
0x10: {  	s11 =	sshra.s32 s11, $0x2  }
0x11: {  	[tilespmem:s11+$0x2800] =	vst v0;
	s10 =	simm.s32 $0x0  }
0x12: {  	[tilespmem:s10], [sflag:$0x1] =	stream.linear.gather [hbm4b:s3+s10], $0x2800, $0x38;
	[tilespmem:$0x4F80] =	vst v63  }
0x13: {  	_ =	swait.ge [sflag:s6], $0x2800  }
0x14: {  	[sflag:s6] =	ssyncset.done $0x0  }
0x15: {  	[sflag:s6] =	ssyncadd.s32 $0xFFFFD800  }
.LBB2_4:
0x16: {  	s11 =	sshra.s32 s10, $0x2  }
0x17: {  	v2 =	vld [tilespmem:s11+$0x0];
	_ =	sdelay $0x7  }
0x18: {  	[tilespmem:v2+s7+$0x0] =	vst.idx.add.f32.msk $0xffff, v1  }
0x19: {  	v2 =	vld [tilespmem:s11+$0x10];
	_ =	sdelay $0x7  }
0x1a: {  	[tilespmem:v2+s7+$0x0] =	vst.idx.add.f32.msk $0xffff, v1  }
0x1b: {  	v2 =	vld [tilespmem:s11+$0x20];
	_ =	sdelay $0x7  }
0x1c: {  	[tilespmem:v2+s7+$0x0] =	vst.idx.add.f32.msk $0xffff, v1  }
0x1d: {  	v2 =	vld [tilespmem:s11+$0x30];
	_ =	sdelay $0x7  }
0x1e: {  	[tilespmem:v2+s7+$0x0] =	vst.idx.add.f32.msk $0xffff, v1  }
0x1f: {  	v2 =	vld [tilespmem:s11+$0x40];
	_ =	sdelay $0x7  }
0x20: {  	[tilespmem:v2+s7+$0x0] =	vst.idx.add.f32.msk $0xffff, v1  }
0x21: {  	v2 =	vld [tilespmem:s11+$0x50];
	_ =	sdelay $0x7  }
0x22: {  	[tilespmem:v2+s7+$0x0] =	vst.idx.add.f32.msk $0xffff, v1  }
0x23: {  	v2 =	vld [tilespmem:s11+$0x60];
	_ =	sdelay $0x7  }
0x24: {  	[tilespmem:v2+s7+$0x0] =	vst.idx.add.f32.msk $0xffff, v1  }
0x25: {  	v2 =	vld [tilespmem:s11+$0x70];
	_ =	sdelay $0x2  }
0x26: {  	p0 =	sne.s32 s10, $0x9E00  }
.Ltmp1:
0x27: {  	_ = 	snop;
	(pc) =	sbr.rel @p0 .LBB2_4-.Ltmp1, $2  }
0x28: {  	_ =	sdelay $0x2  }
0x29: {  	s10 =	sadd.s32 $0x200, s10;
	[tilespmem:v2+s7+$0x0] =	vst.idx.add.f32.msk $0xffff, v1  }
0x2a: {  	s2 =	sadd.s32 $0x1, s2  }
0x2b: {  	p0 =	sne.s32 s2, s5  }
.Ltmp2:
0x2c: {  	_ = 	snop;
	(pc) =	sbr.rel @p0 .LBB2_1-.Ltmp2, $4  }
0x2d: {  	[hbm4b:s4+s8] =	stream.strided.scatter [tilespmem:s7], [sflag:$0x1], $0x2780, s9, s8, $0x38;
	[tilespmem:$0x4F80] =	vst v63  }
0x2e: {  	_ =	swait.ge [sflag:s6], $0x2780  }
0x2f: {  	[sflag:s6] =	ssyncset.done $0x0  }
0x30: {  	[sflag:s6] =	ssyncadd.s32 $0xFFFFD880  }
0x31: {  	_ =	sfence.sel $0x180000  }
0x32: {  	[bflag:$0x0] =	sbarrier.arrive $0xFFFF  }
0x33: {  	p0 =	sne.s32 s0, $0x0;
	_ =	strace $0x90000047  }
0x34: {  	s0 =	sadd.s32 @!p0 $0x100000, s1;
	[bflag:$0x2] =	sbarrier.arrive $0xFFFF  }
0x35: {  	[sflag:s0] =	ssyncadd.tile.s32 @!p0 $0x1;
	_ =	shalt  }
.Lfunc_end2:
_tile_overlayer_lowered:
.L_overlay_start_2:
0x36: {  	(tag) =	ssettag $0x2  }
0x37: {  	s0 =	rddreg [dreg:$0x0];
	s2 =	stileid.u32  }
0x38: {  	s1 =	rddreg [dreg:$0x1];
	p0 =	sne.s32 s2, $0x0  }
0x39: {  	s3 =	rddreg [dreg:$0x2];
	[bflag:$0x3] =	sbarrier.arrive $0xFFFF;
	s2 =	simm.s32 @!p0 $0x1C01  }
0x3a: {  	[timem:s3], [sflag:s2] =	dma.local @!p0 [hbm:s0], s1  }
0x3b: {  	s0 =	simm.s32 @!p0 $0x1  }
0x3c: {  	_ =	swait.ge @!p0 [sflag:s0], s1  }
0x3d: {  	s1 =	ssub.s32 @!p0 $0x0, s1;
	[sflag:s0] =	ssyncset.done @!p0 $0x0  }
0x3e: {  	[sflag:s0] =	ssyncadd.s32 @!p0 s1  }
0x3f: {  	[bflag:$0x3] =	sbarrier.arrive $0xFFFF  }
0x40: {  	_ =	shalt  }

</sc_bundles>
